<compile_context>
chip_gen: v7x
topology: tpu7x:2x2x1
jax: 0.10.2.dev20260603
libtpu: 0.0.44.dev20260713+nightly
codegen_flags: <defaults>
</compile_context>

<pallas_src>
import functools

import jax
import jax.numpy as jnp
import numpy as np
from jax import lax
from jax.experimental import pallas as pl
from jax.experimental.pallas import tpu as pltpu
from jax.experimental.pallas import tpu_sc as plsc

_VOCAB = 100000
_EMBED = 128
_BATCH = 1024
_SEQ = 200

_NW = 32
_ROWS = _BATCH * _SEQ
_CH = 64
_NBLK = _BATCH // _CH
_NCH = _SEQ * _NBLK // _NW
_NBUF = 8
_UNROLL = 2

_OUT_IDX = np.arange(_BATCH)[:, None] * _SEQ + np.arange(_SEQ)[None, :]
_OUT_IDX = np.ascontiguousarray(
    _OUT_IDX.T.reshape(_SEQ, _NBLK, _CH).reshape(_NW, _NCH, _CH)
).astype(np.int32)

_mesh = plsc.VectorSubcoreMesh(core_axis_name="c", subcore_axis_name="s")


@functools.partial(
    pl.kernel,
    mesh=_mesh,
    out_type=jax.ShapeDtypeStruct((_ROWS, _EMBED), jnp.float32),
    scratch_types=[
        pltpu.VMEM((_NCH, _CH), jnp.int32),
        pltpu.VMEM((_NCH, _CH), jnp.int32),
        pltpu.VMEM((_SEQ, _EMBED), jnp.float32),
    ]
    + [pltpu.VMEM((_CH, _EMBED), jnp.float32)] * _NBUF
    + [pltpu.SemaphoreType.DMA] * _NBUF
    + [pltpu.SemaphoreType.DMA] * _NBUF
    + [pltpu.SemaphoreType.DMA],
)
def _emb_lookup(x_hbm, wt_hbm, pt_hbm, oidx_hbm, out_hbm, idx_v, oidx_v,
                pos_v, *bufs_and_sems):
    bufs = bufs_and_sems[:_NBUF]
    gsems = bufs_and_sems[_NBUF:2 * _NBUF]
    wsems = bufs_and_sems[2 * _NBUF:3 * _NBUF]
    ssem = bufs_and_sems[3 * _NBUF]
    wid = lax.axis_index("s") * 2 + lax.axis_index("c")

    pltpu.sync_copy(x_hbm.at[wid], idx_v)

    def gather(c, buf, sem):
        pltpu.async_copy(wt_hbm.at[idx_v.at[c]], buf, sem)

    def gather_wait(buf, sem):
        pltpu.make_async_copy(wt_hbm.at[pl.ds(0, _CH)], buf, sem).wait()

    def scatter(c, buf, sem):
        pltpu.async_copy(buf, out_hbm.at[oidx_v.at[c]], sem)

    def scatter_wait(c, buf, sem):
        pltpu.make_async_copy(buf, out_hbm.at[oidx_v.at[c]], sem).wait()

    def add_pos(c, buf):
        s_pos = (wid * _NCH + c) // _NBLK
        prow = [pos_v[s_pos, pl.ds(j * 16, 16)] for j in range(_EMBED // 16)]

        def row_body(i, carry):
            r = i * _UNROLL
            for u in range(_UNROLL):
                w = [buf[r + u, pl.ds(j * 16, 16)] for j in range(_EMBED // 16)]
                for j in range(_EMBED // 16):
                    buf[r + u, pl.ds(j * 16, 16)] = w[j] + prow[j]
            return carry

        lax.fori_loop(0, _CH // _UNROLL, row_body, 0)

    _HALF = _NBUF // 2

    def chunk_step(c, b, issue_next):
        gather_wait(bufs[b], gsems[b])
        add_pos(c, bufs[b])
        b4 = (b + _HALF) % _NBUF
        if issue_next:
            @pl.when(c >= _HALF)
            def _():
                scatter_wait(c - _HALF, bufs[b4], wsems[b4])

            gather(c + _HALF, bufs[b4], gsems[b4])
        else:
            scatter_wait(c - _HALF, bufs[b4], wsems[b4])
        scatter(c, bufs[b], wsems[b])

    for k in range(_HALF):
        gather(k, bufs[k], gsems[k])
    pltpu.async_copy(oidx_hbm.at[wid], oidx_v, ssem)
    pltpu.async_copy(pt_hbm.at[pl.ds(0, _SEQ)], pos_v, ssem)
    pltpu.make_async_copy(oidx_hbm.at[wid], oidx_v, ssem).wait()
    pltpu.make_async_copy(pt_hbm.at[pl.ds(0, _SEQ)], pos_v, ssem).wait()

    def ring_body(q, carry):
        c0 = _NBUF * q
        for u in range(_NBUF):
            chunk_step(c0 + u, u, issue_next=True)
        return carry

    _NRING = (_NCH - _HALF) // _NBUF
    lax.fori_loop(0, _NRING, ring_body, 0)

    _TAIL = _NCH - _NRING * _NBUF
    for k in range(_TAIL):
        c = _NCH - _TAIL + k
        chunk_step(c, c % _NBUF, issue_next=(k + _HALF < _TAIL))
    for k in range(_HALF):
        c = _NCH - _HALF + k
        scatter_wait(c, bufs[c % _NBUF], wsems[c % _NBUF])


def kernel(x, word_table, pos_table):
    xt = x.astype(jnp.int32).T.reshape(_SEQ, _NBLK, _CH).reshape(_NW, _NCH, _CH)
    out = _emb_lookup(xt, word_table, pos_table, jnp.asarray(_OUT_IDX))
    return out.reshape(_BATCH, _SEQ, _EMBED)

# --- scband reference (transcript-rebuilt; emitter-appended) ---
"""Pipeline reference for scband-embedding-layer-59545426592017 (READ-ONLY COPY).

The authoritative reference and input builder live on the scoring server;
editing this copy changes nothing except your own understanding.
"""

import jax, jax.numpy as jnp
import numpy as np

VOCAB = 100000
EMBED = 128
MAX_LEN = 512
BATCH = 1024
SEQ = 200
PAD_IDX = 0


def setup_inputs(seed: int = 0) -> dict:
    key = jax.random.key(seed)
    k1, k2, k3 = jax.random.split(key, 3)
    x = jax.random.randint(k1, (BATCH, SEQ), 0, VOCAB, dtype=jnp.int64 if jax.config.jax_enable_x64 else jnp.int32)
    word_table = jax.random.normal(k2, (VOCAB, EMBED), dtype=jnp.float32)
    # torch nn.Embedding zeros the padding_idx row at init
    word_table = word_table.at[PAD_IDX].set(0.0)
    pos_table = jax.random.normal(k3, (MAX_LEN, EMBED), dtype=jnp.float32)
    return {"x": x, "word_table": word_table, "pos_table": pos_table}


def reference(x, word_table, pos_table):
    # word embedding lookup
    emb = jnp.take(word_table, x, axis=0)  # [B, S, D]
    # position embeddings: arange(seq_len) broadcast across batch
    seq_len = x.shape[1]
    position_ids = jnp.arange(seq_len, dtype=x.dtype)
    pos_emb = jnp.take(pos_table, position_ids, axis=0)  # [S, D]
    emb = emb + pos_emb[None, :, :]
    # dropout is identity in eval mode (deterministic reference)
    return emb

if __name__ == "__main__":
    import jax
    _d = setup_inputs()
    print(jax.jit(kernel)(*tuple(_d.values())))

</pallas_src>

<mosaic_0001>
#map = affine_map<(d0, d1) -> (0, 0, 0)>
#map1 = affine_map<(d0, d1) -> (0, 0)>
module attributes {stable_mosaic.version = 14 : i64} {
  func.func @_emb_lookup(%arg0: i32, %arg1: i32, %arg2: memref<32x100x64xi32, #tpu.memory_space<hbm>>, %arg3: memref<100000x128xf32, #tpu.memory_space<hbm>>, %arg4: memref<512x128xf32, #tpu.memory_space<hbm>>, %arg5: memref<32x100x64xi32, #tpu.memory_space<hbm>>, %arg6: memref<204800x128xf32, #tpu.memory_space<hbm>>, %arg7: memref<100x64xi32, #tpu.memory_space<vmem>>, %arg8: memref<100x64xi32, #tpu.memory_space<vmem>>, %arg9: memref<200x128xf32, #tpu.memory_space<vmem>>, %arg10: memref<64x128xf32, #tpu.memory_space<vmem>>, %arg11: memref<64x128xf32, #tpu.memory_space<vmem>>, %arg12: memref<64x128xf32, #tpu.memory_space<vmem>>, %arg13: memref<64x128xf32, #tpu.memory_space<vmem>>, %arg14: memref<64x128xf32, #tpu.memory_space<vmem>>, %arg15: memref<64x128xf32, #tpu.memory_space<vmem>>, %arg16: memref<64x128xf32, #tpu.memory_space<vmem>>, %arg17: memref<64x128xf32, #tpu.memory_space<vmem>>, %arg18: memref<!tpu.dma_semaphore, #tpu.memory_space<semaphore_mem>>, %arg19: memref<!tpu.dma_semaphore, #tpu.memory_space<semaphore_mem>>, %arg20: memref<!tpu.dma_semaphore, #tpu.memory_space<semaphore_mem>>, %arg21: memref<!tpu.dma_semaphore, #tpu.memory_space<semaphore_mem>>, %arg22: memref<!tpu.dma_semaphore, #tpu.memory_space<semaphore_mem>>, %arg23: memref<!tpu.dma_semaphore, #tpu.memory_space<semaphore_mem>>, %arg24: memref<!tpu.dma_semaphore, #tpu.memory_space<semaphore_mem>>, %arg25: memref<!tpu.dma_semaphore, #tpu.memory_space<semaphore_mem>>, %arg26: memref<!tpu.dma_semaphore, #tpu.memory_space<semaphore_mem>>, %arg27: memref<!tpu.dma_semaphore, #tpu.memory_space<semaphore_mem>>, %arg28: memref<!tpu.dma_semaphore, #tpu.memory_space<semaphore_mem>>, %arg29: memref<!tpu.dma_semaphore, #tpu.memory_space<semaphore_mem>>, %arg30: memref<!tpu.dma_semaphore, #tpu.memory_space<semaphore_mem>>, %arg31: memref<!tpu.dma_semaphore, #tpu.memory_space<semaphore_mem>>, %arg32: memref<!tpu.dma_semaphore, #tpu.memory_space<semaphore_mem>>, %arg33: memref<!tpu.dma_semaphore, #tpu.memory_space<semaphore_mem>>, %arg34: memref<!tpu.dma_semaphore, #tpu.memory_space<semaphore_mem>>) attributes {dimension_semantics = [#tpu.dimension_semantics<core_parallel>, #tpu.dimension_semantics<subcore_parallel>], iteration_bounds = array<i64: 2, 16>, scalar_prefetch = 0 : i64, scratch_operands = 28 : i64, tpu.core_type = #tpu.core_type<sc_vector_subcore>, window_params = [{transform_indices = #map}, {transform_indices = #map1}, {transform_indices = #map1}, {transform_indices = #map}, {transform_indices = #map1}]} {
    %mul3A = arith.constant 2 : i32
    %mul3A_0 = arith.muli %arg1, %mul3A : i32
    %add3A = arith.addi %mul3A_0, %arg0 : i32
    "tpu.region"() ({
      %run_scoped3A = tpu.sem_alloc : memref<!tpu.dma_semaphore, #tpu.memory_space<semaphore_mem>>
      %dma_start3A_423 = arith.constant 0 : i32
      %dma_start3A_424 = arith.constant 0 : i32
      %dma_start3A_425 = tpu.memref_slice %arg2[%add3A, %dma_start3A_423, %dma_start3A_424] : memref<32x100x64xi32, #tpu.memory_space<hbm>> -> memref<1x100x64xi32, #tpu.memory_space<hbm>>
      %dma_start3A_426 = tpu.memref_squeeze %dma_start3A_425 : memref<1x100x64xi32, #tpu.memory_space<hbm>> -> memref<100x64xi32, #tpu.memory_space<hbm>>
      %dma_start3A_427 = arith.constant 0 : i32
      %dma_start3A_428 = arith.constant 0 : i32
      %dma_start3A_429 = tpu.memref_slice %arg2[%add3A, %dma_start3A_427, %dma_start3A_428] : memref<32x100x64xi32, #tpu.memory_space<hbm>> -> memref<1x100x64xi32, #tpu.memory_space<hbm>>
      %dma_start3A_430 = tpu.memref_squeeze %dma_start3A_429 : memref<1x100x64xi32, #tpu.memory_space<hbm>> -> memref<100x64xi32, #tpu.memory_space<hbm>>
      tpu.enqueue_dma source(%dma_start3A_430 : memref<100x64xi32, #tpu.memory_space<hbm>>) target(%arg7 : memref<100x64xi32, #tpu.memory_space<vmem>>) target_semaphore(%run_scoped3A : memref<!tpu.dma_semaphore, #tpu.memory_space<semaphore_mem>>)
      %dma_wait3A_431 = arith.constant 0 : i32
      %dma_wait3A_432 = arith.constant 0 : i32
      %dma_wait3A_433 = tpu.memref_slice %arg2[%add3A, %dma_wait3A_431, %dma_wait3A_432] : memref<32x100x64xi32, #tpu.memory_space<hbm>> -> memref<1x100x64xi32, #tpu.memory_space<hbm>>
      %dma_wait3A_434 = tpu.memref_squeeze %dma_wait3A_433 : memref<1x100x64xi32, #tpu.memory_space<hbm>> -> memref<100x64xi32, #tpu.memory_space<hbm>>
      %dma_wait3A_435 = arith.constant 0 : i32
      %dma_wait3A_436 = arith.constant 0 : i32
      %dma_wait3A_437 = tpu.memref_slice %arg2[%add3A, %dma_wait3A_435, %dma_wait3A_436] : memref<32x100x64xi32, #tpu.memory_space<hbm>> -> memref<1x100x64xi32, #tpu.memory_space<hbm>>
      %dma_wait3A_438 = tpu.memref_squeeze %dma_wait3A_437 : memref<1x100x64xi32, #tpu.memory_space<hbm>> -> memref<100x64xi32, #tpu.memory_space<hbm>>
      tpu.wait_dma2 semaphore(%run_scoped3A : memref<!tpu.dma_semaphore, #tpu.memory_space<semaphore_mem>>) src(%dma_wait3A_438 : memref<100x64xi32, #tpu.memory_space<hbm>>) dst(%arg7 : memref<100x64xi32, #tpu.memory_space<vmem>>)
      tpu.yield
    }) : () -> ()
    %dma_start3A = arith.constant 0 : i32
    %dma_start3A_1 = arith.constant 0 : i32
    %dma_start3A_2 = tpu.memref_slice %arg7[%dma_start3A, %dma_start3A_1] : memref<100x64xi32, #tpu.memory_space<vmem>> -> memref<1x64xi32, #tpu.memory_space<vmem>>
    %dma_start3A_3 = tpu.memref_squeeze %dma_start3A_2 : memref<1x64xi32, #tpu.memory_space<vmem>> -> memref<64xi32, #tpu.memory_space<vmem>>
    %dma_start3A_4 = arith.constant 0 : i32
    %dma_start3A_5 = arith.constant 0 : i32
    %dma_start3A_6 = tpu.memref_slice %arg3[%dma_start3A_4, %dma_start3A_5] : memref<100000x128xf32, #tpu.memory_space<hbm>> -> memref<100000x128xf32, #tpu.memory_space<hbm>>
    tpu.enqueue_indirect_dma source(%dma_start3A_6 : memref<100000x128xf32, #tpu.memory_space<hbm>>) target(%arg10 : memref<64x128xf32, #tpu.memory_space<vmem>>) offsets(%dma_start3A_3 : memref<64xi32, #tpu.memory_space<vmem>>) semaphore(%arg18 : memref<!tpu.dma_semaphore, #tpu.memory_space<semaphore_mem>>)
    %dma_start3A_7 = arith.constant 1 : i32
    %dma_start3A_8 = arith.constant 0 : i32
    %dma_start3A_9 = tpu.memref_slice %arg7[%dma_start3A_7, %dma_start3A_8] : memref<100x64xi32, #tpu.memory_space<vmem>> -> memref<1x64xi32, #tpu.memory_space<vmem>>
    %dma_start3A_10 = tpu.memref_squeeze %dma_start3A_9 : memref<1x64xi32, #tpu.memory_space<vmem>> -> memref<64xi32, #tpu.memory_space<vmem>>
    %dma_start3A_11 = arith.constant 0 : i32
    %dma_start3A_12 = arith.constant 0 : i32
    %dma_start3A_13 = tpu.memref_slice %arg3[%dma_start3A_11, %dma_start3A_12] : memref<100000x128xf32, #tpu.memory_space<hbm>> -> memref<100000x128xf32, #tpu.memory_space<hbm>>
    tpu.enqueue_indirect_dma source(%dma_start3A_13 : memref<100000x128xf32, #tpu.memory_space<hbm>>) target(%arg11 : memref<64x128xf32, #tpu.memory_space<vmem>>) offsets(%dma_start3A_10 : memref<64xi32, #tpu.memory_space<vmem>>) semaphore(%arg19 : memref<!tpu.dma_semaphore, #tpu.memory_space<semaphore_mem>>)
    %dma_start3A_14 = arith.constant 2 : i32
    %dma_start3A_15 = arith.constant 0 : i32
    %dma_start3A_16 = tpu.memref_slice %arg7[%dma_start3A_14, %dma_start3A_15] : memref<100x64xi32, #tpu.memory_space<vmem>> -> memref<1x64xi32, #tpu.memory_space<vmem>>
    %dma_start3A_17 = tpu.memref_squeeze %dma_start3A_16 : memref<1x64xi32, #tpu.memory_space<vmem>> -> memref<64xi32, #tpu.memory_space<vmem>>
    %dma_start3A_18 = arith.constant 0 : i32
    %dma_start3A_19 = arith.constant 0 : i32
    %dma_start3A_20 = tpu.memref_slice %arg3[%dma_start3A_18, %dma_start3A_19] : memref<100000x128xf32, #tpu.memory_space<hbm>> -> memref<100000x128xf32, #tpu.memory_space<hbm>>
    tpu.enqueue_indirect_dma source(%dma_start3A_20 : memref<100000x128xf32, #tpu.memory_space<hbm>>) target(%arg12 : memref<64x128xf32, #tpu.memory_space<vmem>>) offsets(%dma_start3A_17 : memref<64xi32, #tpu.memory_space<vmem>>) semaphore(%arg20 : memref<!tpu.dma_semaphore, #tpu.memory_space<semaphore_mem>>)
    %dma_start3A_21 = arith.constant 3 : i32
    %dma_start3A_22 = arith.constant 0 : i32
    %dma_start3A_23 = tpu.memref_slice %arg7[%dma_start3A_21, %dma_start3A_22] : memref<100x64xi32, #tpu.memory_space<vmem>> -> memref<1x64xi32, #tpu.memory_space<vmem>>
    %dma_start3A_24 = tpu.memref_squeeze %dma_start3A_23 : memref<1x64xi32, #tpu.memory_space<vmem>> -> memref<64xi32, #tpu.memory_space<vmem>>
    %dma_start3A_25 = arith.constant 0 : i32
    %dma_start3A_26 = arith.constant 0 : i32
    %dma_start3A_27 = tpu.memref_slice %arg3[%dma_start3A_25, %dma_start3A_26] : memref<100000x128xf32, #tpu.memory_space<hbm>> -> memref<100000x128xf32, #tpu.memory_space<hbm>>
    tpu.enqueue_indirect_dma source(%dma_start3A_27 : memref<100000x128xf32, #tpu.memory_space<hbm>>) target(%arg13 : memref<64x128xf32, #tpu.memory_space<vmem>>) offsets(%dma_start3A_24 : memref<64xi32, #tpu.memory_space<vmem>>) semaphore(%arg21 : memref<!tpu.dma_semaphore, #tpu.memory_space<semaphore_mem>>)
    %dma_start3A_28 = arith.constant 0 : i32
    %dma_start3A_29 = arith.constant 0 : i32
    %dma_start3A_30 = tpu.memref_slice %arg5[%add3A, %dma_start3A_28, %dma_start3A_29] : memref<32x100x64xi32, #tpu.memory_space<hbm>> -> memref<1x100x64xi32, #tpu.memory_space<hbm>>
    %dma_start3A_31 = tpu.memref_squeeze %dma_start3A_30 : memref<1x100x64xi32, #tpu.memory_space<hbm>> -> memref<100x64xi32, #tpu.memory_space<hbm>>
    %dma_start3A_32 = arith.constant 0 : i32
    %dma_start3A_33 = arith.constant 0 : i32
    %dma_start3A_34 = tpu.memref_slice %arg5[%add3A, %dma_start3A_32, %dma_start3A_33] : memref<32x100x64xi32, #tpu.memory_space<hbm>> -> memref<1x100x64xi32, #tpu.memory_space<hbm>>
    %dma_start3A_35 = tpu.memref_squeeze %dma_start3A_34 : memref<1x100x64xi32, #tpu.memory_space<hbm>> -> memref<100x64xi32, #tpu.memory_space<hbm>>
    tpu.enqueue_dma source(%dma_start3A_35 : memref<100x64xi32, #tpu.memory_space<hbm>>) target(%arg8 : memref<100x64xi32, #tpu.memory_space<vmem>>) target_semaphore(%arg34 : memref<!tpu.dma_semaphore, #tpu.memory_space<semaphore_mem>>)
    %dma_start3A_36 = arith.constant 0 : i32
    %dma_start3A_37 = arith.constant 0 : i32
    %dma_start3A_38 = tpu.memref_slice %arg4[%dma_start3A_36, %dma_start3A_37] : memref<512x128xf32, #tpu.memory_space<hbm>> -> memref<200x128xf32, #tpu.memory_space<hbm>>
    %dma_start3A_39 = arith.constant 0 : i32
    %dma_start3A_40 = arith.constant 0 : i32
    %dma_start3A_41 = tpu.memref_slice %arg4[%dma_start3A_39, %dma_start3A_40] : memref<512x128xf32, #tpu.memory_space<hbm>> -> memref<200x128xf32, #tpu.memory_space<hbm>>
    tpu.enqueue_dma source(%dma_start3A_41 : memref<200x128xf32, #tpu.memory_space<hbm>>) target(%arg9 : memref<200x128xf32, #tpu.memory_space<vmem>>) target_semaphore(%arg34 : memref<!tpu.dma_semaphore, #tpu.memory_space<semaphore_mem>>)
    %dma_wait3A = arith.constant 0 : i32
    %dma_wait3A_42 = arith.constant 0 : i32
    %dma_wait3A_43 = tpu.memref_slice %arg5[%add3A, %dma_wait3A, %dma_wait3A_42] : memref<32x100x64xi32, #tpu.memory_space<hbm>> -> memref<1x100x64xi32, #tpu.memory_space<hbm>>
    %dma_wait3A_44 = tpu.memref_squeeze %dma_wait3A_43 : memref<1x100x64xi32, #tpu.memory_space<hbm>> -> memref<100x64xi32, #tpu.memory_space<hbm>>
    %dma_wait3A_45 = arith.constant 0 : i32
    %dma_wait3A_46 = arith.constant 0 : i32
    %dma_wait3A_47 = tpu.memref_slice %arg5[%add3A, %dma_wait3A_45, %dma_wait3A_46] : memref<32x100x64xi32, #tpu.memory_space<hbm>> -> memref<1x100x64xi32, #tpu.memory_space<hbm>>
    %dma_wait3A_48 = tpu.memref_squeeze %dma_wait3A_47 : memref<1x100x64xi32, #tpu.memory_space<hbm>> -> memref<100x64xi32, #tpu.memory_space<hbm>>
    tpu.wait_dma2 semaphore(%arg34 : memref<!tpu.dma_semaphore, #tpu.memory_space<semaphore_mem>>) src(%dma_wait3A_48 : memref<100x64xi32, #tpu.memory_space<hbm>>) dst(%arg8 : memref<100x64xi32, #tpu.memory_space<vmem>>)
    %dma_wait3A_49 = arith.constant 0 : i32
    %dma_wait3A_50 = arith.constant 0 : i32
    %dma_wait3A_51 = tpu.memref_slice %arg4[%dma_wait3A_49, %dma_wait3A_50] : memref<512x128xf32, #tpu.memory_space<hbm>> -> memref<200x128xf32, #tpu.memory_space<hbm>>
    %dma_wait3A_52 = arith.constant 0 : i32
    %dma_wait3A_53 = arith.constant 0 : i32
    %dma_wait3A_54 = tpu.memref_slice %arg4[%dma_wait3A_52, %dma_wait3A_53] : memref<512x128xf32, #tpu.memory_space<hbm>> -> memref<200x128xf32, #tpu.memory_space<hbm>>
    tpu.wait_dma2 semaphore(%arg34 : memref<!tpu.dma_semaphore, #tpu.memory_space<semaphore_mem>>) src(%dma_wait3A_54 : memref<200x128xf32, #tpu.memory_space<hbm>>) dst(%arg9 : memref<200x128xf32, #tpu.memory_space<vmem>>)
    %scan3A = arith.constant 0 : i32
    %scan3A_55 = arith.constant 0 : i32
    %scan3A_56 = arith.constant 12 : i32
    %scan3A_57 = arith.addi %scan3A_55, %scan3A_56 : i32
    %scan3A_58 = arith.constant 1 : i32
    scf.for %scan3A_423 = %scan3A_55 to %scan3A_57 step %scan3A_58  : i32 {
      %mul3A_424 = arith.constant 8 : i32
      %mul3A_425 = arith.muli %mul3A_424, %scan3A_423 : i32
      %add3A_426 = arith.constant 0 : i32
      %add3A_427 = arith.addi %mul3A_425, %add3A_426 : i32
      %dma_wait3A_428 = arith.constant 0 : i32
      %dma_wait3A_429 = arith.constant 0 : i32
      %dma_wait3A_430 = tpu.memref_slice %arg3[%dma_wait3A_428, %dma_wait3A_429] : memref<100000x128xf32, #tpu.memory_space<hbm>> -> memref<64x128xf32, #tpu.memory_space<hbm>>
      %dma_wait3A_431 = arith.constant 0 : i32
      %dma_wait3A_432 = arith.constant 0 : i32
      %dma_wait3A_433 = tpu.memref_slice %arg3[%dma_wait3A_431, %dma_wait3A_432] : memref<100000x128xf32, #tpu.memory_space<hbm>> -> memref<64x128xf32, #tpu.memory_space<hbm>>
      tpu.wait_dma2 semaphore(%arg18 : memref<!tpu.dma_semaphore, #tpu.memory_space<semaphore_mem>>) src(%dma_wait3A_433 : memref<64x128xf32, #tpu.memory_space<hbm>>) dst(%arg10 : memref<64x128xf32, #tpu.memory_space<vmem>>)
      %mul3A_434 = arith.constant 100 : i32
      %mul3A_435 = arith.muli %add3A, %mul3A_434 : i32
      %add3A_436 = arith.addi %mul3A_435, %add3A_427 : i32
      %jit3A_437 = arith.constant 16 : i32
      %div3A_438 = arith.divsi %add3A_436, %jit3A_437 : i32
      %sign3A_439 = arith.constant 0 : i32
      %sign3A_440 = arith.cmpi sgt, %add3A_436, %sign3A_439 : i32
      %sign3A_441 = arith.extui %sign3A_440 : i1 to i32
      %sign3A_442 = arith.constant 0 : i32
      %sign3A_443 = arith.cmpi slt, %add3A_436, %sign3A_442 : i32
      %sign3A_444 = arith.extui %sign3A_443 : i1 to i32
      %sign3A_445 = arith.subi %sign3A_441, %sign3A_444 : i32
      %sign3A_446 = arith.constant 0 : i32
      %sign3A_447 = arith.cmpi sgt, %jit3A_437, %sign3A_446 : i32
      %sign3A_448 = arith.extui %sign3A_447 : i1 to i32
      %sign3A_449 = arith.constant 0 : i32
      %sign3A_450 = arith.cmpi slt, %jit3A_437, %sign3A_449 : i32
      %sign3A_451 = arith.extui %sign3A_450 : i1 to i32
      %sign3A_452 = arith.subi %sign3A_448, %sign3A_451 : i32
      %ne3A_453 = arith.cmpi ne, %sign3A_445, %sign3A_452 : i32
      %rem3A_454 = arith.remsi %add3A_436, %jit3A_437 : i32
      %ne3A_455 = arith.constant 0 : i32
      %ne3A_456 = arith.cmpi ne, %rem3A_454, %ne3A_455 : i32
      %and3A_457 = arith.andi %ne3A_453, %ne3A_456 : i1
      %sub3A_458 = arith.constant 1 : i32
      %sub3A_459 = arith.subi %div3A_438, %sub3A_458 : i32
      %select_n3A_460 = arith.select %and3A_457, %sub3A_459, %div3A_438 : i32
      %get3A_461 = arith.index_cast %select_n3A_460 : i32 to index
      %get3A_462 = arith.constant 0 : index
      %get3A_463 = tpu.vector_load %arg9[%get3A_461, %get3A_462] {strides = array<i32>} : memref<200x128xf32, #tpu.memory_space<vmem>>, vector<1x16xf32>,
      %get3A_464 = vector.shape_cast %get3A_463 : vector<1x16xf32> to vector<16xf32>
      %get3A_465 = arith.index_cast %select_n3A_460 : i32 to index
      %get3A_466 = arith.constant 16 : index
      %get3A_467 = tpu.vector_load %arg9[%get3A_465, %get3A_466] {strides = array<i32>} : memref<200x128xf32, #tpu.memory_space<vmem>>, vector<1x16xf32>,
      %get3A_468 = vector.shape_cast %get3A_467 : vector<1x16xf32> to vector<16xf32>
      %get3A_469 = arith.index_cast %select_n3A_460 : i32 to index
      %get3A_470 = arith.constant 32 : index
      %get3A_471 = tpu.vector_load %arg9[%get3A_469, %get3A_470] {strides = array<i32>} : memref<200x128xf32, #tpu.memory_space<vmem>>, vector<1x16xf32>,
      %get3A_472 = vector.shape_cast %get3A_471 : vector<1x16xf32> to vector<16xf32>
      %get3A_473 = arith.index_cast %select_n3A_460 : i32 to index
      %get3A_474 = arith.constant 48 : index
      %get3A_475 = tpu.vector_load %arg9[%get3A_473, %get3A_474] {strides = array<i32>} : memref<200x128xf32, #tpu.memory_space<vmem>>, vector<1x16xf32>,
      %get3A_476 = vector.shape_cast %get3A_475 : vector<1x16xf32> to vector<16xf32>
      %get3A_477 = arith.index_cast %select_n3A_460 : i32 to index
      %get3A_478 = arith.constant 64 : index
      %get3A_479 = tpu.vector_load %arg9[%get3A_477, %get3A_478] {strides = array<i32>} : memref<200x128xf32, #tpu.memory_space<vmem>>, vector<1x16xf32>,
      %get3A_480 = vector.shape_cast %get3A_479 : vector<1x16xf32> to vector<16xf32>
      %get3A_481 = arith.index_cast %select_n3A_460 : i32 to index
      %get3A_482 = arith.constant 80 : index
      %get3A_483 = tpu.vector_load %arg9[%get3A_481, %get3A_482] {strides = array<i32>} : memref<200x128xf32, #tpu.memory_space<vmem>>, vector<1x16xf32>,
      %get3A_484 = vector.shape_cast %get3A_483 : vector<1x16xf32> to vector<16xf32>
      %get3A_485 = arith.index_cast %select_n3A_460 : i32 to index
      %get3A_486 = arith.constant 96 : index
      %get3A_487 = tpu.vector_load %arg9[%get3A_485, %get3A_486] {strides = array<i32>} : memref<200x128xf32, #tpu.memory_space<vmem>>, vector<1x16xf32>,
      %get3A_488 = vector.shape_cast %get3A_487 : vector<1x16xf32> to vector<16xf32>
      %get3A_489 = arith.index_cast %select_n3A_460 : i32 to index
      %get3A_490 = arith.constant 112 : index
      %get3A_491 = tpu.vector_load %arg9[%get3A_489, %get3A_490] {strides = array<i32>} : memref<200x128xf32, #tpu.memory_space<vmem>>, vector<1x16xf32>,
      %get3A_492 = vector.shape_cast %get3A_491 : vector<1x16xf32> to vector<16xf32>
      %scan3A_493 = arith.constant 0 : i32
      %scan3A_494 = arith.constant 0 : i32
      %scan3A_495 = arith.constant 32 : i32
      %scan3A_496 = arith.addi %scan3A_494, %scan3A_495 : i32
      %scan3A_497 = arith.constant 1 : i32
      scf.for %scan3A_1159 = %scan3A_494 to %scan3A_496 step %scan3A_497  : i32 {
        %mul3A_1160 = arith.constant 2 : i32
        %mul3A_1161 = arith.muli %scan3A_1159, %mul3A_1160 : i32
        %add3A_1162 = arith.constant 0 : i32
        %add3A_1163 = arith.addi %mul3A_1161, %add3A_1162 : i32
        %get3A_1164 = arith.index_cast %add3A_1163 : i32 to index
        %get3A_1165 = arith.constant 0 : index
        %get3A_1166 = tpu.vector_load %arg10[%get3A_1164, %get3A_1165] {strides = array<i32>} : memref<64x128xf32, #tpu.memory_space<vmem>>, vector<1x16xf32>,
        %get3A_1167 = vector.shape_cast %get3A_1166 : vector<1x16xf32> to vector<16xf32>
        %add3A_1168 = arith.constant 0 : i32
        %add3A_1169 = arith.addi %mul3A_1161, %add3A_1168 : i32
        %get3A_1170 = arith.index_cast %add3A_1169 : i32 to index
        %get3A_1171 = arith.constant 16 : index
        %get3A_1172 = tpu.vector_load %arg10[%get3A_1170, %get3A_1171] {strides = array<i32>} : memref<64x128xf32, #tpu.memory_space<vmem>>, vector<1x16xf32>,
        %get3A_1173 = vector.shape_cast %get3A_1172 : vector<1x16xf32> to vector<16xf32>
        %add3A_1174 = arith.constant 0 : i32
        %add3A_1175 = arith.addi %mul3A_1161, %add3A_1174 : i32
        %get3A_1176 = arith.index_cast %add3A_1175 : i32 to index
        %get3A_1177 = arith.constant 32 : index
        %get3A_1178 = tpu.vector_load %arg10[%get3A_1176, %get3A_1177] {strides = array<i32>} : memref<64x128xf32, #tpu.memory_space<vmem>>, vector<1x16xf32>,
        %get3A_1179 = vector.shape_cast %get3A_1178 : vector<1x16xf32> to vector<16xf32>
        %add3A_1180 = arith.constant 0 : i32
        %add3A_1181 = arith.addi %mul3A_1161, %add3A_1180 : i32
        %get3A_1182 = arith.index_cast %add3A_1181 : i32 to index
        %get3A_1183 = arith.constant 48 : index
        %get3A_1184 = tpu.vector_load %arg10[%get3A_1182, %get3A_1183] {strides = array<i32>} : memref<64x128xf32, #tpu.memory_space<vmem>>, vector<1x16xf32>,
        %get3A_1185 = vector.shape_cast %get3A_1184 : vector<1x16xf32> to vector<16xf32>
        %add3A_1186 = arith.constant 0 : i32
        %add3A_1187 = arith.addi %mul3A_1161, %add3A_1186 : i32
        %get3A_1188 = arith.index_cast %add3A_1187 : i32 to index
        %get3A_1189 = arith.constant 64 : index
        %get3A_1190 = tpu.vector_load %arg10[%get3A_1188, %get3A_1189] {strides = array<i32>} : memref<64x128xf32, #tpu.memory_space<vmem>>, vector<1x16xf32>,
        %get3A_1191 = vector.shape_cast %get3A_1190 : vector<1x16xf32> to vector<16xf32>
        %add3A_1192 = arith.constant 0 : i32
        %add3A_1193 = arith.addi %mul3A_1161, %add3A_1192 : i32
        %get3A_1194 = arith.index_cast %add3A_1193 : i32 to index
        %get3A_1195 = arith.constant 80 : index
        %get3A_1196 = tpu.vector_load %arg10[%get3A_1194, %get3A_1195] {strides = array<i32>} : memref<64x128xf32, #tpu.memory_space<vmem>>, vector<1x16xf32>,
        %get3A_1197 = vector.shape_cast %get3A_1196 : vector<1x16xf32> to vector<16xf32>
        %add3A_1198 = arith.constant 0 : i32
        %add3A_1199 = arith.addi %mul3A_1161, %add3A_1198 : i32
        %get3A_1200 = arith.index_cast %add3A_1199 : i32 to index
        %get3A_1201 = arith.constant 96 : index
        %get3A_1202 = tpu.vector_load %arg10[%get3A_1200, %get3A_1201] {strides = array<i32>} : memref<64x128xf32, #tpu.memory_space<vmem>>, vector<1x16xf32>,
        %get3A_1203 = vector.shape_cast %get3A_1202 : vector<1x16xf32> to vector<16xf32>
        %add3A_1204 = arith.constant 0 : i32
        %add3A_1205 = arith.addi %mul3A_1161, %add3A_1204 : i32
        %get3A_1206 = arith.index_cast %add3A_1205 : i32 to index
        %get3A_1207 = arith.constant 112 : index
        %get3A_1208 = tpu.vector_load %arg10[%get3A_1206, %get3A_1207] {strides = array<i32>} : memref<64x128xf32, #tpu.memory_space<vmem>>, vector<1x16xf32>,
        %get3A_1209 = vector.shape_cast %get3A_1208 : vector<1x16xf32> to vector<16xf32>
        %add3A_1210 = arith.addf %get3A_1167, %get3A_464 : vector<16xf32>
        %add3A_1211 = arith.constant 0 : i32
        %add3A_1212 = arith.addi %mul3A_1161, %add3A_1211 : i32
        %swap3A = arith.index_cast %add3A_1212 : i32 to index
        %swap3A_1213 = arith.constant 0 : index
        %swap3A_1214 = tpu.vector_load %arg10[%swap3A, %swap3A_1213] {strides = array<i32>} : memref<64x128xf32, #tpu.memory_space<vmem>>, vector<1x16xf32>,
        %swap3A_1215 = vector.shape_cast %swap3A_1214 : vector<1x16xf32> to vector<16xf32>
        %swap3A_1216 = vector.shape_cast %add3A_1210 : vector<16xf32> to vector<1x16xf32>
        tpu.vector_store %arg10[%swap3A, %swap3A_1213], %swap3A_1216 {strides = array<i32>} : memref<64x128xf32, #tpu.memory_space<vmem>>, vector<1x16xf32>,
        %add3A_1217 = arith.addf %get3A_1173, %get3A_468 : vector<16xf32>
        %add3A_1218 = arith.constant 0 : i32
        %add3A_1219 = arith.addi %mul3A_1161, %add3A_1218 : i32
        %swap3A_1220 = arith.index_cast %add3A_1219 : i32 to index
        %swap3A_1221 = arith.constant 16 : index
        %swap3A_1222 = tpu.vector_load %arg10[%swap3A_1220, %swap3A_1221] {strides = array<i32>} : memref<64x128xf32, #tpu.memory_space<vmem>>, vector<1x16xf32>,
        %swap3A_1223 = vector.shape_cast %swap3A_1222 : vector<1x16xf32> to vector<16xf32>
        %swap3A_1224 = vector.shape_cast %add3A_1217 : vector<16xf32> to vector<1x16xf32>
        tpu.vector_store %arg10[%swap3A_1220, %swap3A_1221], %swap3A_1224 {strides = array<i32>} : memref<64x128xf32, #tpu.memory_space<vmem>>, vector<1x16xf32>,
        %add3A_1225 = arith.addf %get3A_1179, %get3A_472 : vector<16xf32>
        %add3A_1226 = arith.constant 0 : i32
        %add3A_1227 = arith.addi %mul3A_1161, %add3A_1226 : i32
        %swap3A_1228 = arith.index_cast %add3A_1227 : i32 to index
        %swap3A_1229 = arith.constant 32 : index
        %swap3A_1230 = tpu.vector_load %arg10[%swap3A_1228, %swap3A_1229] {strides = array<i32>} : memref<64x128xf32, #tpu.memory_space<vmem>>, vector<1x16xf32>,
        %swap3A_1231 = vector.shape_cast %swap3A_1230 : vector<1x16xf32> to vector<16xf32>
        %swap3A_1232 = vector.shape_cast %add3A_1225 : vector<16xf32> to vector<1x16xf32>
        tpu.vector_store %arg10[%swap3A_1228, %swap3A_1229], %swap3A_1232 {strides = array<i32>} : memref<64x128xf32, #tpu.memory_space<vmem>>, vector<1x16xf32>,
        %add3A_1233 = arith.addf %get3A_1185, %get3A_476 : vector<16xf32>
        %add3A_1234 = arith.constant 0 : i32
        %add3A_1235 = arith.addi %mul3A_1161, %add3A_1234 : i32
        %swap3A_1236 = arith.index_cast %add3A_1235 : i32 to index
        %swap3A_1237 = arith.constant 48 : index
        %swap3A_1238 = tpu.vector_load %arg10[%swap3A_1236, %swap3A_1237] {strides = array<i32>} : memref<64x128xf32, #tpu.memory_space<vmem>>, vector<1x16xf32>,
        %swap3A_1239 = vector.shape_cast %swap3A_1238 : vector<1x16xf32> to vector<16xf32>
        %swap3A_1240 = vector.shape_cast %add3A_1233 : vector<16xf32> to vector<1x16xf32>
        tpu.vector_store %arg10[%swap3A_1236, %swap3A_1237], %swap3A_1240 {strides = array<i32>} : memref<64x128xf32, #tpu.memory_space<vmem>>, vector<1x16xf32>,
        %add3A_1241 = arith.addf %get3A_1191, %get3A_480 : vector<16xf32>
        %add3A_1242 = arith.constant 0 : i32
        %add3A_1243 = arith.addi %mul3A_1161, %add3A_1242 : i32
        %swap3A_1244 = arith.index_cast %add3A_1243 : i32 to index
        %swap3A_1245 = arith.constant 64 : index
        %swap3A_1246 = tpu.vector_load %arg10[%swap3A_1244, %swap3A_1245] {strides = array<i32>} : memref<64x128xf32, #tpu.memory_space<vmem>>, vector<1x16xf32>,
        %swap3A_1247 = vector.shape_cast %swap3A_1246 : vector<1x16xf32> to vector<16xf32>
        %swap3A_1248 = vector.shape_cast %add3A_1241 : vector<16xf32> to vector<1x16xf32>
        tpu.vector_store %arg10[%swap3A_1244, %swap3A_1245], %swap3A_1248 {strides = array<i32>} : memref<64x128xf32, #tpu.memory_space<vmem>>, vector<1x16xf32>,
        %add3A_1249 = arith.addf %get3A_1197, %get3A_484 : vector<16xf32>
        %add3A_1250 = arith.constant 0 : i32
        %add3A_1251 = arith.addi %mul3A_1161, %add3A_1250 : i32
        %swap3A_1252 = arith.index_cast %add3A_1251 : i32 to index
        %swap3A_1253 = arith.constant 80 : index
        %swap3A_1254 = tpu.vector_load %arg10[%swap3A_1252, %swap3A_1253] {strides = array<i32>} : memref<64x128xf32, #tpu.memory_space<vmem>>, vector<1x16xf32>,
        %swap3A_1255 = vector.shape_cast %swap3A_1254 : vector<1x16xf32> to vector<16xf32>
        %swap3A_1256 = vector.shape_cast %add3A_1249 : vector<16xf32> to vector<1x16xf32>
        tpu.vector_store %arg10[%swap3A_1252, %swap3A_1253], %swap3A_1256 {strides = array<i32>} : memref<64x128xf32, #tpu.memory_space<vmem>>, vector<1x16xf32>,
        %add3A_1257 = arith.addf %get3A_1203, %get3A_488 : vector<16xf32>
        %add3A_1258 = arith.constant 0 : i32
        %add3A_1259 = arith.addi %mul3A_1161, %add3A_1258 : i32
        %swap3A_1260 = arith.index_cast %add3A_1259 : i32 to index
        %swap3A_1261 = arith.constant 96 : index
        %swap3A_1262 = tpu.vector_load %arg10[%swap3A_1260, %swap3A_1261] {strides = array<i32>} : memref<64x128xf32, #tpu.memory_space<vmem>>, vector<1x16xf32>,
        %swap3A_1263 = vector.shape_cast %swap3A_1262 : vector<1x16xf32> to vector<16xf32>
        %swap3A_1264 = vector.shape_cast %add3A_1257 : vector<16xf32> to vector<1x16xf32>
        tpu.vector_store %arg10[%swap3A_1260, %swap3A_1261], %swap3A_1264 {strides = array<i32>} : memref<64x128xf32, #tpu.memory_space<vmem>>, vector<1x16xf32>,
        %add3A_1265 = arith.addf %get3A_1209, %get3A_492 : vector<16xf32>
        %add3A_1266 = arith.constant 0 : i32
        %add3A_1267 = arith.addi %mul3A_1161, %add3A_1266 : i32
        %swap3A_1268 = arith.index_cast %add3A_1267 : i32 to index
        %swap3A_1269 = arith.constant 112 : index
        %swap3A_1270 = tpu.vector_load %arg10[%swap3A_1268, %swap3A_1269] {strides = array<i32>} : memref<64x128xf32, #tpu.memory_space<vmem>>, vector<1x16xf32>,
        %swap3A_1271 = vector.shape_cast %swap3A_1270 : vector<1x16xf32> to vector<16xf32>
        %swap3A_1272 = vector.shape_cast %add3A_1265 : vector<16xf32> to vector<1x16xf32>
        tpu.vector_store %arg10[%swap3A_1268, %swap3A_1269], %swap3A_1272 {strides = array<i32>} : memref<64x128xf32, #tpu.memory_space<vmem>>, vector<1x16xf32>,
        %add3A_1273 = arith.constant 1 : i32
        %add3A_1274 = arith.addi %mul3A_1161, %add3A_1273 : i32
        %get3A_1275 = arith.index_cast %add3A_1274 : i32 to index
        %get3A_1276 = arith.constant 0 : index
        %get3A_1277 = tpu.vector_load %arg10[%get3A_1275, %get3A_1276] {strides = array<i32>} : memref<64x128xf32, #tpu.memory_space<vmem>>, vector<1x16xf32>,
        %get3A_1278 = vector.shape_cast %get3A_1277 : vector<1x16xf32> to vector<16xf32>
        %add3A_1279 = arith.constant 1 : i32
        %add3A_1280 = arith.addi %mul3A_1161, %add3A_1279 : i32
        %get3A_1281 = arith.index_cast %add3A_1280 : i32 to index
        %get3A_1282 = arith.constant 16 : index
        %get3A_1283 = tpu.vector_load %arg10[%get3A_1281, %get3A_1282] {strides = array<i32>} : memref<64x128xf32, #tpu.memory_space<vmem>>, vector<1x16xf32>,
        %get3A_1284 = vector.shape_cast %get3A_1283 : vector<1x16xf32> to vector<16xf32>
        %add3A_1285 = arith.constant 1 : i32
        %add3A_1286 = arith.addi %mul3A_1161, %add3A_1285 : i32
        %get3A_1287 = arith.index_cast %add3A_1286 : i32 to index
        %get3A_1288 = arith.constant 32 : index
        %get3A_1289 = tpu.vector_load %arg10[%get3A_1287, %get3A_1288] {strides = array<i32>} : memref<64x128xf32, #tpu.memory_space<vmem>>, vector<1x16xf32>,
        %get3A_1290 = vector.shape_cast %get3A_1289 : vector<1x16xf32> to vector<16xf32>
        %add3A_1291 = arith.constant 1 : i32
        %add3A_1292 = arith.addi %mul3A_1161, %add3A_1291 : i32
        %get3A_1293 = arith.index_cast %add3A_1292 : i32 to index
        %get3A_1294 = arith.constant 48 : index
        %get3A_1295 = tpu.vector_load %arg10[%get3A_1293, %get3A_1294] {strides = array<i32>} : memref<64x128xf32, #tpu.memory_space<vmem>>, vector<1x16xf32>,
        %get3A_1296 = vector.shape_cast %get3A_1295 : vector<1x16xf32> to vector<16xf32>
        %add3A_1297 = arith.constant 1 : i32
        %add3A_1298 = arith.addi %mul3A_1161, %add3A_1297 : i32
        %get3A_1299 = arith.index_cast %add3A_1298 : i32 to index
        %get3A_1300 = arith.constant 64 : index
        %get3A_1301 = tpu.vector_load %arg10[%get3A_1299, %get3A_1300] {strides = array<i32>} : memref<64x128xf32, #tpu.memory_space<vmem>>, vector<1x16xf32>,
        %get3A_1302 = vector.shape_cast %get3A_1301 : vector<1x16xf32> to vector<16xf32>
        %add3A_1303 = arith.constant 1 : i32
        %add3A_1304 = arith.addi %mul3A_1161, %add3A_1303 : i32
        %get3A_1305 = arith.index_cast %add3A_1304 : i32 to index
        %get3A_1306 = arith.constant 80 : index
        %get3A_1307 = tpu.vector_load %arg10[%get3A_1305, %get3A_1306] {strides = array<i32>} : memref<64x128xf32, #tpu.memory_space<vmem>>, vector<1x16xf32>,
        %get3A_1308 = vector.shape_cast %get3A_1307 : vector<1x16xf32> to vector<16xf32>
        %add3A_1309 = arith.constant 1 : i32
        %add3A_1310 = arith.addi %mul3A_1161, %add3A_1309 : i32
        %get3A_1311 = arith.index_cast %add3A_1310 : i32 to index
        %get3A_1312 = arith.constant 96 : index
        %get3A_1313 = tpu.vector_load %arg10[%get3A_1311, %get3A_1312] {strides = array<i32>} : memref<64x128xf32, #tpu.memory_space<vmem>>, vector<1x16xf32>,
        %get3A_1314 = vector.shape_cast %get3A_1313 : vector<1x16xf32> to vector<16xf32>
        %add3A_1315 = arith.constant 1 : i32
        %add3A_1316 = arith.addi %mul3A_1161, %add3A_1315 : i32
        %get3A_1317 = arith.index_cast %add3A_1316 : i32 to index
        %get3A_1318 = arith.constant 112 : index
        %get3A_1319 = tpu.vector_load %arg10[%get3A_1317, %get3A_1318] {strides = array<i32>} : memref<64x128xf32, #tpu.memory_space<vmem>>, vector<1x16xf32>,
        %get3A_1320 = vector.shape_cast %get3A_1319 : vector<1x16xf32> to vector<16xf32>
        %add3A_1321 = arith.addf %get3A_1278, %get3A_464 : vector<16xf32>
        %add3A_1322 = arith.constant 1 : i32
        %add3A_1323 = arith.addi %mul3A_1161, %add3A_1322 : i32
        %swap3A_1324 = arith.index_cast %add3A_1323 : i32 to index
        %swap3A_1325 = arith.constant 0 : index
        %swap3A_1326 = tpu.vector_load %arg10[%swap3A_1324, %swap3A_1325] {strides = array<i32>} : memref<64x128xf32, #tpu.memory_space<vmem>>, vector<1x16xf32>,
        %swap3A_1327 = vector.shape_cast %swap3A_1326 : vector<1x16xf32> to vector<16xf32>
        %swap3A_1328 = vector.shape_cast %add3A_1321 : vector<16xf32> to vector<1x16xf32>
        tpu.vector_store %arg10[%swap3A_1324, %swap3A_1325], %swap3A_1328 {strides = array<i32>} : memref<64x128xf32, #tpu.memory_space<vmem>>, vector<1x16xf32>,
        %add3A_1329 = arith.addf %get3A_1284, %get3A_468 : vector<16xf32>
        %add3A_1330 = arith.constant 1 : i32
        %add3A_1331 = arith.addi %mul3A_1161, %add3A_1330 : i32
        %swap3A_1332 = arith.index_cast %add3A_1331 : i32 to index
        %swap3A_1333 = arith.constant 16 : index
        %swap3A_1334 = tpu.vector_load %arg10[%swap3A_1332, %swap3A_1333] {strides = array<i32>} : memref<64x128xf32, #tpu.memory_space<vmem>>, vector<1x16xf32>,
        %swap3A_1335 = vector.shape_cast %swap3A_1334 : vector<1x16xf32> to vector<16xf32>
        %swap3A_1336 = vector.shape_cast %add3A_1329 : vector<16xf32> to vector<1x16xf32>
        tpu.vector_store %arg10[%swap3A_1332, %swap3A_1333], %swap3A_1336 {strides = array<i32>} : memref<64x128xf32, #tpu.memory_space<vmem>>, vector<1x16xf32>,
        %add3A_1337 = arith.addf %get3A_1290, %get3A_472 : vector<16xf32>
        %add3A_1338 = arith.constant 1 : i32
        %add3A_1339 = arith.addi %mul3A_1161, %add3A_1338 : i32
        %swap3A_1340 = arith.index_cast %add3A_1339 : i32 to index
        %swap3A_1341 = arith.constant 32 : index
        %swap3A_1342 = tpu.vector_load %arg10[%swap3A_1340, %swap3A_1341] {strides = array<i32>} : memref<64x128xf32, #tpu.memory_space<vmem>>, vector<1x16xf32>,
        %swap3A_1343 = vector.shape_cast %swap3A_1342 : vector<1x16xf32> to vector<16xf32>
        %swap3A_1344 = vector.shape_cast %add3A_1337 : vector<16xf32> to vector<1x16xf32>
        tpu.vector_store %arg10[%swap3A_1340, %swap3A_1341], %swap3A_1344 {strides = array<i32>} : memref<64x128xf32, #tpu.memory_space<vmem>>, vector<1x16xf32>,
        %add3A_1345 = arith.addf %get3A_1296, %get3A_476 : vector<16xf32>
        %add3A_1346 = arith.constant 1 : i32
        %add3A_1347 = arith.addi %mul3A_1161, %add3A_1346 : i32
        %swap3A_1348 = arith.index_cast %add3A_1347 : i32 to index
        %swap3A_1349 = arith.constant 48 : index
        %swap3A_1350 = tpu.vector_load %arg10[%swap3A_1348, %swap3A_1349] {strides = array<i32>} : memref<64x128xf32, #tpu.memory_space<vmem>>, vector<1x16xf32>,
        %swap3A_1351 = vector.shape_cast %swap3A_1350 : vector<1x16xf32> to vector<16xf32>
        %swap3A_1352 = vector.shape_cast %add3A_1345 : vector<16xf32> to vector<1x16xf32>
        tpu.vector_store %arg10[%swap3A_1348, %swap3A_1349], %swap3A_1352 {strides = array<i32>} : memref<64x128xf32, #tpu.memory_space<vmem>>, vector<1x16xf32>,
        %add3A_1353 = arith.addf %get3A_1302, %get3A_480 : vector<16xf32>
        %add3A_1354 = arith.constant 1 : i32
        %add3A_1355 = arith.addi %mul3A_1161, %add3A_1354 : i32
        %swap3A_1356 = arith.index_cast %add3A_1355 : i32 to index
        %swap3A_1357 = arith.constant 64 : index
        %swap3A_1358 = tpu.vector_load %arg10[%swap3A_1356, %swap3A_1357] {strides = array<i32>} : memref<64x128xf32, #tpu.memory_space<vmem>>, vector<1x16xf32>,
        %swap3A_1359 = vector.shape_cast %swap3A_1358 : vector<1x16xf32> to vector<16xf32>
        %swap3A_1360 = vector.shape_cast %add3A_1353 : vector<16xf32> to vector<1x16xf32>
        tpu.vector_store %arg10[%swap3A_1356, %swap3A_1357], %swap3A_1360 {strides = array<i32>} : memref<64x128xf32, #tpu.memory_space<vmem>>, vector<1x16xf32>,
        %add3A_1361 = arith.addf %get3A_1308, %get3A_484 : vector<16xf32>
        %add3A_1362 = arith.constant 1 : i32
        %add3A_1363 = arith.addi %mul3A_1161, %add3A_1362 : i32
        %swap3A_1364 = arith.index_cast %add3A_1363 : i32 to index
        %swap3A_1365 = arith.constant 80 : index
        %swap3A_1366 = tpu.vector_load %arg10[%swap3A_1364, %swap3A_1365] {strides = array<i32>} : memref<64x128xf32, #tpu.memory_space<vmem>>, vector<1x16xf32>,
        %swap3A_1367 = vector.shape_cast %swap3A_1366 : vector<1x16xf32> to vector<16xf32>
        %swap3A_1368 = vector.shape_cast %add3A_1361 : vector<16xf32> to vector<1x16xf32>
        tpu.vector_store %arg10[%swap3A_1364, %swap3A_1365], %swap3A_1368 {strides = array<i32>} : memref<64x128xf32, #tpu.memory_space<vmem>>, vector<1x16xf32>,
        %add3A_1369 = arith.addf %get3A_1314, %get3A_488 : vector<16xf32>
        %add3A_1370 = arith.constant 1 : i32
        %add3A_1371 = arith.addi %mul3A_1161, %add3A_1370 : i32
        %swap3A_1372 = arith.index_cast %add3A_1371 : i32 to index
        %swap3A_1373 = arith.constant 96 : index
        %swap3A_1374 = tpu.vector_load %arg10[%swap3A_1372, %swap3A_1373] {strides = array<i32>} : memref<64x128xf32, #tpu.memory_space<vmem>>, vector<1x16xf32>,
        %swap3A_1375 = vector.shape_cast %swap3A_1374 : vector<1x16xf32> to vector<16xf32>
        %swap3A_1376 = vector.shape_cast %add3A_1369 : vector<16xf32> to vector<1x16xf32>
        tpu.vector_store %arg10[%swap3A_1372, %swap3A_1373], %swap3A_1376 {strides = array<i32>} : memref<64x128xf32, #tpu.memory_space<vmem>>, vector<1x16xf32>,
        %add3A_1377 = arith.addf %get3A_1320, %get3A_492 : vector<16xf32>
        %add3A_1378 = arith.constant 1 : i32
        %add3A_1379 = arith.addi %mul3A_1161, %add3A_1378 : i32
        %swap3A_1380 = arith.index_cast %add3A_1379 : i32 to index
        %swap3A_1381 = arith.constant 112 : index
        %swap3A_1382 = tpu.vector_load %arg10[%swap3A_1380, %swap3A_1381] {strides = array<i32>} : memref<64x128xf32, #tpu.memory_space<vmem>>, vector<1x16xf32>,
        %swap3A_1383 = vector.shape_cast %swap3A_1382 : vector<1x16xf32> to vector<16xf32>
        %swap3A_1384 = vector.shape_cast %add3A_1377 : vector<16xf32> to vector<1x16xf32>
        tpu.vector_store %arg10[%swap3A_1380, %swap3A_1381], %swap3A_1384 {strides = array<i32>} : memref<64x128xf32, #tpu.memory_space<vmem>>, vector<1x16xf32>,
      }
      %scan3A_498 = arith.constant 32 : i32
      %ge3A = arith.constant 4 : i32
      %ge3A_499 = arith.cmpi sge, %add3A_427, %ge3A : i32
      %convert_element_type3A = arith.extui %ge3A_499 : i1 to i32
      %cond3A = arith.constant 0 : i32
      %cond3A_500 = arith.cmpi ne, %convert_element_type3A, %cond3A : i32
      scf.if %cond3A_500 {
        %sub3A_1159 = arith.constant 4 : i32
        %sub3A_1160 = arith.subi %add3A_427, %sub3A_1159 : i32
        %dma_wait3A_1161 = arith.constant 0 : i32
        %dma_wait3A_1162 = tpu.memref_slice %arg8[%sub3A_1160, %dma_wait3A_1161] : memref<100x64xi32, #tpu.memory_space<vmem>> -> memref<1x64xi32, #tpu.memory_space<vmem>>
        %dma_wait3A_1163 = tpu.memref_squeeze %dma_wait3A_1162 : memref<1x64xi32, #tpu.memory_space<vmem>> -> memref<64xi32, #tpu.memory_space<vmem>>
        %dma_wait3A_1164 = arith.constant 0 : i32
        %dma_wait3A_1165 = arith.constant 0 : i32
        %dma_wait3A_1166 = tpu.memref_slice %arg6[%dma_wait3A_1164, %dma_wait3A_1165] : memref<204800x128xf32, #tpu.memory_space<hbm>> -> memref<204800x128xf32, #tpu.memory_space<hbm>>
        tpu.wait_indirect_dma semaphore(%arg30 : memref<!tpu.dma_semaphore, #tpu.memory_space<semaphore_mem>>) src(%arg14 : memref<64x128xf32, #tpu.memory_space<vmem>>) dst(%dma_wait3A_1166 : memref<204800x128xf32, #tpu.memory_space<hbm>>)
      } else {
      }
      %add3A_501 = arith.constant 4 : i32
      %add3A_502 = arith.addi %add3A_427, %add3A_501 : i32
      %dma_start3A_503 = arith.constant 0 : i32
      %dma_start3A_504 = tpu.memref_slice %arg7[%add3A_502, %dma_start3A_503] : memref<100x64xi32, #tpu.memory_space<vmem>> -> memref<1x64xi32, #tpu.memory_space<vmem>>
      %dma_start3A_505 = tpu.memref_squeeze %dma_start3A_504 : memref<1x64xi32, #tpu.memory_space<vmem>> -> memref<64xi32, #tpu.memory_space<vmem>>
      %dma_start3A_506 = arith.constant 0 : i32
      %dma_start3A_507 = arith.constant 0 : i32
      %dma_start3A_508 = tpu.memref_slice %arg3[%dma_start3A_506, %dma_start3A_507] : memref<100000x128xf32, #tpu.memory_space<hbm>> -> memref<100000x128xf32, #tpu.memory_space<hbm>>
      tpu.enqueue_indirect_dma source(%dma_start3A_508 : memref<100000x128xf32, #tpu.memory_space<hbm>>) target(%arg14 : memref<64x128xf32, #tpu.memory_space<vmem>>) offsets(%dma_start3A_505 : memref<64xi32, #tpu.memory_space<vmem>>) semaphore(%arg22 : memref<!tpu.dma_semaphore, #tpu.memory_space<semaphore_mem>>)
      %dma_start3A_509 = arith.constant 0 : i32
      %dma_start3A_510 = tpu.memref_slice %arg8[%add3A_427, %dma_start3A_509] : memref<100x64xi32, #tpu.memory_space<vmem>> -> memref<1x64xi32, #tpu.memory_space<vmem>>
      %dma_start3A_511 = tpu.memref_squeeze %dma_start3A_510 : memref<1x64xi32, #tpu.memory_space<vmem>> -> memref<64xi32, #tpu.memory_space<vmem>>
      %dma_start3A_512 = arith.constant 0 : i32
      %dma_start3A_513 = arith.constant 0 : i32
      %dma_start3A_514 = tpu.memref_slice %arg6[%dma_start3A_512, %dma_start3A_513] : memref<204800x128xf32, #tpu.memory_space<hbm>> -> memref<204800x128xf32, #tpu.memory_space<hbm>>
      tpu.enqueue_indirect_dma source(%arg10 : memref<64x128xf32, #tpu.memory_space<vmem>>) target(%dma_start3A_514 : memref<204800x128xf32, #tpu.memory_space<hbm>>) offsets(%dma_start3A_511 : memref<64xi32, #tpu.memory_space<vmem>>) semaphore(%arg26 : memref<!tpu.dma_semaphore, #tpu.memory_space<semaphore_mem>>)
      %add3A_515 = arith.constant 1 : i32
      %add3A_516 = arith.addi %mul3A_425, %add3A_515 : i32
      %dma_wait3A_517 = arith.constant 0 : i32
      %dma_wait3A_518 = arith.constant 0 : i32
      %dma_wait3A_519 = tpu.memref_slice %arg3[%dma_wait3A_517, %dma_wait3A_518] : memref<100000x128xf32, #tpu.memory_space<hbm>> -> memref<64x128xf32, #tpu.memory_space<hbm>>
      %dma_wait3A_520 = arith.constant 0 : i32
      %dma_wait3A_521 = arith.constant 0 : i32
      %dma_wait3A_522 = tpu.memref_slice %arg3[%dma_wait3A_520, %dma_wait3A_521] : memref<100000x128xf32, #tpu.memory_space<hbm>> -> memref<64x128xf32, #tpu.memory_space<hbm>>
      tpu.wait_dma2 semaphore(%arg19 : memref<!tpu.dma_semaphore, #tpu.memory_space<semaphore_mem>>) src(%dma_wait3A_522 : memref<64x128xf32, #tpu.memory_space<hbm>>) dst(%arg11 : memref<64x128xf32, #tpu.memory_space<vmem>>)
      %mul3A_523 = arith.constant 100 : i32
      %mul3A_524 = arith.muli %add3A, %mul3A_523 : i32
      %add3A_525 = arith.addi %mul3A_524, %add3A_516 : i32
      %jit3A_526 = arith.constant 16 : i32
      %div3A_527 = arith.divsi %add3A_525, %jit3A_526 : i32
      %sign3A_528 = arith.constant 0 : i32
      %sign3A_529 = arith.cmpi sgt, %add3A_525, %sign3A_528 : i32
      %sign3A_530 = arith.extui %sign3A_529 : i1 to i32
      %sign3A_531 = arith.constant 0 : i32
      %sign3A_532 = arith.cmpi slt, %add3A_525, %sign3A_531 : i32
      %sign3A_533 = arith.extui %sign3A_532 : i1 to i32
      %sign3A_534 = arith.subi %sign3A_530, %sign3A_533 : i32
      %sign3A_535 = arith.constant 0 : i32
      %sign3A_536 = arith.cmpi sgt, %jit3A_526, %sign3A_535 : i32
      %sign3A_537 = arith.extui %sign3A_536 : i1 to i32
      %sign3A_538 = arith.constant 0 : i32
      %sign3A_539 = arith.cmpi slt, %jit3A_526, %sign3A_538 : i32
      %sign3A_540 = arith.extui %sign3A_539 : i1 to i32
      %sign3A_541 = arith.subi %sign3A_537, %sign3A_540 : i32
      %ne3A_542 = arith.cmpi ne, %sign3A_534, %sign3A_541 : i32
      %rem3A_543 = arith.remsi %add3A_525, %jit3A_526 : i32
      %ne3A_544 = arith.constant 0 : i32
      %ne3A_545 = arith.cmpi ne, %rem3A_543, %ne3A_544 : i32
      %and3A_546 = arith.andi %ne3A_542, %ne3A_545 : i1
      %sub3A_547 = arith.constant 1 : i32
      %sub3A_548 = arith.subi %div3A_527, %sub3A_547 : i32
      %select_n3A_549 = arith.select %and3A_546, %sub3A_548, %div3A_527 : i32
      %get3A_550 = arith.index_cast %select_n3A_549 : i32 to index
      %get3A_551 = arith.constant 0 : index
      %get3A_552 = tpu.vector_load %arg9[%get3A_550, %get3A_551] {strides = array<i32>} : memref<200x128xf32, #tpu.memory_space<vmem>>, vector<1x16xf32>,
      %get3A_553 = vector.shape_cast %get3A_552 : vector<1x16xf32> to vector<16xf32>
      %get3A_554 = arith.index_cast %select_n3A_549 : i32 to index
      %get3A_555 = arith.constant 16 : index
      %get3A_556 = tpu.vector_load %arg9[%get3A_554, %get3A_555] {strides = array<i32>} : memref<200x128xf32, #tpu.memory_space<vmem>>, vector<1x16xf32>,
      %get3A_557 = vector.shape_cast %get3A_556 : vector<1x16xf32> to vector<16xf32>
      %get3A_558 = arith.index_cast %select_n3A_549 : i32 to index
      %get3A_559 = arith.constant 32 : index
      %get3A_560 = tpu.vector_load %arg9[%get3A_558, %get3A_559] {strides = array<i32>} : memref<200x128xf32, #tpu.memory_space<vmem>>, vector<1x16xf32>,
      %get3A_561 = vector.shape_cast %get3A_560 : vector<1x16xf32> to vector<16xf32>
      %get3A_562 = arith.index_cast %select_n3A_549 : i32 to index
      %get3A_563 = arith.constant 48 : index
      %get3A_564 = tpu.vector_load %arg9[%get3A_562, %get3A_563] {strides = array<i32>} : memref<200x128xf32, #tpu.memory_space<vmem>>, vector<1x16xf32>,
      %get3A_565 = vector.shape_cast %get3A_564 : vector<1x16xf32> to vector<16xf32>
      %get3A_566 = arith.index_cast %select_n3A_549 : i32 to index
      %get3A_567 = arith.constant 64 : index
      %get3A_568 = tpu.vector_load %arg9[%get3A_566, %get3A_567] {strides = array<i32>} : memref<200x128xf32, #tpu.memory_space<vmem>>, vector<1x16xf32>,
      %get3A_569 = vector.shape_cast %get3A_568 : vector<1x16xf32> to vector<16xf32>
      %get3A_570 = arith.index_cast %select_n3A_549 : i32 to index
      %get3A_571 = arith.constant 80 : index
      %get3A_572 = tpu.vector_load %arg9[%get3A_570, %get3A_571] {strides = array<i32>} : memref<200x128xf32, #tpu.memory_space<vmem>>, vector<1x16xf32>,
      %get3A_573 = vector.shape_cast %get3A_572 : vector<1x16xf32> to vector<16xf32>
      %get3A_574 = arith.index_cast %select_n3A_549 : i32 to index
      %get3A_575 = arith.constant 96 : index
      %get3A_576 = tpu.vector_load %arg9[%get3A_574, %get3A_575] {strides = array<i32>} : memref<200x128xf32, #tpu.memory_space<vmem>>, vector<1x16xf32>,
      %get3A_577 = vector.shape_cast %get3A_576 : vector<1x16xf32> to vector<16xf32>
      %get3A_578 = arith.index_cast %select_n3A_549 : i32 to index
      %get3A_579 = arith.constant 112 : index
      %get3A_580 = tpu.vector_load %arg9[%get3A_578, %get3A_579] {strides = array<i32>} : memref<200x128xf32, #tpu.memory_space<vmem>>, vector<1x16xf32>,
      %get3A_581 = vector.shape_cast %get3A_580 : vector<1x16xf32> to vector<16xf32>
      %scan3A_582 = arith.constant 0 : i32
      %scan3A_583 = arith.constant 0 : i32
      %scan3A_584 = arith.constant 32 : i32
      %scan3A_585 = arith.addi %scan3A_583, %scan3A_584 : i32
      %scan3A_586 = arith.constant 1 : i32
      scf.for %scan3A_1159 = %scan3A_583 to %scan3A_585 step %scan3A_586  : i32 {
        %mul3A_1160 = arith.constant 2 : i32
        %mul3A_1161 = arith.muli %scan3A_1159, %mul3A_1160 : i32
        %add3A_1162 = arith.constant 0 : i32
        %add3A_1163 = arith.addi %mul3A_1161, %add3A_1162 : i32
        %get3A_1164 = arith.index_cast %add3A_1163 : i32 to index
        %get3A_1165 = arith.constant 0 : index
        %get3A_1166 = tpu.vector_load %arg11[%get3A_1164, %get3A_1165] {strides = array<i32>} : memref<64x128xf32, #tpu.memory_space<vmem>>, vector<1x16xf32>,
        %get3A_1167 = vector.shape_cast %get3A_1166 : vector<1x16xf32> to vector<16xf32>
        %add3A_1168 = arith.constant 0 : i32
        %add3A_1169 = arith.addi %mul3A_1161, %add3A_1168 : i32
        %get3A_1170 = arith.index_cast %add3A_1169 : i32 to index
        %get3A_1171 = arith.constant 16 : index
        %get3A_1172 = tpu.vector_load %arg11[%get3A_1170, %get3A_1171] {strides = array<i32>} : memref<64x128xf32, #tpu.memory_space<vmem>>, vector<1x16xf32>,
        %get3A_1173 = vector.shape_cast %get3A_1172 : vector<1x16xf32> to vector<16xf32>
        %add3A_1174 = arith.constant 0 : i32
        %add3A_1175 = arith.addi %mul3A_1161, %add3A_1174 : i32
        %get3A_1176 = arith.index_cast %add3A_1175 : i32 to index
        %get3A_1177 = arith.constant 32 : index
        %get3A_1178 = tpu.vector_load %arg11[%get3A_1176, %get3A_1177] {strides = array<i32>} : memref<64x128xf32, #tpu.memory_space<vmem>>, vector<1x16xf32>,
        %get3A_1179 = vector.shape_cast %get3A_1178 : vector<1x16xf32> to vector<16xf32>
        %add3A_1180 = arith.constant 0 : i32
        %add3A_1181 = arith.addi %mul3A_1161, %add3A_1180 : i32
        %get3A_1182 = arith.index_cast %add3A_1181 : i32 to index
        %get3A_1183 = arith.constant 48 : index
        %get3A_1184 = tpu.vector_load %arg11[%get3A_1182, %get3A_1183] {strides = array<i32>} : memref<64x128xf32, #tpu.memory_space<vmem>>, vector<1x16xf32>,
        %get3A_1185 = vector.shape_cast %get3A_1184 : vector<1x16xf32> to vector<16xf32>
        %add3A_1186 = arith.constant 0 : i32
        %add3A_1187 = arith.addi %mul3A_1161, %add3A_1186 : i32
        %get3A_1188 = arith.index_cast %add3A_1187 : i32 to index
        %get3A_1189 = arith.constant 64 : index
        %get3A_1190 = tpu.vector_load %arg11[%get3A_1188, %get3A_1189] {strides = array<i32>} : memref<64x128xf32, #tpu.memory_space<vmem>>, vector<1x16xf32>,
        %get3A_1191 = vector.shape_cast %get3A_1190 : vector<1x16xf32> to vector<16xf32>
        %add3A_1192 = arith.constant 0 : i32
        %add3A_1193 = arith.addi %mul3A_1161, %add3A_1192 : i32
        %get3A_1194 = arith.index_cast %add3A_1193 : i32 to index
        %get3A_1195 = arith.constant 80 : index
        %get3A_1196 = tpu.vector_load %arg11[%get3A_1194, %get3A_1195] {strides = array<i32>} : memref<64x128xf32, #tpu.memory_space<vmem>>, vector<1x16xf32>,
        %get3A_1197 = vector.shape_cast %get3A_1196 : vector<1x16xf32> to vector<16xf32>
        %add3A_1198 = arith.constant 0 : i32
        %add3A_1199 = arith.addi %mul3A_1161, %add3A_1198 : i32
        %get3A_1200 = arith.index_cast %add3A_1199 : i32 to index
        %get3A_1201 = arith.constant 96 : index
        %get3A_1202 = tpu.vector_load %arg11[%get3A_1200, %get3A_1201] {strides = array<i32>} : memref<64x128xf32, #tpu.memory_space<vmem>>, vector<1x16xf32>,
        %get3A_1203 = vector.shape_cast %get3A_1202 : vector<1x16xf32> to vector<16xf32>
        %add3A_1204 = arith.constant 0 : i32
        %add3A_1205 = arith.addi %mul3A_1161, %add3A_1204 : i32
        %get3A_1206 = arith.index_cast %add3A_1205 : i32 to index
        %get3A_1207 = arith.constant 112 : index
        %get3A_1208 = tpu.vector_load %arg11[%get3A_1206, %get3A_1207] {strides = array<i32>} : memref<64x128xf32, #tpu.memory_space<vmem>>, vector<1x16xf32>,
        %get3A_1209 = vector.shape_cast %get3A_1208 : vector<1x16xf32> to vector<16xf32>
        %add3A_1210 = arith.addf %get3A_1167, %get3A_553 : vector<16xf32>
        %add3A_1211 = arith.constant 0 : i32
        %add3A_1212 = arith.addi %mul3A_1161, %add3A_1211 : i32
        %swap3A = arith.index_cast %add3A_1212 : i32 to index
        %swap3A_1213 = arith.constant 0 : index
        %swap3A_1214 = tpu.vector_load %arg11[%swap3A, %swap3A_1213] {strides = array<i32>} : memref<64x128xf32, #tpu.memory_space<vmem>>, vector<1x16xf32>,
        %swap3A_1215 = vector.shape_cast %swap3A_1214 : vector<1x16xf32> to vector<16xf32>
        %swap3A_1216 = vector.shape_cast %add3A_1210 : vector<16xf32> to vector<1x16xf32>
        tpu.vector_store %arg11[%swap3A, %swap3A_1213], %swap3A_1216 {strides = array<i32>} : memref<64x128xf32, #tpu.memory_space<vmem>>, vector<1x16xf32>,
        %add3A_1217 = arith.addf %get3A_1173, %get3A_557 : vector<16xf32>
        %add3A_1218 = arith.constant 0 : i32
        %add3A_1219 = arith.addi %mul3A_1161, %add3A_1218 : i32
        %swap3A_1220 = arith.index_cast %add3A_1219 : i32 to index
        %swap3A_1221 = arith.constant 16 : index
        %swap3A_1222 = tpu.vector_load %arg11[%swap3A_1220, %swap3A_1221] {strides = array<i32>} : memref<64x128xf32, #tpu.memory_space<vmem>>, vector<1x16xf32>,
        %swap3A_1223 = vector.shape_cast %swap3A_1222 : vector<1x16xf32> to vector<16xf32>
        %swap3A_1224 = vector.shape_cast %add3A_1217 : vector<16xf32> to vector<1x16xf32>
        tpu.vector_store %arg11[%swap3A_1220, %swap3A_1221], %swap3A_1224 {strides = array<i32>} : memref<64x128xf32, #tpu.memory_space<vmem>>, vector<1x16xf32>,
        %add3A_1225 = arith.addf %get3A_1179, %get3A_561 : vector<16xf32>
        %add3A_1226 = arith.constant 0 : i32
        %add3A_1227 = arith.addi %mul3A_1161, %add3A_1226 : i32
        %swap3A_1228 = arith.index_cast %add3A_1227 : i32 to index
        %swap3A_1229 = arith.constant 32 : index
        %swap3A_1230 = tpu.vector_load %arg11[%swap3A_1228, %swap3A_1229] {strides = array<i32>} : memref<64x128xf32, #tpu.memory_space<vmem>>, vector<1x16xf32>,
        %swap3A_1231 = vector.shape_cast %swap3A_1230 : vector<1x16xf32> to vector<16xf32>
        %swap3A_1232 = vector.shape_cast %add3A_1225 : vector<16xf32> to vector<1x16xf32>
        tpu.vector_store %arg11[%swap3A_1228, %swap3A_1229], %swap3A_1232 {strides = array<i32>} : memref<64x128xf32, #tpu.memory_space<vmem>>, vector<1x16xf32>,
        %add3A_1233 = arith.addf %get3A_1185, %get3A_565 : vector<16xf32>
        %add3A_1234 = arith.constant 0 : i32
        %add3A_1235 = arith.addi %mul3A_1161, %add3A_1234 : i32
        %swap3A_1236 = arith.index_cast %add3A_1235 : i32 to index
        %swap3A_1237 = arith.constant 48 : index
        %swap3A_1238 = tpu.vector_load %arg11[%swap3A_1236, %swap3A_1237] {strides = array<i32>} : memref<64x128xf32, #tpu.memory_space<vmem>>, vector<1x16xf32>,
        %swap3A_1239 = vector.shape_cast %swap3A_1238 : vector<1x16xf32> to vector<16xf32>
        %swap3A_1240 = vector.shape_cast %add3A_1233 : vector<16xf32> to vector<1x16xf32>
        tpu.vector_store %arg11[%swap3A_1236, %swap3A_1237], %swap3A_1240 {strides = array<i32>} : memref<64x128xf32, #tpu.memory_space<vmem>>, vector<1x16xf32>,
        %add3A_1241 = arith.addf %get3A_1191, %get3A_569 : vector<16xf32>
        %add3A_1242 = arith.constant 0 : i32
        %add3A_1243 = arith.addi %mul3A_1161, %add3A_1242 : i32
        %swap3A_1244 = arith.index_cast %add3A_1243 : i32 to index
        %swap3A_1245 = arith.constant 64 : index
        %swap3A_1246 = tpu.vector_load %arg11[%swap3A_1244, %swap3A_1245] {strides = array<i32>} : memref<64x128xf32, #tpu.memory_space<vmem>>, vector<1x16xf32>,
        %swap3A_1247 = vector.shape_cast %swap3A_1246 : vector<1x16xf32> to vector<16xf32>
        %swap3A_1248 = vector.shape_cast %add3A_1241 : vector<16xf32> to vector<1x16xf32>
        tpu.vector_store %arg11[%swap3A_1244, %swap3A_1245], %swap3A_1248 {strides = array<i32>} : memref<64x128xf32, #tpu.memory_space<vmem>>, vector<1x16xf32>,
        %add3A_1249 = arith.addf %get3A_1197, %get3A_573 : vector<16xf32>
        %add3A_1250 = arith.constant 0 : i32
        %add3A_1251 = arith.addi %mul3A_1161, %add3A_1250 : i32
        %swap3A_1252 = arith.index_cast %add3A_1251 : i32 to index
        %swap3A_1253 = arith.constant 80 : index
        %swap3A_1254 = tpu.vector_load %arg11[%swap3A_1252, %swap3A_1253] {strides = array<i32>} : memref<64x128xf32, #tpu.memory_space<vmem>>, vector<1x16xf32>,
        %swap3A_1255 = vector.shape_cast %swap3A_1254 : vector<1x16xf32> to vector<16xf32>
        %swap3A_1256 = vector.shape_cast %add3A_1249 : vector<16xf32> to vector<1x16xf32>
        tpu.vector_store %arg11[%swap3A_1252, %swap3A_1253], %swap3A_1256 {strides = array<i32>} : memref<64x128xf32, #tpu.memory_space<vmem>>, vector<1x16xf32>,
        %add3A_1257 = arith.addf %get3A_1203, %get3A_577 : vector<16xf32>
        %add3A_1258 = arith.constant 0 : i32
        %add3A_1259 = arith.addi %mul3A_1161, %add3A_1258 : i32
        %swap3A_1260 = arith.index_cast %add3A_1259 : i32 to index
        %swap3A_1261 = arith.constant 96 : index
        %swap3A_1262 = tpu.vector_load %arg11[%swap3A_1260, %swap3A_1261] {strides = array<i32>} : memref<64x128xf32, #tpu.memory_space<vmem>>, vector<1x16xf32>,
        %swap3A_1263 = vector.shape_cast %swap3A_1262 : vector<1x16xf32> to vector<16xf32>
        %swap3A_1264 = vector.shape_cast %add3A_1257 : vector<16xf32> to vector<1x16xf32>
        tpu.vector_store %arg11[%swap3A_1260, %swap3A_1261], %swap3A_1264 {strides = array<i32>} : memref<64x128xf32, #tpu.memory_space<vmem>>, vector<1x16xf32>,
        %add3A_1265 = arith.addf %get3A_1209, %get3A_581 : vector<16xf32>
        %add3A_1266 = arith.constant 0 : i32
        %add3A_1267 = arith.addi %mul3A_1161, %add3A_1266 : i32
        %swap3A_1268 = arith.index_cast %add3A_1267 : i32 to index
        %swap3A_1269 = arith.constant 112 : index
        %swap3A_1270 = tpu.vector_load %arg11[%swap3A_1268, %swap3A_1269] {strides = array<i32>} : memref<64x128xf32, #tpu.memory_space<vmem>>, vector<1x16xf32>,
        %swap3A_1271 = vector.shape_cast %swap3A_1270 : vector<1x16xf32> to vector<16xf32>
        %swap3A_1272 = vector.shape_cast %add3A_1265 : vector<16xf32> to vector<1x16xf32>
        tpu.vector_store %arg11[%swap3A_1268, %swap3A_1269], %swap3A_1272 {strides = array<i32>} : memref<64x128xf32, #tpu.memory_space<vmem>>, vector<1x16xf32>,
        %add3A_1273 = arith.constant 1 : i32
        %add3A_1274 = arith.addi %mul3A_1161, %add3A_1273 : i32
        %get3A_1275 = arith.index_cast %add3A_1274 : i32 to index
        %get3A_1276 = arith.constant 0 : index
        %get3A_1277 = tpu.vector_load %arg11[%get3A_1275, %get3A_1276] {strides = array<i32>} : memref<64x128xf32, #tpu.memory_space<vmem>>, vector<1x16xf32>,
        %get3A_1278 = vector.shape_cast %get3A_1277 : vector<1x16xf32> to vector<16xf32>
        %add3A_1279 = arith.constant 1 : i32
        %add3A_1280 = arith.addi %mul3A_1161, %add3A_1279 : i32
        %get3A_1281 = arith.index_cast %add3A_1280 : i32 to index
        %get3A_1282 = arith.constant 16 : index
        %get3A_1283 = tpu.vector_load %arg11[%get3A_1281, %get3A_1282] {strides = array<i32>} : memref<64x128xf32, #tpu.memory_space<vmem>>, vector<1x16xf32>,
        %get3A_1284 = vector.shape_cast %get3A_1283 : vector<1x16xf32> to vector<16xf32>
        %add3A_1285 = arith.constant 1 : i32
        %add3A_1286 = arith.addi %mul3A_1161, %add3A_1285 : i32
        %get3A_1287 = arith.index_cast %add3A_1286 : i32 to index
        %get3A_1288 = arith.constant 32 : index
        %get3A_1289 = tpu.vector_load %arg11[%get3A_1287, %get3A_1288] {strides = array<i32>} : memref<64x128xf32, #tpu.memory_space<vmem>>, vector<1x16xf32>,
        %get3A_1290 = vector.shape_cast %get3A_1289 : vector<1x16xf32> to vector<16xf32>
        %add3A_1291 = arith.constant 1 : i32
        %add3A_1292 = arith.addi %mul3A_1161, %add3A_1291 : i32
        %get3A_1293 = arith.index_cast %add3A_1292 : i32 to index
        %get3A_1294 = arith.constant 48 : index
        %get3A_1295 = tpu.vector_load %arg11[%get3A_1293, %get3A_1294] {strides = array<i32>} : memref<64x128xf32, #tpu.memory_space<vmem>>, vector<1x16xf32>,
        %get3A_1296 = vector.shape_cast %get3A_1295 : vector<1x16xf32> to vector<16xf32>
        %add3A_1297 = arith.constant 1 : i32
        %add3A_1298 = arith.addi %mul3A_1161, %add3A_1297 : i32
        %get3A_1299 = arith.index_cast %add3A_1298 : i32 to index
        %get3A_1300 = arith.constant 64 : index
        %get3A_1301 = tpu.vector_load %arg11[%get3A_1299, %get3A_1300] {strides = array<i32>} : memref<64x128xf32, #tpu.memory_space<vmem>>, vector<1x16xf32>,
        %get3A_1302 = vector.shape_cast %get3A_1301 : vector<1x16xf32> to vector<16xf32>
        %add3A_1303 = arith.constant 1 : i32
        %add3A_1304 = arith.addi %mul3A_1161, %add3A_1303 : i32
        %get3A_1305 = arith.index_cast %add3A_1304 : i32 to index
        %get3A_1306 = arith.constant 80 : index
        %get3A_1307 = tpu.vector_load %arg11[%get3A_1305, %get3A_1306] {strides = array<i32>} : memref<64x128xf32, #tpu.memory_space<vmem>>, vector<1x16xf32>,
        %get3A_1308 = vector.shape_cast %get3A_1307 : vector<1x16xf32> to vector<16xf32>
        %add3A_1309 = arith.constant 1 : i32
        %add3A_1310 = arith.addi %mul3A_1161, %add3A_1309 : i32
        %get3A_1311 = arith.index_cast %add3A_1310 : i32 to index
        %get3A_1312 = arith.constant 96 : index
        %get3A_1313 = tpu.vector_load %arg11[%get3A_1311, %get3A_1312] {strides = array<i32>} : memref<64x128xf32, #tpu.memory_space<vmem>>, vector<1x16xf32>,
        %get3A_1314 = vector.shape_cast %get3A_1313 : vector<1x16xf32> to vector<16xf32>
        %add3A_1315 = arith.constant 1 : i32
        %add3A_1316 = arith.addi %mul3A_1161, %add3A_1315 : i32
        %get3A_1317 = arith.index_cast %add3A_1316 : i32 to index
        %get3A_1318 = arith.constant 112 : index
        %get3A_1319 = tpu.vector_load %arg11[%get3A_1317, %get3A_1318] {strides = array<i32>} : memref<64x128xf32, #tpu.memory_space<vmem>>, vector<1x16xf32>,
        %get3A_1320 = vector.shape_cast %get3A_1319 : vector<1x16xf32> to vector<16xf32>
        %add3A_1321 = arith.addf %get3A_1278, %get3A_553 : vector<16xf32>
        %add3A_1322 = arith.constant 1 : i32
        %add3A_1323 = arith.addi %mul3A_1161, %add3A_1322 : i32
        %swap3A_1324 = arith.index_cast %add3A_1323 : i32 to index
        %swap3A_1325 = arith.constant 0 : index
        %swap3A_1326 = tpu.vector_load %arg11[%swap3A_1324, %swap3A_1325] {strides = array<i32>} : memref<64x128xf32, #tpu.memory_space<vmem>>, vector<1x16xf32>,
        %swap3A_1327 = vector.shape_cast %swap3A_1326 : vector<1x16xf32> to vector<16xf32>
        %swap3A_1328 = vector.shape_cast %add3A_1321 : vector<16xf32> to vector<1x16xf32>
        tpu.vector_store %arg11[%swap3A_1324, %swap3A_1325], %swap3A_1328 {strides = array<i32>} : memref<64x128xf32, #tpu.memory_space<vmem>>, vector<1x16xf32>,
        %add3A_1329 = arith.addf %get3A_1284, %get3A_557 : vector<16xf32>
        %add3A_1330 = arith.constant 1 : i32
        %add3A_1331 = arith.addi %mul3A_1161, %add3A_1330 : i32
        %swap3A_1332 = arith.index_cast %add3A_1331 : i32 to index
        %swap3A_1333 = arith.constant 16 : index
        %swap3A_1334 = tpu.vector_load %arg11[%swap3A_1332, %swap3A_1333] {strides = array<i32>} : memref<64x128xf32, #tpu.memory_space<vmem>>, vector<1x16xf32>,
        %swap3A_1335 = vector.shape_cast %swap3A_1334 : vector<1x16xf32> to vector<16xf32>
        %swap3A_1336 = vector.shape_cast %add3A_1329 : vector<16xf32> to vector<1x16xf32>
        tpu.vector_store %arg11[%swap3A_1332, %swap3A_1333], %swap3A_1336 {strides = array<i32>} : memref<64x128xf32, #tpu.memory_space<vmem>>, vector<1x16xf32>,
        %add3A_1337 = arith.addf %get3A_1290, %get3A_561 : vector<16xf32>
        %add3A_1338 = arith.constant 1 : i32
        %add3A_1339 = arith.addi %mul3A_1161, %add3A_1338 : i32
        %swap3A_1340 = arith.index_cast %add3A_1339 : i32 to index
        %swap3A_1341 = arith.constant 32 : index
        %swap3A_1342 = tpu.vector_load %arg11[%swap3A_1340, %swap3A_1341] {strides = array<i32>} : memref<64x128xf32, #tpu.memory_space<vmem>>, vector<1x16xf32>,
        %swap3A_1343 = vector.shape_cast %swap3A_1342 : vector<1x16xf32> to vector<16xf32>
        %swap3A_1344 = vector.shape_cast %add3A_1337 : vector<16xf32> to vector<1x16xf32>
        tpu.vector_store %arg11[%swap3A_1340, %swap3A_1341], %swap3A_1344 {strides = array<i32>} : memref<64x128xf32, #tpu.memory_space<vmem>>, vector<1x16xf32>,
        %add3A_1345 = arith.addf %get3A_1296, %get3A_565 : vector<16xf32>
        %add3A_1346 = arith.constant 1 : i32
        %add3A_1347 = arith.addi %mul3A_1161, %add3A_1346 : i32
        %swap3A_1348 = arith.index_cast %add3A_1347 : i32 to index
        %swap3A_1349 = arith.constant 48 : index
        %swap3A_1350 = tpu.vector_load %arg11[%swap3A_1348, %swap3A_1349] {strides = array<i32>} : memref<64x128xf32, #tpu.memory_space<vmem>>, vector<1x16xf32>,
        %swap3A_1351 = vector.shape_cast %swap3A_1350 : vector<1x16xf32> to vector<16xf32>
        %swap3A_1352 = vector.shape_cast %add3A_1345 : vector<16xf32> to vector<1x16xf32>
        tpu.vector_store %arg11[%swap3A_1348, %swap3A_1349], %swap3A_1352 {strides = array<i32>} : memref<64x128xf32, #tpu.memory_space<vmem>>, vector<1x16xf32>,
        %add3A_1353 = arith.addf %get3A_1302, %get3A_569 : vector<16xf32>
        %add3A_1354 = arith.constant 1 : i32
        %add3A_1355 = arith.addi %mul3A_1161, %add3A_1354 : i32
        %swap3A_1356 = arith.index_cast %add3A_1355 : i32 to index
        %swap3A_1357 = arith.constant 64 : index
        %swap3A_1358 = tpu.vector_load %arg11[%swap3A_1356, %swap3A_1357] {strides = array<i32>} : memref<64x128xf32, #tpu.memory_space<vmem>>, vector<1x16xf32>,
        %swap3A_1359 = vector.shape_cast %swap3A_1358 : vector<1x16xf32> to vector<16xf32>
        %swap3A_1360 = vector.shape_cast %add3A_1353 : vector<16xf32> to vector<1x16xf32>
        tpu.vector_store %arg11[%swap3A_1356, %swap3A_1357], %swap3A_1360 {strides = array<i32>} : memref<64x128xf32, #tpu.memory_space<vmem>>, vector<1x16xf32>,
        %add3A_1361 = arith.addf %get3A_1308, %get3A_573 : vector<16xf32>
        %add3A_1362 = arith.constant 1 : i32
        %add3A_1363 = arith.addi %mul3A_1161, %add3A_1362 : i32
        %swap3A_1364 = arith.index_cast %add3A_1363 : i32 to index
        %swap3A_1365 = arith.constant 80 : index
        %swap3A_1366 = tpu.vector_load %arg11[%swap3A_1364, %swap3A_1365] {strides = array<i32>} : memref<64x128xf32, #tpu.memory_space<vmem>>, vector<1x16xf32>,
        %swap3A_1367 = vector.shape_cast %swap3A_1366 : vector<1x16xf32> to vector<16xf32>
        %swap3A_1368 = vector.shape_cast %add3A_1361 : vector<16xf32> to vector<1x16xf32>
        tpu.vector_store %arg11[%swap3A_1364, %swap3A_1365], %swap3A_1368 {strides = array<i32>} : memref<64x128xf32, #tpu.memory_space<vmem>>, vector<1x16xf32>,
        %add3A_1369 = arith.addf %get3A_1314, %get3A_577 : vector<16xf32>
        %add3A_1370 = arith.constant 1 : i32
        %add3A_1371 = arith.addi %mul3A_1161, %add3A_1370 : i32
        %swap3A_1372 = arith.index_cast %add3A_1371 : i32 to index
        %swap3A_1373 = arith.constant 96 : index
        %swap3A_1374 = tpu.vector_load %arg11[%swap3A_1372, %swap3A_1373] {strides = array<i32>} : memref<64x128xf32, #tpu.memory_space<vmem>>, vector<1x16xf32>,
        %swap3A_1375 = vector.shape_cast %swap3A_1374 : vector<1x16xf32> to vector<16xf32>
        %swap3A_1376 = vector.shape_cast %add3A_1369 : vector<16xf32> to vector<1x16xf32>
        tpu.vector_store %arg11[%swap3A_1372, %swap3A_1373], %swap3A_1376 {strides = array<i32>} : memref<64x128xf32, #tpu.memory_space<vmem>>, vector<1x16xf32>,
        %add3A_1377 = arith.addf %get3A_1320, %get3A_581 : vector<16xf32>
        %add3A_1378 = arith.constant 1 : i32
        %add3A_1379 = arith.addi %mul3A_1161, %add3A_1378 : i32
        %swap3A_1380 = arith.index_cast %add3A_1379 : i32 to index
        %swap3A_1381 = arith.constant 112 : index
        %swap3A_1382 = tpu.vector_load %arg11[%swap3A_1380, %swap3A_1381] {strides = array<i32>} : memref<64x128xf32, #tpu.memory_space<vmem>>, vector<1x16xf32>,
        %swap3A_1383 = vector.shape_cast %swap3A_1382 : vector<1x16xf32> to vector<16xf32>
        %swap3A_1384 = vector.shape_cast %add3A_1377 : vector<16xf32> to vector<1x16xf32>
        tpu.vector_store %arg11[%swap3A_1380, %swap3A_1381], %swap3A_1384 {strides = array<i32>} : memref<64x128xf32, #tpu.memory_space<vmem>>, vector<1x16xf32>,
      }
      %scan3A_587 = arith.constant 32 : i32
      %ge3A_588 = arith.constant 4 : i32
      %ge3A_589 = arith.cmpi sge, %add3A_516, %ge3A_588 : i32
      %convert_element_type3A_590 = arith.extui %ge3A_589 : i1 to i32
      %cond3A_591 = arith.constant 0 : i32
      %cond3A_592 = arith.cmpi ne, %convert_element_type3A_590, %cond3A_591 : i32
      scf.if %cond3A_592 {
        %sub3A_1159 = arith.constant 4 : i32
        %sub3A_1160 = arith.subi %add3A_516, %sub3A_1159 : i32
        %dma_wait3A_1161 = arith.constant 0 : i32
        %dma_wait3A_1162 = tpu.memref_slice %arg8[%sub3A_1160, %dma_wait3A_1161] : memref<100x64xi32, #tpu.memory_space<vmem>> -> memref<1x64xi32, #tpu.memory_space<vmem>>
        %dma_wait3A_1163 = tpu.memref_squeeze %dma_wait3A_1162 : memref<1x64xi32, #tpu.memory_space<vmem>> -> memref<64xi32, #tpu.memory_space<vmem>>
        %dma_wait3A_1164 = arith.constant 0 : i32
        %dma_wait3A_1165 = arith.constant 0 : i32
        %dma_wait3A_1166 = tpu.memref_slice %arg6[%dma_wait3A_1164, %dma_wait3A_1165] : memref<204800x128xf32, #tpu.memory_space<hbm>> -> memref<204800x128xf32, #tpu.memory_space<hbm>>
        tpu.wait_indirect_dma semaphore(%arg31 : memref<!tpu.dma_semaphore, #tpu.memory_space<semaphore_mem>>) src(%arg15 : memref<64x128xf32, #tpu.memory_space<vmem>>) dst(%dma_wait3A_1166 : memref<204800x128xf32, #tpu.memory_space<hbm>>)
      } else {
      }
      %add3A_593 = arith.constant 4 : i32
      %add3A_594 = arith.addi %add3A_516, %add3A_593 : i32
      %dma_start3A_595 = arith.constant 0 : i32
      %dma_start3A_596 = tpu.memref_slice %arg7[%add3A_594, %dma_start3A_595] : memref<100x64xi32, #tpu.memory_space<vmem>> -> memref<1x64xi32, #tpu.memory_space<vmem>>
      %dma_start3A_597 = tpu.memref_squeeze %dma_start3A_596 : memref<1x64xi32, #tpu.memory_space<vmem>> -> memref<64xi32, #tpu.memory_space<vmem>>
      %dma_start3A_598 = arith.constant 0 : i32
      %dma_start3A_599 = arith.constant 0 : i32
      %dma_start3A_600 = tpu.memref_slice %arg3[%dma_start3A_598, %dma_start3A_599] : memref<100000x128xf32, #tpu.memory_space<hbm>> -> memref<100000x128xf32, #tpu.memory_space<hbm>>
      tpu.enqueue_indirect_dma source(%dma_start3A_600 : memref<100000x128xf32, #tpu.memory_space<hbm>>) target(%arg15 : memref<64x128xf32, #tpu.memory_space<vmem>>) offsets(%dma_start3A_597 : memref<64xi32, #tpu.memory_space<vmem>>) semaphore(%arg23 : memref<!tpu.dma_semaphore, #tpu.memory_space<semaphore_mem>>)
      %dma_start3A_601 = arith.constant 0 : i32
      %dma_start3A_602 = tpu.memref_slice %arg8[%add3A_516, %dma_start3A_601] : memref<100x64xi32, #tpu.memory_space<vmem>> -> memref<1x64xi32, #tpu.memory_space<vmem>>
      %dma_start3A_603 = tpu.memref_squeeze %dma_start3A_602 : memref<1x64xi32, #tpu.memory_space<vmem>> -> memref<64xi32, #tpu.memory_space<vmem>>
      %dma_start3A_604 = arith.constant 0 : i32
      %dma_start3A_605 = arith.constant 0 : i32
      %dma_start3A_606 = tpu.memref_slice %arg6[%dma_start3A_604, %dma_start3A_605] : memref<204800x128xf32, #tpu.memory_space<hbm>> -> memref<204800x128xf32, #tpu.memory_space<hbm>>
      tpu.enqueue_indirect_dma source(%arg11 : memref<64x128xf32, #tpu.memory_space<vmem>>) target(%dma_start3A_606 : memref<204800x128xf32, #tpu.memory_space<hbm>>) offsets(%dma_start3A_603 : memref<64xi32, #tpu.memory_space<vmem>>) semaphore(%arg27 : memref<!tpu.dma_semaphore, #tpu.memory_space<semaphore_mem>>)
      %add3A_607 = arith.constant 2 : i32
      %add3A_608 = arith.addi %mul3A_425, %add3A_607 : i32
      %dma_wait3A_609 = arith.constant 0 : i32
      %dma_wait3A_610 = arith.constant 0 : i32
      %dma_wait3A_611 = tpu.memref_slice %arg3[%dma_wait3A_609, %dma_wait3A_610] : memref<100000x128xf32, #tpu.memory_space<hbm>> -> memref<64x128xf32, #tpu.memory_space<hbm>>
      %dma_wait3A_612 = arith.constant 0 : i32
      %dma_wait3A_613 = arith.constant 0 : i32
      %dma_wait3A_614 = tpu.memref_slice %arg3[%dma_wait3A_612, %dma_wait3A_613] : memref<100000x128xf32, #tpu.memory_space<hbm>> -> memref<64x128xf32, #tpu.memory_space<hbm>>
      tpu.wait_dma2 semaphore(%arg20 : memref<!tpu.dma_semaphore, #tpu.memory_space<semaphore_mem>>) src(%dma_wait3A_614 : memref<64x128xf32, #tpu.memory_space<hbm>>) dst(%arg12 : memref<64x128xf32, #tpu.memory_space<vmem>>)
      %mul3A_615 = arith.constant 100 : i32
      %mul3A_616 = arith.muli %add3A, %mul3A_615 : i32
      %add3A_617 = arith.addi %mul3A_616, %add3A_608 : i32
      %jit3A_618 = arith.constant 16 : i32
      %div3A_619 = arith.divsi %add3A_617, %jit3A_618 : i32
      %sign3A_620 = arith.constant 0 : i32
      %sign3A_621 = arith.cmpi sgt, %add3A_617, %sign3A_620 : i32
      %sign3A_622 = arith.extui %sign3A_621 : i1 to i32
      %sign3A_623 = arith.constant 0 : i32
      %sign3A_624 = arith.cmpi slt, %add3A_617, %sign3A_623 : i32
      %sign3A_625 = arith.extui %sign3A_624 : i1 to i32
      %sign3A_626 = arith.subi %sign3A_622, %sign3A_625 : i32
      %sign3A_627 = arith.constant 0 : i32
      %sign3A_628 = arith.cmpi sgt, %jit3A_618, %sign3A_627 : i32
      %sign3A_629 = arith.extui %sign3A_628 : i1 to i32
      %sign3A_630 = arith.constant 0 : i32
      %sign3A_631 = arith.cmpi slt, %jit3A_618, %sign3A_630 : i32
      %sign3A_632 = arith.extui %sign3A_631 : i1 to i32
      %sign3A_633 = arith.subi %sign3A_629, %sign3A_632 : i32
      %ne3A_634 = arith.cmpi ne, %sign3A_626, %sign3A_633 : i32
      %rem3A_635 = arith.remsi %add3A_617, %jit3A_618 : i32
      %ne3A_636 = arith.constant 0 : i32
      %ne3A_637 = arith.cmpi ne, %rem3A_635, %ne3A_636 : i32
      %and3A_638 = arith.andi %ne3A_634, %ne3A_637 : i1
      %sub3A_639 = arith.constant 1 : i32
      %sub3A_640 = arith.subi %div3A_619, %sub3A_639 : i32
      %select_n3A_641 = arith.select %and3A_638, %sub3A_640, %div3A_619 : i32
      %get3A_642 = arith.index_cast %select_n3A_641 : i32 to index
      %get3A_643 = arith.constant 0 : index
      %get3A_644 = tpu.vector_load %arg9[%get3A_642, %get3A_643] {strides = array<i32>} : memref<200x128xf32, #tpu.memory_space<vmem>>, vector<1x16xf32>,
      %get3A_645 = vector.shape_cast %get3A_644 : vector<1x16xf32> to vector<16xf32>
      %get3A_646 = arith.index_cast %select_n3A_641 : i32 to index
      %get3A_647 = arith.constant 16 : index
      %get3A_648 = tpu.vector_load %arg9[%get3A_646, %get3A_647] {strides = array<i32>} : memref<200x128xf32, #tpu.memory_space<vmem>>, vector<1x16xf32>,
      %get3A_649 = vector.shape_cast %get3A_648 : vector<1x16xf32> to vector<16xf32>
      %get3A_650 = arith.index_cast %select_n3A_641 : i32 to index
      %get3A_651 = arith.constant 32 : index
      %get3A_652 = tpu.vector_load %arg9[%get3A_650, %get3A_651] {strides = array<i32>} : memref<200x128xf32, #tpu.memory_space<vmem>>, vector<1x16xf32>,
      %get3A_653 = vector.shape_cast %get3A_652 : vector<1x16xf32> to vector<16xf32>
      %get3A_654 = arith.index_cast %select_n3A_641 : i32 to index
      %get3A_655 = arith.constant 48 : index
      %get3A_656 = tpu.vector_load %arg9[%get3A_654, %get3A_655] {strides = array<i32>} : memref<200x128xf32, #tpu.memory_space<vmem>>, vector<1x16xf32>,
      %get3A_657 = vector.shape_cast %get3A_656 : vector<1x16xf32> to vector<16xf32>
      %get3A_658 = arith.index_cast %select_n3A_641 : i32 to index
      %get3A_659 = arith.constant 64 : index
      %get3A_660 = tpu.vector_load %arg9[%get3A_658, %get3A_659] {strides = array<i32>} : memref<200x128xf32, #tpu.memory_space<vmem>>, vector<1x16xf32>,
      %get3A_661 = vector.shape_cast %get3A_660 : vector<1x16xf32> to vector<16xf32>
      %get3A_662 = arith.index_cast %select_n3A_641 : i32 to index
      %get3A_663 = arith.constant 80 : index
      %get3A_664 = tpu.vector_load %arg9[%get3A_662, %get3A_663] {strides = array<i32>} : memref<200x128xf32, #tpu.memory_space<vmem>>, vector<1x16xf32>,
      %get3A_665 = vector.shape_cast %get3A_664 : vector<1x16xf32> to vector<16xf32>
      %get3A_666 = arith.index_cast %select_n3A_641 : i32 to index
      %get3A_667 = arith.constant 96 : index
      %get3A_668 = tpu.vector_load %arg9[%get3A_666, %get3A_667] {strides = array<i32>} : memref<200x128xf32, #tpu.memory_space<vmem>>, vector<1x16xf32>,
      %get3A_669 = vector.shape_cast %get3A_668 : vector<1x16xf32> to vector<16xf32>
      %get3A_670 = arith.index_cast %select_n3A_641 : i32 to index
      %get3A_671 = arith.constant 112 : index
      %get3A_672 = tpu.vector_load %arg9[%get3A_670, %get3A_671] {strides = array<i32>} : memref<200x128xf32, #tpu.memory_space<vmem>>, vector<1x16xf32>,
      %get3A_673 = vector.shape_cast %get3A_672 : vector<1x16xf32> to vector<16xf32>
      %scan3A_674 = arith.constant 0 : i32
      %scan3A_675 = arith.constant 0 : i32
      %scan3A_676 = arith.constant 32 : i32
      %scan3A_677 = arith.addi %scan3A_675, %scan3A_676 : i32
      %scan3A_678 = arith.constant 1 : i32
      scf.for %scan3A_1159 = %scan3A_675 to %scan3A_677 step %scan3A_678  : i32 {
        %mul3A_1160 = arith.constant 2 : i32
        %mul3A_1161 = arith.muli %scan3A_1159, %mul3A_1160 : i32
        %add3A_1162 = arith.constant 0 : i32
        %add3A_1163 = arith.addi %mul3A_1161, %add3A_1162 : i32
        %get3A_1164 = arith.index_cast %add3A_1163 : i32 to index
        %get3A_1165 = arith.constant 0 : index
        %get3A_1166 = tpu.vector_load %arg12[%get3A_1164, %get3A_1165] {strides = array<i32>} : memref<64x128xf32, #tpu.memory_space<vmem>>, vector<1x16xf32>,
        %get3A_1167 = vector.shape_cast %get3A_1166 : vector<1x16xf32> to vector<16xf32>
        %add3A_1168 = arith.constant 0 : i32
        %add3A_1169 = arith.addi %mul3A_1161, %add3A_1168 : i32
        %get3A_1170 = arith.index_cast %add3A_1169 : i32 to index
        %get3A_1171 = arith.constant 16 : index
        %get3A_1172 = tpu.vector_load %arg12[%get3A_1170, %get3A_1171] {strides = array<i32>} : memref<64x128xf32, #tpu.memory_space<vmem>>, vector<1x16xf32>,
        %get3A_1173 = vector.shape_cast %get3A_1172 : vector<1x16xf32> to vector<16xf32>
        %add3A_1174 = arith.constant 0 : i32
        %add3A_1175 = arith.addi %mul3A_1161, %add3A_1174 : i32
        %get3A_1176 = arith.index_cast %add3A_1175 : i32 to index
        %get3A_1177 = arith.constant 32 : index
        %get3A_1178 = tpu.vector_load %arg12[%get3A_1176, %get3A_1177] {strides = array<i32>} : memref<64x128xf32, #tpu.memory_space<vmem>>, vector<1x16xf32>,
        %get3A_1179 = vector.shape_cast %get3A_1178 : vector<1x16xf32> to vector<16xf32>
        %add3A_1180 = arith.constant 0 : i32
        %add3A_1181 = arith.addi %mul3A_1161, %add3A_1180 : i32
        %get3A_1182 = arith.index_cast %add3A_1181 : i32 to index
        %get3A_1183 = arith.constant 48 : index
        %get3A_1184 = tpu.vector_load %arg12[%get3A_1182, %get3A_1183] {strides = array<i32>} : memref<64x128xf32, #tpu.memory_space<vmem>>, vector<1x16xf32>,
        %get3A_1185 = vector.shape_cast %get3A_1184 : vector<1x16xf32> to vector<16xf32>
        %add3A_1186 = arith.constant 0 : i32
        %add3A_1187 = arith.addi %mul3A_1161, %add3A_1186 : i32
        %get3A_1188 = arith.index_cast %add3A_1187 : i32 to index
        %get3A_1189 = arith.constant 64 : index
        %get3A_1190 = tpu.vector_load %arg12[%get3A_1188, %get3A_1189] {strides = array<i32>} : memref<64x128xf32, #tpu.memory_space<vmem>>, vector<1x16xf32>,
        %get3A_1191 = vector.shape_cast %get3A_1190 : vector<1x16xf32> to vector<16xf32>
        %add3A_1192 = arith.constant 0 : i32
        %add3A_1193 = arith.addi %mul3A_1161, %add3A_1192 : i32
        %get3A_1194 = arith.index_cast %add3A_1193 : i32 to index
        %get3A_1195 = arith.constant 80 : index
        %get3A_1196 = tpu.vector_load %arg12[%get3A_1194, %get3A_1195] {strides = array<i32>} : memref<64x128xf32, #tpu.memory_space<vmem>>, vector<1x16xf32>,
        %get3A_1197 = vector.shape_cast %get3A_1196 : vector<1x16xf32> to vector<16xf32>
        %add3A_1198 = arith.constant 0 : i32
        %add3A_1199 = arith.addi %mul3A_1161, %add3A_1198 : i32
        %get3A_1200 = arith.index_cast %add3A_1199 : i32 to index
        %get3A_1201 = arith.constant 96 : index
        %get3A_1202 = tpu.vector_load %arg12[%get3A_1200, %get3A_1201] {strides = array<i32>} : memref<64x128xf32, #tpu.memory_space<vmem>>, vector<1x16xf32>,
        %get3A_1203 = vector.shape_cast %get3A_1202 : vector<1x16xf32> to vector<16xf32>
        %add3A_1204 = arith.constant 0 : i32
        %add3A_1205 = arith.addi %mul3A_1161, %add3A_1204 : i32
        %get3A_1206 = arith.index_cast %add3A_1205 : i32 to index
        %get3A_1207 = arith.constant 112 : index
        %get3A_1208 = tpu.vector_load %arg12[%get3A_1206, %get3A_1207] {strides = array<i32>} : memref<64x128xf32, #tpu.memory_space<vmem>>, vector<1x16xf32>,
        %get3A_1209 = vector.shape_cast %get3A_1208 : vector<1x16xf32> to vector<16xf32>
        %add3A_1210 = arith.addf %get3A_1167, %get3A_645 : vector<16xf32>
        %add3A_1211 = arith.constant 0 : i32
        %add3A_1212 = arith.addi %mul3A_1161, %add3A_1211 : i32
        %swap3A = arith.index_cast %add3A_1212 : i32 to index
        %swap3A_1213 = arith.constant 0 : index
        %swap3A_1214 = tpu.vector_load %arg12[%swap3A, %swap3A_1213] {strides = array<i32>} : memref<64x128xf32, #tpu.memory_space<vmem>>, vector<1x16xf32>,
        %swap3A_1215 = vector.shape_cast %swap3A_1214 : vector<1x16xf32> to vector<16xf32>
        %swap3A_1216 = vector.shape_cast %add3A_1210 : vector<16xf32> to vector<1x16xf32>
        tpu.vector_store %arg12[%swap3A, %swap3A_1213], %swap3A_1216 {strides = array<i32>} : memref<64x128xf32, #tpu.memory_space<vmem>>, vector<1x16xf32>,
        %add3A_1217 = arith.addf %get3A_1173, %get3A_649 : vector<16xf32>
        %add3A_1218 = arith.constant 0 : i32
        %add3A_1219 = arith.addi %mul3A_1161, %add3A_1218 : i32
        %swap3A_1220 = arith.index_cast %add3A_1219 : i32 to index
        %swap3A_1221 = arith.constant 16 : index
        %swap3A_1222 = tpu.vector_load %arg12[%swap3A_1220, %swap3A_1221] {strides = array<i32>} : memref<64x128xf32, #tpu.memory_space<vmem>>, vector<1x16xf32>,
        %swap3A_1223 = vector.shape_cast %swap3A_1222 : vector<1x16xf32> to vector<16xf32>
        %swap3A_1224 = vector.shape_cast %add3A_1217 : vector<16xf32> to vector<1x16xf32>
        tpu.vector_store %arg12[%swap3A_1220, %swap3A_1221], %swap3A_1224 {strides = array<i32>} : memref<64x128xf32, #tpu.memory_space<vmem>>, vector<1x16xf32>,
        %add3A_1225 = arith.addf %get3A_1179, %get3A_653 : vector<16xf32>
        %add3A_1226 = arith.constant 0 : i32
        %add3A_1227 = arith.addi %mul3A_1161, %add3A_1226 : i32
        %swap3A_1228 = arith.index_cast %add3A_1227 : i32 to index
        %swap3A_1229 = arith.constant 32 : index
        %swap3A_1230 = tpu.vector_load %arg12[%swap3A_1228, %swap3A_1229] {strides = array<i32>} : memref<64x128xf32, #tpu.memory_space<vmem>>, vector<1x16xf32>,
        %swap3A_1231 = vector.shape_cast %swap3A_1230 : vector<1x16xf32> to vector<16xf32>
        %swap3A_1232 = vector.shape_cast %add3A_1225 : vector<16xf32> to vector<1x16xf32>
        tpu.vector_store %arg12[%swap3A_1228, %swap3A_1229], %swap3A_1232 {strides = array<i32>} : memref<64x128xf32, #tpu.memory_space<vmem>>, vector<1x16xf32>,
        %add3A_1233 = arith.addf %get3A_1185, %get3A_657 : vector<16xf32>
        %add3A_1234 = arith.constant 0 : i32
        %add3A_1235 = arith.addi %mul3A_1161, %add3A_1234 : i32
        %swap3A_1236 = arith.index_cast %add3A_1235 : i32 to index
        %swap3A_1237 = arith.constant 48 : index
        %swap3A_1238 = tpu.vector_load %arg12[%swap3A_1236, %swap3A_1237] {strides = array<i32>} : memref<64x128xf32, #tpu.memory_space<vmem>>, vector<1x16xf32>,
        %swap3A_1239 = vector.shape_cast %swap3A_1238 : vector<1x16xf32> to vector<16xf32>
        %swap3A_1240 = vector.shape_cast %add3A_1233 : vector<16xf32> to vector<1x16xf32>
        tpu.vector_store %arg12[%swap3A_1236, %swap3A_1237], %swap3A_1240 {strides = array<i32>} : memref<64x128xf32, #tpu.memory_space<vmem>>, vector<1x16xf32>,
        %add3A_1241 = arith.addf %get3A_1191, %get3A_661 : vector<16xf32>
        %add3A_1242 = arith.constant 0 : i32
        %add3A_1243 = arith.addi %mul3A_1161, %add3A_1242 : i32
        %swap3A_1244 = arith.index_cast %add3A_1243 : i32 to index
        %swap3A_1245 = arith.constant 64 : index
        %swap3A_1246 = tpu.vector_load %arg12[%swap3A_1244, %swap3A_1245] {strides = array<i32>} : memref<64x128xf32, #tpu.memory_space<vmem>>, vector<1x16xf32>,
        %swap3A_1247 = vector.shape_cast %swap3A_1246 : vector<1x16xf32> to vector<16xf32>
        %swap3A_1248 = vector.shape_cast %add3A_1241 : vector<16xf32> to vector<1x16xf32>
        tpu.vector_store %arg12[%swap3A_1244, %swap3A_1245], %swap3A_1248 {strides = array<i32>} : memref<64x128xf32, #tpu.memory_space<vmem>>, vector<1x16xf32>,
        %add3A_1249 = arith.addf %get3A_1197, %get3A_665 : vector<16xf32>
        %add3A_1250 = arith.constant 0 : i32
        %add3A_1251 = arith.addi %mul3A_1161, %add3A_1250 : i32
        %swap3A_1252 = arith.index_cast %add3A_1251 : i32 to index
        %swap3A_1253 = arith.constant 80 : index
        %swap3A_1254 = tpu.vector_load %arg12[%swap3A_1252, %swap3A_1253] {strides = array<i32>} : memref<64x128xf32, #tpu.memory_space<vmem>>, vector<1x16xf32>,
        %swap3A_1255 = vector.shape_cast %swap3A_1254 : vector<1x16xf32> to vector<16xf32>
        %swap3A_1256 = vector.shape_cast %add3A_1249 : vector<16xf32> to vector<1x16xf32>
        tpu.vector_store %arg12[%swap3A_1252, %swap3A_1253], %swap3A_1256 {strides = array<i32>} : memref<64x128xf32, #tpu.memory_space<vmem>>, vector<1x16xf32>,
        %add3A_1257 = arith.addf %get3A_1203, %get3A_669 : vector<16xf32>
        %add3A_1258 = arith.constant 0 : i32
        %add3A_1259 = arith.addi %mul3A_1161, %add3A_1258 : i32
        %swap3A_1260 = arith.index_cast %add3A_1259 : i32 to index
        %swap3A_1261 = arith.constant 96 : index
        %swap3A_1262 = tpu.vector_load %arg12[%swap3A_1260, %swap3A_1261] {strides = array<i32>} : memref<64x128xf32, #tpu.memory_space<vmem>>, vector<1x16xf32>,
        %swap3A_1263 = vector.shape_cast %swap3A_1262 : vector<1x16xf32> to vector<16xf32>
        %swap3A_1264 = vector.shape_cast %add3A_1257 : vector<16xf32> to vector<1x16xf32>
        tpu.vector_store %arg12[%swap3A_1260, %swap3A_1261], %swap3A_1264 {strides = array<i32>} : memref<64x128xf32, #tpu.memory_space<vmem>>, vector<1x16xf32>,
        %add3A_1265 = arith.addf %get3A_1209, %get3A_673 : vector<16xf32>
        %add3A_1266 = arith.constant 0 : i32
        %add3A_1267 = arith.addi %mul3A_1161, %add3A_1266 : i32
        %swap3A_1268 = arith.index_cast %add3A_1267 : i32 to index
        %swap3A_1269 = arith.constant 112 : index
        %swap3A_1270 = tpu.vector_load %arg12[%swap3A_1268, %swap3A_1269] {strides = array<i32>} : memref<64x128xf32, #tpu.memory_space<vmem>>, vector<1x16xf32>,
        %swap3A_1271 = vector.shape_cast %swap3A_1270 : vector<1x16xf32> to vector<16xf32>
        %swap3A_1272 = vector.shape_cast %add3A_1265 : vector<16xf32> to vector<1x16xf32>
        tpu.vector_store %arg12[%swap3A_1268, %swap3A_1269], %swap3A_1272 {strides = array<i32>} : memref<64x128xf32, #tpu.memory_space<vmem>>, vector<1x16xf32>,
        %add3A_1273 = arith.constant 1 : i32
        %add3A_1274 = arith.addi %mul3A_1161, %add3A_1273 : i32
        %get3A_1275 = arith.index_cast %add3A_1274 : i32 to index
        %get3A_1276 = arith.constant 0 : index
        %get3A_1277 = tpu.vector_load %arg12[%get3A_1275, %get3A_1276] {strides = array<i32>} : memref<64x128xf32, #tpu.memory_space<vmem>>, vector<1x16xf32>,
        %get3A_1278 = vector.shape_cast %get3A_1277 : vector<1x16xf32> to vector<16xf32>
        %add3A_1279 = arith.constant 1 : i32
        %add3A_1280 = arith.addi %mul3A_1161, %add3A_1279 : i32
        %get3A_1281 = arith.index_cast %add3A_1280 : i32 to index
        %get3A_1282 = arith.constant 16 : index
        %get3A_1283 = tpu.vector_load %arg12[%get3A_1281, %get3A_1282] {strides = array<i32>} : memref<64x128xf32, #tpu.memory_space<vmem>>, vector<1x16xf32>,
        %get3A_1284 = vector.shape_cast %get3A_1283 : vector<1x16xf32> to vector<16xf32>
        %add3A_1285 = arith.constant 1 : i32
        %add3A_1286 = arith.addi %mul3A_1161, %add3A_1285 : i32
        %get3A_1287 = arith.index_cast %add3A_1286 : i32 to index
        %get3A_1288 = arith.constant 32 : index
        %get3A_1289 = tpu.vector_load %arg12[%get3A_1287, %get3A_1288] {strides = array<i32>} : memref<64x128xf32, #tpu.memory_space<vmem>>, vector<1x16xf32>,
        %get3A_1290 = vector.shape_cast %get3A_1289 : vector<1x16xf32> to vector<16xf32>
        %add3A_1291 = arith.constant 1 : i32
        %add3A_1292 = arith.addi %mul3A_1161, %add3A_1291 : i32
        %get3A_1293 = arith.index_cast %add3A_1292 : i32 to index
        %get3A_1294 = arith.constant 48 : index
        %get3A_1295 = tpu.vector_load %arg12[%get3A_1293, %get3A_1294] {strides = array<i32>} : memref<64x128xf32, #tpu.memory_space<vmem>>, vector<1x16xf32>,
        %get3A_1296 = vector.shape_cast %get3A_1295 : vector<1x16xf32> to vector<16xf32>
        %add3A_1297 = arith.constant 1 : i32
        %add3A_1298 = arith.addi %mul3A_1161, %add3A_1297 : i32
        %get3A_1299 = arith.index_cast %add3A_1298 : i32 to index
        %get3A_1300 = arith.constant 64 : index
        %get3A_1301 = tpu.vector_load %arg12[%get3A_1299, %get3A_1300] {strides = array<i32>} : memref<64x128xf32, #tpu.memory_space<vmem>>, vector<1x16xf32>,
        %get3A_1302 = vector.shape_cast %get3A_1301 : vector<1x16xf32> to vector<16xf32>
        %add3A_1303 = arith.constant 1 : i32
        %add3A_1304 = arith.addi %mul3A_1161, %add3A_1303 : i32
        %get3A_1305 = arith.index_cast %add3A_1304 : i32 to index
        %get3A_1306 = arith.constant 80 : index
        %get3A_1307 = tpu.vector_load %arg12[%get3A_1305, %get3A_1306] {strides = array<i32>} : memref<64x128xf32, #tpu.memory_space<vmem>>, vector<1x16xf32>,
        %get3A_1308 = vector.shape_cast %get3A_1307 : vector<1x16xf32> to vector<16xf32>
        %add3A_1309 = arith.constant 1 : i32
        %add3A_1310 = arith.addi %mul3A_1161, %add3A_1309 : i32
        %get3A_1311 = arith.index_cast %add3A_1310 : i32 to index
        %get3A_1312 = arith.constant 96 : index
        %get3A_1313 = tpu.vector_load %arg12[%get3A_1311, %get3A_1312] {strides = array<i32>} : memref<64x128xf32, #tpu.memory_space<vmem>>, vector<1x16xf32>,
        %get3A_1314 = vector.shape_cast %get3A_1313 : vector<1x16xf32> to vector<16xf32>
        %add3A_1315 = arith.constant 1 : i32
        %add3A_1316 = arith.addi %mul3A_1161, %add3A_1315 : i32
        %get3A_1317 = arith.index_cast %add3A_1316 : i32 to index
        %get3A_1318 = arith.constant 112 : index
        %get3A_1319 = tpu.vector_load %arg12[%get3A_1317, %get3A_1318] {strides = array<i32>} : memref<64x128xf32, #tpu.memory_space<vmem>>, vector<1x16xf32>,
        %get3A_1320 = vector.shape_cast %get3A_1319 : vector<1x16xf32> to vector<16xf32>
        %add3A_1321 = arith.addf %get3A_1278, %get3A_645 : vector<16xf32>
        %add3A_1322 = arith.constant 1 : i32
        %add3A_1323 = arith.addi %mul3A_1161, %add3A_1322 : i32
        %swap3A_1324 = arith.index_cast %add3A_1323 : i32 to index
        %swap3A_1325 = arith.constant 0 : index
        %swap3A_1326 = tpu.vector_load %arg12[%swap3A_1324, %swap3A_1325] {strides = array<i32>} : memref<64x128xf32, #tpu.memory_space<vmem>>, vector<1x16xf32>,
        %swap3A_1327 = vector.shape_cast %swap3A_1326 : vector<1x16xf32> to vector<16xf32>
        %swap3A_1328 = vector.shape_cast %add3A_1321 : vector<16xf32> to vector<1x16xf32>
        tpu.vector_store %arg12[%swap3A_1324, %swap3A_1325], %swap3A_1328 {strides = array<i32>} : memref<64x128xf32, #tpu.memory_space<vmem>>, vector<1x16xf32>,
        %add3A_1329 = arith.addf %get3A_1284, %get3A_649 : vector<16xf32>
        %add3A_1330 = arith.constant 1 : i32
        %add3A_1331 = arith.addi %mul3A_1161, %add3A_1330 : i32
        %swap3A_1332 = arith.index_cast %add3A_1331 : i32 to index
        %swap3A_1333 = arith.constant 16 : index
        %swap3A_1334 = tpu.vector_load %arg12[%swap3A_1332, %swap3A_1333] {strides = array<i32>} : memref<64x128xf32, #tpu.memory_space<vmem>>, vector<1x16xf32>,
        %swap3A_1335 = vector.shape_cast %swap3A_1334 : vector<1x16xf32> to vector<16xf32>
        %swap3A_1336 = vector.shape_cast %add3A_1329 : vector<16xf32> to vector<1x16xf32>
        tpu.vector_store %arg12[%swap3A_1332, %swap3A_1333], %swap3A_1336 {strides = array<i32>} : memref<64x128xf32, #tpu.memory_space<vmem>>, vector<1x16xf32>,
        %add3A_1337 = arith.addf %get3A_1290, %get3A_653 : vector<16xf32>
        %add3A_1338 = arith.constant 1 : i32
        %add3A_1339 = arith.addi %mul3A_1161, %add3A_1338 : i32
        %swap3A_1340 = arith.index_cast %add3A_1339 : i32 to index
        %swap3A_1341 = arith.constant 32 : index
        %swap3A_1342 = tpu.vector_load %arg12[%swap3A_1340, %swap3A_1341] {strides = array<i32>} : memref<64x128xf32, #tpu.memory_space<vmem>>, vector<1x16xf32>,
        %swap3A_1343 = vector.shape_cast %swap3A_1342 : vector<1x16xf32> to vector<16xf32>
        %swap3A_1344 = vector.shape_cast %add3A_1337 : vector<16xf32> to vector<1x16xf32>
        tpu.vector_store %arg12[%swap3A_1340, %swap3A_1341], %swap3A_1344 {strides = array<i32>} : memref<64x128xf32, #tpu.memory_space<vmem>>, vector<1x16xf32>,
        %add3A_1345 = arith.addf %get3A_1296, %get3A_657 : vector<16xf32>
        %add3A_1346 = arith.constant 1 : i32
        %add3A_1347 = arith.addi %mul3A_1161, %add3A_1346 : i32
        %swap3A_1348 = arith.index_cast %add3A_1347 : i32 to index
        %swap3A_1349 = arith.constant 48 : index
        %swap3A_1350 = tpu.vector_load %arg12[%swap3A_1348, %swap3A_1349] {strides = array<i32>} : memref<64x128xf32, #tpu.memory_space<vmem>>, vector<1x16xf32>,
        %swap3A_1351 = vector.shape_cast %swap3A_1350 : vector<1x16xf32> to vector<16xf32>
        %swap3A_1352 = vector.shape_cast %add3A_1345 : vector<16xf32> to vector<1x16xf32>
        tpu.vector_store %arg12[%swap3A_1348, %swap3A_1349], %swap3A_1352 {strides = array<i32>} : memref<64x128xf32, #tpu.memory_space<vmem>>, vector<1x16xf32>,
        %add3A_1353 = arith.addf %get3A_1302, %get3A_661 : vector<16xf32>
        %add3A_1354 = arith.constant 1 : i32
        %add3A_1355 = arith.addi %mul3A_1161, %add3A_1354 : i32
        %swap3A_1356 = arith.index_cast %add3A_1355 : i32 to index
        %swap3A_1357 = arith.constant 64 : index
        %swap3A_1358 = tpu.vector_load %arg12[%swap3A_1356, %swap3A_1357] {strides = array<i32>} : memref<64x128xf32, #tpu.memory_space<vmem>>, vector<1x16xf32>,
        %swap3A_1359 = vector.shape_cast %swap3A_1358 : vector<1x16xf32> to vector<16xf32>
        %swap3A_1360 = vector.shape_cast %add3A_1353 : vector<16xf32> to vector<1x16xf32>
        tpu.vector_store %arg12[%swap3A_1356, %swap3A_1357], %swap3A_1360 {strides = array<i32>} : memref<64x128xf32, #tpu.memory_space<vmem>>, vector<1x16xf32>,
        %add3A_1361 = arith.addf %get3A_1308, %get3A_665 : vector<16xf32>
        %add3A_1362 = arith.constant 1 : i32
        %add3A_1363 = arith.addi %mul3A_1161, %add3A_1362 : i32
        %swap3A_1364 = arith.index_cast %add3A_1363 : i32 to index
        %swap3A_1365 = arith.constant 80 : index
        %swap3A_1366 = tpu.vector_load %arg12[%swap3A_1364, %swap3A_1365] {strides = array<i32>} : memref<64x128xf32, #tpu.memory_space<vmem>>, vector<1x16xf32>,
        %swap3A_1367 = vector.shape_cast %swap3A_1366 : vector<1x16xf32> to vector<16xf32>
        %swap3A_1368 = vector.shape_cast %add3A_1361 : vector<16xf32> to vector<1x16xf32>
        tpu.vector_store %arg12[%swap3A_1364, %swap3A_1365], %swap3A_1368 {strides = array<i32>} : memref<64x128xf32, #tpu.memory_space<vmem>>, vector<1x16xf32>,
        %add3A_1369 = arith.addf %get3A_1314, %get3A_669 : vector<16xf32>
        %add3A_1370 = arith.constant 1 : i32
        %add3A_1371 = arith.addi %mul3A_1161, %add3A_1370 : i32
        %swap3A_1372 = arith.index_cast %add3A_1371 : i32 to index
        %swap3A_1373 = arith.constant 96 : index
        %swap3A_1374 = tpu.vector_load %arg12[%swap3A_1372, %swap3A_1373] {strides = array<i32>} : memref<64x128xf32, #tpu.memory_space<vmem>>, vector<1x16xf32>,
        %swap3A_1375 = vector.shape_cast %swap3A_1374 : vector<1x16xf32> to vector<16xf32>
        %swap3A_1376 = vector.shape_cast %add3A_1369 : vector<16xf32> to vector<1x16xf32>
        tpu.vector_store %arg12[%swap3A_1372, %swap3A_1373], %swap3A_1376 {strides = array<i32>} : memref<64x128xf32, #tpu.memory_space<vmem>>, vector<1x16xf32>,
        %add3A_1377 = arith.addf %get3A_1320, %get3A_673 : vector<16xf32>
        %add3A_1378 = arith.constant 1 : i32
        %add3A_1379 = arith.addi %mul3A_1161, %add3A_1378 : i32
        %swap3A_1380 = arith.index_cast %add3A_1379 : i32 to index
        %swap3A_1381 = arith.constant 112 : index
        %swap3A_1382 = tpu.vector_load %arg12[%swap3A_1380, %swap3A_1381] {strides = array<i32>} : memref<64x128xf32, #tpu.memory_space<vmem>>, vector<1x16xf32>,
        %swap3A_1383 = vector.shape_cast %swap3A_1382 : vector<1x16xf32> to vector<16xf32>
        %swap3A_1384 = vector.shape_cast %add3A_1377 : vector<16xf32> to vector<1x16xf32>
        tpu.vector_store %arg12[%swap3A_1380, %swap3A_1381], %swap3A_1384 {strides = array<i32>} : memref<64x128xf32, #tpu.memory_space<vmem>>, vector<1x16xf32>,
      }
      %scan3A_679 = arith.constant 32 : i32
      %ge3A_680 = arith.constant 4 : i32
      %ge3A_681 = arith.cmpi sge, %add3A_608, %ge3A_680 : i32
      %convert_element_type3A_682 = arith.extui %ge3A_681 : i1 to i32
      %cond3A_683 = arith.constant 0 : i32
      %cond3A_684 = arith.cmpi ne, %convert_element_type3A_682, %cond3A_683 : i32
      scf.if %cond3A_684 {
        %sub3A_1159 = arith.constant 4 : i32
        %sub3A_1160 = arith.subi %add3A_608, %sub3A_1159 : i32
        %dma_wait3A_1161 = arith.constant 0 : i32
        %dma_wait3A_1162 = tpu.memref_slice %arg8[%sub3A_1160, %dma_wait3A_1161] : memref<100x64xi32, #tpu.memory_space<vmem>> -> memref<1x64xi32, #tpu.memory_space<vmem>>
        %dma_wait3A_1163 = tpu.memref_squeeze %dma_wait3A_1162 : memref<1x64xi32, #tpu.memory_space<vmem>> -> memref<64xi32, #tpu.memory_space<vmem>>
        %dma_wait3A_1164 = arith.constant 0 : i32
        %dma_wait3A_1165 = arith.constant 0 : i32
        %dma_wait3A_1166 = tpu.memref_slice %arg6[%dma_wait3A_1164, %dma_wait3A_1165] : memref<204800x128xf32, #tpu.memory_space<hbm>> -> memref<204800x128xf32, #tpu.memory_space<hbm>>
        tpu.wait_indirect_dma semaphore(%arg32 : memref<!tpu.dma_semaphore, #tpu.memory_space<semaphore_mem>>) src(%arg16 : memref<64x128xf32, #tpu.memory_space<vmem>>) dst(%dma_wait3A_1166 : memref<204800x128xf32, #tpu.memory_space<hbm>>)
      } else {
      }
      %add3A_685 = arith.constant 4 : i32
      %add3A_686 = arith.addi %add3A_608, %add3A_685 : i32
      %dma_start3A_687 = arith.constant 0 : i32
      %dma_start3A_688 = tpu.memref_slice %arg7[%add3A_686, %dma_start3A_687] : memref<100x64xi32, #tpu.memory_space<vmem>> -> memref<1x64xi32, #tpu.memory_space<vmem>>
      %dma_start3A_689 = tpu.memref_squeeze %dma_start3A_688 : memref<1x64xi32, #tpu.memory_space<vmem>> -> memref<64xi32, #tpu.memory_space<vmem>>
      %dma_start3A_690 = arith.constant 0 : i32
      %dma_start3A_691 = arith.constant 0 : i32
      %dma_start3A_692 = tpu.memref_slice %arg3[%dma_start3A_690, %dma_start3A_691] : memref<100000x128xf32, #tpu.memory_space<hbm>> -> memref<100000x128xf32, #tpu.memory_space<hbm>>
      tpu.enqueue_indirect_dma source(%dma_start3A_692 : memref<100000x128xf32, #tpu.memory_space<hbm>>) target(%arg16 : memref<64x128xf32, #tpu.memory_space<vmem>>) offsets(%dma_start3A_689 : memref<64xi32, #tpu.memory_space<vmem>>) semaphore(%arg24 : memref<!tpu.dma_semaphore, #tpu.memory_space<semaphore_mem>>)
      %dma_start3A_693 = arith.constant 0 : i32
      %dma_start3A_694 = tpu.memref_slice %arg8[%add3A_608, %dma_start3A_693] : memref<100x64xi32, #tpu.memory_space<vmem>> -> memref<1x64xi32, #tpu.memory_space<vmem>>
      %dma_start3A_695 = tpu.memref_squeeze %dma_start3A_694 : memref<1x64xi32, #tpu.memory_space<vmem>> -> memref<64xi32, #tpu.memory_space<vmem>>
      %dma_start3A_696 = arith.constant 0 : i32
      %dma_start3A_697 = arith.constant 0 : i32
      %dma_start3A_698 = tpu.memref_slice %arg6[%dma_start3A_696, %dma_start3A_697] : memref<204800x128xf32, #tpu.memory_space<hbm>> -> memref<204800x128xf32, #tpu.memory_space<hbm>>
      tpu.enqueue_indirect_dma source(%arg12 : memref<64x128xf32, #tpu.memory_space<vmem>>) target(%dma_start3A_698 : memref<204800x128xf32, #tpu.memory_space<hbm>>) offsets(%dma_start3A_695 : memref<64xi32, #tpu.memory_space<vmem>>) semaphore(%arg28 : memref<!tpu.dma_semaphore, #tpu.memory_space<semaphore_mem>>)
      %add3A_699 = arith.constant 3 : i32
      %add3A_700 = arith.addi %mul3A_425, %add3A_699 : i32
      %dma_wait3A_701 = arith.constant 0 : i32
      %dma_wait3A_702 = arith.constant 0 : i32
      %dma_wait3A_703 = tpu.memref_slice %arg3[%dma_wait3A_701, %dma_wait3A_702] : memref<100000x128xf32, #tpu.memory_space<hbm>> -> memref<64x128xf32, #tpu.memory_space<hbm>>
      %dma_wait3A_704 = arith.constant 0 : i32
      %dma_wait3A_705 = arith.constant 0 : i32
      %dma_wait3A_706 = tpu.memref_slice %arg3[%dma_wait3A_704, %dma_wait3A_705] : memref<100000x128xf32, #tpu.memory_space<hbm>> -> memref<64x128xf32, #tpu.memory_space<hbm>>
      tpu.wait_dma2 semaphore(%arg21 : memref<!tpu.dma_semaphore, #tpu.memory_space<semaphore_mem>>) src(%dma_wait3A_706 : memref<64x128xf32, #tpu.memory_space<hbm>>) dst(%arg13 : memref<64x128xf32, #tpu.memory_space<vmem>>)
      %mul3A_707 = arith.constant 100 : i32
      %mul3A_708 = arith.muli %add3A, %mul3A_707 : i32
      %add3A_709 = arith.addi %mul3A_708, %add3A_700 : i32
      %jit3A_710 = arith.constant 16 : i32
      %div3A_711 = arith.divsi %add3A_709, %jit3A_710 : i32
      %sign3A_712 = arith.constant 0 : i32
      %sign3A_713 = arith.cmpi sgt, %add3A_709, %sign3A_712 : i32
      %sign3A_714 = arith.extui %sign3A_713 : i1 to i32
      %sign3A_715 = arith.constant 0 : i32
      %sign3A_716 = arith.cmpi slt, %add3A_709, %sign3A_715 : i32
      %sign3A_717 = arith.extui %sign3A_716 : i1 to i32
      %sign3A_718 = arith.subi %sign3A_714, %sign3A_717 : i32
      %sign3A_719 = arith.constant 0 : i32
      %sign3A_720 = arith.cmpi sgt, %jit3A_710, %sign3A_719 : i32
      %sign3A_721 = arith.extui %sign3A_720 : i1 to i32
      %sign3A_722 = arith.constant 0 : i32
      %sign3A_723 = arith.cmpi slt, %jit3A_710, %sign3A_722 : i32
      %sign3A_724 = arith.extui %sign3A_723 : i1 to i32
      %sign3A_725 = arith.subi %sign3A_721, %sign3A_724 : i32
      %ne3A_726 = arith.cmpi ne, %sign3A_718, %sign3A_725 : i32
      %rem3A_727 = arith.remsi %add3A_709, %jit3A_710 : i32
      %ne3A_728 = arith.constant 0 : i32
      %ne3A_729 = arith.cmpi ne, %rem3A_727, %ne3A_728 : i32
      %and3A_730 = arith.andi %ne3A_726, %ne3A_729 : i1
      %sub3A_731 = arith.constant 1 : i32
      %sub3A_732 = arith.subi %div3A_711, %sub3A_731 : i32
      %select_n3A_733 = arith.select %and3A_730, %sub3A_732, %div3A_711 : i32
      %get3A_734 = arith.index_cast %select_n3A_733 : i32 to index
      %get3A_735 = arith.constant 0 : index
      %get3A_736 = tpu.vector_load %arg9[%get3A_734, %get3A_735] {strides = array<i32>} : memref<200x128xf32, #tpu.memory_space<vmem>>, vector<1x16xf32>,
      %get3A_737 = vector.shape_cast %get3A_736 : vector<1x16xf32> to vector<16xf32>
      %get3A_738 = arith.index_cast %select_n3A_733 : i32 to index
      %get3A_739 = arith.constant 16 : index
      %get3A_740 = tpu.vector_load %arg9[%get3A_738, %get3A_739] {strides = array<i32>} : memref<200x128xf32, #tpu.memory_space<vmem>>, vector<1x16xf32>,
      %get3A_741 = vector.shape_cast %get3A_740 : vector<1x16xf32> to vector<16xf32>
      %get3A_742 = arith.index_cast %select_n3A_733 : i32 to index
      %get3A_743 = arith.constant 32 : index
      %get3A_744 = tpu.vector_load %arg9[%get3A_742, %get3A_743] {strides = array<i32>} : memref<200x128xf32, #tpu.memory_space<vmem>>, vector<1x16xf32>,
      %get3A_745 = vector.shape_cast %get3A_744 : vector<1x16xf32> to vector<16xf32>
      %get3A_746 = arith.index_cast %select_n3A_733 : i32 to index
      %get3A_747 = arith.constant 48 : index
      %get3A_748 = tpu.vector_load %arg9[%get3A_746, %get3A_747] {strides = array<i32>} : memref<200x128xf32, #tpu.memory_space<vmem>>, vector<1x16xf32>,
      %get3A_749 = vector.shape_cast %get3A_748 : vector<1x16xf32> to vector<16xf32>
      %get3A_750 = arith.index_cast %select_n3A_733 : i32 to index
      %get3A_751 = arith.constant 64 : index
      %get3A_752 = tpu.vector_load %arg9[%get3A_750, %get3A_751] {strides = array<i32>} : memref<200x128xf32, #tpu.memory_space<vmem>>, vector<1x16xf32>,
      %get3A_753 = vector.shape_cast %get3A_752 : vector<1x16xf32> to vector<16xf32>
      %get3A_754 = arith.index_cast %select_n3A_733 : i32 to index
      %get3A_755 = arith.constant 80 : index
      %get3A_756 = tpu.vector_load %arg9[%get3A_754, %get3A_755] {strides = array<i32>} : memref<200x128xf32, #tpu.memory_space<vmem>>, vector<1x16xf32>,
      %get3A_757 = vector.shape_cast %get3A_756 : vector<1x16xf32> to vector<16xf32>
      %get3A_758 = arith.index_cast %select_n3A_733 : i32 to index
      %get3A_759 = arith.constant 96 : index
      %get3A_760 = tpu.vector_load %arg9[%get3A_758, %get3A_759] {strides = array<i32>} : memref<200x128xf32, #tpu.memory_space<vmem>>, vector<1x16xf32>,
      %get3A_761 = vector.shape_cast %get3A_760 : vector<1x16xf32> to vector<16xf32>
      %get3A_762 = arith.index_cast %select_n3A_733 : i32 to index
      %get3A_763 = arith.constant 112 : index
      %get3A_764 = tpu.vector_load %arg9[%get3A_762, %get3A_763] {strides = array<i32>} : memref<200x128xf32, #tpu.memory_space<vmem>>, vector<1x16xf32>,
      %get3A_765 = vector.shape_cast %get3A_764 : vector<1x16xf32> to vector<16xf32>
      %scan3A_766 = arith.constant 0 : i32
      %scan3A_767 = arith.constant 0 : i32
      %scan3A_768 = arith.constant 32 : i32
      %scan3A_769 = arith.addi %scan3A_767, %scan3A_768 : i32
      %scan3A_770 = arith.constant 1 : i32
      scf.for %scan3A_1159 = %scan3A_767 to %scan3A_769 step %scan3A_770  : i32 {
        %mul3A_1160 = arith.constant 2 : i32
        %mul3A_1161 = arith.muli %scan3A_1159, %mul3A_1160 : i32
        %add3A_1162 = arith.constant 0 : i32
        %add3A_1163 = arith.addi %mul3A_1161, %add3A_1162 : i32
        %get3A_1164 = arith.index_cast %add3A_1163 : i32 to index
        %get3A_1165 = arith.constant 0 : index
        %get3A_1166 = tpu.vector_load %arg13[%get3A_1164, %get3A_1165] {strides = array<i32>} : memref<64x128xf32, #tpu.memory_space<vmem>>, vector<1x16xf32>,
        %get3A_1167 = vector.shape_cast %get3A_1166 : vector<1x16xf32> to vector<16xf32>
        %add3A_1168 = arith.constant 0 : i32
        %add3A_1169 = arith.addi %mul3A_1161, %add3A_1168 : i32
        %get3A_1170 = arith.index_cast %add3A_1169 : i32 to index
        %get3A_1171 = arith.constant 16 : index
        %get3A_1172 = tpu.vector_load %arg13[%get3A_1170, %get3A_1171] {strides = array<i32>} : memref<64x128xf32, #tpu.memory_space<vmem>>, vector<1x16xf32>,
        %get3A_1173 = vector.shape_cast %get3A_1172 : vector<1x16xf32> to vector<16xf32>
        %add3A_1174 = arith.constant 0 : i32
        %add3A_1175 = arith.addi %mul3A_1161, %add3A_1174 : i32
        %get3A_1176 = arith.index_cast %add3A_1175 : i32 to index
        %get3A_1177 = arith.constant 32 : index
        %get3A_1178 = tpu.vector_load %arg13[%get3A_1176, %get3A_1177] {strides = array<i32>} : memref<64x128xf32, #tpu.memory_space<vmem>>, vector<1x16xf32>,
        %get3A_1179 = vector.shape_cast %get3A_1178 : vector<1x16xf32> to vector<16xf32>
        %add3A_1180 = arith.constant 0 : i32
        %add3A_1181 = arith.addi %mul3A_1161, %add3A_1180 : i32
        %get3A_1182 = arith.index_cast %add3A_1181 : i32 to index
        %get3A_1183 = arith.constant 48 : index
        %get3A_1184 = tpu.vector_load %arg13[%get3A_1182, %get3A_1183] {strides = array<i32>} : memref<64x128xf32, #tpu.memory_space<vmem>>, vector<1x16xf32>,
        %get3A_1185 = vector.shape_cast %get3A_1184 : vector<1x16xf32> to vector<16xf32>
        %add3A_1186 = arith.constant 0 : i32
        %add3A_1187 = arith.addi %mul3A_1161, %add3A_1186 : i32
        %get3A_1188 = arith.index_cast %add3A_1187 : i32 to index
        %get3A_1189 = arith.constant 64 : index
        %get3A_1190 = tpu.vector_load %arg13[%get3A_1188, %get3A_1189] {strides = array<i32>} : memref<64x128xf32, #tpu.memory_space<vmem>>, vector<1x16xf32>,
        %get3A_1191 = vector.shape_cast %get3A_1190 : vector<1x16xf32> to vector<16xf32>
        %add3A_1192 = arith.constant 0 : i32
        %add3A_1193 = arith.addi %mul3A_1161, %add3A_1192 : i32
        %get3A_1194 = arith.index_cast %add3A_1193 : i32 to index
        %get3A_1195 = arith.constant 80 : index
        %get3A_1196 = tpu.vector_load %arg13[%get3A_1194, %get3A_1195] {strides = array<i32>} : memref<64x128xf32, #tpu.memory_space<vmem>>, vector<1x16xf32>,
        %get3A_1197 = vector.shape_cast %get3A_1196 : vector<1x16xf32> to vector<16xf32>
        %add3A_1198 = arith.constant 0 : i32
        %add3A_1199 = arith.addi %mul3A_1161, %add3A_1198 : i32
        %get3A_1200 = arith.index_cast %add3A_1199 : i32 to index
        %get3A_1201 = arith.constant 96 : index
        %get3A_1202 = tpu.vector_load %arg13[%get3A_1200, %get3A_1201] {strides = array<i32>} : memref<64x128xf32, #tpu.memory_space<vmem>>, vector<1x16xf32>,
        %get3A_1203 = vector.shape_cast %get3A_1202 : vector<1x16xf32> to vector<16xf32>
        %add3A_1204 = arith.constant 0 : i32
        %add3A_1205 = arith.addi %mul3A_1161, %add3A_1204 : i32
        %get3A_1206 = arith.index_cast %add3A_1205 : i32 to index
        %get3A_1207 = arith.constant 112 : index
        %get3A_1208 = tpu.vector_load %arg13[%get3A_1206, %get3A_1207] {strides = array<i32>} : memref<64x128xf32, #tpu.memory_space<vmem>>, vector<1x16xf32>,
        %get3A_1209 = vector.shape_cast %get3A_1208 : vector<1x16xf32> to vector<16xf32>
        %add3A_1210 = arith.addf %get3A_1167, %get3A_737 : vector<16xf32>
        %add3A_1211 = arith.constant 0 : i32
        %add3A_1212 = arith.addi %mul3A_1161, %add3A_1211 : i32
        %swap3A = arith.index_cast %add3A_1212 : i32 to index
        %swap3A_1213 = arith.constant 0 : index
        %swap3A_1214 = tpu.vector_load %arg13[%swap3A, %swap3A_1213] {strides = array<i32>} : memref<64x128xf32, #tpu.memory_space<vmem>>, vector<1x16xf32>,
        %swap3A_1215 = vector.shape_cast %swap3A_1214 : vector<1x16xf32> to vector<16xf32>
        %swap3A_1216 = vector.shape_cast %add3A_1210 : vector<16xf32> to vector<1x16xf32>
        tpu.vector_store %arg13[%swap3A, %swap3A_1213], %swap3A_1216 {strides = array<i32>} : memref<64x128xf32, #tpu.memory_space<vmem>>, vector<1x16xf32>,
        %add3A_1217 = arith.addf %get3A_1173, %get3A_741 : vector<16xf32>
        %add3A_1218 = arith.constant 0 : i32
        %add3A_1219 = arith.addi %mul3A_1161, %add3A_1218 : i32
        %swap3A_1220 = arith.index_cast %add3A_1219 : i32 to index
        %swap3A_1221 = arith.constant 16 : index
        %swap3A_1222 = tpu.vector_load %arg13[%swap3A_1220, %swap3A_1221] {strides = array<i32>} : memref<64x128xf32, #tpu.memory_space<vmem>>, vector<1x16xf32>,
        %swap3A_1223 = vector.shape_cast %swap3A_1222 : vector<1x16xf32> to vector<16xf32>
        %swap3A_1224 = vector.shape_cast %add3A_1217 : vector<16xf32> to vector<1x16xf32>
        tpu.vector_store %arg13[%swap3A_1220, %swap3A_1221], %swap3A_1224 {strides = array<i32>} : memref<64x128xf32, #tpu.memory_space<vmem>>, vector<1x16xf32>,
        %add3A_1225 = arith.addf %get3A_1179, %get3A_745 : vector<16xf32>
        %add3A_1226 = arith.constant 0 : i32
        %add3A_1227 = arith.addi %mul3A_1161, %add3A_1226 : i32
        %swap3A_1228 = arith.index_cast %add3A_1227 : i32 to index
        %swap3A_1229 = arith.constant 32 : index
        %swap3A_1230 = tpu.vector_load %arg13[%swap3A_1228, %swap3A_1229] {strides = array<i32>} : memref<64x128xf32, #tpu.memory_space<vmem>>, vector<1x16xf32>,
        %swap3A_1231 = vector.shape_cast %swap3A_1230 : vector<1x16xf32> to vector<16xf32>
        %swap3A_1232 = vector.shape_cast %add3A_1225 : vector<16xf32> to vector<1x16xf32>
        tpu.vector_store %arg13[%swap3A_1228, %swap3A_1229], %swap3A_1232 {strides = array<i32>} : memref<64x128xf32, #tpu.memory_space<vmem>>, vector<1x16xf32>,
        %add3A_1233 = arith.addf %get3A_1185, %get3A_749 : vector<16xf32>
        %add3A_1234 = arith.constant 0 : i32
        %add3A_1235 = arith.addi %mul3A_1161, %add3A_1234 : i32
        %swap3A_1236 = arith.index_cast %add3A_1235 : i32 to index
        %swap3A_1237 = arith.constant 48 : index
        %swap3A_1238 = tpu.vector_load %arg13[%swap3A_1236, %swap3A_1237] {strides = array<i32>} : memref<64x128xf32, #tpu.memory_space<vmem>>, vector<1x16xf32>,
        %swap3A_1239 = vector.shape_cast %swap3A_1238 : vector<1x16xf32> to vector<16xf32>
        %swap3A_1240 = vector.shape_cast %add3A_1233 : vector<16xf32> to vector<1x16xf32>
        tpu.vector_store %arg13[%swap3A_1236, %swap3A_1237], %swap3A_1240 {strides = array<i32>} : memref<64x128xf32, #tpu.memory_space<vmem>>, vector<1x16xf32>,
        %add3A_1241 = arith.addf %get3A_1191, %get3A_753 : vector<16xf32>
        %add3A_1242 = arith.constant 0 : i32
        %add3A_1243 = arith.addi %mul3A_1161, %add3A_1242 : i32
        %swap3A_1244 = arith.index_cast %add3A_1243 : i32 to index
        %swap3A_1245 = arith.constant 64 : index
        %swap3A_1246 = tpu.vector_load %arg13[%swap3A_1244, %swap3A_1245] {strides = array<i32>} : memref<64x128xf32, #tpu.memory_space<vmem>>, vector<1x16xf32>,
        %swap3A_1247 = vector.shape_cast %swap3A_1246 : vector<1x16xf32> to vector<16xf32>
        %swap3A_1248 = vector.shape_cast %add3A_1241 : vector<16xf32> to vector<1x16xf32>
        tpu.vector_store %arg13[%swap3A_1244, %swap3A_1245], %swap3A_1248 {strides = array<i32>} : memref<64x128xf32, #tpu.memory_space<vmem>>, vector<1x16xf32>,
        %add3A_1249 = arith.addf %get3A_1197, %get3A_757 : vector<16xf32>
        %add3A_1250 = arith.constant 0 : i32
        %add3A_1251 = arith.addi %mul3A_1161, %add3A_1250 : i32
        %swap3A_1252 = arith.index_cast %add3A_1251 : i32 to index
        %swap3A_1253 = arith.constant 80 : index
        %swap3A_1254 = tpu.vector_load %arg13[%swap3A_1252, %swap3A_1253] {strides = array<i32>} : memref<64x128xf32, #tpu.memory_space<vmem>>, vector<1x16xf32>,
        %swap3A_1255 = vector.shape_cast %swap3A_1254 : vector<1x16xf32> to vector<16xf32>
        %swap3A_1256 = vector.shape_cast %add3A_1249 : vector<16xf32> to vector<1x16xf32>
        tpu.vector_store %arg13[%swap3A_1252, %swap3A_1253], %swap3A_1256 {strides = array<i32>} : memref<64x128xf32, #tpu.memory_space<vmem>>, vector<1x16xf32>,
        %add3A_1257 = arith.addf %get3A_1203, %get3A_761 : vector<16xf32>
        %add3A_1258 = arith.constant 0 : i32
        %add3A_1259 = arith.addi %mul3A_1161, %add3A_1258 : i32
        %swap3A_1260 = arith.index_cast %add3A_1259 : i32 to index
        %swap3A_1261 = arith.constant 96 : index
        %swap3A_1262 = tpu.vector_load %arg13[%swap3A_1260, %swap3A_1261] {strides = array<i32>} : memref<64x128xf32, #tpu.memory_space<vmem>>, vector<1x16xf32>,
        %swap3A_1263 = vector.shape_cast %swap3A_1262 : vector<1x16xf32> to vector<16xf32>
        %swap3A_1264 = vector.shape_cast %add3A_1257 : vector<16xf32> to vector<1x16xf32>
        tpu.vector_store %arg13[%swap3A_1260, %swap3A_1261], %swap3A_1264 {strides = array<i32>} : memref<64x128xf32, #tpu.memory_space<vmem>>, vector<1x16xf32>,
        %add3A_1265 = arith.addf %get3A_1209, %get3A_765 : vector<16xf32>
        %add3A_1266 = arith.constant 0 : i32
        %add3A_1267 = arith.addi %mul3A_1161, %add3A_1266 : i32
        %swap3A_1268 = arith.index_cast %add3A_1267 : i32 to index
        %swap3A_1269 = arith.constant 112 : index
        %swap3A_1270 = tpu.vector_load %arg13[%swap3A_1268, %swap3A_1269] {strides = array<i32>} : memref<64x128xf32, #tpu.memory_space<vmem>>, vector<1x16xf32>,
        %swap3A_1271 = vector.shape_cast %swap3A_1270 : vector<1x16xf32> to vector<16xf32>
        %swap3A_1272 = vector.shape_cast %add3A_1265 : vector<16xf32> to vector<1x16xf32>
        tpu.vector_store %arg13[%swap3A_1268, %swap3A_1269], %swap3A_1272 {strides = array<i32>} : memref<64x128xf32, #tpu.memory_space<vmem>>, vector<1x16xf32>,
        %add3A_1273 = arith.constant 1 : i32
        %add3A_1274 = arith.addi %mul3A_1161, %add3A_1273 : i32
        %get3A_1275 = arith.index_cast %add3A_1274 : i32 to index
        %get3A_1276 = arith.constant 0 : index
        %get3A_1277 = tpu.vector_load %arg13[%get3A_1275, %get3A_1276] {strides = array<i32>} : memref<64x128xf32, #tpu.memory_space<vmem>>, vector<1x16xf32>,
        %get3A_1278 = vector.shape_cast %get3A_1277 : vector<1x16xf32> to vector<16xf32>
        %add3A_1279 = arith.constant 1 : i32
        %add3A_1280 = arith.addi %mul3A_1161, %add3A_1279 : i32
        %get3A_1281 = arith.index_cast %add3A_1280 : i32 to index
        %get3A_1282 = arith.constant 16 : index
        %get3A_1283 = tpu.vector_load %arg13[%get3A_1281, %get3A_1282] {strides = array<i32>} : memref<64x128xf32, #tpu.memory_space<vmem>>, vector<1x16xf32>,
        %get3A_1284 = vector.shape_cast %get3A_1283 : vector<1x16xf32> to vector<16xf32>
        %add3A_1285 = arith.constant 1 : i32
        %add3A_1286 = arith.addi %mul3A_1161, %add3A_1285 : i32
        %get3A_1287 = arith.index_cast %add3A_1286 : i32 to index
        %get3A_1288 = arith.constant 32 : index
        %get3A_1289 = tpu.vector_load %arg13[%get3A_1287, %get3A_1288] {strides = array<i32>} : memref<64x128xf32, #tpu.memory_space<vmem>>, vector<1x16xf32>,
        %get3A_1290 = vector.shape_cast %get3A_1289 : vector<1x16xf32> to vector<16xf32>
        %add3A_1291 = arith.constant 1 : i32
        %add3A_1292 = arith.addi %mul3A_1161, %add3A_1291 : i32
        %get3A_1293 = arith.index_cast %add3A_1292 : i32 to index
        %get3A_1294 = arith.constant 48 : index
        %get3A_1295 = tpu.vector_load %arg13[%get3A_1293, %get3A_1294] {strides = array<i32>} : memref<64x128xf32, #tpu.memory_space<vmem>>, vector<1x16xf32>,
        %get3A_1296 = vector.shape_cast %get3A_1295 : vector<1x16xf32> to vector<16xf32>
        %add3A_1297 = arith.constant 1 : i32
        %add3A_1298 = arith.addi %mul3A_1161, %add3A_1297 : i32
        %get3A_1299 = arith.index_cast %add3A_1298 : i32 to index
        %get3A_1300 = arith.constant 64 : index
        %get3A_1301 = tpu.vector_load %arg13[%get3A_1299, %get3A_1300] {strides = array<i32>} : memref<64x128xf32, #tpu.memory_space<vmem>>, vector<1x16xf32>,
        %get3A_1302 = vector.shape_cast %get3A_1301 : vector<1x16xf32> to vector<16xf32>
        %add3A_1303 = arith.constant 1 : i32
        %add3A_1304 = arith.addi %mul3A_1161, %add3A_1303 : i32
        %get3A_1305 = arith.index_cast %add3A_1304 : i32 to index
        %get3A_1306 = arith.constant 80 : index
        %get3A_1307 = tpu.vector_load %arg13[%get3A_1305, %get3A_1306] {strides = array<i32>} : memref<64x128xf32, #tpu.memory_space<vmem>>, vector<1x16xf32>,
        %get3A_1308 = vector.shape_cast %get3A_1307 : vector<1x16xf32> to vector<16xf32>
        %add3A_1309 = arith.constant 1 : i32
        %add3A_1310 = arith.addi %mul3A_1161, %add3A_1309 : i32
        %get3A_1311 = arith.index_cast %add3A_1310 : i32 to index
        %get3A_1312 = arith.constant 96 : index
        %get3A_1313 = tpu.vector_load %arg13[%get3A_1311, %get3A_1312] {strides = array<i32>} : memref<64x128xf32, #tpu.memory_space<vmem>>, vector<1x16xf32>,
        %get3A_1314 = vector.shape_cast %get3A_1313 : vector<1x16xf32> to vector<16xf32>
        %add3A_1315 = arith.constant 1 : i32
        %add3A_1316 = arith.addi %mul3A_1161, %add3A_1315 : i32
        %get3A_1317 = arith.index_cast %add3A_1316 : i32 to index
        %get3A_1318 = arith.constant 112 : index
        %get3A_1319 = tpu.vector_load %arg13[%get3A_1317, %get3A_1318] {strides = array<i32>} : memref<64x128xf32, #tpu.memory_space<vmem>>, vector<1x16xf32>,
        %get3A_1320 = vector.shape_cast %get3A_1319 : vector<1x16xf32> to vector<16xf32>
        %add3A_1321 = arith.addf %get3A_1278, %get3A_737 : vector<16xf32>
        %add3A_1322 = arith.constant 1 : i32
        %add3A_1323 = arith.addi %mul3A_1161, %add3A_1322 : i32
        %swap3A_1324 = arith.index_cast %add3A_1323 : i32 to index
        %swap3A_1325 = arith.constant 0 : index
        %swap3A_1326 = tpu.vector_load %arg13[%swap3A_1324, %swap3A_1325] {strides = array<i32>} : memref<64x128xf32, #tpu.memory_space<vmem>>, vector<1x16xf32>,
        %swap3A_1327 = vector.shape_cast %swap3A_1326 : vector<1x16xf32> to vector<16xf32>
        %swap3A_1328 = vector.shape_cast %add3A_1321 : vector<16xf32> to vector<1x16xf32>
        tpu.vector_store %arg13[%swap3A_1324, %swap3A_1325], %swap3A_1328 {strides = array<i32>} : memref<64x128xf32, #tpu.memory_space<vmem>>, vector<1x16xf32>,
        %add3A_1329 = arith.addf %get3A_1284, %get3A_741 : vector<16xf32>
        %add3A_1330 = arith.constant 1 : i32
        %add3A_1331 = arith.addi %mul3A_1161, %add3A_1330 : i32
        %swap3A_1332 = arith.index_cast %add3A_1331 : i32 to index
        %swap3A_1333 = arith.constant 16 : index
        %swap3A_1334 = tpu.vector_load %arg13[%swap3A_1332, %swap3A_1333] {strides = array<i32>} : memref<64x128xf32, #tpu.memory_space<vmem>>, vector<1x16xf32>,
        %swap3A_1335 = vector.shape_cast %swap3A_1334 : vector<1x16xf32> to vector<16xf32>
        %swap3A_1336 = vector.shape_cast %add3A_1329 : vector<16xf32> to vector<1x16xf32>
        tpu.vector_store %arg13[%swap3A_1332, %swap3A_1333], %swap3A_1336 {strides = array<i32>} : memref<64x128xf32, #tpu.memory_space<vmem>>, vector<1x16xf32>,
        %add3A_1337 = arith.addf %get3A_1290, %get3A_745 : vector<16xf32>
        %add3A_1338 = arith.constant 1 : i32
        %add3A_1339 = arith.addi %mul3A_1161, %add3A_1338 : i32
        %swap3A_1340 = arith.index_cast %add3A_1339 : i32 to index
        %swap3A_1341 = arith.constant 32 : index
        %swap3A_1342 = tpu.vector_load %arg13[%swap3A_1340, %swap3A_1341] {strides = array<i32>} : memref<64x128xf32, #tpu.memory_space<vmem>>, vector<1x16xf32>,
        %swap3A_1343 = vector.shape_cast %swap3A_1342 : vector<1x16xf32> to vector<16xf32>
        %swap3A_1344 = vector.shape_cast %add3A_1337 : vector<16xf32> to vector<1x16xf32>
        tpu.vector_store %arg13[%swap3A_1340, %swap3A_1341], %swap3A_1344 {strides = array<i32>} : memref<64x128xf32, #tpu.memory_space<vmem>>, vector<1x16xf32>,
        %add3A_1345 = arith.addf %get3A_1296, %get3A_749 : vector<16xf32>
        %add3A_1346 = arith.constant 1 : i32
        %add3A_1347 = arith.addi %mul3A_1161, %add3A_1346 : i32
        %swap3A_1348 = arith.index_cast %add3A_1347 : i32 to index
        %swap3A_1349 = arith.constant 48 : index
        %swap3A_1350 = tpu.vector_load %arg13[%swap3A_1348, %swap3A_1349] {strides = array<i32>} : memref<64x128xf32, #tpu.memory_space<vmem>>, vector<1x16xf32>,
        %swap3A_1351 = vector.shape_cast %swap3A_1350 : vector<1x16xf32> to vector<16xf32>
        %swap3A_1352 = vector.shape_cast %add3A_1345 : vector<16xf32> to vector<1x16xf32>
        tpu.vector_store %arg13[%swap3A_1348, %swap3A_1349], %swap3A_1352 {strides = array<i32>} : memref<64x128xf32, #tpu.memory_space<vmem>>, vector<1x16xf32>,
        %add3A_1353 = arith.addf %get3A_1302, %get3A_753 : vector<16xf32>
        %add3A_1354 = arith.constant 1 : i32
        %add3A_1355 = arith.addi %mul3A_1161, %add3A_1354 : i32
        %swap3A_1356 = arith.index_cast %add3A_1355 : i32 to index
        %swap3A_1357 = arith.constant 64 : index
        %swap3A_1358 = tpu.vector_load %arg13[%swap3A_1356, %swap3A_1357] {strides = array<i32>} : memref<64x128xf32, #tpu.memory_space<vmem>>, vector<1x16xf32>,
        %swap3A_1359 = vector.shape_cast %swap3A_1358 : vector<1x16xf32> to vector<16xf32>
        %swap3A_1360 = vector.shape_cast %add3A_1353 : vector<16xf32> to vector<1x16xf32>
        tpu.vector_store %arg13[%swap3A_1356, %swap3A_1357], %swap3A_1360 {strides = array<i32>} : memref<64x128xf32, #tpu.memory_space<vmem>>, vector<1x16xf32>,
        %add3A_1361 = arith.addf %get3A_1308, %get3A_757 : vector<16xf32>
        %add3A_1362 = arith.constant 1 : i32
        %add3A_1363 = arith.addi %mul3A_1161, %add3A_1362 : i32
        %swap3A_1364 = arith.index_cast %add3A_1363 : i32 to index
        %swap3A_1365 = arith.constant 80 : index
        %swap3A_1366 = tpu.vector_load %arg13[%swap3A_1364, %swap3A_1365] {strides = array<i32>} : memref<64x128xf32, #tpu.memory_space<vmem>>, vector<1x16xf32>,
        %swap3A_1367 = vector.shape_cast %swap3A_1366 : vector<1x16xf32> to vector<16xf32>
        %swap3A_1368 = vector.shape_cast %add3A_1361 : vector<16xf32> to vector<1x16xf32>
        tpu.vector_store %arg13[%swap3A_1364, %swap3A_1365], %swap3A_1368 {strides = array<i32>} : memref<64x128xf32, #tpu.memory_space<vmem>>, vector<1x16xf32>,
        %add3A_1369 = arith.addf %get3A_1314, %get3A_761 : vector<16xf32>
        %add3A_1370 = arith.constant 1 : i32
        %add3A_1371 = arith.addi %mul3A_1161, %add3A_1370 : i32
        %swap3A_1372 = arith.index_cast %add3A_1371 : i32 to index
        %swap3A_1373 = arith.constant 96 : index
        %swap3A_1374 = tpu.vector_load %arg13[%swap3A_1372, %swap3A_1373] {strides = array<i32>} : memref<64x128xf32, #tpu.memory_space<vmem>>, vector<1x16xf32>,
        %swap3A_1375 = vector.shape_cast %swap3A_1374 : vector<1x16xf32> to vector<16xf32>
        %swap3A_1376 = vector.shape_cast %add3A_1369 : vector<16xf32> to vector<1x16xf32>
        tpu.vector_store %arg13[%swap3A_1372, %swap3A_1373], %swap3A_1376 {strides = array<i32>} : memref<64x128xf32, #tpu.memory_space<vmem>>, vector<1x16xf32>,
        %add3A_1377 = arith.addf %get3A_1320, %get3A_765 : vector<16xf32>
        %add3A_1378 = arith.constant 1 : i32
        %add3A_1379 = arith.addi %mul3A_1161, %add3A_1378 : i32
        %swap3A_1380 = arith.index_cast %add3A_1379 : i32 to index
        %swap3A_1381 = arith.constant 112 : index
        %swap3A_1382 = tpu.vector_load %arg13[%swap3A_1380, %swap3A_1381] {strides = array<i32>} : memref<64x128xf32, #tpu.memory_space<vmem>>, vector<1x16xf32>,
        %swap3A_1383 = vector.shape_cast %swap3A_1382 : vector<1x16xf32> to vector<16xf32>
        %swap3A_1384 = vector.shape_cast %add3A_1377 : vector<16xf32> to vector<1x16xf32>
        tpu.vector_store %arg13[%swap3A_1380, %swap3A_1381], %swap3A_1384 {strides = array<i32>} : memref<64x128xf32, #tpu.memory_space<vmem>>, vector<1x16xf32>,
      }
      %scan3A_771 = arith.constant 32 : i32
      %ge3A_772 = arith.constant 4 : i32
      %ge3A_773 = arith.cmpi sge, %add3A_700, %ge3A_772 : i32
      %convert_element_type3A_774 = arith.extui %ge3A_773 : i1 to i32
      %cond3A_775 = arith.constant 0 : i32
      %cond3A_776 = arith.cmpi ne, %convert_element_type3A_774, %cond3A_775 : i32
      scf.if %cond3A_776 {
        %sub3A_1159 = arith.constant 4 : i32
        %sub3A_1160 = arith.subi %add3A_700, %sub3A_1159 : i32
        %dma_wait3A_1161 = arith.constant 0 : i32
        %dma_wait3A_1162 = tpu.memref_slice %arg8[%sub3A_1160, %dma_wait3A_1161] : memref<100x64xi32, #tpu.memory_space<vmem>> -> memref<1x64xi32, #tpu.memory_space<vmem>>
        %dma_wait3A_1163 = tpu.memref_squeeze %dma_wait3A_1162 : memref<1x64xi32, #tpu.memory_space<vmem>> -> memref<64xi32, #tpu.memory_space<vmem>>
        %dma_wait3A_1164 = arith.constant 0 : i32
        %dma_wait3A_1165 = arith.constant 0 : i32
        %dma_wait3A_1166 = tpu.memref_slice %arg6[%dma_wait3A_1164, %dma_wait3A_1165] : memref<204800x128xf32, #tpu.memory_space<hbm>> -> memref<204800x128xf32, #tpu.memory_space<hbm>>
        tpu.wait_indirect_dma semaphore(%arg33 : memref<!tpu.dma_semaphore, #tpu.memory_space<semaphore_mem>>) src(%arg17 : memref<64x128xf32, #tpu.memory_space<vmem>>) dst(%dma_wait3A_1166 : memref<204800x128xf32, #tpu.memory_space<hbm>>)
      } else {
      }
      %add3A_777 = arith.constant 4 : i32
      %add3A_778 = arith.addi %add3A_700, %add3A_777 : i32
      %dma_start3A_779 = arith.constant 0 : i32
      %dma_start3A_780 = tpu.memref_slice %arg7[%add3A_778, %dma_start3A_779] : memref<100x64xi32, #tpu.memory_space<vmem>> -> memref<1x64xi32, #tpu.memory_space<vmem>>
      %dma_start3A_781 = tpu.memref_squeeze %dma_start3A_780 : memref<1x64xi32, #tpu.memory_space<vmem>> -> memref<64xi32, #tpu.memory_space<vmem>>
      %dma_start3A_782 = arith.constant 0 : i32
      %dma_start3A_783 = arith.constant 0 : i32
      %dma_start3A_784 = tpu.memref_slice %arg3[%dma_start3A_782, %dma_start3A_783] : memref<100000x128xf32, #tpu.memory_space<hbm>> -> memref<100000x128xf32, #tpu.memory_space<hbm>>
      tpu.enqueue_indirect_dma source(%dma_start3A_784 : memref<100000x128xf32, #tpu.memory_space<hbm>>) target(%arg17 : memref<64x128xf32, #tpu.memory_space<vmem>>) offsets(%dma_start3A_781 : memref<64xi32, #tpu.memory_space<vmem>>) semaphore(%arg25 : memref<!tpu.dma_semaphore, #tpu.memory_space<semaphore_mem>>)
      %dma_start3A_785 = arith.constant 0 : i32
      %dma_start3A_786 = tpu.memref_slice %arg8[%add3A_700, %dma_start3A_785] : memref<100x64xi32, #tpu.memory_space<vmem>> -> memref<1x64xi32, #tpu.memory_space<vmem>>
      %dma_start3A_787 = tpu.memref_squeeze %dma_start3A_786 : memref<1x64xi32, #tpu.memory_space<vmem>> -> memref<64xi32, #tpu.memory_space<vmem>>
      %dma_start3A_788 = arith.constant 0 : i32
      %dma_start3A_789 = arith.constant 0 : i32
      %dma_start3A_790 = tpu.memref_slice %arg6[%dma_start3A_788, %dma_start3A_789] : memref<204800x128xf32, #tpu.memory_space<hbm>> -> memref<204800x128xf32, #tpu.memory_space<hbm>>
      tpu.enqueue_indirect_dma source(%arg13 : memref<64x128xf32, #tpu.memory_space<vmem>>) target(%dma_start3A_790 : memref<204800x128xf32, #tpu.memory_space<hbm>>) offsets(%dma_start3A_787 : memref<64xi32, #tpu.memory_space<vmem>>) semaphore(%arg29 : memref<!tpu.dma_semaphore, #tpu.memory_space<semaphore_mem>>)
      %add3A_791 = arith.constant 4 : i32
      %add3A_792 = arith.addi %mul3A_425, %add3A_791 : i32
      %dma_wait3A_793 = arith.constant 0 : i32
      %dma_wait3A_794 = arith.constant 0 : i32
      %dma_wait3A_795 = tpu.memref_slice %arg3[%dma_wait3A_793, %dma_wait3A_794] : memref<100000x128xf32, #tpu.memory_space<hbm>> -> memref<64x128xf32, #tpu.memory_space<hbm>>
      %dma_wait3A_796 = arith.constant 0 : i32
      %dma_wait3A_797 = arith.constant 0 : i32
      %dma_wait3A_798 = tpu.memref_slice %arg3[%dma_wait3A_796, %dma_wait3A_797] : memref<100000x128xf32, #tpu.memory_space<hbm>> -> memref<64x128xf32, #tpu.memory_space<hbm>>
      tpu.wait_dma2 semaphore(%arg22 : memref<!tpu.dma_semaphore, #tpu.memory_space<semaphore_mem>>) src(%dma_wait3A_798 : memref<64x128xf32, #tpu.memory_space<hbm>>) dst(%arg14 : memref<64x128xf32, #tpu.memory_space<vmem>>)
      %mul3A_799 = arith.constant 100 : i32
      %mul3A_800 = arith.muli %add3A, %mul3A_799 : i32
      %add3A_801 = arith.addi %mul3A_800, %add3A_792 : i32
      %jit3A_802 = arith.constant 16 : i32
      %div3A_803 = arith.divsi %add3A_801, %jit3A_802 : i32
      %sign3A_804 = arith.constant 0 : i32
      %sign3A_805 = arith.cmpi sgt, %add3A_801, %sign3A_804 : i32
      %sign3A_806 = arith.extui %sign3A_805 : i1 to i32
      %sign3A_807 = arith.constant 0 : i32
      %sign3A_808 = arith.cmpi slt, %add3A_801, %sign3A_807 : i32
      %sign3A_809 = arith.extui %sign3A_808 : i1 to i32
      %sign3A_810 = arith.subi %sign3A_806, %sign3A_809 : i32
      %sign3A_811 = arith.constant 0 : i32
      %sign3A_812 = arith.cmpi sgt, %jit3A_802, %sign3A_811 : i32
      %sign3A_813 = arith.extui %sign3A_812 : i1 to i32
      %sign3A_814 = arith.constant 0 : i32
      %sign3A_815 = arith.cmpi slt, %jit3A_802, %sign3A_814 : i32
      %sign3A_816 = arith.extui %sign3A_815 : i1 to i32
      %sign3A_817 = arith.subi %sign3A_813, %sign3A_816 : i32
      %ne3A_818 = arith.cmpi ne, %sign3A_810, %sign3A_817 : i32
      %rem3A_819 = arith.remsi %add3A_801, %jit3A_802 : i32
      %ne3A_820 = arith.constant 0 : i32
      %ne3A_821 = arith.cmpi ne, %rem3A_819, %ne3A_820 : i32
      %and3A_822 = arith.andi %ne3A_818, %ne3A_821 : i1
      %sub3A_823 = arith.constant 1 : i32
      %sub3A_824 = arith.subi %div3A_803, %sub3A_823 : i32
      %select_n3A_825 = arith.select %and3A_822, %sub3A_824, %div3A_803 : i32
      %get3A_826 = arith.index_cast %select_n3A_825 : i32 to index
      %get3A_827 = arith.constant 0 : index
      %get3A_828 = tpu.vector_load %arg9[%get3A_826, %get3A_827] {strides = array<i32>} : memref<200x128xf32, #tpu.memory_space<vmem>>, vector<1x16xf32>,
      %get3A_829 = vector.shape_cast %get3A_828 : vector<1x16xf32> to vector<16xf32>
      %get3A_830 = arith.index_cast %select_n3A_825 : i32 to index
      %get3A_831 = arith.constant 16 : index
      %get3A_832 = tpu.vector_load %arg9[%get3A_830, %get3A_831] {strides = array<i32>} : memref<200x128xf32, #tpu.memory_space<vmem>>, vector<1x16xf32>,
      %get3A_833 = vector.shape_cast %get3A_832 : vector<1x16xf32> to vector<16xf32>
      %get3A_834 = arith.index_cast %select_n3A_825 : i32 to index
      %get3A_835 = arith.constant 32 : index
      %get3A_836 = tpu.vector_load %arg9[%get3A_834, %get3A_835] {strides = array<i32>} : memref<200x128xf32, #tpu.memory_space<vmem>>, vector<1x16xf32>,
      %get3A_837 = vector.shape_cast %get3A_836 : vector<1x16xf32> to vector<16xf32>
      %get3A_838 = arith.index_cast %select_n3A_825 : i32 to index
      %get3A_839 = arith.constant 48 : index
      %get3A_840 = tpu.vector_load %arg9[%get3A_838, %get3A_839] {strides = array<i32>} : memref<200x128xf32, #tpu.memory_space<vmem>>, vector<1x16xf32>,
      %get3A_841 = vector.shape_cast %get3A_840 : vector<1x16xf32> to vector<16xf32>
      %get3A_842 = arith.index_cast %select_n3A_825 : i32 to index
      %get3A_843 = arith.constant 64 : index
      %get3A_844 = tpu.vector_load %arg9[%get3A_842, %get3A_843] {strides = array<i32>} : memref<200x128xf32, #tpu.memory_space<vmem>>, vector<1x16xf32>,
      %get3A_845 = vector.shape_cast %get3A_844 : vector<1x16xf32> to vector<16xf32>
      %get3A_846 = arith.index_cast %select_n3A_825 : i32 to index
      %get3A_847 = arith.constant 80 : index
      %get3A_848 = tpu.vector_load %arg9[%get3A_846, %get3A_847] {strides = array<i32>} : memref<200x128xf32, #tpu.memory_space<vmem>>, vector<1x16xf32>,
      %get3A_849 = vector.shape_cast %get3A_848 : vector<1x16xf32> to vector<16xf32>
      %get3A_850 = arith.index_cast %select_n3A_825 : i32 to index
      %get3A_851 = arith.constant 96 : index
      %get3A_852 = tpu.vector_load %arg9[%get3A_850, %get3A_851] {strides = array<i32>} : memref<200x128xf32, #tpu.memory_space<vmem>>, vector<1x16xf32>,
      %get3A_853 = vector.shape_cast %get3A_852 : vector<1x16xf32> to vector<16xf32>
      %get3A_854 = arith.index_cast %select_n3A_825 : i32 to index
      %get3A_855 = arith.constant 112 : index
      %get3A_856 = tpu.vector_load %arg9[%get3A_854, %get3A_855] {strides = array<i32>} : memref<200x128xf32, #tpu.memory_space<vmem>>, vector<1x16xf32>,
      %get3A_857 = vector.shape_cast %get3A_856 : vector<1x16xf32> to vector<16xf32>
      %scan3A_858 = arith.constant 0 : i32
      %scan3A_859 = arith.constant 0 : i32
      %scan3A_860 = arith.constant 32 : i32
      %scan3A_861 = arith.addi %scan3A_859, %scan3A_860 : i32
      %scan3A_862 = arith.constant 1 : i32
      scf.for %scan3A_1159 = %scan3A_859 to %scan3A_861 step %scan3A_862  : i32 {
        %mul3A_1160 = arith.constant 2 : i32
        %mul3A_1161 = arith.muli %scan3A_1159, %mul3A_1160 : i32
        %add3A_1162 = arith.constant 0 : i32
        %add3A_1163 = arith.addi %mul3A_1161, %add3A_1162 : i32
        %get3A_1164 = arith.index_cast %add3A_1163 : i32 to index
        %get3A_1165 = arith.constant 0 : index
        %get3A_1166 = tpu.vector_load %arg14[%get3A_1164, %get3A_1165] {strides = array<i32>} : memref<64x128xf32, #tpu.memory_space<vmem>>, vector<1x16xf32>,
        %get3A_1167 = vector.shape_cast %get3A_1166 : vector<1x16xf32> to vector<16xf32>
        %add3A_1168 = arith.constant 0 : i32
        %add3A_1169 = arith.addi %mul3A_1161, %add3A_1168 : i32
        %get3A_1170 = arith.index_cast %add3A_1169 : i32 to index
        %get3A_1171 = arith.constant 16 : index
        %get3A_1172 = tpu.vector_load %arg14[%get3A_1170, %get3A_1171] {strides = array<i32>} : memref<64x128xf32, #tpu.memory_space<vmem>>, vector<1x16xf32>,
        %get3A_1173 = vector.shape_cast %get3A_1172 : vector<1x16xf32> to vector<16xf32>
        %add3A_1174 = arith.constant 0 : i32
        %add3A_1175 = arith.addi %mul3A_1161, %add3A_1174 : i32
        %get3A_1176 = arith.index_cast %add3A_1175 : i32 to index
        %get3A_1177 = arith.constant 32 : index
        %get3A_1178 = tpu.vector_load %arg14[%get3A_1176, %get3A_1177] {strides = array<i32>} : memref<64x128xf32, #tpu.memory_space<vmem>>, vector<1x16xf32>,
        %get3A_1179 = vector.shape_cast %get3A_1178 : vector<1x16xf32> to vector<16xf32>
        %add3A_1180 = arith.constant 0 : i32
        %add3A_1181 = arith.addi %mul3A_1161, %add3A_1180 : i32
        %get3A_1182 = arith.index_cast %add3A_1181 : i32 to index
        %get3A_1183 = arith.constant 48 : index
        %get3A_1184 = tpu.vector_load %arg14[%get3A_1182, %get3A_1183] {strides = array<i32>} : memref<64x128xf32, #tpu.memory_space<vmem>>, vector<1x16xf32>,
        %get3A_1185 = vector.shape_cast %get3A_1184 : vector<1x16xf32> to vector<16xf32>
        %add3A_1186 = arith.constant 0 : i32
        %add3A_1187 = arith.addi %mul3A_1161, %add3A_1186 : i32
        %get3A_1188 = arith.index_cast %add3A_1187 : i32 to index
        %get3A_1189 = arith.constant 64 : index
        %get3A_1190 = tpu.vector_load %arg14[%get3A_1188, %get3A_1189] {strides = array<i32>} : memref<64x128xf32, #tpu.memory_space<vmem>>, vector<1x16xf32>,
        %get3A_1191 = vector.shape_cast %get3A_1190 : vector<1x16xf32> to vector<16xf32>
        %add3A_1192 = arith.constant 0 : i32
        %add3A_1193 = arith.addi %mul3A_1161, %add3A_1192 : i32
        %get3A_1194 = arith.index_cast %add3A_1193 : i32 to index
        %get3A_1195 = arith.constant 80 : index
        %get3A_1196 = tpu.vector_load %arg14[%get3A_1194, %get3A_1195] {strides = array<i32>} : memref<64x128xf32, #tpu.memory_space<vmem>>, vector<1x16xf32>,
        %get3A_1197 = vector.shape_cast %get3A_1196 : vector<1x16xf32> to vector<16xf32>
        %add3A_1198 = arith.constant 0 : i32
        %add3A_1199 = arith.addi %mul3A_1161, %add3A_1198 : i32
        %get3A_1200 = arith.index_cast %add3A_1199 : i32 to index
        %get3A_1201 = arith.constant 96 : index
        %get3A_1202 = tpu.vector_load %arg14[%get3A_1200, %get3A_1201] {strides = array<i32>} : memref<64x128xf32, #tpu.memory_space<vmem>>, vector<1x16xf32>,
        %get3A_1203 = vector.shape_cast %get3A_1202 : vector<1x16xf32> to vector<16xf32>
        %add3A_1204 = arith.constant 0 : i32
        %add3A_1205 = arith.addi %mul3A_1161, %add3A_1204 : i32
        %get3A_1206 = arith.index_cast %add3A_1205 : i32 to index
        %get3A_1207 = arith.constant 112 : index
        %get3A_1208 = tpu.vector_load %arg14[%get3A_1206, %get3A_1207] {strides = array<i32>} : memref<64x128xf32, #tpu.memory_space<vmem>>, vector<1x16xf32>,
        %get3A_1209 = vector.shape_cast %get3A_1208 : vector<1x16xf32> to vector<16xf32>
        %add3A_1210 = arith.addf %get3A_1167, %get3A_829 : vector<16xf32>
        %add3A_1211 = arith.constant 0 : i32
        %add3A_1212 = arith.addi %mul3A_1161, %add3A_1211 : i32
        %swap3A = arith.index_cast %add3A_1212 : i32 to index
        %swap3A_1213 = arith.constant 0 : index
        %swap3A_1214 = tpu.vector_load %arg14[%swap3A, %swap3A_1213] {strides = array<i32>} : memref<64x128xf32, #tpu.memory_space<vmem>>, vector<1x16xf32>,
        %swap3A_1215 = vector.shape_cast %swap3A_1214 : vector<1x16xf32> to vector<16xf32>
        %swap3A_1216 = vector.shape_cast %add3A_1210 : vector<16xf32> to vector<1x16xf32>
        tpu.vector_store %arg14[%swap3A, %swap3A_1213], %swap3A_1216 {strides = array<i32>} : memref<64x128xf32, #tpu.memory_space<vmem>>, vector<1x16xf32>,
        %add3A_1217 = arith.addf %get3A_1173, %get3A_833 : vector<16xf32>
        %add3A_1218 = arith.constant 0 : i32
        %add3A_1219 = arith.addi %mul3A_1161, %add3A_1218 : i32
        %swap3A_1220 = arith.index_cast %add3A_1219 : i32 to index
        %swap3A_1221 = arith.constant 16 : index
        %swap3A_1222 = tpu.vector_load %arg14[%swap3A_1220, %swap3A_1221] {strides = array<i32>} : memref<64x128xf32, #tpu.memory_space<vmem>>, vector<1x16xf32>,
        %swap3A_1223 = vector.shape_cast %swap3A_1222 : vector<1x16xf32> to vector<16xf32>
        %swap3A_1224 = vector.shape_cast %add3A_1217 : vector<16xf32> to vector<1x16xf32>
        tpu.vector_store %arg14[%swap3A_1220, %swap3A_1221], %swap3A_1224 {strides = array<i32>} : memref<64x128xf32, #tpu.memory_space<vmem>>, vector<1x16xf32>,
        %add3A_1225 = arith.addf %get3A_1179, %get3A_837 : vector<16xf32>
        %add3A_1226 = arith.constant 0 : i32
        %add3A_1227 = arith.addi %mul3A_1161, %add3A_1226 : i32
        %swap3A_1228 = arith.index_cast %add3A_1227 : i32 to index
        %swap3A_1229 = arith.constant 32 : index
        %swap3A_1230 = tpu.vector_load %arg14[%swap3A_1228, %swap3A_1229] {strides = array<i32>} : memref<64x128xf32, #tpu.memory_space<vmem>>, vector<1x16xf32>,
        %swap3A_1231 = vector.shape_cast %swap3A_1230 : vector<1x16xf32> to vector<16xf32>
        %swap3A_1232 = vector.shape_cast %add3A_1225 : vector<16xf32> to vector<1x16xf32>
        tpu.vector_store %arg14[%swap3A_1228, %swap3A_1229], %swap3A_1232 {strides = array<i32>} : memref<64x128xf32, #tpu.memory_space<vmem>>, vector<1x16xf32>,
        %add3A_1233 = arith.addf %get3A_1185, %get3A_841 : vector<16xf32>
        %add3A_1234 = arith.constant 0 : i32
        %add3A_1235 = arith.addi %mul3A_1161, %add3A_1234 : i32
        %swap3A_1236 = arith.index_cast %add3A_1235 : i32 to index
        %swap3A_1237 = arith.constant 48 : index
        %swap3A_1238 = tpu.vector_load %arg14[%swap3A_1236, %swap3A_1237] {strides = array<i32>} : memref<64x128xf32, #tpu.memory_space<vmem>>, vector<1x16xf32>,
        %swap3A_1239 = vector.shape_cast %swap3A_1238 : vector<1x16xf32> to vector<16xf32>
        %swap3A_1240 = vector.shape_cast %add3A_1233 : vector<16xf32> to vector<1x16xf32>
        tpu.vector_store %arg14[%swap3A_1236, %swap3A_1237], %swap3A_1240 {strides = array<i32>} : memref<64x128xf32, #tpu.memory_space<vmem>>, vector<1x16xf32>,
        %add3A_1241 = arith.addf %get3A_1191, %get3A_845 : vector<16xf32>
        %add3A_1242 = arith.constant 0 : i32
        %add3A_1243 = arith.addi %mul3A_1161, %add3A_1242 : i32
        %swap3A_1244 = arith.index_cast %add3A_1243 : i32 to index
        %swap3A_1245 = arith.constant 64 : index
        %swap3A_1246 = tpu.vector_load %arg14[%swap3A_1244, %swap3A_1245] {strides = array<i32>} : memref<64x128xf32, #tpu.memory_space<vmem>>, vector<1x16xf32>,
        %swap3A_1247 = vector.shape_cast %swap3A_1246 : vector<1x16xf32> to vector<16xf32>
        %swap3A_1248 = vector.shape_cast %add3A_1241 : vector<16xf32> to vector<1x16xf32>
        tpu.vector_store %arg14[%swap3A_1244, %swap3A_1245], %swap3A_1248 {strides = array<i32>} : memref<64x128xf32, #tpu.memory_space<vmem>>, vector<1x16xf32>,
        %add3A_1249 = arith.addf %get3A_1197, %get3A_849 : vector<16xf32>
        %add3A_1250 = arith.constant 0 : i32
        %add3A_1251 = arith.addi %mul3A_1161, %add3A_1250 : i32
        %swap3A_1252 = arith.index_cast %add3A_1251 : i32 to index
        %swap3A_1253 = arith.constant 80 : index
        %swap3A_1254 = tpu.vector_load %arg14[%swap3A_1252, %swap3A_1253] {strides = array<i32>} : memref<64x128xf32, #tpu.memory_space<vmem>>, vector<1x16xf32>,
        %swap3A_1255 = vector.shape_cast %swap3A_1254 : vector<1x16xf32> to vector<16xf32>
        %swap3A_1256 = vector.shape_cast %add3A_1249 : vector<16xf32> to vector<1x16xf32>
        tpu.vector_store %arg14[%swap3A_1252, %swap3A_1253], %swap3A_1256 {strides = array<i32>} : memref<64x128xf32, #tpu.memory_space<vmem>>, vector<1x16xf32>,
        %add3A_1257 = arith.addf %get3A_1203, %get3A_853 : vector<16xf32>
        %add3A_1258 = arith.constant 0 : i32
        %add3A_1259 = arith.addi %mul3A_1161, %add3A_1258 : i32
        %swap3A_1260 = arith.index_cast %add3A_1259 : i32 to index
        %swap3A_1261 = arith.constant 96 : index
        %swap3A_1262 = tpu.vector_load %arg14[%swap3A_1260, %swap3A_1261] {strides = array<i32>} : memref<64x128xf32, #tpu.memory_space<vmem>>, vector<1x16xf32>,
        %swap3A_1263 = vector.shape_cast %swap3A_1262 : vector<1x16xf32> to vector<16xf32>
        %swap3A_1264 = vector.shape_cast %add3A_1257 : vector<16xf32> to vector<1x16xf32>
        tpu.vector_store %arg14[%swap3A_1260, %swap3A_1261], %swap3A_1264 {strides = array<i32>} : memref<64x128xf32, #tpu.memory_space<vmem>>, vector<1x16xf32>,
        %add3A_1265 = arith.addf %get3A_1209, %get3A_857 : vector<16xf32>
        %add3A_1266 = arith.constant 0 : i32
        %add3A_1267 = arith.addi %mul3A_1161, %add3A_1266 : i32
        %swap3A_1268 = arith.index_cast %add3A_1267 : i32 to index
        %swap3A_1269 = arith.constant 112 : index
        %swap3A_1270 = tpu.vector_load %arg14[%swap3A_1268, %swap3A_1269] {strides = array<i32>} : memref<64x128xf32, #tpu.memory_space<vmem>>, vector<1x16xf32>,
        %swap3A_1271 = vector.shape_cast %swap3A_1270 : vector<1x16xf32> to vector<16xf32>
        %swap3A_1272 = vector.shape_cast %add3A_1265 : vector<16xf32> to vector<1x16xf32>
        tpu.vector_store %arg14[%swap3A_1268, %swap3A_1269], %swap3A_1272 {strides = array<i32>} : memref<64x128xf32, #tpu.memory_space<vmem>>, vector<1x16xf32>,
        %add3A_1273 = arith.constant 1 : i32
        %add3A_1274 = arith.addi %mul3A_1161, %add3A_1273 : i32
        %get3A_1275 = arith.index_cast %add3A_1274 : i32 to index
        %get3A_1276 = arith.constant 0 : index
        %get3A_1277 = tpu.vector_load %arg14[%get3A_1275, %get3A_1276] {strides = array<i32>} : memref<64x128xf32, #tpu.memory_space<vmem>>, vector<1x16xf32>,
        %get3A_1278 = vector.shape_cast %get3A_1277 : vector<1x16xf32> to vector<16xf32>
        %add3A_1279 = arith.constant 1 : i32
        %add3A_1280 = arith.addi %mul3A_1161, %add3A_1279 : i32
        %get3A_1281 = arith.index_cast %add3A_1280 : i32 to index
        %get3A_1282 = arith.constant 16 : index
        %get3A_1283 = tpu.vector_load %arg14[%get3A_1281, %get3A_1282] {strides = array<i32>} : memref<64x128xf32, #tpu.memory_space<vmem>>, vector<1x16xf32>,
        %get3A_1284 = vector.shape_cast %get3A_1283 : vector<1x16xf32> to vector<16xf32>
        %add3A_1285 = arith.constant 1 : i32
        %add3A_1286 = arith.addi %mul3A_1161, %add3A_1285 : i32
        %get3A_1287 = arith.index_cast %add3A_1286 : i32 to index
        %get3A_1288 = arith.constant 32 : index
        %get3A_1289 = tpu.vector_load %arg14[%get3A_1287, %get3A_1288] {strides = array<i32>} : memref<64x128xf32, #tpu.memory_space<vmem>>, vector<1x16xf32>,
        %get3A_1290 = vector.shape_cast %get3A_1289 : vector<1x16xf32> to vector<16xf32>
        %add3A_1291 = arith.constant 1 : i32
        %add3A_1292 = arith.addi %mul3A_1161, %add3A_1291 : i32
        %get3A_1293 = arith.index_cast %add3A_1292 : i32 to index
        %get3A_1294 = arith.constant 48 : index
        %get3A_1295 = tpu.vector_load %arg14[%get3A_1293, %get3A_1294] {strides = array<i32>} : memref<64x128xf32, #tpu.memory_space<vmem>>, vector<1x16xf32>,
        %get3A_1296 = vector.shape_cast %get3A_1295 : vector<1x16xf32> to vector<16xf32>
        %add3A_1297 = arith.constant 1 : i32
        %add3A_1298 = arith.addi %mul3A_1161, %add3A_1297 : i32
        %get3A_1299 = arith.index_cast %add3A_1298 : i32 to index
        %get3A_1300 = arith.constant 64 : index
        %get3A_1301 = tpu.vector_load %arg14[%get3A_1299, %get3A_1300] {strides = array<i32>} : memref<64x128xf32, #tpu.memory_space<vmem>>, vector<1x16xf32>,
        %get3A_1302 = vector.shape_cast %get3A_1301 : vector<1x16xf32> to vector<16xf32>
        %add3A_1303 = arith.constant 1 : i32
        %add3A_1304 = arith.addi %mul3A_1161, %add3A_1303 : i32
        %get3A_1305 = arith.index_cast %add3A_1304 : i32 to index
        %get3A_1306 = arith.constant 80 : index
        %get3A_1307 = tpu.vector_load %arg14[%get3A_1305, %get3A_1306] {strides = array<i32>} : memref<64x128xf32, #tpu.memory_space<vmem>>, vector<1x16xf32>,
        %get3A_1308 = vector.shape_cast %get3A_1307 : vector<1x16xf32> to vector<16xf32>
        %add3A_1309 = arith.constant 1 : i32
        %add3A_1310 = arith.addi %mul3A_1161, %add3A_1309 : i32
        %get3A_1311 = arith.index_cast %add3A_1310 : i32 to index
        %get3A_1312 = arith.constant 96 : index
        %get3A_1313 = tpu.vector_load %arg14[%get3A_1311, %get3A_1312] {strides = array<i32>} : memref<64x128xf32, #tpu.memory_space<vmem>>, vector<1x16xf32>,
        %get3A_1314 = vector.shape_cast %get3A_1313 : vector<1x16xf32> to vector<16xf32>
        %add3A_1315 = arith.constant 1 : i32
        %add3A_1316 = arith.addi %mul3A_1161, %add3A_1315 : i32
        %get3A_1317 = arith.index_cast %add3A_1316 : i32 to index
        %get3A_1318 = arith.constant 112 : index
        %get3A_1319 = tpu.vector_load %arg14[%get3A_1317, %get3A_1318] {strides = array<i32>} : memref<64x128xf32, #tpu.memory_space<vmem>>, vector<1x16xf32>,
        %get3A_1320 = vector.shape_cast %get3A_1319 : vector<1x16xf32> to vector<16xf32>
        %add3A_1321 = arith.addf %get3A_1278, %get3A_829 : vector<16xf32>
        %add3A_1322 = arith.constant 1 : i32
        %add3A_1323 = arith.addi %mul3A_1161, %add3A_1322 : i32
        %swap3A_1324 = arith.index_cast %add3A_1323 : i32 to index
        %swap3A_1325 = arith.constant 0 : index
        %swap3A_1326 = tpu.vector_load %arg14[%swap3A_1324, %swap3A_1325] {strides = array<i32>} : memref<64x128xf32, #tpu.memory_space<vmem>>, vector<1x16xf32>,
        %swap3A_1327 = vector.shape_cast %swap3A_1326 : vector<1x16xf32> to vector<16xf32>
        %swap3A_1328 = vector.shape_cast %add3A_1321 : vector<16xf32> to vector<1x16xf32>
        tpu.vector_store %arg14[%swap3A_1324, %swap3A_1325], %swap3A_1328 {strides = array<i32>} : memref<64x128xf32, #tpu.memory_space<vmem>>, vector<1x16xf32>,
        %add3A_1329 = arith.addf %get3A_1284, %get3A_833 : vector<16xf32>
        %add3A_1330 = arith.constant 1 : i32
        %add3A_1331 = arith.addi %mul3A_1161, %add3A_1330 : i32
        %swap3A_1332 = arith.index_cast %add3A_1331 : i32 to index
        %swap3A_1333 = arith.constant 16 : index
        %swap3A_1334 = tpu.vector_load %arg14[%swap3A_1332, %swap3A_1333] {strides = array<i32>} : memref<64x128xf32, #tpu.memory_space<vmem>>, vector<1x16xf32>,
        %swap3A_1335 = vector.shape_cast %swap3A_1334 : vector<1x16xf32> to vector<16xf32>
        %swap3A_1336 = vector.shape_cast %add3A_1329 : vector<16xf32> to vector<1x16xf32>
        tpu.vector_store %arg14[%swap3A_1332, %swap3A_1333], %swap3A_1336 {strides = array<i32>} : memref<64x128xf32, #tpu.memory_space<vmem>>, vector<1x16xf32>,
        %add3A_1337 = arith.addf %get3A_1290, %get3A_837 : vector<16xf32>
        %add3A_1338 = arith.constant 1 : i32
        %add3A_1339 = arith.addi %mul3A_1161, %add3A_1338 : i32
        %swap3A_1340 = arith.index_cast %add3A_1339 : i32 to index
        %swap3A_1341 = arith.constant 32 : index
        %swap3A_1342 = tpu.vector_load %arg14[%swap3A_1340, %swap3A_1341] {strides = array<i32>} : memref<64x128xf32, #tpu.memory_space<vmem>>, vector<1x16xf32>,
        %swap3A_1343 = vector.shape_cast %swap3A_1342 : vector<1x16xf32> to vector<16xf32>
        %swap3A_1344 = vector.shape_cast %add3A_1337 : vector<16xf32> to vector<1x16xf32>
        tpu.vector_store %arg14[%swap3A_1340, %swap3A_1341], %swap3A_1344 {strides = array<i32>} : memref<64x128xf32, #tpu.memory_space<vmem>>, vector<1x16xf32>,
        %add3A_1345 = arith.addf %get3A_1296, %get3A_841 : vector<16xf32>
        %add3A_1346 = arith.constant 1 : i32
        %add3A_1347 = arith.addi %mul3A_1161, %add3A_1346 : i32
        %swap3A_1348 = arith.index_cast %add3A_1347 : i32 to index
        %swap3A_1349 = arith.constant 48 : index
        %swap3A_1350 = tpu.vector_load %arg14[%swap3A_1348, %swap3A_1349] {strides = array<i32>} : memref<64x128xf32, #tpu.memory_space<vmem>>, vector<1x16xf32>,
        %swap3A_1351 = vector.shape_cast %swap3A_1350 : vector<1x16xf32> to vector<16xf32>
        %swap3A_1352 = vector.shape_cast %add3A_1345 : vector<16xf32> to vector<1x16xf32>
        tpu.vector_store %arg14[%swap3A_1348, %swap3A_1349], %swap3A_1352 {strides = array<i32>} : memref<64x128xf32, #tpu.memory_space<vmem>>, vector<1x16xf32>,
        %add3A_1353 = arith.addf %get3A_1302, %get3A_845 : vector<16xf32>
        %add3A_1354 = arith.constant 1 : i32
        %add3A_1355 = arith.addi %mul3A_1161, %add3A_1354 : i32
        %swap3A_1356 = arith.index_cast %add3A_1355 : i32 to index
        %swap3A_1357 = arith.constant 64 : index
        %swap3A_1358 = tpu.vector_load %arg14[%swap3A_1356, %swap3A_1357] {strides = array<i32>} : memref<64x128xf32, #tpu.memory_space<vmem>>, vector<1x16xf32>,
        %swap3A_1359 = vector.shape_cast %swap3A_1358 : vector<1x16xf32> to vector<16xf32>
        %swap3A_1360 = vector.shape_cast %add3A_1353 : vector<16xf32> to vector<1x16xf32>
        tpu.vector_store %arg14[%swap3A_1356, %swap3A_1357], %swap3A_1360 {strides = array<i32>} : memref<64x128xf32, #tpu.memory_space<vmem>>, vector<1x16xf32>,
        %add3A_1361 = arith.addf %get3A_1308, %get3A_849 : vector<16xf32>
        %add3A_1362 = arith.constant 1 : i32
        %add3A_1363 = arith.addi %mul3A_1161, %add3A_1362 : i32
        %swap3A_1364 = arith.index_cast %add3A_1363 : i32 to index
        %swap3A_1365 = arith.constant 80 : index
        %swap3A_1366 = tpu.vector_load %arg14[%swap3A_1364, %swap3A_1365] {strides = array<i32>} : memref<64x128xf32, #tpu.memory_space<vmem>>, vector<1x16xf32>,
        %swap3A_1367 = vector.shape_cast %swap3A_1366 : vector<1x16xf32> to vector<16xf32>
        %swap3A_1368 = vector.shape_cast %add3A_1361 : vector<16xf32> to vector<1x16xf32>
        tpu.vector_store %arg14[%swap3A_1364, %swap3A_1365], %swap3A_1368 {strides = array<i32>} : memref<64x128xf32, #tpu.memory_space<vmem>>, vector<1x16xf32>,
        %add3A_1369 = arith.addf %get3A_1314, %get3A_853 : vector<16xf32>
        %add3A_1370 = arith.constant 1 : i32
        %add3A_1371 = arith.addi %mul3A_1161, %add3A_1370 : i32
        %swap3A_1372 = arith.index_cast %add3A_1371 : i32 to index
        %swap3A_1373 = arith.constant 96 : index
        %swap3A_1374 = tpu.vector_load %arg14[%swap3A_1372, %swap3A_1373] {strides = array<i32>} : memref<64x128xf32, #tpu.memory_space<vmem>>, vector<1x16xf32>,
        %swap3A_1375 = vector.shape_cast %swap3A_1374 : vector<1x16xf32> to vector<16xf32>
        %swap3A_1376 = vector.shape_cast %add3A_1369 : vector<16xf32> to vector<1x16xf32>
        tpu.vector_store %arg14[%swap3A_1372, %swap3A_1373], %swap3A_1376 {strides = array<i32>} : memref<64x128xf32, #tpu.memory_space<vmem>>, vector<1x16xf32>,
        %add3A_1377 = arith.addf %get3A_1320, %get3A_857 : vector<16xf32>
        %add3A_1378 = arith.constant 1 : i32
        %add3A_1379 = arith.addi %mul3A_1161, %add3A_1378 : i32
        %swap3A_1380 = arith.index_cast %add3A_1379 : i32 to index
        %swap3A_1381 = arith.constant 112 : index
        %swap3A_1382 = tpu.vector_load %arg14[%swap3A_1380, %swap3A_1381] {strides = array<i32>} : memref<64x128xf32, #tpu.memory_space<vmem>>, vector<1x16xf32>,
        %swap3A_1383 = vector.shape_cast %swap3A_1382 : vector<1x16xf32> to vector<16xf32>
        %swap3A_1384 = vector.shape_cast %add3A_1377 : vector<16xf32> to vector<1x16xf32>
        tpu.vector_store %arg14[%swap3A_1380, %swap3A_1381], %swap3A_1384 {strides = array<i32>} : memref<64x128xf32, #tpu.memory_space<vmem>>, vector<1x16xf32>,
      }
      %scan3A_863 = arith.constant 32 : i32
      %ge3A_864 = arith.constant 4 : i32
      %ge3A_865 = arith.cmpi sge, %add3A_792, %ge3A_864 : i32
      %convert_element_type3A_866 = arith.extui %ge3A_865 : i1 to i32
      %cond3A_867 = arith.constant 0 : i32
      %cond3A_868 = arith.cmpi ne, %convert_element_type3A_866, %cond3A_867 : i32
      scf.if %cond3A_868 {
        %sub3A_1159 = arith.constant 4 : i32
        %sub3A_1160 = arith.subi %add3A_792, %sub3A_1159 : i32
        %dma_wait3A_1161 = arith.constant 0 : i32
        %dma_wait3A_1162 = tpu.memref_slice %arg8[%sub3A_1160, %dma_wait3A_1161] : memref<100x64xi32, #tpu.memory_space<vmem>> -> memref<1x64xi32, #tpu.memory_space<vmem>>
        %dma_wait3A_1163 = tpu.memref_squeeze %dma_wait3A_1162 : memref<1x64xi32, #tpu.memory_space<vmem>> -> memref<64xi32, #tpu.memory_space<vmem>>
        %dma_wait3A_1164 = arith.constant 0 : i32
        %dma_wait3A_1165 = arith.constant 0 : i32
        %dma_wait3A_1166 = tpu.memref_slice %arg6[%dma_wait3A_1164, %dma_wait3A_1165] : memref<204800x128xf32, #tpu.memory_space<hbm>> -> memref<204800x128xf32, #tpu.memory_space<hbm>>
        tpu.wait_indirect_dma semaphore(%arg26 : memref<!tpu.dma_semaphore, #tpu.memory_space<semaphore_mem>>) src(%arg10 : memref<64x128xf32, #tpu.memory_space<vmem>>) dst(%dma_wait3A_1166 : memref<204800x128xf32, #tpu.memory_space<hbm>>)
      } else {
      }
      %add3A_869 = arith.constant 4 : i32
      %add3A_870 = arith.addi %add3A_792, %add3A_869 : i32
      %dma_start3A_871 = arith.constant 0 : i32
      %dma_start3A_872 = tpu.memref_slice %arg7[%add3A_870, %dma_start3A_871] : memref<100x64xi32, #tpu.memory_space<vmem>> -> memref<1x64xi32, #tpu.memory_space<vmem>>
      %dma_start3A_873 = tpu.memref_squeeze %dma_start3A_872 : memref<1x64xi32, #tpu.memory_space<vmem>> -> memref<64xi32, #tpu.memory_space<vmem>>
      %dma_start3A_874 = arith.constant 0 : i32
      %dma_start3A_875 = arith.constant 0 : i32
      %dma_start3A_876 = tpu.memref_slice %arg3[%dma_start3A_874, %dma_start3A_875] : memref<100000x128xf32, #tpu.memory_space<hbm>> -> memref<100000x128xf32, #tpu.memory_space<hbm>>
      tpu.enqueue_indirect_dma source(%dma_start3A_876 : memref<100000x128xf32, #tpu.memory_space<hbm>>) target(%arg10 : memref<64x128xf32, #tpu.memory_space<vmem>>) offsets(%dma_start3A_873 : memref<64xi32, #tpu.memory_space<vmem>>) semaphore(%arg18 : memref<!tpu.dma_semaphore, #tpu.memory_space<semaphore_mem>>)
      %dma_start3A_877 = arith.constant 0 : i32
      %dma_start3A_878 = tpu.memref_slice %arg8[%add3A_792, %dma_start3A_877] : memref<100x64xi32, #tpu.memory_space<vmem>> -> memref<1x64xi32, #tpu.memory_space<vmem>>
      %dma_start3A_879 = tpu.memref_squeeze %dma_start3A_878 : memref<1x64xi32, #tpu.memory_space<vmem>> -> memref<64xi32, #tpu.memory_space<vmem>>
      %dma_start3A_880 = arith.constant 0 : i32
      %dma_start3A_881 = arith.constant 0 : i32
      %dma_start3A_882 = tpu.memref_slice %arg6[%dma_start3A_880, %dma_start3A_881] : memref<204800x128xf32, #tpu.memory_space<hbm>> -> memref<204800x128xf32, #tpu.memory_space<hbm>>
      tpu.enqueue_indirect_dma source(%arg14 : memref<64x128xf32, #tpu.memory_space<vmem>>) target(%dma_start3A_882 : memref<204800x128xf32, #tpu.memory_space<hbm>>) offsets(%dma_start3A_879 : memref<64xi32, #tpu.memory_space<vmem>>) semaphore(%arg30 : memref<!tpu.dma_semaphore, #tpu.memory_space<semaphore_mem>>)
      %add3A_883 = arith.constant 5 : i32
      %add3A_884 = arith.addi %mul3A_425, %add3A_883 : i32
      %dma_wait3A_885 = arith.constant 0 : i32
      %dma_wait3A_886 = arith.constant 0 : i32
      %dma_wait3A_887 = tpu.memref_slice %arg3[%dma_wait3A_885, %dma_wait3A_886] : memref<100000x128xf32, #tpu.memory_space<hbm>> -> memref<64x128xf32, #tpu.memory_space<hbm>>
      %dma_wait3A_888 = arith.constant 0 : i32
      %dma_wait3A_889 = arith.constant 0 : i32
      %dma_wait3A_890 = tpu.memref_slice %arg3[%dma_wait3A_888, %dma_wait3A_889] : memref<100000x128xf32, #tpu.memory_space<hbm>> -> memref<64x128xf32, #tpu.memory_space<hbm>>
      tpu.wait_dma2 semaphore(%arg23 : memref<!tpu.dma_semaphore, #tpu.memory_space<semaphore_mem>>) src(%dma_wait3A_890 : memref<64x128xf32, #tpu.memory_space<hbm>>) dst(%arg15 : memref<64x128xf32, #tpu.memory_space<vmem>>)
      %mul3A_891 = arith.constant 100 : i32
      %mul3A_892 = arith.muli %add3A, %mul3A_891 : i32
      %add3A_893 = arith.addi %mul3A_892, %add3A_884 : i32
      %jit3A_894 = arith.constant 16 : i32
      %div3A_895 = arith.divsi %add3A_893, %jit3A_894 : i32
      %sign3A_896 = arith.constant 0 : i32
      %sign3A_897 = arith.cmpi sgt, %add3A_893, %sign3A_896 : i32
      %sign3A_898 = arith.extui %sign3A_897 : i1 to i32
      %sign3A_899 = arith.constant 0 : i32
      %sign3A_900 = arith.cmpi slt, %add3A_893, %sign3A_899 : i32
      %sign3A_901 = arith.extui %sign3A_900 : i1 to i32
      %sign3A_902 = arith.subi %sign3A_898, %sign3A_901 : i32
      %sign3A_903 = arith.constant 0 : i32
      %sign3A_904 = arith.cmpi sgt, %jit3A_894, %sign3A_903 : i32
      %sign3A_905 = arith.extui %sign3A_904 : i1 to i32
      %sign3A_906 = arith.constant 0 : i32
      %sign3A_907 = arith.cmpi slt, %jit3A_894, %sign3A_906 : i32
      %sign3A_908 = arith.extui %sign3A_907 : i1 to i32
      %sign3A_909 = arith.subi %sign3A_905, %sign3A_908 : i32
      %ne3A_910 = arith.cmpi ne, %sign3A_902, %sign3A_909 : i32
      %rem3A_911 = arith.remsi %add3A_893, %jit3A_894 : i32
      %ne3A_912 = arith.constant 0 : i32
      %ne3A_913 = arith.cmpi ne, %rem3A_911, %ne3A_912 : i32
      %and3A_914 = arith.andi %ne3A_910, %ne3A_913 : i1
      %sub3A_915 = arith.constant 1 : i32
      %sub3A_916 = arith.subi %div3A_895, %sub3A_915 : i32
      %select_n3A_917 = arith.select %and3A_914, %sub3A_916, %div3A_895 : i32
      %get3A_918 = arith.index_cast %select_n3A_917 : i32 to index
      %get3A_919 = arith.constant 0 : index
      %get3A_920 = tpu.vector_load %arg9[%get3A_918, %get3A_919] {strides = array<i32>} : memref<200x128xf32, #tpu.memory_space<vmem>>, vector<1x16xf32>,
      %get3A_921 = vector.shape_cast %get3A_920 : vector<1x16xf32> to vector<16xf32>
      %get3A_922 = arith.index_cast %select_n3A_917 : i32 to index
      %get3A_923 = arith.constant 16 : index
      %get3A_924 = tpu.vector_load %arg9[%get3A_922, %get3A_923] {strides = array<i32>} : memref<200x128xf32, #tpu.memory_space<vmem>>, vector<1x16xf32>,
      %get3A_925 = vector.shape_cast %get3A_924 : vector<1x16xf32> to vector<16xf32>
      %get3A_926 = arith.index_cast %select_n3A_917 : i32 to index
      %get3A_927 = arith.constant 32 : index
      %get3A_928 = tpu.vector_load %arg9[%get3A_926, %get3A_927] {strides = array<i32>} : memref<200x128xf32, #tpu.memory_space<vmem>>, vector<1x16xf32>,
      %get3A_929 = vector.shape_cast %get3A_928 : vector<1x16xf32> to vector<16xf32>
      %get3A_930 = arith.index_cast %select_n3A_917 : i32 to index
      %get3A_931 = arith.constant 48 : index
      %get3A_932 = tpu.vector_load %arg9[%get3A_930, %get3A_931] {strides = array<i32>} : memref<200x128xf32, #tpu.memory_space<vmem>>, vector<1x16xf32>,
      %get3A_933 = vector.shape_cast %get3A_932 : vector<1x16xf32> to vector<16xf32>
      %get3A_934 = arith.index_cast %select_n3A_917 : i32 to index
      %get3A_935 = arith.constant 64 : index
      %get3A_936 = tpu.vector_load %arg9[%get3A_934, %get3A_935] {strides = array<i32>} : memref<200x128xf32, #tpu.memory_space<vmem>>, vector<1x16xf32>,
      %get3A_937 = vector.shape_cast %get3A_936 : vector<1x16xf32> to vector<16xf32>
      %get3A_938 = arith.index_cast %select_n3A_917 : i32 to index
      %get3A_939 = arith.constant 80 : index
      %get3A_940 = tpu.vector_load %arg9[%get3A_938, %get3A_939] {strides = array<i32>} : memref<200x128xf32, #tpu.memory_space<vmem>>, vector<1x16xf32>,
      %get3A_941 = vector.shape_cast %get3A_940 : vector<1x16xf32> to vector<16xf32>
      %get3A_942 = arith.index_cast %select_n3A_917 : i32 to index
      %get3A_943 = arith.constant 96 : index
      %get3A_944 = tpu.vector_load %arg9[%get3A_942, %get3A_943] {strides = array<i32>} : memref<200x128xf32, #tpu.memory_space<vmem>>, vector<1x16xf32>,
      %get3A_945 = vector.shape_cast %get3A_944 : vector<1x16xf32> to vector<16xf32>
      %get3A_946 = arith.index_cast %select_n3A_917 : i32 to index
      %get3A_947 = arith.constant 112 : index
      %get3A_948 = tpu.vector_load %arg9[%get3A_946, %get3A_947] {strides = array<i32>} : memref<200x128xf32, #tpu.memory_space<vmem>>, vector<1x16xf32>,
      %get3A_949 = vector.shape_cast %get3A_948 : vector<1x16xf32> to vector<16xf32>
      %scan3A_950 = arith.constant 0 : i32
      %scan3A_951 = arith.constant 0 : i32
      %scan3A_952 = arith.constant 32 : i32
      %scan3A_953 = arith.addi %scan3A_951, %scan3A_952 : i32
      %scan3A_954 = arith.constant 1 : i32
      scf.for %scan3A_1159 = %scan3A_951 to %scan3A_953 step %scan3A_954  : i32 {
        %mul3A_1160 = arith.constant 2 : i32
        %mul3A_1161 = arith.muli %scan3A_1159, %mul3A_1160 : i32
        %add3A_1162 = arith.constant 0 : i32
        %add3A_1163 = arith.addi %mul3A_1161, %add3A_1162 : i32
        %get3A_1164 = arith.index_cast %add3A_1163 : i32 to index
        %get3A_1165 = arith.constant 0 : index
        %get3A_1166 = tpu.vector_load %arg15[%get3A_1164, %get3A_1165] {strides = array<i32>} : memref<64x128xf32, #tpu.memory_space<vmem>>, vector<1x16xf32>,
        %get3A_1167 = vector.shape_cast %get3A_1166 : vector<1x16xf32> to vector<16xf32>
        %add3A_1168 = arith.constant 0 : i32
        %add3A_1169 = arith.addi %mul3A_1161, %add3A_1168 : i32
        %get3A_1170 = arith.index_cast %add3A_1169 : i32 to index
        %get3A_1171 = arith.constant 16 : index
        %get3A_1172 = tpu.vector_load %arg15[%get3A_1170, %get3A_1171] {strides = array<i32>} : memref<64x128xf32, #tpu.memory_space<vmem>>, vector<1x16xf32>,
        %get3A_1173 = vector.shape_cast %get3A_1172 : vector<1x16xf32> to vector<16xf32>
        %add3A_1174 = arith.constant 0 : i32
        %add3A_1175 = arith.addi %mul3A_1161, %add3A_1174 : i32
        %get3A_1176 = arith.index_cast %add3A_1175 : i32 to index
        %get3A_1177 = arith.constant 32 : index
        %get3A_1178 = tpu.vector_load %arg15[%get3A_1176, %get3A_1177] {strides = array<i32>} : memref<64x128xf32, #tpu.memory_space<vmem>>, vector<1x16xf32>,
        %get3A_1179 = vector.shape_cast %get3A_1178 : vector<1x16xf32> to vector<16xf32>
        %add3A_1180 = arith.constant 0 : i32
        %add3A_1181 = arith.addi %mul3A_1161, %add3A_1180 : i32
        %get3A_1182 = arith.index_cast %add3A_1181 : i32 to index
        %get3A_1183 = arith.constant 48 : index
        %get3A_1184 = tpu.vector_load %arg15[%get3A_1182, %get3A_1183] {strides = array<i32>} : memref<64x128xf32, #tpu.memory_space<vmem>>, vector<1x16xf32>,
        %get3A_1185 = vector.shape_cast %get3A_1184 : vector<1x16xf32> to vector<16xf32>
        %add3A_1186 = arith.constant 0 : i32
        %add3A_1187 = arith.addi %mul3A_1161, %add3A_1186 : i32
        %get3A_1188 = arith.index_cast %add3A_1187 : i32 to index
        %get3A_1189 = arith.constant 64 : index
        %get3A_1190 = tpu.vector_load %arg15[%get3A_1188, %get3A_1189] {strides = array<i32>} : memref<64x128xf32, #tpu.memory_space<vmem>>, vector<1x16xf32>,
        %get3A_1191 = vector.shape_cast %get3A_1190 : vector<1x16xf32> to vector<16xf32>
        %add3A_1192 = arith.constant 0 : i32
        %add3A_1193 = arith.addi %mul3A_1161, %add3A_1192 : i32
        %get3A_1194 = arith.index_cast %add3A_1193 : i32 to index
        %get3A_1195 = arith.constant 80 : index
        %get3A_1196 = tpu.vector_load %arg15[%get3A_1194, %get3A_1195] {strides = array<i32>} : memref<64x128xf32, #tpu.memory_space<vmem>>, vector<1x16xf32>,
        %get3A_1197 = vector.shape_cast %get3A_1196 : vector<1x16xf32> to vector<16xf32>
        %add3A_1198 = arith.constant 0 : i32
        %add3A_1199 = arith.addi %mul3A_1161, %add3A_1198 : i32
        %get3A_1200 = arith.index_cast %add3A_1199 : i32 to index
        %get3A_1201 = arith.constant 96 : index
        %get3A_1202 = tpu.vector_load %arg15[%get3A_1200, %get3A_1201] {strides = array<i32>} : memref<64x128xf32, #tpu.memory_space<vmem>>, vector<1x16xf32>,
        %get3A_1203 = vector.shape_cast %get3A_1202 : vector<1x16xf32> to vector<16xf32>
        %add3A_1204 = arith.constant 0 : i32
        %add3A_1205 = arith.addi %mul3A_1161, %add3A_1204 : i32
        %get3A_1206 = arith.index_cast %add3A_1205 : i32 to index
        %get3A_1207 = arith.constant 112 : index
        %get3A_1208 = tpu.vector_load %arg15[%get3A_1206, %get3A_1207] {strides = array<i32>} : memref<64x128xf32, #tpu.memory_space<vmem>>, vector<1x16xf32>,
        %get3A_1209 = vector.shape_cast %get3A_1208 : vector<1x16xf32> to vector<16xf32>
        %add3A_1210 = arith.addf %get3A_1167, %get3A_921 : vector<16xf32>
        %add3A_1211 = arith.constant 0 : i32
        %add3A_1212 = arith.addi %mul3A_1161, %add3A_1211 : i32
        %swap3A = arith.index_cast %add3A_1212 : i32 to index
        %swap3A_1213 = arith.constant 0 : index
        %swap3A_1214 = tpu.vector_load %arg15[%swap3A, %swap3A_1213] {strides = array<i32>} : memref<64x128xf32, #tpu.memory_space<vmem>>, vector<1x16xf32>,
        %swap3A_1215 = vector.shape_cast %swap3A_1214 : vector<1x16xf32> to vector<16xf32>
        %swap3A_1216 = vector.shape_cast %add3A_1210 : vector<16xf32> to vector<1x16xf32>
        tpu.vector_store %arg15[%swap3A, %swap3A_1213], %swap3A_1216 {strides = array<i32>} : memref<64x128xf32, #tpu.memory_space<vmem>>, vector<1x16xf32>,
        %add3A_1217 = arith.addf %get3A_1173, %get3A_925 : vector<16xf32>
        %add3A_1218 = arith.constant 0 : i32
        %add3A_1219 = arith.addi %mul3A_1161, %add3A_1218 : i32
        %swap3A_1220 = arith.index_cast %add3A_1219 : i32 to index
        %swap3A_1221 = arith.constant 16 : index
        %swap3A_1222 = tpu.vector_load %arg15[%swap3A_1220, %swap3A_1221] {strides = array<i32>} : memref<64x128xf32, #tpu.memory_space<vmem>>, vector<1x16xf32>,
        %swap3A_1223 = vector.shape_cast %swap3A_1222 : vector<1x16xf32> to vector<16xf32>
        %swap3A_1224 = vector.shape_cast %add3A_1217 : vector<16xf32> to vector<1x16xf32>
        tpu.vector_store %arg15[%swap3A_1220, %swap3A_1221], %swap3A_1224 {strides = array<i32>} : memref<64x128xf32, #tpu.memory_space<vmem>>, vector<1x16xf32>,
        %add3A_1225 = arith.addf %get3A_1179, %get3A_929 : vector<16xf32>
        %add3A_1226 = arith.constant 0 : i32
        %add3A_1227 = arith.addi %mul3A_1161, %add3A_1226 : i32
        %swap3A_1228 = arith.index_cast %add3A_1227 : i32 to index
        %swap3A_1229 = arith.constant 32 : index
        %swap3A_1230 = tpu.vector_load %arg15[%swap3A_1228, %swap3A_1229] {strides = array<i32>} : memref<64x128xf32, #tpu.memory_space<vmem>>, vector<1x16xf32>,
        %swap3A_1231 = vector.shape_cast %swap3A_1230 : vector<1x16xf32> to vector<16xf32>
        %swap3A_1232 = vector.shape_cast %add3A_1225 : vector<16xf32> to vector<1x16xf32>
        tpu.vector_store %arg15[%swap3A_1228, %swap3A_1229], %swap3A_1232 {strides = array<i32>} : memref<64x128xf32, #tpu.memory_space<vmem>>, vector<1x16xf32>,
        %add3A_1233 = arith.addf %get3A_1185, %get3A_933 : vector<16xf32>
        %add3A_1234 = arith.constant 0 : i32
        %add3A_1235 = arith.addi %mul3A_1161, %add3A_1234 : i32
        %swap3A_1236 = arith.index_cast %add3A_1235 : i32 to index
        %swap3A_1237 = arith.constant 48 : index
        %swap3A_1238 = tpu.vector_load %arg15[%swap3A_1236, %swap3A_1237] {strides = array<i32>} : memref<64x128xf32, #tpu.memory_space<vmem>>, vector<1x16xf32>,
        %swap3A_1239 = vector.shape_cast %swap3A_1238 : vector<1x16xf32> to vector<16xf32>
        %swap3A_1240 = vector.shape_cast %add3A_1233 : vector<16xf32> to vector<1x16xf32>
        tpu.vector_store %arg15[%swap3A_1236, %swap3A_1237], %swap3A_1240 {strides = array<i32>} : memref<64x128xf32, #tpu.memory_space<vmem>>, vector<1x16xf32>,
        %add3A_1241 = arith.addf %get3A_1191, %get3A_937 : vector<16xf32>
        %add3A_1242 = arith.constant 0 : i32
        %add3A_1243 = arith.addi %mul3A_1161, %add3A_1242 : i32
        %swap3A_1244 = arith.index_cast %add3A_1243 : i32 to index
        %swap3A_1245 = arith.constant 64 : index
        %swap3A_1246 = tpu.vector_load %arg15[%swap3A_1244, %swap3A_1245] {strides = array<i32>} : memref<64x128xf32, #tpu.memory_space<vmem>>, vector<1x16xf32>,
        %swap3A_1247 = vector.shape_cast %swap3A_1246 : vector<1x16xf32> to vector<16xf32>
        %swap3A_1248 = vector.shape_cast %add3A_1241 : vector<16xf32> to vector<1x16xf32>
        tpu.vector_store %arg15[%swap3A_1244, %swap3A_1245], %swap3A_1248 {strides = array<i32>} : memref<64x128xf32, #tpu.memory_space<vmem>>, vector<1x16xf32>,
        %add3A_1249 = arith.addf %get3A_1197, %get3A_941 : vector<16xf32>
        %add3A_1250 = arith.constant 0 : i32
        %add3A_1251 = arith.addi %mul3A_1161, %add3A_1250 : i32
        %swap3A_1252 = arith.index_cast %add3A_1251 : i32 to index
        %swap3A_1253 = arith.constant 80 : index
        %swap3A_1254 = tpu.vector_load %arg15[%swap3A_1252, %swap3A_1253] {strides = array<i32>} : memref<64x128xf32, #tpu.memory_space<vmem>>, vector<1x16xf32>,
        %swap3A_1255 = vector.shape_cast %swap3A_1254 : vector<1x16xf32> to vector<16xf32>
        %swap3A_1256 = vector.shape_cast %add3A_1249 : vector<16xf32> to vector<1x16xf32>
        tpu.vector_store %arg15[%swap3A_1252, %swap3A_1253], %swap3A_1256 {strides = array<i32>} : memref<64x128xf32, #tpu.memory_space<vmem>>, vector<1x16xf32>,
        %add3A_1257 = arith.addf %get3A_1203, %get3A_945 : vector<16xf32>
        %add3A_1258 = arith.constant 0 : i32
        %add3A_1259 = arith.addi %mul3A_1161, %add3A_1258 : i32
        %swap3A_1260 = arith.index_cast %add3A_1259 : i32 to index
        %swap3A_1261 = arith.constant 96 : index
        %swap3A_1262 = tpu.vector_load %arg15[%swap3A_1260, %swap3A_1261] {strides = array<i32>} : memref<64x128xf32, #tpu.memory_space<vmem>>, vector<1x16xf32>,
        %swap3A_1263 = vector.shape_cast %swap3A_1262 : vector<1x16xf32> to vector<16xf32>
        %swap3A_1264 = vector.shape_cast %add3A_1257 : vector<16xf32> to vector<1x16xf32>
        tpu.vector_store %arg15[%swap3A_1260, %swap3A_1261], %swap3A_1264 {strides = array<i32>} : memref<64x128xf32, #tpu.memory_space<vmem>>, vector<1x16xf32>,
        %add3A_1265 = arith.addf %get3A_1209, %get3A_949 : vector<16xf32>
        %add3A_1266 = arith.constant 0 : i32
        %add3A_1267 = arith.addi %mul3A_1161, %add3A_1266 : i32
        %swap3A_1268 = arith.index_cast %add3A_1267 : i32 to index
        %swap3A_1269 = arith.constant 112 : index
        %swap3A_1270 = tpu.vector_load %arg15[%swap3A_1268, %swap3A_1269] {strides = array<i32>} : memref<64x128xf32, #tpu.memory_space<vmem>>, vector<1x16xf32>,
        %swap3A_1271 = vector.shape_cast %swap3A_1270 : vector<1x16xf32> to vector<16xf32>
        %swap3A_1272 = vector.shape_cast %add3A_1265 : vector<16xf32> to vector<1x16xf32>
        tpu.vector_store %arg15[%swap3A_1268, %swap3A_1269], %swap3A_1272 {strides = array<i32>} : memref<64x128xf32, #tpu.memory_space<vmem>>, vector<1x16xf32>,
        %add3A_1273 = arith.constant 1 : i32
        %add3A_1274 = arith.addi %mul3A_1161, %add3A_1273 : i32
        %get3A_1275 = arith.index_cast %add3A_1274 : i32 to index
        %get3A_1276 = arith.constant 0 : index
        %get3A_1277 = tpu.vector_load %arg15[%get3A_1275, %get3A_1276] {strides = array<i32>} : memref<64x128xf32, #tpu.memory_space<vmem>>, vector<1x16xf32>,
        %get3A_1278 = vector.shape_cast %get3A_1277 : vector<1x16xf32> to vector<16xf32>
        %add3A_1279 = arith.constant 1 : i32
        %add3A_1280 = arith.addi %mul3A_1161, %add3A_1279 : i32
        %get3A_1281 = arith.index_cast %add3A_1280 : i32 to index
        %get3A_1282 = arith.constant 16 : index
        %get3A_1283 = tpu.vector_load %arg15[%get3A_1281, %get3A_1282] {strides = array<i32>} : memref<64x128xf32, #tpu.memory_space<vmem>>, vector<1x16xf32>,
        %get3A_1284 = vector.shape_cast %get3A_1283 : vector<1x16xf32> to vector<16xf32>
        %add3A_1285 = arith.constant 1 : i32
        %add3A_1286 = arith.addi %mul3A_1161, %add3A_1285 : i32
        %get3A_1287 = arith.index_cast %add3A_1286 : i32 to index
        %get3A_1288 = arith.constant 32 : index
        %get3A_1289 = tpu.vector_load %arg15[%get3A_1287, %get3A_1288] {strides = array<i32>} : memref<64x128xf32, #tpu.memory_space<vmem>>, vector<1x16xf32>,
        %get3A_1290 = vector.shape_cast %get3A_1289 : vector<1x16xf32> to vector<16xf32>
        %add3A_1291 = arith.constant 1 : i32
        %add3A_1292 = arith.addi %mul3A_1161, %add3A_1291 : i32
        %get3A_1293 = arith.index_cast %add3A_1292 : i32 to index
        %get3A_1294 = arith.constant 48 : index
        %get3A_1295 = tpu.vector_load %arg15[%get3A_1293, %get3A_1294] {strides = array<i32>} : memref<64x128xf32, #tpu.memory_space<vmem>>, vector<1x16xf32>,
        %get3A_1296 = vector.shape_cast %get3A_1295 : vector<1x16xf32> to vector<16xf32>
        %add3A_1297 = arith.constant 1 : i32
        %add3A_1298 = arith.addi %mul3A_1161, %add3A_1297 : i32
        %get3A_1299 = arith.index_cast %add3A_1298 : i32 to index
        %get3A_1300 = arith.constant 64 : index
        %get3A_1301 = tpu.vector_load %arg15[%get3A_1299, %get3A_1300] {strides = array<i32>} : memref<64x128xf32, #tpu.memory_space<vmem>>, vector<1x16xf32>,
        %get3A_1302 = vector.shape_cast %get3A_1301 : vector<1x16xf32> to vector<16xf32>
        %add3A_1303 = arith.constant 1 : i32
        %add3A_1304 = arith.addi %mul3A_1161, %add3A_1303 : i32
        %get3A_1305 = arith.index_cast %add3A_1304 : i32 to index
        %get3A_1306 = arith.constant 80 : index
        %get3A_1307 = tpu.vector_load %arg15[%get3A_1305, %get3A_1306] {strides = array<i32>} : memref<64x128xf32, #tpu.memory_space<vmem>>, vector<1x16xf32>,
        %get3A_1308 = vector.shape_cast %get3A_1307 : vector<1x16xf32> to vector<16xf32>
        %add3A_1309 = arith.constant 1 : i32
        %add3A_1310 = arith.addi %mul3A_1161, %add3A_1309 : i32
        %get3A_1311 = arith.index_cast %add3A_1310 : i32 to index
        %get3A_1312 = arith.constant 96 : index
        %get3A_1313 = tpu.vector_load %arg15[%get3A_1311, %get3A_1312] {strides = array<i32>} : memref<64x128xf32, #tpu.memory_space<vmem>>, vector<1x16xf32>,
        %get3A_1314 = vector.shape_cast %get3A_1313 : vector<1x16xf32> to vector<16xf32>
        %add3A_1315 = arith.constant 1 : i32
        %add3A_1316 = arith.addi %mul3A_1161, %add3A_1315 : i32
        %get3A_1317 = arith.index_cast %add3A_1316 : i32 to index
        %get3A_1318 = arith.constant 112 : index
        %get3A_1319 = tpu.vector_load %arg15[%get3A_1317, %get3A_1318] {strides = array<i32>} : memref<64x128xf32, #tpu.memory_space<vmem>>, vector<1x16xf32>,
        %get3A_1320 = vector.shape_cast %get3A_1319 : vector<1x16xf32> to vector<16xf32>
        %add3A_1321 = arith.addf %get3A_1278, %get3A_921 : vector<16xf32>
        %add3A_1322 = arith.constant 1 : i32
        %add3A_1323 = arith.addi %mul3A_1161, %add3A_1322 : i32
        %swap3A_1324 = arith.index_cast %add3A_1323 : i32 to index
        %swap3A_1325 = arith.constant 0 : index
        %swap3A_1326 = tpu.vector_load %arg15[%swap3A_1324, %swap3A_1325] {strides = array<i32>} : memref<64x128xf32, #tpu.memory_space<vmem>>, vector<1x16xf32>,
        %swap3A_1327 = vector.shape_cast %swap3A_1326 : vector<1x16xf32> to vector<16xf32>
        %swap3A_1328 = vector.shape_cast %add3A_1321 : vector<16xf32> to vector<1x16xf32>
        tpu.vector_store %arg15[%swap3A_1324, %swap3A_1325], %swap3A_1328 {strides = array<i32>} : memref<64x128xf32, #tpu.memory_space<vmem>>, vector<1x16xf32>,
        %add3A_1329 = arith.addf %get3A_1284, %get3A_925 : vector<16xf32>
        %add3A_1330 = arith.constant 1 : i32
        %add3A_1331 = arith.addi %mul3A_1161, %add3A_1330 : i32
        %swap3A_1332 = arith.index_cast %add3A_1331 : i32 to index
        %swap3A_1333 = arith.constant 16 : index
        %swap3A_1334 = tpu.vector_load %arg15[%swap3A_1332, %swap3A_1333] {strides = array<i32>} : memref<64x128xf32, #tpu.memory_space<vmem>>, vector<1x16xf32>,
        %swap3A_1335 = vector.shape_cast %swap3A_1334 : vector<1x16xf32> to vector<16xf32>
        %swap3A_1336 = vector.shape_cast %add3A_1329 : vector<16xf32> to vector<1x16xf32>
        tpu.vector_store %arg15[%swap3A_1332, %swap3A_1333], %swap3A_1336 {strides = array<i32>} : memref<64x128xf32, #tpu.memory_space<vmem>>, vector<1x16xf32>,
        %add3A_1337 = arith.addf %get3A_1290, %get3A_929 : vector<16xf32>
        %add3A_1338 = arith.constant 1 : i32
        %add3A_1339 = arith.addi %mul3A_1161, %add3A_1338 : i32
        %swap3A_1340 = arith.index_cast %add3A_1339 : i32 to index
        %swap3A_1341 = arith.constant 32 : index
        %swap3A_1342 = tpu.vector_load %arg15[%swap3A_1340, %swap3A_1341] {strides = array<i32>} : memref<64x128xf32, #tpu.memory_space<vmem>>, vector<1x16xf32>,
        %swap3A_1343 = vector.shape_cast %swap3A_1342 : vector<1x16xf32> to vector<16xf32>
        %swap3A_1344 = vector.shape_cast %add3A_1337 : vector<16xf32> to vector<1x16xf32>
        tpu.vector_store %arg15[%swap3A_1340, %swap3A_1341], %swap3A_1344 {strides = array<i32>} : memref<64x128xf32, #tpu.memory_space<vmem>>, vector<1x16xf32>,
        %add3A_1345 = arith.addf %get3A_1296, %get3A_933 : vector<16xf32>
        %add3A_1346 = arith.constant 1 : i32
        %add3A_1347 = arith.addi %mul3A_1161, %add3A_1346 : i32
        %swap3A_1348 = arith.index_cast %add3A_1347 : i32 to index
        %swap3A_1349 = arith.constant 48 : index
        %swap3A_1350 = tpu.vector_load %arg15[%swap3A_1348, %swap3A_1349] {strides = array<i32>} : memref<64x128xf32, #tpu.memory_space<vmem>>, vector<1x16xf32>,
        %swap3A_1351 = vector.shape_cast %swap3A_1350 : vector<1x16xf32> to vector<16xf32>
        %swap3A_1352 = vector.shape_cast %add3A_1345 : vector<16xf32> to vector<1x16xf32>
        tpu.vector_store %arg15[%swap3A_1348, %swap3A_1349], %swap3A_1352 {strides = array<i32>} : memref<64x128xf32, #tpu.memory_space<vmem>>, vector<1x16xf32>,
        %add3A_1353 = arith.addf %get3A_1302, %get3A_937 : vector<16xf32>
        %add3A_1354 = arith.constant 1 : i32
        %add3A_1355 = arith.addi %mul3A_1161, %add3A_1354 : i32
        %swap3A_1356 = arith.index_cast %add3A_1355 : i32 to index
        %swap3A_1357 = arith.constant 64 : index
        %swap3A_1358 = tpu.vector_load %arg15[%swap3A_1356, %swap3A_1357] {strides = array<i32>} : memref<64x128xf32, #tpu.memory_space<vmem>>, vector<1x16xf32>,
        %swap3A_1359 = vector.shape_cast %swap3A_1358 : vector<1x16xf32> to vector<16xf32>
        %swap3A_1360 = vector.shape_cast %add3A_1353 : vector<16xf32> to vector<1x16xf32>
        tpu.vector_store %arg15[%swap3A_1356, %swap3A_1357], %swap3A_1360 {strides = array<i32>} : memref<64x128xf32, #tpu.memory_space<vmem>>, vector<1x16xf32>,
        %add3A_1361 = arith.addf %get3A_1308, %get3A_941 : vector<16xf32>
        %add3A_1362 = arith.constant 1 : i32
        %add3A_1363 = arith.addi %mul3A_1161, %add3A_1362 : i32
        %swap3A_1364 = arith.index_cast %add3A_1363 : i32 to index
        %swap3A_1365 = arith.constant 80 : index
        %swap3A_1366 = tpu.vector_load %arg15[%swap3A_1364, %swap3A_1365] {strides = array<i32>} : memref<64x128xf32, #tpu.memory_space<vmem>>, vector<1x16xf32>,
        %swap3A_1367 = vector.shape_cast %swap3A_1366 : vector<1x16xf32> to vector<16xf32>
        %swap3A_1368 = vector.shape_cast %add3A_1361 : vector<16xf32> to vector<1x16xf32>
        tpu.vector_store %arg15[%swap3A_1364, %swap3A_1365], %swap3A_1368 {strides = array<i32>} : memref<64x128xf32, #tpu.memory_space<vmem>>, vector<1x16xf32>,
        %add3A_1369 = arith.addf %get3A_1314, %get3A_945 : vector<16xf32>
        %add3A_1370 = arith.constant 1 : i32
        %add3A_1371 = arith.addi %mul3A_1161, %add3A_1370 : i32
        %swap3A_1372 = arith.index_cast %add3A_1371 : i32 to index
        %swap3A_1373 = arith.constant 96 : index
        %swap3A_1374 = tpu.vector_load %arg15[%swap3A_1372, %swap3A_1373] {strides = array<i32>} : memref<64x128xf32, #tpu.memory_space<vmem>>, vector<1x16xf32>,
        %swap3A_1375 = vector.shape_cast %swap3A_1374 : vector<1x16xf32> to vector<16xf32>
        %swap3A_1376 = vector.shape_cast %add3A_1369 : vector<16xf32> to vector<1x16xf32>
        tpu.vector_store %arg15[%swap3A_1372, %swap3A_1373], %swap3A_1376 {strides = array<i32>} : memref<64x128xf32, #tpu.memory_space<vmem>>, vector<1x16xf32>,
        %add3A_1377 = arith.addf %get3A_1320, %get3A_949 : vector<16xf32>
        %add3A_1378 = arith.constant 1 : i32
        %add3A_1379 = arith.addi %mul3A_1161, %add3A_1378 : i32
        %swap3A_1380 = arith.index_cast %add3A_1379 : i32 to index
        %swap3A_1381 = arith.constant 112 : index
        %swap3A_1382 = tpu.vector_load %arg15[%swap3A_1380, %swap3A_1381] {strides = array<i32>} : memref<64x128xf32, #tpu.memory_space<vmem>>, vector<1x16xf32>,
        %swap3A_1383 = vector.shape_cast %swap3A_1382 : vector<1x16xf32> to vector<16xf32>
        %swap3A_1384 = vector.shape_cast %add3A_1377 : vector<16xf32> to vector<1x16xf32>
        tpu.vector_store %arg15[%swap3A_1380, %swap3A_1381], %swap3A_1384 {strides = array<i32>} : memref<64x128xf32, #tpu.memory_space<vmem>>, vector<1x16xf32>,
      }
      %scan3A_955 = arith.constant 32 : i32
      %ge3A_956 = arith.constant 4 : i32
      %ge3A_957 = arith.cmpi sge, %add3A_884, %ge3A_956 : i32
      %convert_element_type3A_958 = arith.extui %ge3A_957 : i1 to i32
      %cond3A_959 = arith.constant 0 : i32
      %cond3A_960 = arith.cmpi ne, %convert_element_type3A_958, %cond3A_959 : i32
      scf.if %cond3A_960 {
        %sub3A_1159 = arith.constant 4 : i32
        %sub3A_1160 = arith.subi %add3A_884, %sub3A_1159 : i32
        %dma_wait3A_1161 = arith.constant 0 : i32
        %dma_wait3A_1162 = tpu.memref_slice %arg8[%sub3A_1160, %dma_wait3A_1161] : memref<100x64xi32, #tpu.memory_space<vmem>> -> memref<1x64xi32, #tpu.memory_space<vmem>>
        %dma_wait3A_1163 = tpu.memref_squeeze %dma_wait3A_1162 : memref<1x64xi32, #tpu.memory_space<vmem>> -> memref<64xi32, #tpu.memory_space<vmem>>
        %dma_wait3A_1164 = arith.constant 0 : i32
        %dma_wait3A_1165 = arith.constant 0 : i32
        %dma_wait3A_1166 = tpu.memref_slice %arg6[%dma_wait3A_1164, %dma_wait3A_1165] : memref<204800x128xf32, #tpu.memory_space<hbm>> -> memref<204800x128xf32, #tpu.memory_space<hbm>>
        tpu.wait_indirect_dma semaphore(%arg27 : memref<!tpu.dma_semaphore, #tpu.memory_space<semaphore_mem>>) src(%arg11 : memref<64x128xf32, #tpu.memory_space<vmem>>) dst(%dma_wait3A_1166 : memref<204800x128xf32, #tpu.memory_space<hbm>>)
      } else {
      }
      %add3A_961 = arith.constant 4 : i32
      %add3A_962 = arith.addi %add3A_884, %add3A_961 : i32
      %dma_start3A_963 = arith.constant 0 : i32
      %dma_start3A_964 = tpu.memref_slice %arg7[%add3A_962, %dma_start3A_963] : memref<100x64xi32, #tpu.memory_space<vmem>> -> memref<1x64xi32, #tpu.memory_space<vmem>>
      %dma_start3A_965 = tpu.memref_squeeze %dma_start3A_964 : memref<1x64xi32, #tpu.memory_space<vmem>> -> memref<64xi32, #tpu.memory_space<vmem>>
      %dma_start3A_966 = arith.constant 0 : i32
      %dma_start3A_967 = arith.constant 0 : i32
      %dma_start3A_968 = tpu.memref_slice %arg3[%dma_start3A_966, %dma_start3A_967] : memref<100000x128xf32, #tpu.memory_space<hbm>> -> memref<100000x128xf32, #tpu.memory_space<hbm>>
      tpu.enqueue_indirect_dma source(%dma_start3A_968 : memref<100000x128xf32, #tpu.memory_space<hbm>>) target(%arg11 : memref<64x128xf32, #tpu.memory_space<vmem>>) offsets(%dma_start3A_965 : memref<64xi32, #tpu.memory_space<vmem>>) semaphore(%arg19 : memref<!tpu.dma_semaphore, #tpu.memory_space<semaphore_mem>>)
      %dma_start3A_969 = arith.constant 0 : i32
      %dma_start3A_970 = tpu.memref_slice %arg8[%add3A_884, %dma_start3A_969] : memref<100x64xi32, #tpu.memory_space<vmem>> -> memref<1x64xi32, #tpu.memory_space<vmem>>
      %dma_start3A_971 = tpu.memref_squeeze %dma_start3A_970 : memref<1x64xi32, #tpu.memory_space<vmem>> -> memref<64xi32, #tpu.memory_space<vmem>>
      %dma_start3A_972 = arith.constant 0 : i32
      %dma_start3A_973 = arith.constant 0 : i32
      %dma_start3A_974 = tpu.memref_slice %arg6[%dma_start3A_972, %dma_start3A_973] : memref<204800x128xf32, #tpu.memory_space<hbm>> -> memref<204800x128xf32, #tpu.memory_space<hbm>>
      tpu.enqueue_indirect_dma source(%arg15 : memref<64x128xf32, #tpu.memory_space<vmem>>) target(%dma_start3A_974 : memref<204800x128xf32, #tpu.memory_space<hbm>>) offsets(%dma_start3A_971 : memref<64xi32, #tpu.memory_space<vmem>>) semaphore(%arg31 : memref<!tpu.dma_semaphore, #tpu.memory_space<semaphore_mem>>)
      %add3A_975 = arith.constant 6 : i32
      %add3A_976 = arith.addi %mul3A_425, %add3A_975 : i32
      %dma_wait3A_977 = arith.constant 0 : i32
      %dma_wait3A_978 = arith.constant 0 : i32
      %dma_wait3A_979 = tpu.memref_slice %arg3[%dma_wait3A_977, %dma_wait3A_978] : memref<100000x128xf32, #tpu.memory_space<hbm>> -> memref<64x128xf32, #tpu.memory_space<hbm>>
      %dma_wait3A_980 = arith.constant 0 : i32
      %dma_wait3A_981 = arith.constant 0 : i32
      %dma_wait3A_982 = tpu.memref_slice %arg3[%dma_wait3A_980, %dma_wait3A_981] : memref<100000x128xf32, #tpu.memory_space<hbm>> -> memref<64x128xf32, #tpu.memory_space<hbm>>
      tpu.wait_dma2 semaphore(%arg24 : memref<!tpu.dma_semaphore, #tpu.memory_space<semaphore_mem>>) src(%dma_wait3A_982 : memref<64x128xf32, #tpu.memory_space<hbm>>) dst(%arg16 : memref<64x128xf32, #tpu.memory_space<vmem>>)
      %mul3A_983 = arith.constant 100 : i32
      %mul3A_984 = arith.muli %add3A, %mul3A_983 : i32
      %add3A_985 = arith.addi %mul3A_984, %add3A_976 : i32
      %jit3A_986 = arith.constant 16 : i32
      %div3A_987 = arith.divsi %add3A_985, %jit3A_986 : i32
      %sign3A_988 = arith.constant 0 : i32
      %sign3A_989 = arith.cmpi sgt, %add3A_985, %sign3A_988 : i32
      %sign3A_990 = arith.extui %sign3A_989 : i1 to i32
      %sign3A_991 = arith.constant 0 : i32
      %sign3A_992 = arith.cmpi slt, %add3A_985, %sign3A_991 : i32
      %sign3A_993 = arith.extui %sign3A_992 : i1 to i32
      %sign3A_994 = arith.subi %sign3A_990, %sign3A_993 : i32
      %sign3A_995 = arith.constant 0 : i32
      %sign3A_996 = arith.cmpi sgt, %jit3A_986, %sign3A_995 : i32
      %sign3A_997 = arith.extui %sign3A_996 : i1 to i32
      %sign3A_998 = arith.constant 0 : i32
      %sign3A_999 = arith.cmpi slt, %jit3A_986, %sign3A_998 : i32
      %sign3A_1000 = arith.extui %sign3A_999 : i1 to i32
      %sign3A_1001 = arith.subi %sign3A_997, %sign3A_1000 : i32
      %ne3A_1002 = arith.cmpi ne, %sign3A_994, %sign3A_1001 : i32
      %rem3A_1003 = arith.remsi %add3A_985, %jit3A_986 : i32
      %ne3A_1004 = arith.constant 0 : i32
      %ne3A_1005 = arith.cmpi ne, %rem3A_1003, %ne3A_1004 : i32
      %and3A_1006 = arith.andi %ne3A_1002, %ne3A_1005 : i1
      %sub3A_1007 = arith.constant 1 : i32
      %sub3A_1008 = arith.subi %div3A_987, %sub3A_1007 : i32
      %select_n3A_1009 = arith.select %and3A_1006, %sub3A_1008, %div3A_987 : i32
      %get3A_1010 = arith.index_cast %select_n3A_1009 : i32 to index
      %get3A_1011 = arith.constant 0 : index
      %get3A_1012 = tpu.vector_load %arg9[%get3A_1010, %get3A_1011] {strides = array<i32>} : memref<200x128xf32, #tpu.memory_space<vmem>>, vector<1x16xf32>,
      %get3A_1013 = vector.shape_cast %get3A_1012 : vector<1x16xf32> to vector<16xf32>
      %get3A_1014 = arith.index_cast %select_n3A_1009 : i32 to index
      %get3A_1015 = arith.constant 16 : index
      %get3A_1016 = tpu.vector_load %arg9[%get3A_1014, %get3A_1015] {strides = array<i32>} : memref<200x128xf32, #tpu.memory_space<vmem>>, vector<1x16xf32>,
      %get3A_1017 = vector.shape_cast %get3A_1016 : vector<1x16xf32> to vector<16xf32>
      %get3A_1018 = arith.index_cast %select_n3A_1009 : i32 to index
      %get3A_1019 = arith.constant 32 : index
      %get3A_1020 = tpu.vector_load %arg9[%get3A_1018, %get3A_1019] {strides = array<i32>} : memref<200x128xf32, #tpu.memory_space<vmem>>, vector<1x16xf32>,
      %get3A_1021 = vector.shape_cast %get3A_1020 : vector<1x16xf32> to vector<16xf32>
      %get3A_1022 = arith.index_cast %select_n3A_1009 : i32 to index
      %get3A_1023 = arith.constant 48 : index
      %get3A_1024 = tpu.vector_load %arg9[%get3A_1022, %get3A_1023] {strides = array<i32>} : memref<200x128xf32, #tpu.memory_space<vmem>>, vector<1x16xf32>,
      %get3A_1025 = vector.shape_cast %get3A_1024 : vector<1x16xf32> to vector<16xf32>
      %get3A_1026 = arith.index_cast %select_n3A_1009 : i32 to index
      %get3A_1027 = arith.constant 64 : index
      %get3A_1028 = tpu.vector_load %arg9[%get3A_1026, %get3A_1027] {strides = array<i32>} : memref<200x128xf32, #tpu.memory_space<vmem>>, vector<1x16xf32>,
      %get3A_1029 = vector.shape_cast %get3A_1028 : vector<1x16xf32> to vector<16xf32>
      %get3A_1030 = arith.index_cast %select_n3A_1009 : i32 to index
      %get3A_1031 = arith.constant 80 : index
      %get3A_1032 = tpu.vector_load %arg9[%get3A_1030, %get3A_1031] {strides = array<i32>} : memref<200x128xf32, #tpu.memory_space<vmem>>, vector<1x16xf32>,
      %get3A_1033 = vector.shape_cast %get3A_1032 : vector<1x16xf32> to vector<16xf32>
      %get3A_1034 = arith.index_cast %select_n3A_1009 : i32 to index
      %get3A_1035 = arith.constant 96 : index
      %get3A_1036 = tpu.vector_load %arg9[%get3A_1034, %get3A_1035] {strides = array<i32>} : memref<200x128xf32, #tpu.memory_space<vmem>>, vector<1x16xf32>,
      %get3A_1037 = vector.shape_cast %get3A_1036 : vector<1x16xf32> to vector<16xf32>
      %get3A_1038 = arith.index_cast %select_n3A_1009 : i32 to index
      %get3A_1039 = arith.constant 112 : index
      %get3A_1040 = tpu.vector_load %arg9[%get3A_1038, %get3A_1039] {strides = array<i32>} : memref<200x128xf32, #tpu.memory_space<vmem>>, vector<1x16xf32>,
      %get3A_1041 = vector.shape_cast %get3A_1040 : vector<1x16xf32> to vector<16xf32>
      %scan3A_1042 = arith.constant 0 : i32
      %scan3A_1043 = arith.constant 0 : i32
      %scan3A_1044 = arith.constant 32 : i32
      %scan3A_1045 = arith.addi %scan3A_1043, %scan3A_1044 : i32
      %scan3A_1046 = arith.constant 1 : i32
      scf.for %scan3A_1159 = %scan3A_1043 to %scan3A_1045 step %scan3A_1046  : i32 {
        %mul3A_1160 = arith.constant 2 : i32
        %mul3A_1161 = arith.muli %scan3A_1159, %mul3A_1160 : i32
        %add3A_1162 = arith.constant 0 : i32
        %add3A_1163 = arith.addi %mul3A_1161, %add3A_1162 : i32
        %get3A_1164 = arith.index_cast %add3A_1163 : i32 to index
        %get3A_1165 = arith.constant 0 : index
        %get3A_1166 = tpu.vector_load %arg16[%get3A_1164, %get3A_1165] {strides = array<i32>} : memref<64x128xf32, #tpu.memory_space<vmem>>, vector<1x16xf32>,
        %get3A_1167 = vector.shape_cast %get3A_1166 : vector<1x16xf32> to vector<16xf32>
        %add3A_1168 = arith.constant 0 : i32
        %add3A_1169 = arith.addi %mul3A_1161, %add3A_1168 : i32
        %get3A_1170 = arith.index_cast %add3A_1169 : i32 to index
        %get3A_1171 = arith.constant 16 : index
        %get3A_1172 = tpu.vector_load %arg16[%get3A_1170, %get3A_1171] {strides = array<i32>} : memref<64x128xf32, #tpu.memory_space<vmem>>, vector<1x16xf32>,
        %get3A_1173 = vector.shape_cast %get3A_1172 : vector<1x16xf32> to vector<16xf32>
        %add3A_1174 = arith.constant 0 : i32
        %add3A_1175 = arith.addi %mul3A_1161, %add3A_1174 : i32
        %get3A_1176 = arith.index_cast %add3A_1175 : i32 to index
        %get3A_1177 = arith.constant 32 : index
        %get3A_1178 = tpu.vector_load %arg16[%get3A_1176, %get3A_1177] {strides = array<i32>} : memref<64x128xf32, #tpu.memory_space<vmem>>, vector<1x16xf32>,
        %get3A_1179 = vector.shape_cast %get3A_1178 : vector<1x16xf32> to vector<16xf32>
        %add3A_1180 = arith.constant 0 : i32
        %add3A_1181 = arith.addi %mul3A_1161, %add3A_1180 : i32
        %get3A_1182 = arith.index_cast %add3A_1181 : i32 to index
        %get3A_1183 = arith.constant 48 : index
        %get3A_1184 = tpu.vector_load %arg16[%get3A_1182, %get3A_1183] {strides = array<i32>} : memref<64x128xf32, #tpu.memory_space<vmem>>, vector<1x16xf32>,
        %get3A_1185 = vector.shape_cast %get3A_1184 : vector<1x16xf32> to vector<16xf32>
        %add3A_1186 = arith.constant 0 : i32
        %add3A_1187 = arith.addi %mul3A_1161, %add3A_1186 : i32
        %get3A_1188 = arith.index_cast %add3A_1187 : i32 to index
        %get3A_1189 = arith.constant 64 : index
        %get3A_1190 = tpu.vector_load %arg16[%get3A_1188, %get3A_1189] {strides = array<i32>} : memref<64x128xf32, #tpu.memory_space<vmem>>, vector<1x16xf32>,
        %get3A_1191 = vector.shape_cast %get3A_1190 : vector<1x16xf32> to vector<16xf32>
        %add3A_1192 = arith.constant 0 : i32
        %add3A_1193 = arith.addi %mul3A_1161, %add3A_1192 : i32
        %get3A_1194 = arith.index_cast %add3A_1193 : i32 to index
        %get3A_1195 = arith.constant 80 : index
        %get3A_1196 = tpu.vector_load %arg16[%get3A_1194, %get3A_1195] {strides = array<i32>} : memref<64x128xf32, #tpu.memory_space<vmem>>, vector<1x16xf32>,
        %get3A_1197 = vector.shape_cast %get3A_1196 : vector<1x16xf32> to vector<16xf32>
        %add3A_1198 = arith.constant 0 : i32
        %add3A_1199 = arith.addi %mul3A_1161, %add3A_1198 : i32
        %get3A_1200 = arith.index_cast %add3A_1199 : i32 to index
        %get3A_1201 = arith.constant 96 : index
        %get3A_1202 = tpu.vector_load %arg16[%get3A_1200, %get3A_1201] {strides = array<i32>} : memref<64x128xf32, #tpu.memory_space<vmem>>, vector<1x16xf32>,
        %get3A_1203 = vector.shape_cast %get3A_1202 : vector<1x16xf32> to vector<16xf32>
        %add3A_1204 = arith.constant 0 : i32
        %add3A_1205 = arith.addi %mul3A_1161, %add3A_1204 : i32
        %get3A_1206 = arith.index_cast %add3A_1205 : i32 to index
        %get3A_1207 = arith.constant 112 : index
        %get3A_1208 = tpu.vector_load %arg16[%get3A_1206, %get3A_1207] {strides = array<i32>} : memref<64x128xf32, #tpu.memory_space<vmem>>, vector<1x16xf32>,
        %get3A_1209 = vector.shape_cast %get3A_1208 : vector<1x16xf32> to vector<16xf32>
        %add3A_1210 = arith.addf %get3A_1167, %get3A_1013 : vector<16xf32>
        %add3A_1211 = arith.constant 0 : i32
        %add3A_1212 = arith.addi %mul3A_1161, %add3A_1211 : i32
        %swap3A = arith.index_cast %add3A_1212 : i32 to index
        %swap3A_1213 = arith.constant 0 : index
        %swap3A_1214 = tpu.vector_load %arg16[%swap3A, %swap3A_1213] {strides = array<i32>} : memref<64x128xf32, #tpu.memory_space<vmem>>, vector<1x16xf32>,
        %swap3A_1215 = vector.shape_cast %swap3A_1214 : vector<1x16xf32> to vector<16xf32>
        %swap3A_1216 = vector.shape_cast %add3A_1210 : vector<16xf32> to vector<1x16xf32>
        tpu.vector_store %arg16[%swap3A, %swap3A_1213], %swap3A_1216 {strides = array<i32>} : memref<64x128xf32, #tpu.memory_space<vmem>>, vector<1x16xf32>,
        %add3A_1217 = arith.addf %get3A_1173, %get3A_1017 : vector<16xf32>
        %add3A_1218 = arith.constant 0 : i32
        %add3A_1219 = arith.addi %mul3A_1161, %add3A_1218 : i32
        %swap3A_1220 = arith.index_cast %add3A_1219 : i32 to index
        %swap3A_1221 = arith.constant 16 : index
        %swap3A_1222 = tpu.vector_load %arg16[%swap3A_1220, %swap3A_1221] {strides = array<i32>} : memref<64x128xf32, #tpu.memory_space<vmem>>, vector<1x16xf32>,
        %swap3A_1223 = vector.shape_cast %swap3A_1222 : vector<1x16xf32> to vector<16xf32>
        %swap3A_1224 = vector.shape_cast %add3A_1217 : vector<16xf32> to vector<1x16xf32>
        tpu.vector_store %arg16[%swap3A_1220, %swap3A_1221], %swap3A_1224 {strides = array<i32>} : memref<64x128xf32, #tpu.memory_space<vmem>>, vector<1x16xf32>,
        %add3A_1225 = arith.addf %get3A_1179, %get3A_1021 : vector<16xf32>
        %add3A_1226 = arith.constant 0 : i32
        %add3A_1227 = arith.addi %mul3A_1161, %add3A_1226 : i32
        %swap3A_1228 = arith.index_cast %add3A_1227 : i32 to index
        %swap3A_1229 = arith.constant 32 : index
        %swap3A_1230 = tpu.vector_load %arg16[%swap3A_1228, %swap3A_1229] {strides = array<i32>} : memref<64x128xf32, #tpu.memory_space<vmem>>, vector<1x16xf32>,
        %swap3A_1231 = vector.shape_cast %swap3A_1230 : vector<1x16xf32> to vector<16xf32>
        %swap3A_1232 = vector.shape_cast %add3A_1225 : vector<16xf32> to vector<1x16xf32>
        tpu.vector_store %arg16[%swap3A_1228, %swap3A_1229], %swap3A_1232 {strides = array<i32>} : memref<64x128xf32, #tpu.memory_space<vmem>>, vector<1x16xf32>,
        %add3A_1233 = arith.addf %get3A_1185, %get3A_1025 : vector<16xf32>
        %add3A_1234 = arith.constant 0 : i32
        %add3A_1235 = arith.addi %mul3A_1161, %add3A_1234 : i32
        %swap3A_1236 = arith.index_cast %add3A_1235 : i32 to index
        %swap3A_1237 = arith.constant 48 : index
        %swap3A_1238 = tpu.vector_load %arg16[%swap3A_1236, %swap3A_1237] {strides = array<i32>} : memref<64x128xf32, #tpu.memory_space<vmem>>, vector<1x16xf32>,
        %swap3A_1239 = vector.shape_cast %swap3A_1238 : vector<1x16xf32> to vector<16xf32>
        %swap3A_1240 = vector.shape_cast %add3A_1233 : vector<16xf32> to vector<1x16xf32>
        tpu.vector_store %arg16[%swap3A_1236, %swap3A_1237], %swap3A_1240 {strides = array<i32>} : memref<64x128xf32, #tpu.memory_space<vmem>>, vector<1x16xf32>,
        %add3A_1241 = arith.addf %get3A_1191, %get3A_1029 : vector<16xf32>
        %add3A_1242 = arith.constant 0 : i32
        %add3A_1243 = arith.addi %mul3A_1161, %add3A_1242 : i32
        %swap3A_1244 = arith.index_cast %add3A_1243 : i32 to index
        %swap3A_1245 = arith.constant 64 : index
        %swap3A_1246 = tpu.vector_load %arg16[%swap3A_1244, %swap3A_1245] {strides = array<i32>} : memref<64x128xf32, #tpu.memory_space<vmem>>, vector<1x16xf32>,
        %swap3A_1247 = vector.shape_cast %swap3A_1246 : vector<1x16xf32> to vector<16xf32>
        %swap3A_1248 = vector.shape_cast %add3A_1241 : vector<16xf32> to vector<1x16xf32>
        tpu.vector_store %arg16[%swap3A_1244, %swap3A_1245], %swap3A_1248 {strides = array<i32>} : memref<64x128xf32, #tpu.memory_space<vmem>>, vector<1x16xf32>,
        %add3A_1249 = arith.addf %get3A_1197, %get3A_1033 : vector<16xf32>
        %add3A_1250 = arith.constant 0 : i32
        %add3A_1251 = arith.addi %mul3A_1161, %add3A_1250 : i32
        %swap3A_1252 = arith.index_cast %add3A_1251 : i32 to index
        %swap3A_1253 = arith.constant 80 : index
        %swap3A_1254 = tpu.vector_load %arg16[%swap3A_1252, %swap3A_1253] {strides = array<i32>} : memref<64x128xf32, #tpu.memory_space<vmem>>, vector<1x16xf32>,
        %swap3A_1255 = vector.shape_cast %swap3A_1254 : vector<1x16xf32> to vector<16xf32>
        %swap3A_1256 = vector.shape_cast %add3A_1249 : vector<16xf32> to vector<1x16xf32>
        tpu.vector_store %arg16[%swap3A_1252, %swap3A_1253], %swap3A_1256 {strides = array<i32>} : memref<64x128xf32, #tpu.memory_space<vmem>>, vector<1x16xf32>,
        %add3A_1257 = arith.addf %get3A_1203, %get3A_1037 : vector<16xf32>
        %add3A_1258 = arith.constant 0 : i32
        %add3A_1259 = arith.addi %mul3A_1161, %add3A_1258 : i32
        %swap3A_1260 = arith.index_cast %add3A_1259 : i32 to index
        %swap3A_1261 = arith.constant 96 : index
        %swap3A_1262 = tpu.vector_load %arg16[%swap3A_1260, %swap3A_1261] {strides = array<i32>} : memref<64x128xf32, #tpu.memory_space<vmem>>, vector<1x16xf32>,
        %swap3A_1263 = vector.shape_cast %swap3A_1262 : vector<1x16xf32> to vector<16xf32>
        %swap3A_1264 = vector.shape_cast %add3A_1257 : vector<16xf32> to vector<1x16xf32>
        tpu.vector_store %arg16[%swap3A_1260, %swap3A_1261], %swap3A_1264 {strides = array<i32>} : memref<64x128xf32, #tpu.memory_space<vmem>>, vector<1x16xf32>,
        %add3A_1265 = arith.addf %get3A_1209, %get3A_1041 : vector<16xf32>
        %add3A_1266 = arith.constant 0 : i32
        %add3A_1267 = arith.addi %mul3A_1161, %add3A_1266 : i32
        %swap3A_1268 = arith.index_cast %add3A_1267 : i32 to index
        %swap3A_1269 = arith.constant 112 : index
        %swap3A_1270 = tpu.vector_load %arg16[%swap3A_1268, %swap3A_1269] {strides = array<i32>} : memref<64x128xf32, #tpu.memory_space<vmem>>, vector<1x16xf32>,
        %swap3A_1271 = vector.shape_cast %swap3A_1270 : vector<1x16xf32> to vector<16xf32>
        %swap3A_1272 = vector.shape_cast %add3A_1265 : vector<16xf32> to vector<1x16xf32>
        tpu.vector_store %arg16[%swap3A_1268, %swap3A_1269], %swap3A_1272 {strides = array<i32>} : memref<64x128xf32, #tpu.memory_space<vmem>>, vector<1x16xf32>,
        %add3A_1273 = arith.constant 1 : i32
        %add3A_1274 = arith.addi %mul3A_1161, %add3A_1273 : i32
        %get3A_1275 = arith.index_cast %add3A_1274 : i32 to index
        %get3A_1276 = arith.constant 0 : index
        %get3A_1277 = tpu.vector_load %arg16[%get3A_1275, %get3A_1276] {strides = array<i32>} : memref<64x128xf32, #tpu.memory_space<vmem>>, vector<1x16xf32>,
        %get3A_1278 = vector.shape_cast %get3A_1277 : vector<1x16xf32> to vector<16xf32>
        %add3A_1279 = arith.constant 1 : i32
        %add3A_1280 = arith.addi %mul3A_1161, %add3A_1279 : i32
        %get3A_1281 = arith.index_cast %add3A_1280 : i32 to index
        %get3A_1282 = arith.constant 16 : index
        %get3A_1283 = tpu.vector_load %arg16[%get3A_1281, %get3A_1282] {strides = array<i32>} : memref<64x128xf32, #tpu.memory_space<vmem>>, vector<1x16xf32>,
        %get3A_1284 = vector.shape_cast %get3A_1283 : vector<1x16xf32> to vector<16xf32>
        %add3A_1285 = arith.constant 1 : i32
        %add3A_1286 = arith.addi %mul3A_1161, %add3A_1285 : i32
        %get3A_1287 = arith.index_cast %add3A_1286 : i32 to index
        %get3A_1288 = arith.constant 32 : index
        %get3A_1289 = tpu.vector_load %arg16[%get3A_1287, %get3A_1288] {strides = array<i32>} : memref<64x128xf32, #tpu.memory_space<vmem>>, vector<1x16xf32>,
        %get3A_1290 = vector.shape_cast %get3A_1289 : vector<1x16xf32> to vector<16xf32>
        %add3A_1291 = arith.constant 1 : i32
        %add3A_1292 = arith.addi %mul3A_1161, %add3A_1291 : i32
        %get3A_1293 = arith.index_cast %add3A_1292 : i32 to index
        %get3A_1294 = arith.constant 48 : index
        %get3A_1295 = tpu.vector_load %arg16[%get3A_1293, %get3A_1294] {strides = array<i32>} : memref<64x128xf32, #tpu.memory_space<vmem>>, vector<1x16xf32>,
        %get3A_1296 = vector.shape_cast %get3A_1295 : vector<1x16xf32> to vector<16xf32>
        %add3A_1297 = arith.constant 1 : i32
        %add3A_1298 = arith.addi %mul3A_1161, %add3A_1297 : i32
        %get3A_1299 = arith.index_cast %add3A_1298 : i32 to index
        %get3A_1300 = arith.constant 64 : index
        %get3A_1301 = tpu.vector_load %arg16[%get3A_1299, %get3A_1300] {strides = array<i32>} : memref<64x128xf32, #tpu.memory_space<vmem>>, vector<1x16xf32>,
        %get3A_1302 = vector.shape_cast %get3A_1301 : vector<1x16xf32> to vector<16xf32>
        %add3A_1303 = arith.constant 1 : i32
        %add3A_1304 = arith.addi %mul3A_1161, %add3A_1303 : i32
        %get3A_1305 = arith.index_cast %add3A_1304 : i32 to index
        %get3A_1306 = arith.constant 80 : index
        %get3A_1307 = tpu.vector_load %arg16[%get3A_1305, %get3A_1306] {strides = array<i32>} : memref<64x128xf32, #tpu.memory_space<vmem>>, vector<1x16xf32>,
        %get3A_1308 = vector.shape_cast %get3A_1307 : vector<1x16xf32> to vector<16xf32>
        %add3A_1309 = arith.constant 1 : i32
        %add3A_1310 = arith.addi %mul3A_1161, %add3A_1309 : i32
        %get3A_1311 = arith.index_cast %add3A_1310 : i32 to index
        %get3A_1312 = arith.constant 96 : index
        %get3A_1313 = tpu.vector_load %arg16[%get3A_1311, %get3A_1312] {strides = array<i32>} : memref<64x128xf32, #tpu.memory_space<vmem>>, vector<1x16xf32>,
        %get3A_1314 = vector.shape_cast %get3A_1313 : vector<1x16xf32> to vector<16xf32>
        %add3A_1315 = arith.constant 1 : i32
        %add3A_1316 = arith.addi %mul3A_1161, %add3A_1315 : i32
        %get3A_1317 = arith.index_cast %add3A_1316 : i32 to index
        %get3A_1318 = arith.constant 112 : index
        %get3A_1319 = tpu.vector_load %arg16[%get3A_1317, %get3A_1318] {strides = array<i32>} : memref<64x128xf32, #tpu.memory_space<vmem>>, vector<1x16xf32>,
        %get3A_1320 = vector.shape_cast %get3A_1319 : vector<1x16xf32> to vector<16xf32>
        %add3A_1321 = arith.addf %get3A_1278, %get3A_1013 : vector<16xf32>
        %add3A_1322 = arith.constant 1 : i32
        %add3A_1323 = arith.addi %mul3A_1161, %add3A_1322 : i32
        %swap3A_1324 = arith.index_cast %add3A_1323 : i32 to index
        %swap3A_1325 = arith.constant 0 : index
        %swap3A_1326 = tpu.vector_load %arg16[%swap3A_1324, %swap3A_1325] {strides = array<i32>} : memref<64x128xf32, #tpu.memory_space<vmem>>, vector<1x16xf32>,
        %swap3A_1327 = vector.shape_cast %swap3A_1326 : vector<1x16xf32> to vector<16xf32>
        %swap3A_1328 = vector.shape_cast %add3A_1321 : vector<16xf32> to vector<1x16xf32>
        tpu.vector_store %arg16[%swap3A_1324, %swap3A_1325], %swap3A_1328 {strides = array<i32>} : memref<64x128xf32, #tpu.memory_space<vmem>>, vector<1x16xf32>,
        %add3A_1329 = arith.addf %get3A_1284, %get3A_1017 : vector<16xf32>
        %add3A_1330 = arith.constant 1 : i32
        %add3A_1331 = arith.addi %mul3A_1161, %add3A_1330 : i32
        %swap3A_1332 = arith.index_cast %add3A_1331 : i32 to index
        %swap3A_1333 = arith.constant 16 : index
        %swap3A_1334 = tpu.vector_load %arg16[%swap3A_1332, %swap3A_1333] {strides = array<i32>} : memref<64x128xf32, #tpu.memory_space<vmem>>, vector<1x16xf32>,
        %swap3A_1335 = vector.shape_cast %swap3A_1334 : vector<1x16xf32> to vector<16xf32>
        %swap3A_1336 = vector.shape_cast %add3A_1329 : vector<16xf32> to vector<1x16xf32>
        tpu.vector_store %arg16[%swap3A_1332, %swap3A_1333], %swap3A_1336 {strides = array<i32>} : memref<64x128xf32, #tpu.memory_space<vmem>>, vector<1x16xf32>,
        %add3A_1337 = arith.addf %get3A_1290, %get3A_1021 : vector<16xf32>
        %add3A_1338 = arith.constant 1 : i32
        %add3A_1339 = arith.addi %mul3A_1161, %add3A_1338 : i32
        %swap3A_1340 = arith.index_cast %add3A_1339 : i32 to index
        %swap3A_1341 = arith.constant 32 : index
        %swap3A_1342 = tpu.vector_load %arg16[%swap3A_1340, %swap3A_1341] {strides = array<i32>} : memref<64x128xf32, #tpu.memory_space<vmem>>, vector<1x16xf32>,
        %swap3A_1343 = vector.shape_cast %swap3A_1342 : vector<1x16xf32> to vector<16xf32>
        %swap3A_1344 = vector.shape_cast %add3A_1337 : vector<16xf32> to vector<1x16xf32>
        tpu.vector_store %arg16[%swap3A_1340, %swap3A_1341], %swap3A_1344 {strides = array<i32>} : memref<64x128xf32, #tpu.memory_space<vmem>>, vector<1x16xf32>,
        %add3A_1345 = arith.addf %get3A_1296, %get3A_1025 : vector<16xf32>
        %add3A_1346 = arith.constant 1 : i32
        %add3A_1347 = arith.addi %mul3A_1161, %add3A_1346 : i32
        %swap3A_1348 = arith.index_cast %add3A_1347 : i32 to index
        %swap3A_1349 = arith.constant 48 : index
        %swap3A_1350 = tpu.vector_load %arg16[%swap3A_1348, %swap3A_1349] {strides = array<i32>} : memref<64x128xf32, #tpu.memory_space<vmem>>, vector<1x16xf32>,
        %swap3A_1351 = vector.shape_cast %swap3A_1350 : vector<1x16xf32> to vector<16xf32>
        %swap3A_1352 = vector.shape_cast %add3A_1345 : vector<16xf32> to vector<1x16xf32>
        tpu.vector_store %arg16[%swap3A_1348, %swap3A_1349], %swap3A_1352 {strides = array<i32>} : memref<64x128xf32, #tpu.memory_space<vmem>>, vector<1x16xf32>,
        %add3A_1353 = arith.addf %get3A_1302, %get3A_1029 : vector<16xf32>
        %add3A_1354 = arith.constant 1 : i32
        %add3A_1355 = arith.addi %mul3A_1161, %add3A_1354 : i32
        %swap3A_1356 = arith.index_cast %add3A_1355 : i32 to index
        %swap3A_1357 = arith.constant 64 : index
        %swap3A_1358 = tpu.vector_load %arg16[%swap3A_1356, %swap3A_1357] {strides = array<i32>} : memref<64x128xf32, #tpu.memory_space<vmem>>, vector<1x16xf32>,
        %swap3A_1359 = vector.shape_cast %swap3A_1358 : vector<1x16xf32> to vector<16xf32>
        %swap3A_1360 = vector.shape_cast %add3A_1353 : vector<16xf32> to vector<1x16xf32>
        tpu.vector_store %arg16[%swap3A_1356, %swap3A_1357], %swap3A_1360 {strides = array<i32>} : memref<64x128xf32, #tpu.memory_space<vmem>>, vector<1x16xf32>,
        %add3A_1361 = arith.addf %get3A_1308, %get3A_1033 : vector<16xf32>
        %add3A_1362 = arith.constant 1 : i32
        %add3A_1363 = arith.addi %mul3A_1161, %add3A_1362 : i32
        %swap3A_1364 = arith.index_cast %add3A_1363 : i32 to index
        %swap3A_1365 = arith.constant 80 : index
        %swap3A_1366 = tpu.vector_load %arg16[%swap3A_1364, %swap3A_1365] {strides = array<i32>} : memref<64x128xf32, #tpu.memory_space<vmem>>, vector<1x16xf32>,
        %swap3A_1367 = vector.shape_cast %swap3A_1366 : vector<1x16xf32> to vector<16xf32>
        %swap3A_1368 = vector.shape_cast %add3A_1361 : vector<16xf32> to vector<1x16xf32>
        tpu.vector_store %arg16[%swap3A_1364, %swap3A_1365], %swap3A_1368 {strides = array<i32>} : memref<64x128xf32, #tpu.memory_space<vmem>>, vector<1x16xf32>,
        %add3A_1369 = arith.addf %get3A_1314, %get3A_1037 : vector<16xf32>
        %add3A_1370 = arith.constant 1 : i32
        %add3A_1371 = arith.addi %mul3A_1161, %add3A_1370 : i32
        %swap3A_1372 = arith.index_cast %add3A_1371 : i32 to index
        %swap3A_1373 = arith.constant 96 : index
        %swap3A_1374 = tpu.vector_load %arg16[%swap3A_1372, %swap3A_1373] {strides = array<i32>} : memref<64x128xf32, #tpu.memory_space<vmem>>, vector<1x16xf32>,
        %swap3A_1375 = vector.shape_cast %swap3A_1374 : vector<1x16xf32> to vector<16xf32>
        %swap3A_1376 = vector.shape_cast %add3A_1369 : vector<16xf32> to vector<1x16xf32>
        tpu.vector_store %arg16[%swap3A_1372, %swap3A_1373], %swap3A_1376 {strides = array<i32>} : memref<64x128xf32, #tpu.memory_space<vmem>>, vector<1x16xf32>,
        %add3A_1377 = arith.addf %get3A_1320, %get3A_1041 : vector<16xf32>
        %add3A_1378 = arith.constant 1 : i32
        %add3A_1379 = arith.addi %mul3A_1161, %add3A_1378 : i32
        %swap3A_1380 = arith.index_cast %add3A_1379 : i32 to index
        %swap3A_1381 = arith.constant 112 : index
        %swap3A_1382 = tpu.vector_load %arg16[%swap3A_1380, %swap3A_1381] {strides = array<i32>} : memref<64x128xf32, #tpu.memory_space<vmem>>, vector<1x16xf32>,
        %swap3A_1383 = vector.shape_cast %swap3A_1382 : vector<1x16xf32> to vector<16xf32>
        %swap3A_1384 = vector.shape_cast %add3A_1377 : vector<16xf32> to vector<1x16xf32>
        tpu.vector_store %arg16[%swap3A_1380, %swap3A_1381], %swap3A_1384 {strides = array<i32>} : memref<64x128xf32, #tpu.memory_space<vmem>>, vector<1x16xf32>,
      }
      %scan3A_1047 = arith.constant 32 : i32
      %ge3A_1048 = arith.constant 4 : i32
      %ge3A_1049 = arith.cmpi sge, %add3A_976, %ge3A_1048 : i32
      %convert_element_type3A_1050 = arith.extui %ge3A_1049 : i1 to i32
      %cond3A_1051 = arith.constant 0 : i32
      %cond3A_1052 = arith.cmpi ne, %convert_element_type3A_1050, %cond3A_1051 : i32
      scf.if %cond3A_1052 {
        %sub3A_1159 = arith.constant 4 : i32
        %sub3A_1160 = arith.subi %add3A_976, %sub3A_1159 : i32
        %dma_wait3A_1161 = arith.constant 0 : i32
        %dma_wait3A_1162 = tpu.memref_slice %arg8[%sub3A_1160, %dma_wait3A_1161] : memref<100x64xi32, #tpu.memory_space<vmem>> -> memref<1x64xi32, #tpu.memory_space<vmem>>
        %dma_wait3A_1163 = tpu.memref_squeeze %dma_wait3A_1162 : memref<1x64xi32, #tpu.memory_space<vmem>> -> memref<64xi32, #tpu.memory_space<vmem>>
        %dma_wait3A_1164 = arith.constant 0 : i32
        %dma_wait3A_1165 = arith.constant 0 : i32
        %dma_wait3A_1166 = tpu.memref_slice %arg6[%dma_wait3A_1164, %dma_wait3A_1165] : memref<204800x128xf32, #tpu.memory_space<hbm>> -> memref<204800x128xf32, #tpu.memory_space<hbm>>
        tpu.wait_indirect_dma semaphore(%arg28 : memref<!tpu.dma_semaphore, #tpu.memory_space<semaphore_mem>>) src(%arg12 : memref<64x128xf32, #tpu.memory_space<vmem>>) dst(%dma_wait3A_1166 : memref<204800x128xf32, #tpu.memory_space<hbm>>)
      } else {
      }
      %add3A_1053 = arith.constant 4 : i32
      %add3A_1054 = arith.addi %add3A_976, %add3A_1053 : i32
      %dma_start3A_1055 = arith.constant 0 : i32
      %dma_start3A_1056 = tpu.memref_slice %arg7[%add3A_1054, %dma_start3A_1055] : memref<100x64xi32, #tpu.memory_space<vmem>> -> memref<1x64xi32, #tpu.memory_space<vmem>>
      %dma_start3A_1057 = tpu.memref_squeeze %dma_start3A_1056 : memref<1x64xi32, #tpu.memory_space<vmem>> -> memref<64xi32, #tpu.memory_space<vmem>>
      %dma_start3A_1058 = arith.constant 0 : i32
      %dma_start3A_1059 = arith.constant 0 : i32
      %dma_start3A_1060 = tpu.memref_slice %arg3[%dma_start3A_1058, %dma_start3A_1059] : memref<100000x128xf32, #tpu.memory_space<hbm>> -> memref<100000x128xf32, #tpu.memory_space<hbm>>
      tpu.enqueue_indirect_dma source(%dma_start3A_1060 : memref<100000x128xf32, #tpu.memory_space<hbm>>) target(%arg12 : memref<64x128xf32, #tpu.memory_space<vmem>>) offsets(%dma_start3A_1057 : memref<64xi32, #tpu.memory_space<vmem>>) semaphore(%arg20 : memref<!tpu.dma_semaphore, #tpu.memory_space<semaphore_mem>>)
      %dma_start3A_1061 = arith.constant 0 : i32
      %dma_start3A_1062 = tpu.memref_slice %arg8[%add3A_976, %dma_start3A_1061] : memref<100x64xi32, #tpu.memory_space<vmem>> -> memref<1x64xi32, #tpu.memory_space<vmem>>
      %dma_start3A_1063 = tpu.memref_squeeze %dma_start3A_1062 : memref<1x64xi32, #tpu.memory_space<vmem>> -> memref<64xi32, #tpu.memory_space<vmem>>
      %dma_start3A_1064 = arith.constant 0 : i32
      %dma_start3A_1065 = arith.constant 0 : i32
      %dma_start3A_1066 = tpu.memref_slice %arg6[%dma_start3A_1064, %dma_start3A_1065] : memref<204800x128xf32, #tpu.memory_space<hbm>> -> memref<204800x128xf32, #tpu.memory_space<hbm>>
      tpu.enqueue_indirect_dma source(%arg16 : memref<64x128xf32, #tpu.memory_space<vmem>>) target(%dma_start3A_1066 : memref<204800x128xf32, #tpu.memory_space<hbm>>) offsets(%dma_start3A_1063 : memref<64xi32, #tpu.memory_space<vmem>>) semaphore(%arg32 : memref<!tpu.dma_semaphore, #tpu.memory_space<semaphore_mem>>)
      %add3A_1067 = arith.constant 7 : i32
      %add3A_1068 = arith.addi %mul3A_425, %add3A_1067 : i32
      %dma_wait3A_1069 = arith.constant 0 : i32
      %dma_wait3A_1070 = arith.constant 0 : i32
      %dma_wait3A_1071 = tpu.memref_slice %arg3[%dma_wait3A_1069, %dma_wait3A_1070] : memref<100000x128xf32, #tpu.memory_space<hbm>> -> memref<64x128xf32, #tpu.memory_space<hbm>>
      %dma_wait3A_1072 = arith.constant 0 : i32
      %dma_wait3A_1073 = arith.constant 0 : i32
      %dma_wait3A_1074 = tpu.memref_slice %arg3[%dma_wait3A_1072, %dma_wait3A_1073] : memref<100000x128xf32, #tpu.memory_space<hbm>> -> memref<64x128xf32, #tpu.memory_space<hbm>>
      tpu.wait_dma2 semaphore(%arg25 : memref<!tpu.dma_semaphore, #tpu.memory_space<semaphore_mem>>) src(%dma_wait3A_1074 : memref<64x128xf32, #tpu.memory_space<hbm>>) dst(%arg17 : memref<64x128xf32, #tpu.memory_space<vmem>>)
      %mul3A_1075 = arith.constant 100 : i32
      %mul3A_1076 = arith.muli %add3A, %mul3A_1075 : i32
      %add3A_1077 = arith.addi %mul3A_1076, %add3A_1068 : i32
      %jit3A_1078 = arith.constant 16 : i32
      %div3A_1079 = arith.divsi %add3A_1077, %jit3A_1078 : i32
      %sign3A_1080 = arith.constant 0 : i32
      %sign3A_1081 = arith.cmpi sgt, %add3A_1077, %sign3A_1080 : i32
      %sign3A_1082 = arith.extui %sign3A_1081 : i1 to i32
      %sign3A_1083 = arith.constant 0 : i32
      %sign3A_1084 = arith.cmpi slt, %add3A_1077, %sign3A_1083 : i32
      %sign3A_1085 = arith.extui %sign3A_1084 : i1 to i32
      %sign3A_1086 = arith.subi %sign3A_1082, %sign3A_1085 : i32
      %sign3A_1087 = arith.constant 0 : i32
      %sign3A_1088 = arith.cmpi sgt, %jit3A_1078, %sign3A_1087 : i32
      %sign3A_1089 = arith.extui %sign3A_1088 : i1 to i32
      %sign3A_1090 = arith.constant 0 : i32
      %sign3A_1091 = arith.cmpi slt, %jit3A_1078, %sign3A_1090 : i32
      %sign3A_1092 = arith.extui %sign3A_1091 : i1 to i32
      %sign3A_1093 = arith.subi %sign3A_1089, %sign3A_1092 : i32
      %ne3A_1094 = arith.cmpi ne, %sign3A_1086, %sign3A_1093 : i32
      %rem3A_1095 = arith.remsi %add3A_1077, %jit3A_1078 : i32
      %ne3A_1096 = arith.constant 0 : i32
      %ne3A_1097 = arith.cmpi ne, %rem3A_1095, %ne3A_1096 : i32
      %and3A_1098 = arith.andi %ne3A_1094, %ne3A_1097 : i1
      %sub3A_1099 = arith.constant 1 : i32
      %sub3A_1100 = arith.subi %div3A_1079, %sub3A_1099 : i32
      %select_n3A_1101 = arith.select %and3A_1098, %sub3A_1100, %div3A_1079 : i32
      %get3A_1102 = arith.index_cast %select_n3A_1101 : i32 to index
      %get3A_1103 = arith.constant 0 : index
      %get3A_1104 = tpu.vector_load %arg9[%get3A_1102, %get3A_1103] {strides = array<i32>} : memref<200x128xf32, #tpu.memory_space<vmem>>, vector<1x16xf32>,
      %get3A_1105 = vector.shape_cast %get3A_1104 : vector<1x16xf32> to vector<16xf32>
      %get3A_1106 = arith.index_cast %select_n3A_1101 : i32 to index
      %get3A_1107 = arith.constant 16 : index
      %get3A_1108 = tpu.vector_load %arg9[%get3A_1106, %get3A_1107] {strides = array<i32>} : memref<200x128xf32, #tpu.memory_space<vmem>>, vector<1x16xf32>,
      %get3A_1109 = vector.shape_cast %get3A_1108 : vector<1x16xf32> to vector<16xf32>
      %get3A_1110 = arith.index_cast %select_n3A_1101 : i32 to index
      %get3A_1111 = arith.constant 32 : index
      %get3A_1112 = tpu.vector_load %arg9[%get3A_1110, %get3A_1111] {strides = array<i32>} : memref<200x128xf32, #tpu.memory_space<vmem>>, vector<1x16xf32>,
      %get3A_1113 = vector.shape_cast %get3A_1112 : vector<1x16xf32> to vector<16xf32>
      %get3A_1114 = arith.index_cast %select_n3A_1101 : i32 to index
      %get3A_1115 = arith.constant 48 : index
      %get3A_1116 = tpu.vector_load %arg9[%get3A_1114, %get3A_1115] {strides = array<i32>} : memref<200x128xf32, #tpu.memory_space<vmem>>, vector<1x16xf32>,
      %get3A_1117 = vector.shape_cast %get3A_1116 : vector<1x16xf32> to vector<16xf32>
      %get3A_1118 = arith.index_cast %select_n3A_1101 : i32 to index
      %get3A_1119 = arith.constant 64 : index
      %get3A_1120 = tpu.vector_load %arg9[%get3A_1118, %get3A_1119] {strides = array<i32>} : memref<200x128xf32, #tpu.memory_space<vmem>>, vector<1x16xf32>,
      %get3A_1121 = vector.shape_cast %get3A_1120 : vector<1x16xf32> to vector<16xf32>
      %get3A_1122 = arith.index_cast %select_n3A_1101 : i32 to index
      %get3A_1123 = arith.constant 80 : index
      %get3A_1124 = tpu.vector_load %arg9[%get3A_1122, %get3A_1123] {strides = array<i32>} : memref<200x128xf32, #tpu.memory_space<vmem>>, vector<1x16xf32>,
      %get3A_1125 = vector.shape_cast %get3A_1124 : vector<1x16xf32> to vector<16xf32>
      %get3A_1126 = arith.index_cast %select_n3A_1101 : i32 to index
      %get3A_1127 = arith.constant 96 : index
      %get3A_1128 = tpu.vector_load %arg9[%get3A_1126, %get3A_1127] {strides = array<i32>} : memref<200x128xf32, #tpu.memory_space<vmem>>, vector<1x16xf32>,
      %get3A_1129 = vector.shape_cast %get3A_1128 : vector<1x16xf32> to vector<16xf32>
      %get3A_1130 = arith.index_cast %select_n3A_1101 : i32 to index
      %get3A_1131 = arith.constant 112 : index
      %get3A_1132 = tpu.vector_load %arg9[%get3A_1130, %get3A_1131] {strides = array<i32>} : memref<200x128xf32, #tpu.memory_space<vmem>>, vector<1x16xf32>,
      %get3A_1133 = vector.shape_cast %get3A_1132 : vector<1x16xf32> to vector<16xf32>
      %scan3A_1134 = arith.constant 0 : i32
      %scan3A_1135 = arith.constant 0 : i32
      %scan3A_1136 = arith.constant 32 : i32
      %scan3A_1137 = arith.addi %scan3A_1135, %scan3A_1136 : i32
      %scan3A_1138 = arith.constant 1 : i32
      scf.for %scan3A_1159 = %scan3A_1135 to %scan3A_1137 step %scan3A_1138  : i32 {
        %mul3A_1160 = arith.constant 2 : i32
        %mul3A_1161 = arith.muli %scan3A_1159, %mul3A_1160 : i32
        %add3A_1162 = arith.constant 0 : i32
        %add3A_1163 = arith.addi %mul3A_1161, %add3A_1162 : i32
        %get3A_1164 = arith.index_cast %add3A_1163 : i32 to index
        %get3A_1165 = arith.constant 0 : index
        %get3A_1166 = tpu.vector_load %arg17[%get3A_1164, %get3A_1165] {strides = array<i32>} : memref<64x128xf32, #tpu.memory_space<vmem>>, vector<1x16xf32>,
        %get3A_1167 = vector.shape_cast %get3A_1166 : vector<1x16xf32> to vector<16xf32>
        %add3A_1168 = arith.constant 0 : i32
        %add3A_1169 = arith.addi %mul3A_1161, %add3A_1168 : i32
        %get3A_1170 = arith.index_cast %add3A_1169 : i32 to index
        %get3A_1171 = arith.constant 16 : index
        %get3A_1172 = tpu.vector_load %arg17[%get3A_1170, %get3A_1171] {strides = array<i32>} : memref<64x128xf32, #tpu.memory_space<vmem>>, vector<1x16xf32>,
        %get3A_1173 = vector.shape_cast %get3A_1172 : vector<1x16xf32> to vector<16xf32>
        %add3A_1174 = arith.constant 0 : i32
        %add3A_1175 = arith.addi %mul3A_1161, %add3A_1174 : i32
        %get3A_1176 = arith.index_cast %add3A_1175 : i32 to index
        %get3A_1177 = arith.constant 32 : index
        %get3A_1178 = tpu.vector_load %arg17[%get3A_1176, %get3A_1177] {strides = array<i32>} : memref<64x128xf32, #tpu.memory_space<vmem>>, vector<1x16xf32>,
        %get3A_1179 = vector.shape_cast %get3A_1178 : vector<1x16xf32> to vector<16xf32>
        %add3A_1180 = arith.constant 0 : i32
        %add3A_1181 = arith.addi %mul3A_1161, %add3A_1180 : i32
        %get3A_1182 = arith.index_cast %add3A_1181 : i32 to index
        %get3A_1183 = arith.constant 48 : index
        %get3A_1184 = tpu.vector_load %arg17[%get3A_1182, %get3A_1183] {strides = array<i32>} : memref<64x128xf32, #tpu.memory_space<vmem>>, vector<1x16xf32>,
        %get3A_1185 = vector.shape_cast %get3A_1184 : vector<1x16xf32> to vector<16xf32>
        %add3A_1186 = arith.constant 0 : i32
        %add3A_1187 = arith.addi %mul3A_1161, %add3A_1186 : i32
        %get3A_1188 = arith.index_cast %add3A_1187 : i32 to index
        %get3A_1189 = arith.constant 64 : index
        %get3A_1190 = tpu.vector_load %arg17[%get3A_1188, %get3A_1189] {strides = array<i32>} : memref<64x128xf32, #tpu.memory_space<vmem>>, vector<1x16xf32>,
        %get3A_1191 = vector.shape_cast %get3A_1190 : vector<1x16xf32> to vector<16xf32>
        %add3A_1192 = arith.constant 0 : i32
        %add3A_1193 = arith.addi %mul3A_1161, %add3A_1192 : i32
        %get3A_1194 = arith.index_cast %add3A_1193 : i32 to index
        %get3A_1195 = arith.constant 80 : index
        %get3A_1196 = tpu.vector_load %arg17[%get3A_1194, %get3A_1195] {strides = array<i32>} : memref<64x128xf32, #tpu.memory_space<vmem>>, vector<1x16xf32>,
        %get3A_1197 = vector.shape_cast %get3A_1196 : vector<1x16xf32> to vector<16xf32>
        %add3A_1198 = arith.constant 0 : i32
        %add3A_1199 = arith.addi %mul3A_1161, %add3A_1198 : i32
        %get3A_1200 = arith.index_cast %add3A_1199 : i32 to index
        %get3A_1201 = arith.constant 96 : index
        %get3A_1202 = tpu.vector_load %arg17[%get3A_1200, %get3A_1201] {strides = array<i32>} : memref<64x128xf32, #tpu.memory_space<vmem>>, vector<1x16xf32>,
        %get3A_1203 = vector.shape_cast %get3A_1202 : vector<1x16xf32> to vector<16xf32>
        %add3A_1204 = arith.constant 0 : i32
        %add3A_1205 = arith.addi %mul3A_1161, %add3A_1204 : i32
        %get3A_1206 = arith.index_cast %add3A_1205 : i32 to index
        %get3A_1207 = arith.constant 112 : index
        %get3A_1208 = tpu.vector_load %arg17[%get3A_1206, %get3A_1207] {strides = array<i32>} : memref<64x128xf32, #tpu.memory_space<vmem>>, vector<1x16xf32>,
        %get3A_1209 = vector.shape_cast %get3A_1208 : vector<1x16xf32> to vector<16xf32>
        %add3A_1210 = arith.addf %get3A_1167, %get3A_1105 : vector<16xf32>
        %add3A_1211 = arith.constant 0 : i32
        %add3A_1212 = arith.addi %mul3A_1161, %add3A_1211 : i32
        %swap3A = arith.index_cast %add3A_1212 : i32 to index
        %swap3A_1213 = arith.constant 0 : index
        %swap3A_1214 = tpu.vector_load %arg17[%swap3A, %swap3A_1213] {strides = array<i32>} : memref<64x128xf32, #tpu.memory_space<vmem>>, vector<1x16xf32>,
        %swap3A_1215 = vector.shape_cast %swap3A_1214 : vector<1x16xf32> to vector<16xf32>
        %swap3A_1216 = vector.shape_cast %add3A_1210 : vector<16xf32> to vector<1x16xf32>
        tpu.vector_store %arg17[%swap3A, %swap3A_1213], %swap3A_1216 {strides = array<i32>} : memref<64x128xf32, #tpu.memory_space<vmem>>, vector<1x16xf32>,
        %add3A_1217 = arith.addf %get3A_1173, %get3A_1109 : vector<16xf32>
        %add3A_1218 = arith.constant 0 : i32
        %add3A_1219 = arith.addi %mul3A_1161, %add3A_1218 : i32
        %swap3A_1220 = arith.index_cast %add3A_1219 : i32 to index
        %swap3A_1221 = arith.constant 16 : index
        %swap3A_1222 = tpu.vector_load %arg17[%swap3A_1220, %swap3A_1221] {strides = array<i32>} : memref<64x128xf32, #tpu.memory_space<vmem>>, vector<1x16xf32>,
        %swap3A_1223 = vector.shape_cast %swap3A_1222 : vector<1x16xf32> to vector<16xf32>
        %swap3A_1224 = vector.shape_cast %add3A_1217 : vector<16xf32> to vector<1x16xf32>
        tpu.vector_store %arg17[%swap3A_1220, %swap3A_1221], %swap3A_1224 {strides = array<i32>} : memref<64x128xf32, #tpu.memory_space<vmem>>, vector<1x16xf32>,
        %add3A_1225 = arith.addf %get3A_1179, %get3A_1113 : vector<16xf32>
        %add3A_1226 = arith.constant 0 : i32
        %add3A_1227 = arith.addi %mul3A_1161, %add3A_1226 : i32
        %swap3A_1228 = arith.index_cast %add3A_1227 : i32 to index
        %swap3A_1229 = arith.constant 32 : index
        %swap3A_1230 = tpu.vector_load %arg17[%swap3A_1228, %swap3A_1229] {strides = array<i32>} : memref<64x128xf32, #tpu.memory_space<vmem>>, vector<1x16xf32>,
        %swap3A_1231 = vector.shape_cast %swap3A_1230 : vector<1x16xf32> to vector<16xf32>
        %swap3A_1232 = vector.shape_cast %add3A_1225 : vector<16xf32> to vector<1x16xf32>
        tpu.vector_store %arg17[%swap3A_1228, %swap3A_1229], %swap3A_1232 {strides = array<i32>} : memref<64x128xf32, #tpu.memory_space<vmem>>, vector<1x16xf32>,
        %add3A_1233 = arith.addf %get3A_1185, %get3A_1117 : vector<16xf32>
        %add3A_1234 = arith.constant 0 : i32
        %add3A_1235 = arith.addi %mul3A_1161, %add3A_1234 : i32
        %swap3A_1236 = arith.index_cast %add3A_1235 : i32 to index
        %swap3A_1237 = arith.constant 48 : index
        %swap3A_1238 = tpu.vector_load %arg17[%swap3A_1236, %swap3A_1237] {strides = array<i32>} : memref<64x128xf32, #tpu.memory_space<vmem>>, vector<1x16xf32>,
        %swap3A_1239 = vector.shape_cast %swap3A_1238 : vector<1x16xf32> to vector<16xf32>
        %swap3A_1240 = vector.shape_cast %add3A_1233 : vector<16xf32> to vector<1x16xf32>
        tpu.vector_store %arg17[%swap3A_1236, %swap3A_1237], %swap3A_1240 {strides = array<i32>} : memref<64x128xf32, #tpu.memory_space<vmem>>, vector<1x16xf32>,
        %add3A_1241 = arith.addf %get3A_1191, %get3A_1121 : vector<16xf32>
        %add3A_1242 = arith.constant 0 : i32
        %add3A_1243 = arith.addi %mul3A_1161, %add3A_1242 : i32
        %swap3A_1244 = arith.index_cast %add3A_1243 : i32 to index
        %swap3A_1245 = arith.constant 64 : index
        %swap3A_1246 = tpu.vector_load %arg17[%swap3A_1244, %swap3A_1245] {strides = array<i32>} : memref<64x128xf32, #tpu.memory_space<vmem>>, vector<1x16xf32>,
        %swap3A_1247 = vector.shape_cast %swap3A_1246 : vector<1x16xf32> to vector<16xf32>
        %swap3A_1248 = vector.shape_cast %add3A_1241 : vector<16xf32> to vector<1x16xf32>
        tpu.vector_store %arg17[%swap3A_1244, %swap3A_1245], %swap3A_1248 {strides = array<i32>} : memref<64x128xf32, #tpu.memory_space<vmem>>, vector<1x16xf32>,
        %add3A_1249 = arith.addf %get3A_1197, %get3A_1125 : vector<16xf32>
        %add3A_1250 = arith.constant 0 : i32
        %add3A_1251 = arith.addi %mul3A_1161, %add3A_1250 : i32
        %swap3A_1252 = arith.index_cast %add3A_1251 : i32 to index
        %swap3A_1253 = arith.constant 80 : index
        %swap3A_1254 = tpu.vector_load %arg17[%swap3A_1252, %swap3A_1253] {strides = array<i32>} : memref<64x128xf32, #tpu.memory_space<vmem>>, vector<1x16xf32>,
        %swap3A_1255 = vector.shape_cast %swap3A_1254 : vector<1x16xf32> to vector<16xf32>
        %swap3A_1256 = vector.shape_cast %add3A_1249 : vector<16xf32> to vector<1x16xf32>
        tpu.vector_store %arg17[%swap3A_1252, %swap3A_1253], %swap3A_1256 {strides = array<i32>} : memref<64x128xf32, #tpu.memory_space<vmem>>, vector<1x16xf32>,
        %add3A_1257 = arith.addf %get3A_1203, %get3A_1129 : vector<16xf32>
        %add3A_1258 = arith.constant 0 : i32
        %add3A_1259 = arith.addi %mul3A_1161, %add3A_1258 : i32
        %swap3A_1260 = arith.index_cast %add3A_1259 : i32 to index
        %swap3A_1261 = arith.constant 96 : index
        %swap3A_1262 = tpu.vector_load %arg17[%swap3A_1260, %swap3A_1261] {strides = array<i32>} : memref<64x128xf32, #tpu.memory_space<vmem>>, vector<1x16xf32>,
        %swap3A_1263 = vector.shape_cast %swap3A_1262 : vector<1x16xf32> to vector<16xf32>
        %swap3A_1264 = vector.shape_cast %add3A_1257 : vector<16xf32> to vector<1x16xf32>
        tpu.vector_store %arg17[%swap3A_1260, %swap3A_1261], %swap3A_1264 {strides = array<i32>} : memref<64x128xf32, #tpu.memory_space<vmem>>, vector<1x16xf32>,
        %add3A_1265 = arith.addf %get3A_1209, %get3A_1133 : vector<16xf32>
        %add3A_1266 = arith.constant 0 : i32
        %add3A_1267 = arith.addi %mul3A_1161, %add3A_1266 : i32
        %swap3A_1268 = arith.index_cast %add3A_1267 : i32 to index
        %swap3A_1269 = arith.constant 112 : index
        %swap3A_1270 = tpu.vector_load %arg17[%swap3A_1268, %swap3A_1269] {strides = array<i32>} : memref<64x128xf32, #tpu.memory_space<vmem>>, vector<1x16xf32>,
        %swap3A_1271 = vector.shape_cast %swap3A_1270 : vector<1x16xf32> to vector<16xf32>
        %swap3A_1272 = vector.shape_cast %add3A_1265 : vector<16xf32> to vector<1x16xf32>
        tpu.vector_store %arg17[%swap3A_1268, %swap3A_1269], %swap3A_1272 {strides = array<i32>} : memref<64x128xf32, #tpu.memory_space<vmem>>, vector<1x16xf32>,
        %add3A_1273 = arith.constant 1 : i32
        %add3A_1274 = arith.addi %mul3A_1161, %add3A_1273 : i32
        %get3A_1275 = arith.index_cast %add3A_1274 : i32 to index
        %get3A_1276 = arith.constant 0 : index
        %get3A_1277 = tpu.vector_load %arg17[%get3A_1275, %get3A_1276] {strides = array<i32>} : memref<64x128xf32, #tpu.memory_space<vmem>>, vector<1x16xf32>,
        %get3A_1278 = vector.shape_cast %get3A_1277 : vector<1x16xf32> to vector<16xf32>
        %add3A_1279 = arith.constant 1 : i32
        %add3A_1280 = arith.addi %mul3A_1161, %add3A_1279 : i32
        %get3A_1281 = arith.index_cast %add3A_1280 : i32 to index
        %get3A_1282 = arith.constant 16 : index
        %get3A_1283 = tpu.vector_load %arg17[%get3A_1281, %get3A_1282] {strides = array<i32>} : memref<64x128xf32, #tpu.memory_space<vmem>>, vector<1x16xf32>,
        %get3A_1284 = vector.shape_cast %get3A_1283 : vector<1x16xf32> to vector<16xf32>
        %add3A_1285 = arith.constant 1 : i32
        %add3A_1286 = arith.addi %mul3A_1161, %add3A_1285 : i32
        %get3A_1287 = arith.index_cast %add3A_1286 : i32 to index
        %get3A_1288 = arith.constant 32 : index
        %get3A_1289 = tpu.vector_load %arg17[%get3A_1287, %get3A_1288] {strides = array<i32>} : memref<64x128xf32, #tpu.memory_space<vmem>>, vector<1x16xf32>,
        %get3A_1290 = vector.shape_cast %get3A_1289 : vector<1x16xf32> to vector<16xf32>
        %add3A_1291 = arith.constant 1 : i32
        %add3A_1292 = arith.addi %mul3A_1161, %add3A_1291 : i32
        %get3A_1293 = arith.index_cast %add3A_1292 : i32 to index
        %get3A_1294 = arith.constant 48 : index
        %get3A_1295 = tpu.vector_load %arg17[%get3A_1293, %get3A_1294] {strides = array<i32>} : memref<64x128xf32, #tpu.memory_space<vmem>>, vector<1x16xf32>,
        %get3A_1296 = vector.shape_cast %get3A_1295 : vector<1x16xf32> to vector<16xf32>
        %add3A_1297 = arith.constant 1 : i32
        %add3A_1298 = arith.addi %mul3A_1161, %add3A_1297 : i32
        %get3A_1299 = arith.index_cast %add3A_1298 : i32 to index
        %get3A_1300 = arith.constant 64 : index
        %get3A_1301 = tpu.vector_load %arg17[%get3A_1299, %get3A_1300] {strides = array<i32>} : memref<64x128xf32, #tpu.memory_space<vmem>>, vector<1x16xf32>,
        %get3A_1302 = vector.shape_cast %get3A_1301 : vector<1x16xf32> to vector<16xf32>
        %add3A_1303 = arith.constant 1 : i32
        %add3A_1304 = arith.addi %mul3A_1161, %add3A_1303 : i32
        %get3A_1305 = arith.index_cast %add3A_1304 : i32 to index
        %get3A_1306 = arith.constant 80 : index
        %get3A_1307 = tpu.vector_load %arg17[%get3A_1305, %get3A_1306] {strides = array<i32>} : memref<64x128xf32, #tpu.memory_space<vmem>>, vector<1x16xf32>,
        %get3A_1308 = vector.shape_cast %get3A_1307 : vector<1x16xf32> to vector<16xf32>
        %add3A_1309 = arith.constant 1 : i32
        %add3A_1310 = arith.addi %mul3A_1161, %add3A_1309 : i32
        %get3A_1311 = arith.index_cast %add3A_1310 : i32 to index
        %get3A_1312 = arith.constant 96 : index
        %get3A_1313 = tpu.vector_load %arg17[%get3A_1311, %get3A_1312] {strides = array<i32>} : memref<64x128xf32, #tpu.memory_space<vmem>>, vector<1x16xf32>,
        %get3A_1314 = vector.shape_cast %get3A_1313 : vector<1x16xf32> to vector<16xf32>
        %add3A_1315 = arith.constant 1 : i32
        %add3A_1316 = arith.addi %mul3A_1161, %add3A_1315 : i32
        %get3A_1317 = arith.index_cast %add3A_1316 : i32 to index
        %get3A_1318 = arith.constant 112 : index
        %get3A_1319 = tpu.vector_load %arg17[%get3A_1317, %get3A_1318] {strides = array<i32>} : memref<64x128xf32, #tpu.memory_space<vmem>>, vector<1x16xf32>,
        %get3A_1320 = vector.shape_cast %get3A_1319 : vector<1x16xf32> to vector<16xf32>
        %add3A_1321 = arith.addf %get3A_1278, %get3A_1105 : vector<16xf32>
        %add3A_1322 = arith.constant 1 : i32
        %add3A_1323 = arith.addi %mul3A_1161, %add3A_1322 : i32
        %swap3A_1324 = arith.index_cast %add3A_1323 : i32 to index
        %swap3A_1325 = arith.constant 0 : index
        %swap3A_1326 = tpu.vector_load %arg17[%swap3A_1324, %swap3A_1325] {strides = array<i32>} : memref<64x128xf32, #tpu.memory_space<vmem>>, vector<1x16xf32>,
        %swap3A_1327 = vector.shape_cast %swap3A_1326 : vector<1x16xf32> to vector<16xf32>
        %swap3A_1328 = vector.shape_cast %add3A_1321 : vector<16xf32> to vector<1x16xf32>
        tpu.vector_store %arg17[%swap3A_1324, %swap3A_1325], %swap3A_1328 {strides = array<i32>} : memref<64x128xf32, #tpu.memory_space<vmem>>, vector<1x16xf32>,
        %add3A_1329 = arith.addf %get3A_1284, %get3A_1109 : vector<16xf32>
        %add3A_1330 = arith.constant 1 : i32
        %add3A_1331 = arith.addi %mul3A_1161, %add3A_1330 : i32
        %swap3A_1332 = arith.index_cast %add3A_1331 : i32 to index
        %swap3A_1333 = arith.constant 16 : index
        %swap3A_1334 = tpu.vector_load %arg17[%swap3A_1332, %swap3A_1333] {strides = array<i32>} : memref<64x128xf32, #tpu.memory_space<vmem>>, vector<1x16xf32>,
        %swap3A_1335 = vector.shape_cast %swap3A_1334 : vector<1x16xf32> to vector<16xf32>
        %swap3A_1336 = vector.shape_cast %add3A_1329 : vector<16xf32> to vector<1x16xf32>
        tpu.vector_store %arg17[%swap3A_1332, %swap3A_1333], %swap3A_1336 {strides = array<i32>} : memref<64x128xf32, #tpu.memory_space<vmem>>, vector<1x16xf32>,
        %add3A_1337 = arith.addf %get3A_1290, %get3A_1113 : vector<16xf32>
        %add3A_1338 = arith.constant 1 : i32
        %add3A_1339 = arith.addi %mul3A_1161, %add3A_1338 : i32
        %swap3A_1340 = arith.index_cast %add3A_1339 : i32 to index
        %swap3A_1341 = arith.constant 32 : index
        %swap3A_1342 = tpu.vector_load %arg17[%swap3A_1340, %swap3A_1341] {strides = array<i32>} : memref<64x128xf32, #tpu.memory_space<vmem>>, vector<1x16xf32>,
        %swap3A_1343 = vector.shape_cast %swap3A_1342 : vector<1x16xf32> to vector<16xf32>
        %swap3A_1344 = vector.shape_cast %add3A_1337 : vector<16xf32> to vector<1x16xf32>
        tpu.vector_store %arg17[%swap3A_1340, %swap3A_1341], %swap3A_1344 {strides = array<i32>} : memref<64x128xf32, #tpu.memory_space<vmem>>, vector<1x16xf32>,
        %add3A_1345 = arith.addf %get3A_1296, %get3A_1117 : vector<16xf32>
        %add3A_1346 = arith.constant 1 : i32
        %add3A_1347 = arith.addi %mul3A_1161, %add3A_1346 : i32
        %swap3A_1348 = arith.index_cast %add3A_1347 : i32 to index
        %swap3A_1349 = arith.constant 48 : index
        %swap3A_1350 = tpu.vector_load %arg17[%swap3A_1348, %swap3A_1349] {strides = array<i32>} : memref<64x128xf32, #tpu.memory_space<vmem>>, vector<1x16xf32>,
        %swap3A_1351 = vector.shape_cast %swap3A_1350 : vector<1x16xf32> to vector<16xf32>
        %swap3A_1352 = vector.shape_cast %add3A_1345 : vector<16xf32> to vector<1x16xf32>
        tpu.vector_store %arg17[%swap3A_1348, %swap3A_1349], %swap3A_1352 {strides = array<i32>} : memref<64x128xf32, #tpu.memory_space<vmem>>, vector<1x16xf32>,
        %add3A_1353 = arith.addf %get3A_1302, %get3A_1121 : vector<16xf32>
        %add3A_1354 = arith.constant 1 : i32
        %add3A_1355 = arith.addi %mul3A_1161, %add3A_1354 : i32
        %swap3A_1356 = arith.index_cast %add3A_1355 : i32 to index
        %swap3A_1357 = arith.constant 64 : index
        %swap3A_1358 = tpu.vector_load %arg17[%swap3A_1356, %swap3A_1357] {strides = array<i32>} : memref<64x128xf32, #tpu.memory_space<vmem>>, vector<1x16xf32>,
        %swap3A_1359 = vector.shape_cast %swap3A_1358 : vector<1x16xf32> to vector<16xf32>
        %swap3A_1360 = vector.shape_cast %add3A_1353 : vector<16xf32> to vector<1x16xf32>
        tpu.vector_store %arg17[%swap3A_1356, %swap3A_1357], %swap3A_1360 {strides = array<i32>} : memref<64x128xf32, #tpu.memory_space<vmem>>, vector<1x16xf32>,
        %add3A_1361 = arith.addf %get3A_1308, %get3A_1125 : vector<16xf32>
        %add3A_1362 = arith.constant 1 : i32
        %add3A_1363 = arith.addi %mul3A_1161, %add3A_1362 : i32
        %swap3A_1364 = arith.index_cast %add3A_1363 : i32 to index
        %swap3A_1365 = arith.constant 80 : index
        %swap3A_1366 = tpu.vector_load %arg17[%swap3A_1364, %swap3A_1365] {strides = array<i32>} : memref<64x128xf32, #tpu.memory_space<vmem>>, vector<1x16xf32>,
        %swap3A_1367 = vector.shape_cast %swap3A_1366 : vector<1x16xf32> to vector<16xf32>
        %swap3A_1368 = vector.shape_cast %add3A_1361 : vector<16xf32> to vector<1x16xf32>
        tpu.vector_store %arg17[%swap3A_1364, %swap3A_1365], %swap3A_1368 {strides = array<i32>} : memref<64x128xf32, #tpu.memory_space<vmem>>, vector<1x16xf32>,
        %add3A_1369 = arith.addf %get3A_1314, %get3A_1129 : vector<16xf32>
        %add3A_1370 = arith.constant 1 : i32
        %add3A_1371 = arith.addi %mul3A_1161, %add3A_1370 : i32
        %swap3A_1372 = arith.index_cast %add3A_1371 : i32 to index
        %swap3A_1373 = arith.constant 96 : index
        %swap3A_1374 = tpu.vector_load %arg17[%swap3A_1372, %swap3A_1373] {strides = array<i32>} : memref<64x128xf32, #tpu.memory_space<vmem>>, vector<1x16xf32>,
        %swap3A_1375 = vector.shape_cast %swap3A_1374 : vector<1x16xf32> to vector<16xf32>
        %swap3A_1376 = vector.shape_cast %add3A_1369 : vector<16xf32> to vector<1x16xf32>
        tpu.vector_store %arg17[%swap3A_1372, %swap3A_1373], %swap3A_1376 {strides = array<i32>} : memref<64x128xf32, #tpu.memory_space<vmem>>, vector<1x16xf32>,
        %add3A_1377 = arith.addf %get3A_1320, %get3A_1133 : vector<16xf32>
        %add3A_1378 = arith.constant 1 : i32
        %add3A_1379 = arith.addi %mul3A_1161, %add3A_1378 : i32
        %swap3A_1380 = arith.index_cast %add3A_1379 : i32 to index
        %swap3A_1381 = arith.constant 112 : index
        %swap3A_1382 = tpu.vector_load %arg17[%swap3A_1380, %swap3A_1381] {strides = array<i32>} : memref<64x128xf32, #tpu.memory_space<vmem>>, vector<1x16xf32>,
        %swap3A_1383 = vector.shape_cast %swap3A_1382 : vector<1x16xf32> to vector<16xf32>
        %swap3A_1384 = vector.shape_cast %add3A_1377 : vector<16xf32> to vector<1x16xf32>
        tpu.vector_store %arg17[%swap3A_1380, %swap3A_1381], %swap3A_1384 {strides = array<i32>} : memref<64x128xf32, #tpu.memory_space<vmem>>, vector<1x16xf32>,
      }
      %scan3A_1139 = arith.constant 32 : i32
      %ge3A_1140 = arith.constant 4 : i32
      %ge3A_1141 = arith.cmpi sge, %add3A_1068, %ge3A_1140 : i32
      %convert_element_type3A_1142 = arith.extui %ge3A_1141 : i1 to i32
      %cond3A_1143 = arith.constant 0 : i32
      %cond3A_1144 = arith.cmpi ne, %convert_element_type3A_1142, %cond3A_1143 : i32
      scf.if %cond3A_1144 {
        %sub3A_1159 = arith.constant 4 : i32
        %sub3A_1160 = arith.subi %add3A_1068, %sub3A_1159 : i32
        %dma_wait3A_1161 = arith.constant 0 : i32
        %dma_wait3A_1162 = tpu.memref_slice %arg8[%sub3A_1160, %dma_wait3A_1161] : memref<100x64xi32, #tpu.memory_space<vmem>> -> memref<1x64xi32, #tpu.memory_space<vmem>>
        %dma_wait3A_1163 = tpu.memref_squeeze %dma_wait3A_1162 : memref<1x64xi32, #tpu.memory_space<vmem>> -> memref<64xi32, #tpu.memory_space<vmem>>
        %dma_wait3A_1164 = arith.constant 0 : i32
        %dma_wait3A_1165 = arith.constant 0 : i32
        %dma_wait3A_1166 = tpu.memref_slice %arg6[%dma_wait3A_1164, %dma_wait3A_1165] : memref<204800x128xf32, #tpu.memory_space<hbm>> -> memref<204800x128xf32, #tpu.memory_space<hbm>>
        tpu.wait_indirect_dma semaphore(%arg29 : memref<!tpu.dma_semaphore, #tpu.memory_space<semaphore_mem>>) src(%arg13 : memref<64x128xf32, #tpu.memory_space<vmem>>) dst(%dma_wait3A_1166 : memref<204800x128xf32, #tpu.memory_space<hbm>>)
      } else {
      }
      %add3A_1145 = arith.constant 4 : i32
      %add3A_1146 = arith.addi %add3A_1068, %add3A_1145 : i32
      %dma_start3A_1147 = arith.constant 0 : i32
      %dma_start3A_1148 = tpu.memref_slice %arg7[%add3A_1146, %dma_start3A_1147] : memref<100x64xi32, #tpu.memory_space<vmem>> -> memref<1x64xi32, #tpu.memory_space<vmem>>
      %dma_start3A_1149 = tpu.memref_squeeze %dma_start3A_1148 : memref<1x64xi32, #tpu.memory_space<vmem>> -> memref<64xi32, #tpu.memory_space<vmem>>
      %dma_start3A_1150 = arith.constant 0 : i32
      %dma_start3A_1151 = arith.constant 0 : i32
      %dma_start3A_1152 = tpu.memref_slice %arg3[%dma_start3A_1150, %dma_start3A_1151] : memref<100000x128xf32, #tpu.memory_space<hbm>> -> memref<100000x128xf32, #tpu.memory_space<hbm>>
      tpu.enqueue_indirect_dma source(%dma_start3A_1152 : memref<100000x128xf32, #tpu.memory_space<hbm>>) target(%arg13 : memref<64x128xf32, #tpu.memory_space<vmem>>) offsets(%dma_start3A_1149 : memref<64xi32, #tpu.memory_space<vmem>>) semaphore(%arg21 : memref<!tpu.dma_semaphore, #tpu.memory_space<semaphore_mem>>)
      %dma_start3A_1153 = arith.constant 0 : i32
      %dma_start3A_1154 = tpu.memref_slice %arg8[%add3A_1068, %dma_start3A_1153] : memref<100x64xi32, #tpu.memory_space<vmem>> -> memref<1x64xi32, #tpu.memory_space<vmem>>
      %dma_start3A_1155 = tpu.memref_squeeze %dma_start3A_1154 : memref<1x64xi32, #tpu.memory_space<vmem>> -> memref<64xi32, #tpu.memory_space<vmem>>
      %dma_start3A_1156 = arith.constant 0 : i32
      %dma_start3A_1157 = arith.constant 0 : i32
      %dma_start3A_1158 = tpu.memref_slice %arg6[%dma_start3A_1156, %dma_start3A_1157] : memref<204800x128xf32, #tpu.memory_space<hbm>> -> memref<204800x128xf32, #tpu.memory_space<hbm>>
      tpu.enqueue_indirect_dma source(%arg17 : memref<64x128xf32, #tpu.memory_space<vmem>>) target(%dma_start3A_1158 : memref<204800x128xf32, #tpu.memory_space<hbm>>) offsets(%dma_start3A_1155 : memref<64xi32, #tpu.memory_space<vmem>>) semaphore(%arg33 : memref<!tpu.dma_semaphore, #tpu.memory_space<semaphore_mem>>)
    }
    %scan3A_59 = arith.constant 12 : i32
    %dma_wait3A_60 = arith.constant 0 : i32
    %dma_wait3A_61 = arith.constant 0 : i32
    %dma_wait3A_62 = tpu.memref_slice %arg3[%dma_wait3A_60, %dma_wait3A_61] : memref<100000x128xf32, #tpu.memory_space<hbm>> -> memref<64x128xf32, #tpu.memory_space<hbm>>
    %dma_wait3A_63 = arith.constant 0 : i32
    %dma_wait3A_64 = arith.constant 0 : i32
    %dma_wait3A_65 = tpu.memref_slice %arg3[%dma_wait3A_63, %dma_wait3A_64] : memref<100000x128xf32, #tpu.memory_space<hbm>> -> memref<64x128xf32, #tpu.memory_space<hbm>>
    tpu.wait_dma2 semaphore(%arg18 : memref<!tpu.dma_semaphore, #tpu.memory_space<semaphore_mem>>) src(%dma_wait3A_65 : memref<64x128xf32, #tpu.memory_space<hbm>>) dst(%arg10 : memref<64x128xf32, #tpu.memory_space<vmem>>)
    %mul3A_66 = arith.constant 100 : i32
    %mul3A_67 = arith.muli %add3A, %mul3A_66 : i32
    %add3A_68 = arith.constant 96 : i32
    %add3A_69 = arith.addi %mul3A_67, %add3A_68 : i32
    %jit3A = arith.constant 16 : i32
    %div3A = arith.divsi %add3A_69, %jit3A : i32
    %sign3A = arith.constant 0 : i32
    %sign3A_70 = arith.cmpi sgt, %add3A_69, %sign3A : i32
    %sign3A_71 = arith.extui %sign3A_70 : i1 to i32
    %sign3A_72 = arith.constant 0 : i32
    %sign3A_73 = arith.cmpi slt, %add3A_69, %sign3A_72 : i32
    %sign3A_74 = arith.extui %sign3A_73 : i1 to i32
    %sign3A_75 = arith.subi %sign3A_71, %sign3A_74 : i32
    %sign3A_76 = arith.constant 0 : i32
    %sign3A_77 = arith.cmpi sgt, %jit3A, %sign3A_76 : i32
    %sign3A_78 = arith.extui %sign3A_77 : i1 to i32
    %sign3A_79 = arith.constant 0 : i32
    %sign3A_80 = arith.cmpi slt, %jit3A, %sign3A_79 : i32
    %sign3A_81 = arith.extui %sign3A_80 : i1 to i32
    %sign3A_82 = arith.subi %sign3A_78, %sign3A_81 : i32
    %ne3A = arith.cmpi ne, %sign3A_75, %sign3A_82 : i32
    %rem3A = arith.remsi %add3A_69, %jit3A : i32
    %ne3A_83 = arith.constant 0 : i32
    %ne3A_84 = arith.cmpi ne, %rem3A, %ne3A_83 : i32
    %and3A = arith.andi %ne3A, %ne3A_84 : i1
    %sub3A = arith.constant 1 : i32
    %sub3A_85 = arith.subi %div3A, %sub3A : i32
    %select_n3A = arith.select %and3A, %sub3A_85, %div3A : i32
    %get3A = arith.index_cast %select_n3A : i32 to index
    %get3A_86 = arith.constant 0 : index
    %get3A_87 = tpu.vector_load %arg9[%get3A, %get3A_86] {strides = array<i32>} : memref<200x128xf32, #tpu.memory_space<vmem>>, vector<1x16xf32>,
    %get3A_88 = vector.shape_cast %get3A_87 : vector<1x16xf32> to vector<16xf32>
    %get3A_89 = arith.index_cast %select_n3A : i32 to index
    %get3A_90 = arith.constant 16 : index
    %get3A_91 = tpu.vector_load %arg9[%get3A_89, %get3A_90] {strides = array<i32>} : memref<200x128xf32, #tpu.memory_space<vmem>>, vector<1x16xf32>,
    %get3A_92 = vector.shape_cast %get3A_91 : vector<1x16xf32> to vector<16xf32>
    %get3A_93 = arith.index_cast %select_n3A : i32 to index
    %get3A_94 = arith.constant 32 : index
    %get3A_95 = tpu.vector_load %arg9[%get3A_93, %get3A_94] {strides = array<i32>} : memref<200x128xf32, #tpu.memory_space<vmem>>, vector<1x16xf32>,
    %get3A_96 = vector.shape_cast %get3A_95 : vector<1x16xf32> to vector<16xf32>
    %get3A_97 = arith.index_cast %select_n3A : i32 to index
    %get3A_98 = arith.constant 48 : index
    %get3A_99 = tpu.vector_load %arg9[%get3A_97, %get3A_98] {strides = array<i32>} : memref<200x128xf32, #tpu.memory_space<vmem>>, vector<1x16xf32>,
    %get3A_100 = vector.shape_cast %get3A_99 : vector<1x16xf32> to vector<16xf32>
    %get3A_101 = arith.index_cast %select_n3A : i32 to index
    %get3A_102 = arith.constant 64 : index
    %get3A_103 = tpu.vector_load %arg9[%get3A_101, %get3A_102] {strides = array<i32>} : memref<200x128xf32, #tpu.memory_space<vmem>>, vector<1x16xf32>,
    %get3A_104 = vector.shape_cast %get3A_103 : vector<1x16xf32> to vector<16xf32>
    %get3A_105 = arith.index_cast %select_n3A : i32 to index
    %get3A_106 = arith.constant 80 : index
    %get3A_107 = tpu.vector_load %arg9[%get3A_105, %get3A_106] {strides = array<i32>} : memref<200x128xf32, #tpu.memory_space<vmem>>, vector<1x16xf32>,
    %get3A_108 = vector.shape_cast %get3A_107 : vector<1x16xf32> to vector<16xf32>
    %get3A_109 = arith.index_cast %select_n3A : i32 to index
    %get3A_110 = arith.constant 96 : index
    %get3A_111 = tpu.vector_load %arg9[%get3A_109, %get3A_110] {strides = array<i32>} : memref<200x128xf32, #tpu.memory_space<vmem>>, vector<1x16xf32>,
    %get3A_112 = vector.shape_cast %get3A_111 : vector<1x16xf32> to vector<16xf32>
    %get3A_113 = arith.index_cast %select_n3A : i32 to index
    %get3A_114 = arith.constant 112 : index
    %get3A_115 = tpu.vector_load %arg9[%get3A_113, %get3A_114] {strides = array<i32>} : memref<200x128xf32, #tpu.memory_space<vmem>>, vector<1x16xf32>,
    %get3A_116 = vector.shape_cast %get3A_115 : vector<1x16xf32> to vector<16xf32>
    %scan3A_117 = arith.constant 0 : i32
    %scan3A_118 = arith.constant 0 : i32
    %scan3A_119 = arith.constant 32 : i32
    %scan3A_120 = arith.addi %scan3A_118, %scan3A_119 : i32
    %scan3A_121 = arith.constant 1 : i32
    scf.for %scan3A_423 = %scan3A_118 to %scan3A_120 step %scan3A_121  : i32 {
      %mul3A_424 = arith.constant 2 : i32
      %mul3A_425 = arith.muli %scan3A_423, %mul3A_424 : i32
      %add3A_426 = arith.constant 0 : i32
      %add3A_427 = arith.addi %mul3A_425, %add3A_426 : i32
      %get3A_428 = arith.index_cast %add3A_427 : i32 to index
      %get3A_429 = arith.constant 0 : index
      %get3A_430 = tpu.vector_load %arg10[%get3A_428, %get3A_429] {strides = array<i32>} : memref<64x128xf32, #tpu.memory_space<vmem>>, vector<1x16xf32>,
      %get3A_431 = vector.shape_cast %get3A_430 : vector<1x16xf32> to vector<16xf32>
      %add3A_432 = arith.constant 0 : i32
      %add3A_433 = arith.addi %mul3A_425, %add3A_432 : i32
      %get3A_434 = arith.index_cast %add3A_433 : i32 to index
      %get3A_435 = arith.constant 16 : index
      %get3A_436 = tpu.vector_load %arg10[%get3A_434, %get3A_435] {strides = array<i32>} : memref<64x128xf32, #tpu.memory_space<vmem>>, vector<1x16xf32>,
      %get3A_437 = vector.shape_cast %get3A_436 : vector<1x16xf32> to vector<16xf32>
      %add3A_438 = arith.constant 0 : i32
      %add3A_439 = arith.addi %mul3A_425, %add3A_438 : i32
      %get3A_440 = arith.index_cast %add3A_439 : i32 to index
      %get3A_441 = arith.constant 32 : index
      %get3A_442 = tpu.vector_load %arg10[%get3A_440, %get3A_441] {strides = array<i32>} : memref<64x128xf32, #tpu.memory_space<vmem>>, vector<1x16xf32>,
      %get3A_443 = vector.shape_cast %get3A_442 : vector<1x16xf32> to vector<16xf32>
      %add3A_444 = arith.constant 0 : i32
      %add3A_445 = arith.addi %mul3A_425, %add3A_444 : i32
      %get3A_446 = arith.index_cast %add3A_445 : i32 to index
      %get3A_447 = arith.constant 48 : index
      %get3A_448 = tpu.vector_load %arg10[%get3A_446, %get3A_447] {strides = array<i32>} : memref<64x128xf32, #tpu.memory_space<vmem>>, vector<1x16xf32>,
      %get3A_449 = vector.shape_cast %get3A_448 : vector<1x16xf32> to vector<16xf32>
      %add3A_450 = arith.constant 0 : i32
      %add3A_451 = arith.addi %mul3A_425, %add3A_450 : i32
      %get3A_452 = arith.index_cast %add3A_451 : i32 to index
      %get3A_453 = arith.constant 64 : index
      %get3A_454 = tpu.vector_load %arg10[%get3A_452, %get3A_453] {strides = array<i32>} : memref<64x128xf32, #tpu.memory_space<vmem>>, vector<1x16xf32>,
      %get3A_455 = vector.shape_cast %get3A_454 : vector<1x16xf32> to vector<16xf32>
      %add3A_456 = arith.constant 0 : i32
      %add3A_457 = arith.addi %mul3A_425, %add3A_456 : i32
      %get3A_458 = arith.index_cast %add3A_457 : i32 to index
      %get3A_459 = arith.constant 80 : index
      %get3A_460 = tpu.vector_load %arg10[%get3A_458, %get3A_459] {strides = array<i32>} : memref<64x128xf32, #tpu.memory_space<vmem>>, vector<1x16xf32>,
      %get3A_461 = vector.shape_cast %get3A_460 : vector<1x16xf32> to vector<16xf32>
      %add3A_462 = arith.constant 0 : i32
      %add3A_463 = arith.addi %mul3A_425, %add3A_462 : i32
      %get3A_464 = arith.index_cast %add3A_463 : i32 to index
      %get3A_465 = arith.constant 96 : index
      %get3A_466 = tpu.vector_load %arg10[%get3A_464, %get3A_465] {strides = array<i32>} : memref<64x128xf32, #tpu.memory_space<vmem>>, vector<1x16xf32>,
      %get3A_467 = vector.shape_cast %get3A_466 : vector<1x16xf32> to vector<16xf32>
      %add3A_468 = arith.constant 0 : i32
      %add3A_469 = arith.addi %mul3A_425, %add3A_468 : i32
      %get3A_470 = arith.index_cast %add3A_469 : i32 to index
      %get3A_471 = arith.constant 112 : index
      %get3A_472 = tpu.vector_load %arg10[%get3A_470, %get3A_471] {strides = array<i32>} : memref<64x128xf32, #tpu.memory_space<vmem>>, vector<1x16xf32>,
      %get3A_473 = vector.shape_cast %get3A_472 : vector<1x16xf32> to vector<16xf32>
      %add3A_474 = arith.addf %get3A_431, %get3A_88 : vector<16xf32>
      %add3A_475 = arith.constant 0 : i32
      %add3A_476 = arith.addi %mul3A_425, %add3A_475 : i32
      %swap3A = arith.index_cast %add3A_476 : i32 to index
      %swap3A_477 = arith.constant 0 : index
      %swap3A_478 = tpu.vector_load %arg10[%swap3A, %swap3A_477] {strides = array<i32>} : memref<64x128xf32, #tpu.memory_space<vmem>>, vector<1x16xf32>,
      %swap3A_479 = vector.shape_cast %swap3A_478 : vector<1x16xf32> to vector<16xf32>
      %swap3A_480 = vector.shape_cast %add3A_474 : vector<16xf32> to vector<1x16xf32>
      tpu.vector_store %arg10[%swap3A, %swap3A_477], %swap3A_480 {strides = array<i32>} : memref<64x128xf32, #tpu.memory_space<vmem>>, vector<1x16xf32>,
      %add3A_481 = arith.addf %get3A_437, %get3A_92 : vector<16xf32>
      %add3A_482 = arith.constant 0 : i32
      %add3A_483 = arith.addi %mul3A_425, %add3A_482 : i32
      %swap3A_484 = arith.index_cast %add3A_483 : i32 to index
      %swap3A_485 = arith.constant 16 : index
      %swap3A_486 = tpu.vector_load %arg10[%swap3A_484, %swap3A_485] {strides = array<i32>} : memref<64x128xf32, #tpu.memory_space<vmem>>, vector<1x16xf32>,
      %swap3A_487 = vector.shape_cast %swap3A_486 : vector<1x16xf32> to vector<16xf32>
      %swap3A_488 = vector.shape_cast %add3A_481 : vector<16xf32> to vector<1x16xf32>
      tpu.vector_store %arg10[%swap3A_484, %swap3A_485], %swap3A_488 {strides = array<i32>} : memref<64x128xf32, #tpu.memory_space<vmem>>, vector<1x16xf32>,
      %add3A_489 = arith.addf %get3A_443, %get3A_96 : vector<16xf32>
      %add3A_490 = arith.constant 0 : i32
      %add3A_491 = arith.addi %mul3A_425, %add3A_490 : i32
      %swap3A_492 = arith.index_cast %add3A_491 : i32 to index
      %swap3A_493 = arith.constant 32 : index
      %swap3A_494 = tpu.vector_load %arg10[%swap3A_492, %swap3A_493] {strides = array<i32>} : memref<64x128xf32, #tpu.memory_space<vmem>>, vector<1x16xf32>,
      %swap3A_495 = vector.shape_cast %swap3A_494 : vector<1x16xf32> to vector<16xf32>
      %swap3A_496 = vector.shape_cast %add3A_489 : vector<16xf32> to vector<1x16xf32>
      tpu.vector_store %arg10[%swap3A_492, %swap3A_493], %swap3A_496 {strides = array<i32>} : memref<64x128xf32, #tpu.memory_space<vmem>>, vector<1x16xf32>,
      %add3A_497 = arith.addf %get3A_449, %get3A_100 : vector<16xf32>
      %add3A_498 = arith.constant 0 : i32
      %add3A_499 = arith.addi %mul3A_425, %add3A_498 : i32
      %swap3A_500 = arith.index_cast %add3A_499 : i32 to index
      %swap3A_501 = arith.constant 48 : index
      %swap3A_502 = tpu.vector_load %arg10[%swap3A_500, %swap3A_501] {strides = array<i32>} : memref<64x128xf32, #tpu.memory_space<vmem>>, vector<1x16xf32>,
      %swap3A_503 = vector.shape_cast %swap3A_502 : vector<1x16xf32> to vector<16xf32>
      %swap3A_504 = vector.shape_cast %add3A_497 : vector<16xf32> to vector<1x16xf32>
      tpu.vector_store %arg10[%swap3A_500, %swap3A_501], %swap3A_504 {strides = array<i32>} : memref<64x128xf32, #tpu.memory_space<vmem>>, vector<1x16xf32>,
      %add3A_505 = arith.addf %get3A_455, %get3A_104 : vector<16xf32>
      %add3A_506 = arith.constant 0 : i32
      %add3A_507 = arith.addi %mul3A_425, %add3A_506 : i32
      %swap3A_508 = arith.index_cast %add3A_507 : i32 to index
      %swap3A_509 = arith.constant 64 : index
      %swap3A_510 = tpu.vector_load %arg10[%swap3A_508, %swap3A_509] {strides = array<i32>} : memref<64x128xf32, #tpu.memory_space<vmem>>, vector<1x16xf32>,
      %swap3A_511 = vector.shape_cast %swap3A_510 : vector<1x16xf32> to vector<16xf32>
      %swap3A_512 = vector.shape_cast %add3A_505 : vector<16xf32> to vector<1x16xf32>
      tpu.vector_store %arg10[%swap3A_508, %swap3A_509], %swap3A_512 {strides = array<i32>} : memref<64x128xf32, #tpu.memory_space<vmem>>, vector<1x16xf32>,
      %add3A_513 = arith.addf %get3A_461, %get3A_108 : vector<16xf32>
      %add3A_514 = arith.constant 0 : i32
      %add3A_515 = arith.addi %mul3A_425, %add3A_514 : i32
      %swap3A_516 = arith.index_cast %add3A_515 : i32 to index
      %swap3A_517 = arith.constant 80 : index
      %swap3A_518 = tpu.vector_load %arg10[%swap3A_516, %swap3A_517] {strides = array<i32>} : memref<64x128xf32, #tpu.memory_space<vmem>>, vector<1x16xf32>,
      %swap3A_519 = vector.shape_cast %swap3A_518 : vector<1x16xf32> to vector<16xf32>
      %swap3A_520 = vector.shape_cast %add3A_513 : vector<16xf32> to vector<1x16xf32>
      tpu.vector_store %arg10[%swap3A_516, %swap3A_517], %swap3A_520 {strides = array<i32>} : memref<64x128xf32, #tpu.memory_space<vmem>>, vector<1x16xf32>,
      %add3A_521 = arith.addf %get3A_467, %get3A_112 : vector<16xf32>
      %add3A_522 = arith.constant 0 : i32
      %add3A_523 = arith.addi %mul3A_425, %add3A_522 : i32
      %swap3A_524 = arith.index_cast %add3A_523 : i32 to index
      %swap3A_525 = arith.constant 96 : index
      %swap3A_526 = tpu.vector_load %arg10[%swap3A_524, %swap3A_525] {strides = array<i32>} : memref<64x128xf32, #tpu.memory_space<vmem>>, vector<1x16xf32>,
      %swap3A_527 = vector.shape_cast %swap3A_526 : vector<1x16xf32> to vector<16xf32>
      %swap3A_528 = vector.shape_cast %add3A_521 : vector<16xf32> to vector<1x16xf32>
      tpu.vector_store %arg10[%swap3A_524, %swap3A_525], %swap3A_528 {strides = array<i32>} : memref<64x128xf32, #tpu.memory_space<vmem>>, vector<1x16xf32>,
      %add3A_529 = arith.addf %get3A_473, %get3A_116 : vector<16xf32>
      %add3A_530 = arith.constant 0 : i32
      %add3A_531 = arith.addi %mul3A_425, %add3A_530 : i32
      %swap3A_532 = arith.index_cast %add3A_531 : i32 to index
      %swap3A_533 = arith.constant 112 : index
      %swap3A_534 = tpu.vector_load %arg10[%swap3A_532, %swap3A_533] {strides = array<i32>} : memref<64x128xf32, #tpu.memory_space<vmem>>, vector<1x16xf32>,
      %swap3A_535 = vector.shape_cast %swap3A_534 : vector<1x16xf32> to vector<16xf32>
      %swap3A_536 = vector.shape_cast %add3A_529 : vector<16xf32> to vector<1x16xf32>
      tpu.vector_store %arg10[%swap3A_532, %swap3A_533], %swap3A_536 {strides = array<i32>} : memref<64x128xf32, #tpu.memory_space<vmem>>, vector<1x16xf32>,
      %add3A_537 = arith.constant 1 : i32
      %add3A_538 = arith.addi %mul3A_425, %add3A_537 : i32
      %get3A_539 = arith.index_cast %add3A_538 : i32 to index
      %get3A_540 = arith.constant 0 : index
      %get3A_541 = tpu.vector_load %arg10[%get3A_539, %get3A_540] {strides = array<i32>} : memref<64x128xf32, #tpu.memory_space<vmem>>, vector<1x16xf32>,
      %get3A_542 = vector.shape_cast %get3A_541 : vector<1x16xf32> to vector<16xf32>
      %add3A_543 = arith.constant 1 : i32
      %add3A_544 = arith.addi %mul3A_425, %add3A_543 : i32
      %get3A_545 = arith.index_cast %add3A_544 : i32 to index
      %get3A_546 = arith.constant 16 : index
      %get3A_547 = tpu.vector_load %arg10[%get3A_545, %get3A_546] {strides = array<i32>} : memref<64x128xf32, #tpu.memory_space<vmem>>, vector<1x16xf32>,
      %get3A_548 = vector.shape_cast %get3A_547 : vector<1x16xf32> to vector<16xf32>
      %add3A_549 = arith.constant 1 : i32
      %add3A_550 = arith.addi %mul3A_425, %add3A_549 : i32
      %get3A_551 = arith.index_cast %add3A_550 : i32 to index
      %get3A_552 = arith.constant 32 : index
      %get3A_553 = tpu.vector_load %arg10[%get3A_551, %get3A_552] {strides = array<i32>} : memref<64x128xf32, #tpu.memory_space<vmem>>, vector<1x16xf32>,
      %get3A_554 = vector.shape_cast %get3A_553 : vector<1x16xf32> to vector<16xf32>
      %add3A_555 = arith.constant 1 : i32
      %add3A_556 = arith.addi %mul3A_425, %add3A_555 : i32
      %get3A_557 = arith.index_cast %add3A_556 : i32 to index
      %get3A_558 = arith.constant 48 : index
      %get3A_559 = tpu.vector_load %arg10[%get3A_557, %get3A_558] {strides = array<i32>} : memref<64x128xf32, #tpu.memory_space<vmem>>, vector<1x16xf32>,
      %get3A_560 = vector.shape_cast %get3A_559 : vector<1x16xf32> to vector<16xf32>
      %add3A_561 = arith.constant 1 : i32
      %add3A_562 = arith.addi %mul3A_425, %add3A_561 : i32
      %get3A_563 = arith.index_cast %add3A_562 : i32 to index
      %get3A_564 = arith.constant 64 : index
      %get3A_565 = tpu.vector_load %arg10[%get3A_563, %get3A_564] {strides = array<i32>} : memref<64x128xf32, #tpu.memory_space<vmem>>, vector<1x16xf32>,
      %get3A_566 = vector.shape_cast %get3A_565 : vector<1x16xf32> to vector<16xf32>
      %add3A_567 = arith.constant 1 : i32
      %add3A_568 = arith.addi %mul3A_425, %add3A_567 : i32
      %get3A_569 = arith.index_cast %add3A_568 : i32 to index
      %get3A_570 = arith.constant 80 : index
      %get3A_571 = tpu.vector_load %arg10[%get3A_569, %get3A_570] {strides = array<i32>} : memref<64x128xf32, #tpu.memory_space<vmem>>, vector<1x16xf32>,
      %get3A_572 = vector.shape_cast %get3A_571 : vector<1x16xf32> to vector<16xf32>
      %add3A_573 = arith.constant 1 : i32
      %add3A_574 = arith.addi %mul3A_425, %add3A_573 : i32
      %get3A_575 = arith.index_cast %add3A_574 : i32 to index
      %get3A_576 = arith.constant 96 : index
      %get3A_577 = tpu.vector_load %arg10[%get3A_575, %get3A_576] {strides = array<i32>} : memref<64x128xf32, #tpu.memory_space<vmem>>, vector<1x16xf32>,
      %get3A_578 = vector.shape_cast %get3A_577 : vector<1x16xf32> to vector<16xf32>
      %add3A_579 = arith.constant 1 : i32
      %add3A_580 = arith.addi %mul3A_425, %add3A_579 : i32
      %get3A_581 = arith.index_cast %add3A_580 : i32 to index
      %get3A_582 = arith.constant 112 : index
      %get3A_583 = tpu.vector_load %arg10[%get3A_581, %get3A_582] {strides = array<i32>} : memref<64x128xf32, #tpu.memory_space<vmem>>, vector<1x16xf32>,
      %get3A_584 = vector.shape_cast %get3A_583 : vector<1x16xf32> to vector<16xf32>
      %add3A_585 = arith.addf %get3A_542, %get3A_88 : vector<16xf32>
      %add3A_586 = arith.constant 1 : i32
      %add3A_587 = arith.addi %mul3A_425, %add3A_586 : i32
      %swap3A_588 = arith.index_cast %add3A_587 : i32 to index
      %swap3A_589 = arith.constant 0 : index
      %swap3A_590 = tpu.vector_load %arg10[%swap3A_588, %swap3A_589] {strides = array<i32>} : memref<64x128xf32, #tpu.memory_space<vmem>>, vector<1x16xf32>,
      %swap3A_591 = vector.shape_cast %swap3A_590 : vector<1x16xf32> to vector<16xf32>
      %swap3A_592 = vector.shape_cast %add3A_585 : vector<16xf32> to vector<1x16xf32>
      tpu.vector_store %arg10[%swap3A_588, %swap3A_589], %swap3A_592 {strides = array<i32>} : memref<64x128xf32, #tpu.memory_space<vmem>>, vector<1x16xf32>,
      %add3A_593 = arith.addf %get3A_548, %get3A_92 : vector<16xf32>
      %add3A_594 = arith.constant 1 : i32
      %add3A_595 = arith.addi %mul3A_425, %add3A_594 : i32
      %swap3A_596 = arith.index_cast %add3A_595 : i32 to index
      %swap3A_597 = arith.constant 16 : index
      %swap3A_598 = tpu.vector_load %arg10[%swap3A_596, %swap3A_597] {strides = array<i32>} : memref<64x128xf32, #tpu.memory_space<vmem>>, vector<1x16xf32>,
      %swap3A_599 = vector.shape_cast %swap3A_598 : vector<1x16xf32> to vector<16xf32>
      %swap3A_600 = vector.shape_cast %add3A_593 : vector<16xf32> to vector<1x16xf32>
      tpu.vector_store %arg10[%swap3A_596, %swap3A_597], %swap3A_600 {strides = array<i32>} : memref<64x128xf32, #tpu.memory_space<vmem>>, vector<1x16xf32>,
      %add3A_601 = arith.addf %get3A_554, %get3A_96 : vector<16xf32>
      %add3A_602 = arith.constant 1 : i32
      %add3A_603 = arith.addi %mul3A_425, %add3A_602 : i32
      %swap3A_604 = arith.index_cast %add3A_603 : i32 to index
      %swap3A_605 = arith.constant 32 : index
      %swap3A_606 = tpu.vector_load %arg10[%swap3A_604, %swap3A_605] {strides = array<i32>} : memref<64x128xf32, #tpu.memory_space<vmem>>, vector<1x16xf32>,
      %swap3A_607 = vector.shape_cast %swap3A_606 : vector<1x16xf32> to vector<16xf32>
      %swap3A_608 = vector.shape_cast %add3A_601 : vector<16xf32> to vector<1x16xf32>
      tpu.vector_store %arg10[%swap3A_604, %swap3A_605], %swap3A_608 {strides = array<i32>} : memref<64x128xf32, #tpu.memory_space<vmem>>, vector<1x16xf32>,
      %add3A_609 = arith.addf %get3A_560, %get3A_100 : vector<16xf32>
      %add3A_610 = arith.constant 1 : i32
      %add3A_611 = arith.addi %mul3A_425, %add3A_610 : i32
      %swap3A_612 = arith.index_cast %add3A_611 : i32 to index
      %swap3A_613 = arith.constant 48 : index
      %swap3A_614 = tpu.vector_load %arg10[%swap3A_612, %swap3A_613] {strides = array<i32>} : memref<64x128xf32, #tpu.memory_space<vmem>>, vector<1x16xf32>,
      %swap3A_615 = vector.shape_cast %swap3A_614 : vector<1x16xf32> to vector<16xf32>
      %swap3A_616 = vector.shape_cast %add3A_609 : vector<16xf32> to vector<1x16xf32>
      tpu.vector_store %arg10[%swap3A_612, %swap3A_613], %swap3A_616 {strides = array<i32>} : memref<64x128xf32, #tpu.memory_space<vmem>>, vector<1x16xf32>,
      %add3A_617 = arith.addf %get3A_566, %get3A_104 : vector<16xf32>
      %add3A_618 = arith.constant 1 : i32
      %add3A_619 = arith.addi %mul3A_425, %add3A_618 : i32
      %swap3A_620 = arith.index_cast %add3A_619 : i32 to index
      %swap3A_621 = arith.constant 64 : index
      %swap3A_622 = tpu.vector_load %arg10[%swap3A_620, %swap3A_621] {strides = array<i32>} : memref<64x128xf32, #tpu.memory_space<vmem>>, vector<1x16xf32>,
      %swap3A_623 = vector.shape_cast %swap3A_622 : vector<1x16xf32> to vector<16xf32>
      %swap3A_624 = vector.shape_cast %add3A_617 : vector<16xf32> to vector<1x16xf32>
      tpu.vector_store %arg10[%swap3A_620, %swap3A_621], %swap3A_624 {strides = array<i32>} : memref<64x128xf32, #tpu.memory_space<vmem>>, vector<1x16xf32>,
      %add3A_625 = arith.addf %get3A_572, %get3A_108 : vector<16xf32>
      %add3A_626 = arith.constant 1 : i32
      %add3A_627 = arith.addi %mul3A_425, %add3A_626 : i32
      %swap3A_628 = arith.index_cast %add3A_627 : i32 to index
      %swap3A_629 = arith.constant 80 : index
      %swap3A_630 = tpu.vector_load %arg10[%swap3A_628, %swap3A_629] {strides = array<i32>} : memref<64x128xf32, #tpu.memory_space<vmem>>, vector<1x16xf32>,
      %swap3A_631 = vector.shape_cast %swap3A_630 : vector<1x16xf32> to vector<16xf32>
      %swap3A_632 = vector.shape_cast %add3A_625 : vector<16xf32> to vector<1x16xf32>
      tpu.vector_store %arg10[%swap3A_628, %swap3A_629], %swap3A_632 {strides = array<i32>} : memref<64x128xf32, #tpu.memory_space<vmem>>, vector<1x16xf32>,
      %add3A_633 = arith.addf %get3A_578, %get3A_112 : vector<16xf32>
      %add3A_634 = arith.constant 1 : i32
      %add3A_635 = arith.addi %mul3A_425, %add3A_634 : i32
      %swap3A_636 = arith.index_cast %add3A_635 : i32 to index
      %swap3A_637 = arith.constant 96 : index
      %swap3A_638 = tpu.vector_load %arg10[%swap3A_636, %swap3A_637] {strides = array<i32>} : memref<64x128xf32, #tpu.memory_space<vmem>>, vector<1x16xf32>,
      %swap3A_639 = vector.shape_cast %swap3A_638 : vector<1x16xf32> to vector<16xf32>
      %swap3A_640 = vector.shape_cast %add3A_633 : vector<16xf32> to vector<1x16xf32>
      tpu.vector_store %arg10[%swap3A_636, %swap3A_637], %swap3A_640 {strides = array<i32>} : memref<64x128xf32, #tpu.memory_space<vmem>>, vector<1x16xf32>,
      %add3A_641 = arith.addf %get3A_584, %get3A_116 : vector<16xf32>
      %add3A_642 = arith.constant 1 : i32
      %add3A_643 = arith.addi %mul3A_425, %add3A_642 : i32
      %swap3A_644 = arith.index_cast %add3A_643 : i32 to index
      %swap3A_645 = arith.constant 112 : index
      %swap3A_646 = tpu.vector_load %arg10[%swap3A_644, %swap3A_645] {strides = array<i32>} : memref<64x128xf32, #tpu.memory_space<vmem>>, vector<1x16xf32>,
      %swap3A_647 = vector.shape_cast %swap3A_646 : vector<1x16xf32> to vector<16xf32>
      %swap3A_648 = vector.shape_cast %add3A_641 : vector<16xf32> to vector<1x16xf32>
      tpu.vector_store %arg10[%swap3A_644, %swap3A_645], %swap3A_648 {strides = array<i32>} : memref<64x128xf32, #tpu.memory_space<vmem>>, vector<1x16xf32>,
    }
    %scan3A_122 = arith.constant 32 : i32
    %dma_wait3A_123 = arith.constant 92 : i32
    %dma_wait3A_124 = arith.constant 0 : i32
    %dma_wait3A_125 = tpu.memref_slice %arg8[%dma_wait3A_123, %dma_wait3A_124] : memref<100x64xi32, #tpu.memory_space<vmem>> -> memref<1x64xi32, #tpu.memory_space<vmem>>
    %dma_wait3A_126 = tpu.memref_squeeze %dma_wait3A_125 : memref<1x64xi32, #tpu.memory_space<vmem>> -> memref<64xi32, #tpu.memory_space<vmem>>
    %dma_wait3A_127 = arith.constant 0 : i32
    %dma_wait3A_128 = arith.constant 0 : i32
    %dma_wait3A_129 = tpu.memref_slice %arg6[%dma_wait3A_127, %dma_wait3A_128] : memref<204800x128xf32, #tpu.memory_space<hbm>> -> memref<204800x128xf32, #tpu.memory_space<hbm>>
    tpu.wait_indirect_dma semaphore(%arg30 : memref<!tpu.dma_semaphore, #tpu.memory_space<semaphore_mem>>) src(%arg14 : memref<64x128xf32, #tpu.memory_space<vmem>>) dst(%dma_wait3A_129 : memref<204800x128xf32, #tpu.memory_space<hbm>>)
    %dma_start3A_130 = arith.constant 96 : i32
    %dma_start3A_131 = arith.constant 0 : i32
    %dma_start3A_132 = tpu.memref_slice %arg8[%dma_start3A_130, %dma_start3A_131] : memref<100x64xi32, #tpu.memory_space<vmem>> -> memref<1x64xi32, #tpu.memory_space<vmem>>
    %dma_start3A_133 = tpu.memref_squeeze %dma_start3A_132 : memref<1x64xi32, #tpu.memory_space<vmem>> -> memref<64xi32, #tpu.memory_space<vmem>>
    %dma_start3A_134 = arith.constant 0 : i32
    %dma_start3A_135 = arith.constant 0 : i32
    %dma_start3A_136 = tpu.memref_slice %arg6[%dma_start3A_134, %dma_start3A_135] : memref<204800x128xf32, #tpu.memory_space<hbm>> -> memref<204800x128xf32, #tpu.memory_space<hbm>>
    tpu.enqueue_indirect_dma source(%arg10 : memref<64x128xf32, #tpu.memory_space<vmem>>) target(%dma_start3A_136 : memref<204800x128xf32, #tpu.memory_space<hbm>>) offsets(%dma_start3A_133 : memref<64xi32, #tpu.memory_space<vmem>>) semaphore(%arg26 : memref<!tpu.dma_semaphore, #tpu.memory_space<semaphore_mem>>)
    %dma_wait3A_137 = arith.constant 0 : i32
    %dma_wait3A_138 = arith.constant 0 : i32
    %dma_wait3A_139 = tpu.memref_slice %arg3[%dma_wait3A_137, %dma_wait3A_138] : memref<100000x128xf32, #tpu.memory_space<hbm>> -> memref<64x128xf32, #tpu.memory_space<hbm>>
    %dma_wait3A_140 = arith.constant 0 : i32
    %dma_wait3A_141 = arith.constant 0 : i32
    %dma_wait3A_142 = tpu.memref_slice %arg3[%dma_wait3A_140, %dma_wait3A_141] : memref<100000x128xf32, #tpu.memory_space<hbm>> -> memref<64x128xf32, #tpu.memory_space<hbm>>
    tpu.wait_dma2 semaphore(%arg19 : memref<!tpu.dma_semaphore, #tpu.memory_space<semaphore_mem>>) src(%dma_wait3A_142 : memref<64x128xf32, #tpu.memory_space<hbm>>) dst(%arg11 : memref<64x128xf32, #tpu.memory_space<vmem>>)
    %mul3A_143 = arith.constant 100 : i32
    %mul3A_144 = arith.muli %add3A, %mul3A_143 : i32
    %add3A_145 = arith.constant 97 : i32
    %add3A_146 = arith.addi %mul3A_144, %add3A_145 : i32
    %jit3A_147 = arith.constant 16 : i32
    %div3A_148 = arith.divsi %add3A_146, %jit3A_147 : i32
    %sign3A_149 = arith.constant 0 : i32
    %sign3A_150 = arith.cmpi sgt, %add3A_146, %sign3A_149 : i32
    %sign3A_151 = arith.extui %sign3A_150 : i1 to i32
    %sign3A_152 = arith.constant 0 : i32
    %sign3A_153 = arith.cmpi slt, %add3A_146, %sign3A_152 : i32
    %sign3A_154 = arith.extui %sign3A_153 : i1 to i32
    %sign3A_155 = arith.subi %sign3A_151, %sign3A_154 : i32
    %sign3A_156 = arith.constant 0 : i32
    %sign3A_157 = arith.cmpi sgt, %jit3A_147, %sign3A_156 : i32
    %sign3A_158 = arith.extui %sign3A_157 : i1 to i32
    %sign3A_159 = arith.constant 0 : i32
    %sign3A_160 = arith.cmpi slt, %jit3A_147, %sign3A_159 : i32
    %sign3A_161 = arith.extui %sign3A_160 : i1 to i32
    %sign3A_162 = arith.subi %sign3A_158, %sign3A_161 : i32
    %ne3A_163 = arith.cmpi ne, %sign3A_155, %sign3A_162 : i32
    %rem3A_164 = arith.remsi %add3A_146, %jit3A_147 : i32
    %ne3A_165 = arith.constant 0 : i32
    %ne3A_166 = arith.cmpi ne, %rem3A_164, %ne3A_165 : i32
    %and3A_167 = arith.andi %ne3A_163, %ne3A_166 : i1
    %sub3A_168 = arith.constant 1 : i32
    %sub3A_169 = arith.subi %div3A_148, %sub3A_168 : i32
    %select_n3A_170 = arith.select %and3A_167, %sub3A_169, %div3A_148 : i32
    %get3A_171 = arith.index_cast %select_n3A_170 : i32 to index
    %get3A_172 = arith.constant 0 : index
    %get3A_173 = tpu.vector_load %arg9[%get3A_171, %get3A_172] {strides = array<i32>} : memref<200x128xf32, #tpu.memory_space<vmem>>, vector<1x16xf32>,
    %get3A_174 = vector.shape_cast %get3A_173 : vector<1x16xf32> to vector<16xf32>
    %get3A_175 = arith.index_cast %select_n3A_170 : i32 to index
    %get3A_176 = arith.constant 16 : index
    %get3A_177 = tpu.vector_load %arg9[%get3A_175, %get3A_176] {strides = array<i32>} : memref<200x128xf32, #tpu.memory_space<vmem>>, vector<1x16xf32>,
    %get3A_178 = vector.shape_cast %get3A_177 : vector<1x16xf32> to vector<16xf32>
    %get3A_179 = arith.index_cast %select_n3A_170 : i32 to index
    %get3A_180 = arith.constant 32 : index
    %get3A_181 = tpu.vector_load %arg9[%get3A_179, %get3A_180] {strides = array<i32>} : memref<200x128xf32, #tpu.memory_space<vmem>>, vector<1x16xf32>,
    %get3A_182 = vector.shape_cast %get3A_181 : vector<1x16xf32> to vector<16xf32>
    %get3A_183 = arith.index_cast %select_n3A_170 : i32 to index
    %get3A_184 = arith.constant 48 : index
    %get3A_185 = tpu.vector_load %arg9[%get3A_183, %get3A_184] {strides = array<i32>} : memref<200x128xf32, #tpu.memory_space<vmem>>, vector<1x16xf32>,
    %get3A_186 = vector.shape_cast %get3A_185 : vector<1x16xf32> to vector<16xf32>
    %get3A_187 = arith.index_cast %select_n3A_170 : i32 to index
    %get3A_188 = arith.constant 64 : index
    %get3A_189 = tpu.vector_load %arg9[%get3A_187, %get3A_188] {strides = array<i32>} : memref<200x128xf32, #tpu.memory_space<vmem>>, vector<1x16xf32>,
    %get3A_190 = vector.shape_cast %get3A_189 : vector<1x16xf32> to vector<16xf32>
    %get3A_191 = arith.index_cast %select_n3A_170 : i32 to index
    %get3A_192 = arith.constant 80 : index
    %get3A_193 = tpu.vector_load %arg9[%get3A_191, %get3A_192] {strides = array<i32>} : memref<200x128xf32, #tpu.memory_space<vmem>>, vector<1x16xf32>,
    %get3A_194 = vector.shape_cast %get3A_193 : vector<1x16xf32> to vector<16xf32>
    %get3A_195 = arith.index_cast %select_n3A_170 : i32 to index
    %get3A_196 = arith.constant 96 : index
    %get3A_197 = tpu.vector_load %arg9[%get3A_195, %get3A_196] {strides = array<i32>} : memref<200x128xf32, #tpu.memory_space<vmem>>, vector<1x16xf32>,
    %get3A_198 = vector.shape_cast %get3A_197 : vector<1x16xf32> to vector<16xf32>
    %get3A_199 = arith.index_cast %select_n3A_170 : i32 to index
    %get3A_200 = arith.constant 112 : index
    %get3A_201 = tpu.vector_load %arg9[%get3A_199, %get3A_200] {strides = array<i32>} : memref<200x128xf32, #tpu.memory_space<vmem>>, vector<1x16xf32>,
    %get3A_202 = vector.shape_cast %get3A_201 : vector<1x16xf32> to vector<16xf32>
    %scan3A_203 = arith.constant 0 : i32
    %scan3A_204 = arith.constant 0 : i32
    %scan3A_205 = arith.constant 32 : i32
    %scan3A_206 = arith.addi %scan3A_204, %scan3A_205 : i32
    %scan3A_207 = arith.constant 1 : i32
    scf.for %scan3A_423 = %scan3A_204 to %scan3A_206 step %scan3A_207  : i32 {
      %mul3A_424 = arith.constant 2 : i32
      %mul3A_425 = arith.muli %scan3A_423, %mul3A_424 : i32
      %add3A_426 = arith.constant 0 : i32
      %add3A_427 = arith.addi %mul3A_425, %add3A_426 : i32
      %get3A_428 = arith.index_cast %add3A_427 : i32 to index
      %get3A_429 = arith.constant 0 : index
      %get3A_430 = tpu.vector_load %arg11[%get3A_428, %get3A_429] {strides = array<i32>} : memref<64x128xf32, #tpu.memory_space<vmem>>, vector<1x16xf32>,
      %get3A_431 = vector.shape_cast %get3A_430 : vector<1x16xf32> to vector<16xf32>
      %add3A_432 = arith.constant 0 : i32
      %add3A_433 = arith.addi %mul3A_425, %add3A_432 : i32
      %get3A_434 = arith.index_cast %add3A_433 : i32 to index
      %get3A_435 = arith.constant 16 : index
      %get3A_436 = tpu.vector_load %arg11[%get3A_434, %get3A_435] {strides = array<i32>} : memref<64x128xf32, #tpu.memory_space<vmem>>, vector<1x16xf32>,
      %get3A_437 = vector.shape_cast %get3A_436 : vector<1x16xf32> to vector<16xf32>
      %add3A_438 = arith.constant 0 : i32
      %add3A_439 = arith.addi %mul3A_425, %add3A_438 : i32
      %get3A_440 = arith.index_cast %add3A_439 : i32 to index
      %get3A_441 = arith.constant 32 : index
      %get3A_442 = tpu.vector_load %arg11[%get3A_440, %get3A_441] {strides = array<i32>} : memref<64x128xf32, #tpu.memory_space<vmem>>, vector<1x16xf32>,
      %get3A_443 = vector.shape_cast %get3A_442 : vector<1x16xf32> to vector<16xf32>
      %add3A_444 = arith.constant 0 : i32
      %add3A_445 = arith.addi %mul3A_425, %add3A_444 : i32
      %get3A_446 = arith.index_cast %add3A_445 : i32 to index
      %get3A_447 = arith.constant 48 : index
      %get3A_448 = tpu.vector_load %arg11[%get3A_446, %get3A_447] {strides = array<i32>} : memref<64x128xf32, #tpu.memory_space<vmem>>, vector<1x16xf32>,
      %get3A_449 = vector.shape_cast %get3A_448 : vector<1x16xf32> to vector<16xf32>
      %add3A_450 = arith.constant 0 : i32
      %add3A_451 = arith.addi %mul3A_425, %add3A_450 : i32
      %get3A_452 = arith.index_cast %add3A_451 : i32 to index
      %get3A_453 = arith.constant 64 : index
      %get3A_454 = tpu.vector_load %arg11[%get3A_452, %get3A_453] {strides = array<i32>} : memref<64x128xf32, #tpu.memory_space<vmem>>, vector<1x16xf32>,
      %get3A_455 = vector.shape_cast %get3A_454 : vector<1x16xf32> to vector<16xf32>
      %add3A_456 = arith.constant 0 : i32
      %add3A_457 = arith.addi %mul3A_425, %add3A_456 : i32
      %get3A_458 = arith.index_cast %add3A_457 : i32 to index
      %get3A_459 = arith.constant 80 : index
      %get3A_460 = tpu.vector_load %arg11[%get3A_458, %get3A_459] {strides = array<i32>} : memref<64x128xf32, #tpu.memory_space<vmem>>, vector<1x16xf32>,
      %get3A_461 = vector.shape_cast %get3A_460 : vector<1x16xf32> to vector<16xf32>
      %add3A_462 = arith.constant 0 : i32
      %add3A_463 = arith.addi %mul3A_425, %add3A_462 : i32
      %get3A_464 = arith.index_cast %add3A_463 : i32 to index
      %get3A_465 = arith.constant 96 : index
      %get3A_466 = tpu.vector_load %arg11[%get3A_464, %get3A_465] {strides = array<i32>} : memref<64x128xf32, #tpu.memory_space<vmem>>, vector<1x16xf32>,
      %get3A_467 = vector.shape_cast %get3A_466 : vector<1x16xf32> to vector<16xf32>
      %add3A_468 = arith.constant 0 : i32
      %add3A_469 = arith.addi %mul3A_425, %add3A_468 : i32
      %get3A_470 = arith.index_cast %add3A_469 : i32 to index
      %get3A_471 = arith.constant 112 : index
      %get3A_472 = tpu.vector_load %arg11[%get3A_470, %get3A_471] {strides = array<i32>} : memref<64x128xf32, #tpu.memory_space<vmem>>, vector<1x16xf32>,
      %get3A_473 = vector.shape_cast %get3A_472 : vector<1x16xf32> to vector<16xf32>
      %add3A_474 = arith.addf %get3A_431, %get3A_174 : vector<16xf32>
      %add3A_475 = arith.constant 0 : i32
      %add3A_476 = arith.addi %mul3A_425, %add3A_475 : i32
      %swap3A = arith.index_cast %add3A_476 : i32 to index
      %swap3A_477 = arith.constant 0 : index
      %swap3A_478 = tpu.vector_load %arg11[%swap3A, %swap3A_477] {strides = array<i32>} : memref<64x128xf32, #tpu.memory_space<vmem>>, vector<1x16xf32>,
      %swap3A_479 = vector.shape_cast %swap3A_478 : vector<1x16xf32> to vector<16xf32>
      %swap3A_480 = vector.shape_cast %add3A_474 : vector<16xf32> to vector<1x16xf32>
      tpu.vector_store %arg11[%swap3A, %swap3A_477], %swap3A_480 {strides = array<i32>} : memref<64x128xf32, #tpu.memory_space<vmem>>, vector<1x16xf32>,
      %add3A_481 = arith.addf %get3A_437, %get3A_178 : vector<16xf32>
      %add3A_482 = arith.constant 0 : i32
      %add3A_483 = arith.addi %mul3A_425, %add3A_482 : i32
      %swap3A_484 = arith.index_cast %add3A_483 : i32 to index
      %swap3A_485 = arith.constant 16 : index
      %swap3A_486 = tpu.vector_load %arg11[%swap3A_484, %swap3A_485] {strides = array<i32>} : memref<64x128xf32, #tpu.memory_space<vmem>>, vector<1x16xf32>,
      %swap3A_487 = vector.shape_cast %swap3A_486 : vector<1x16xf32> to vector<16xf32>
      %swap3A_488 = vector.shape_cast %add3A_481 : vector<16xf32> to vector<1x16xf32>
      tpu.vector_store %arg11[%swap3A_484, %swap3A_485], %swap3A_488 {strides = array<i32>} : memref<64x128xf32, #tpu.memory_space<vmem>>, vector<1x16xf32>,
      %add3A_489 = arith.addf %get3A_443, %get3A_182 : vector<16xf32>
      %add3A_490 = arith.constant 0 : i32
      %add3A_491 = arith.addi %mul3A_425, %add3A_490 : i32
      %swap3A_492 = arith.index_cast %add3A_491 : i32 to index
      %swap3A_493 = arith.constant 32 : index
      %swap3A_494 = tpu.vector_load %arg11[%swap3A_492, %swap3A_493] {strides = array<i32>} : memref<64x128xf32, #tpu.memory_space<vmem>>, vector<1x16xf32>,
      %swap3A_495 = vector.shape_cast %swap3A_494 : vector<1x16xf32> to vector<16xf32>
      %swap3A_496 = vector.shape_cast %add3A_489 : vector<16xf32> to vector<1x16xf32>
      tpu.vector_store %arg11[%swap3A_492, %swap3A_493], %swap3A_496 {strides = array<i32>} : memref<64x128xf32, #tpu.memory_space<vmem>>, vector<1x16xf32>,
      %add3A_497 = arith.addf %get3A_449, %get3A_186 : vector<16xf32>
      %add3A_498 = arith.constant 0 : i32
      %add3A_499 = arith.addi %mul3A_425, %add3A_498 : i32
      %swap3A_500 = arith.index_cast %add3A_499 : i32 to index
      %swap3A_501 = arith.constant 48 : index
      %swap3A_502 = tpu.vector_load %arg11[%swap3A_500, %swap3A_501] {strides = array<i32>} : memref<64x128xf32, #tpu.memory_space<vmem>>, vector<1x16xf32>,
      %swap3A_503 = vector.shape_cast %swap3A_502 : vector<1x16xf32> to vector<16xf32>
      %swap3A_504 = vector.shape_cast %add3A_497 : vector<16xf32> to vector<1x16xf32>
      tpu.vector_store %arg11[%swap3A_500, %swap3A_501], %swap3A_504 {strides = array<i32>} : memref<64x128xf32, #tpu.memory_space<vmem>>, vector<1x16xf32>,
      %add3A_505 = arith.addf %get3A_455, %get3A_190 : vector<16xf32>
      %add3A_506 = arith.constant 0 : i32
      %add3A_507 = arith.addi %mul3A_425, %add3A_506 : i32
      %swap3A_508 = arith.index_cast %add3A_507 : i32 to index
      %swap3A_509 = arith.constant 64 : index
      %swap3A_510 = tpu.vector_load %arg11[%swap3A_508, %swap3A_509] {strides = array<i32>} : memref<64x128xf32, #tpu.memory_space<vmem>>, vector<1x16xf32>,
      %swap3A_511 = vector.shape_cast %swap3A_510 : vector<1x16xf32> to vector<16xf32>
      %swap3A_512 = vector.shape_cast %add3A_505 : vector<16xf32> to vector<1x16xf32>
      tpu.vector_store %arg11[%swap3A_508, %swap3A_509], %swap3A_512 {strides = array<i32>} : memref<64x128xf32, #tpu.memory_space<vmem>>, vector<1x16xf32>,
      %add3A_513 = arith.addf %get3A_461, %get3A_194 : vector<16xf32>
      %add3A_514 = arith.constant 0 : i32
      %add3A_515 = arith.addi %mul3A_425, %add3A_514 : i32
      %swap3A_516 = arith.index_cast %add3A_515 : i32 to index
      %swap3A_517 = arith.constant 80 : index
      %swap3A_518 = tpu.vector_load %arg11[%swap3A_516, %swap3A_517] {strides = array<i32>} : memref<64x128xf32, #tpu.memory_space<vmem>>, vector<1x16xf32>,
      %swap3A_519 = vector.shape_cast %swap3A_518 : vector<1x16xf32> to vector<16xf32>
      %swap3A_520 = vector.shape_cast %add3A_513 : vector<16xf32> to vector<1x16xf32>
      tpu.vector_store %arg11[%swap3A_516, %swap3A_517], %swap3A_520 {strides = array<i32>} : memref<64x128xf32, #tpu.memory_space<vmem>>, vector<1x16xf32>,
      %add3A_521 = arith.addf %get3A_467, %get3A_198 : vector<16xf32>
      %add3A_522 = arith.constant 0 : i32
      %add3A_523 = arith.addi %mul3A_425, %add3A_522 : i32
      %swap3A_524 = arith.index_cast %add3A_523 : i32 to index
      %swap3A_525 = arith.constant 96 : index
      %swap3A_526 = tpu.vector_load %arg11[%swap3A_524, %swap3A_525] {strides = array<i32>} : memref<64x128xf32, #tpu.memory_space<vmem>>, vector<1x16xf32>,
      %swap3A_527 = vector.shape_cast %swap3A_526 : vector<1x16xf32> to vector<16xf32>
      %swap3A_528 = vector.shape_cast %add3A_521 : vector<16xf32> to vector<1x16xf32>
      tpu.vector_store %arg11[%swap3A_524, %swap3A_525], %swap3A_528 {strides = array<i32>} : memref<64x128xf32, #tpu.memory_space<vmem>>, vector<1x16xf32>,
      %add3A_529 = arith.addf %get3A_473, %get3A_202 : vector<16xf32>
      %add3A_530 = arith.constant 0 : i32
      %add3A_531 = arith.addi %mul3A_425, %add3A_530 : i32
      %swap3A_532 = arith.index_cast %add3A_531 : i32 to index
      %swap3A_533 = arith.constant 112 : index
      %swap3A_534 = tpu.vector_load %arg11[%swap3A_532, %swap3A_533] {strides = array<i32>} : memref<64x128xf32, #tpu.memory_space<vmem>>, vector<1x16xf32>,
      %swap3A_535 = vector.shape_cast %swap3A_534 : vector<1x16xf32> to vector<16xf32>
      %swap3A_536 = vector.shape_cast %add3A_529 : vector<16xf32> to vector<1x16xf32>
      tpu.vector_store %arg11[%swap3A_532, %swap3A_533], %swap3A_536 {strides = array<i32>} : memref<64x128xf32, #tpu.memory_space<vmem>>, vector<1x16xf32>,
      %add3A_537 = arith.constant 1 : i32
      %add3A_538 = arith.addi %mul3A_425, %add3A_537 : i32
      %get3A_539 = arith.index_cast %add3A_538 : i32 to index
      %get3A_540 = arith.constant 0 : index
      %get3A_541 = tpu.vector_load %arg11[%get3A_539, %get3A_540] {strides = array<i32>} : memref<64x128xf32, #tpu.memory_space<vmem>>, vector<1x16xf32>,
      %get3A_542 = vector.shape_cast %get3A_541 : vector<1x16xf32> to vector<16xf32>
      %add3A_543 = arith.constant 1 : i32
      %add3A_544 = arith.addi %mul3A_425, %add3A_543 : i32
      %get3A_545 = arith.index_cast %add3A_544 : i32 to index
      %get3A_546 = arith.constant 16 : index
      %get3A_547 = tpu.vector_load %arg11[%get3A_545, %get3A_546] {strides = array<i32>} : memref<64x128xf32, #tpu.memory_space<vmem>>, vector<1x16xf32>,
      %get3A_548 = vector.shape_cast %get3A_547 : vector<1x16xf32> to vector<16xf32>
      %add3A_549 = arith.constant 1 : i32
      %add3A_550 = arith.addi %mul3A_425, %add3A_549 : i32
      %get3A_551 = arith.index_cast %add3A_550 : i32 to index
      %get3A_552 = arith.constant 32 : index
      %get3A_553 = tpu.vector_load %arg11[%get3A_551, %get3A_552] {strides = array<i32>} : memref<64x128xf32, #tpu.memory_space<vmem>>, vector<1x16xf32>,
      %get3A_554 = vector.shape_cast %get3A_553 : vector<1x16xf32> to vector<16xf32>
      %add3A_555 = arith.constant 1 : i32
      %add3A_556 = arith.addi %mul3A_425, %add3A_555 : i32
      %get3A_557 = arith.index_cast %add3A_556 : i32 to index
      %get3A_558 = arith.constant 48 : index
      %get3A_559 = tpu.vector_load %arg11[%get3A_557, %get3A_558] {strides = array<i32>} : memref<64x128xf32, #tpu.memory_space<vmem>>, vector<1x16xf32>,
      %get3A_560 = vector.shape_cast %get3A_559 : vector<1x16xf32> to vector<16xf32>
      %add3A_561 = arith.constant 1 : i32
      %add3A_562 = arith.addi %mul3A_425, %add3A_561 : i32
      %get3A_563 = arith.index_cast %add3A_562 : i32 to index
      %get3A_564 = arith.constant 64 : index
      %get3A_565 = tpu.vector_load %arg11[%get3A_563, %get3A_564] {strides = array<i32>} : memref<64x128xf32, #tpu.memory_space<vmem>>, vector<1x16xf32>,
      %get3A_566 = vector.shape_cast %get3A_565 : vector<1x16xf32> to vector<16xf32>
      %add3A_567 = arith.constant 1 : i32
      %add3A_568 = arith.addi %mul3A_425, %add3A_567 : i32
      %get3A_569 = arith.index_cast %add3A_568 : i32 to index
      %get3A_570 = arith.constant 80 : index
      %get3A_571 = tpu.vector_load %arg11[%get3A_569, %get3A_570] {strides = array<i32>} : memref<64x128xf32, #tpu.memory_space<vmem>>, vector<1x16xf32>,
      %get3A_572 = vector.shape_cast %get3A_571 : vector<1x16xf32> to vector<16xf32>
      %add3A_573 = arith.constant 1 : i32
      %add3A_574 = arith.addi %mul3A_425, %add3A_573 : i32
      %get3A_575 = arith.index_cast %add3A_574 : i32 to index
      %get3A_576 = arith.constant 96 : index
      %get3A_577 = tpu.vector_load %arg11[%get3A_575, %get3A_576] {strides = array<i32>} : memref<64x128xf32, #tpu.memory_space<vmem>>, vector<1x16xf32>,
      %get3A_578 = vector.shape_cast %get3A_577 : vector<1x16xf32> to vector<16xf32>
      %add3A_579 = arith.constant 1 : i32
      %add3A_580 = arith.addi %mul3A_425, %add3A_579 : i32
      %get3A_581 = arith.index_cast %add3A_580 : i32 to index
      %get3A_582 = arith.constant 112 : index
      %get3A_583 = tpu.vector_load %arg11[%get3A_581, %get3A_582] {strides = array<i32>} : memref<64x128xf32, #tpu.memory_space<vmem>>, vector<1x16xf32>,
      %get3A_584 = vector.shape_cast %get3A_583 : vector<1x16xf32> to vector<16xf32>
      %add3A_585 = arith.addf %get3A_542, %get3A_174 : vector<16xf32>
      %add3A_586 = arith.constant 1 : i32
      %add3A_587 = arith.addi %mul3A_425, %add3A_586 : i32
      %swap3A_588 = arith.index_cast %add3A_587 : i32 to index
      %swap3A_589 = arith.constant 0 : index
      %swap3A_590 = tpu.vector_load %arg11[%swap3A_588, %swap3A_589] {strides = array<i32>} : memref<64x128xf32, #tpu.memory_space<vmem>>, vector<1x16xf32>,
      %swap3A_591 = vector.shape_cast %swap3A_590 : vector<1x16xf32> to vector<16xf32>
      %swap3A_592 = vector.shape_cast %add3A_585 : vector<16xf32> to vector<1x16xf32>
      tpu.vector_store %arg11[%swap3A_588, %swap3A_589], %swap3A_592 {strides = array<i32>} : memref<64x128xf32, #tpu.memory_space<vmem>>, vector<1x16xf32>,
      %add3A_593 = arith.addf %get3A_548, %get3A_178 : vector<16xf32>
      %add3A_594 = arith.constant 1 : i32
      %add3A_595 = arith.addi %mul3A_425, %add3A_594 : i32
      %swap3A_596 = arith.index_cast %add3A_595 : i32 to index
      %swap3A_597 = arith.constant 16 : index
      %swap3A_598 = tpu.vector_load %arg11[%swap3A_596, %swap3A_597] {strides = array<i32>} : memref<64x128xf32, #tpu.memory_space<vmem>>, vector<1x16xf32>,
      %swap3A_599 = vector.shape_cast %swap3A_598 : vector<1x16xf32> to vector<16xf32>
      %swap3A_600 = vector.shape_cast %add3A_593 : vector<16xf32> to vector<1x16xf32>
      tpu.vector_store %arg11[%swap3A_596, %swap3A_597], %swap3A_600 {strides = array<i32>} : memref<64x128xf32, #tpu.memory_space<vmem>>, vector<1x16xf32>,
      %add3A_601 = arith.addf %get3A_554, %get3A_182 : vector<16xf32>
      %add3A_602 = arith.constant 1 : i32
      %add3A_603 = arith.addi %mul3A_425, %add3A_602 : i32
      %swap3A_604 = arith.index_cast %add3A_603 : i32 to index
      %swap3A_605 = arith.constant 32 : index
      %swap3A_606 = tpu.vector_load %arg11[%swap3A_604, %swap3A_605] {strides = array<i32>} : memref<64x128xf32, #tpu.memory_space<vmem>>, vector<1x16xf32>,
      %swap3A_607 = vector.shape_cast %swap3A_606 : vector<1x16xf32> to vector<16xf32>
      %swap3A_608 = vector.shape_cast %add3A_601 : vector<16xf32> to vector<1x16xf32>
      tpu.vector_store %arg11[%swap3A_604, %swap3A_605], %swap3A_608 {strides = array<i32>} : memref<64x128xf32, #tpu.memory_space<vmem>>, vector<1x16xf32>,
      %add3A_609 = arith.addf %get3A_560, %get3A_186 : vector<16xf32>
      %add3A_610 = arith.constant 1 : i32
      %add3A_611 = arith.addi %mul3A_425, %add3A_610 : i32
      %swap3A_612 = arith.index_cast %add3A_611 : i32 to index
      %swap3A_613 = arith.constant 48 : index
      %swap3A_614 = tpu.vector_load %arg11[%swap3A_612, %swap3A_613] {strides = array<i32>} : memref<64x128xf32, #tpu.memory_space<vmem>>, vector<1x16xf32>,
      %swap3A_615 = vector.shape_cast %swap3A_614 : vector<1x16xf32> to vector<16xf32>
      %swap3A_616 = vector.shape_cast %add3A_609 : vector<16xf32> to vector<1x16xf32>
      tpu.vector_store %arg11[%swap3A_612, %swap3A_613], %swap3A_616 {strides = array<i32>} : memref<64x128xf32, #tpu.memory_space<vmem>>, vector<1x16xf32>,
      %add3A_617 = arith.addf %get3A_566, %get3A_190 : vector<16xf32>
      %add3A_618 = arith.constant 1 : i32
      %add3A_619 = arith.addi %mul3A_425, %add3A_618 : i32
      %swap3A_620 = arith.index_cast %add3A_619 : i32 to index
      %swap3A_621 = arith.constant 64 : index
      %swap3A_622 = tpu.vector_load %arg11[%swap3A_620, %swap3A_621] {strides = array<i32>} : memref<64x128xf32, #tpu.memory_space<vmem>>, vector<1x16xf32>,
      %swap3A_623 = vector.shape_cast %swap3A_622 : vector<1x16xf32> to vector<16xf32>
      %swap3A_624 = vector.shape_cast %add3A_617 : vector<16xf32> to vector<1x16xf32>
      tpu.vector_store %arg11[%swap3A_620, %swap3A_621], %swap3A_624 {strides = array<i32>} : memref<64x128xf32, #tpu.memory_space<vmem>>, vector<1x16xf32>,
      %add3A_625 = arith.addf %get3A_572, %get3A_194 : vector<16xf32>
      %add3A_626 = arith.constant 1 : i32
      %add3A_627 = arith.addi %mul3A_425, %add3A_626 : i32
      %swap3A_628 = arith.index_cast %add3A_627 : i32 to index
      %swap3A_629 = arith.constant 80 : index
      %swap3A_630 = tpu.vector_load %arg11[%swap3A_628, %swap3A_629] {strides = array<i32>} : memref<64x128xf32, #tpu.memory_space<vmem>>, vector<1x16xf32>,
      %swap3A_631 = vector.shape_cast %swap3A_630 : vector<1x16xf32> to vector<16xf32>
      %swap3A_632 = vector.shape_cast %add3A_625 : vector<16xf32> to vector<1x16xf32>
      tpu.vector_store %arg11[%swap3A_628, %swap3A_629], %swap3A_632 {strides = array<i32>} : memref<64x128xf32, #tpu.memory_space<vmem>>, vector<1x16xf32>,
      %add3A_633 = arith.addf %get3A_578, %get3A_198 : vector<16xf32>
      %add3A_634 = arith.constant 1 : i32
      %add3A_635 = arith.addi %mul3A_425, %add3A_634 : i32
      %swap3A_636 = arith.index_cast %add3A_635 : i32 to index
      %swap3A_637 = arith.constant 96 : index
      %swap3A_638 = tpu.vector_load %arg11[%swap3A_636, %swap3A_637] {strides = array<i32>} : memref<64x128xf32, #tpu.memory_space<vmem>>, vector<1x16xf32>,
      %swap3A_639 = vector.shape_cast %swap3A_638 : vector<1x16xf32> to vector<16xf32>
      %swap3A_640 = vector.shape_cast %add3A_633 : vector<16xf32> to vector<1x16xf32>
      tpu.vector_store %arg11[%swap3A_636, %swap3A_637], %swap3A_640 {strides = array<i32>} : memref<64x128xf32, #tpu.memory_space<vmem>>, vector<1x16xf32>,
      %add3A_641 = arith.addf %get3A_584, %get3A_202 : vector<16xf32>
      %add3A_642 = arith.constant 1 : i32
      %add3A_643 = arith.addi %mul3A_425, %add3A_642 : i32
      %swap3A_644 = arith.index_cast %add3A_643 : i32 to index
      %swap3A_645 = arith.constant 112 : index
      %swap3A_646 = tpu.vector_load %arg11[%swap3A_644, %swap3A_645] {strides = array<i32>} : memref<64x128xf32, #tpu.memory_space<vmem>>, vector<1x16xf32>,
      %swap3A_647 = vector.shape_cast %swap3A_646 : vector<1x16xf32> to vector<16xf32>
      %swap3A_648 = vector.shape_cast %add3A_641 : vector<16xf32> to vector<1x16xf32>
      tpu.vector_store %arg11[%swap3A_644, %swap3A_645], %swap3A_648 {strides = array<i32>} : memref<64x128xf32, #tpu.memory_space<vmem>>, vector<1x16xf32>,
    }
    %scan3A_208 = arith.constant 32 : i32
    %dma_wait3A_209 = arith.constant 93 : i32
    %dma_wait3A_210 = arith.constant 0 : i32
    %dma_wait3A_211 = tpu.memref_slice %arg8[%dma_wait3A_209, %dma_wait3A_210] : memref<100x64xi32, #tpu.memory_space<vmem>> -> memref<1x64xi32, #tpu.memory_space<vmem>>
    %dma_wait3A_212 = tpu.memref_squeeze %dma_wait3A_211 : memref<1x64xi32, #tpu.memory_space<vmem>> -> memref<64xi32, #tpu.memory_space<vmem>>
    %dma_wait3A_213 = arith.constant 0 : i32
    %dma_wait3A_214 = arith.constant 0 : i32
    %dma_wait3A_215 = tpu.memref_slice %arg6[%dma_wait3A_213, %dma_wait3A_214] : memref<204800x128xf32, #tpu.memory_space<hbm>> -> memref<204800x128xf32, #tpu.memory_space<hbm>>
    tpu.wait_indirect_dma semaphore(%arg31 : memref<!tpu.dma_semaphore, #tpu.memory_space<semaphore_mem>>) src(%arg15 : memref<64x128xf32, #tpu.memory_space<vmem>>) dst(%dma_wait3A_215 : memref<204800x128xf32, #tpu.memory_space<hbm>>)
    %dma_start3A_216 = arith.constant 97 : i32
    %dma_start3A_217 = arith.constant 0 : i32
    %dma_start3A_218 = tpu.memref_slice %arg8[%dma_start3A_216, %dma_start3A_217] : memref<100x64xi32, #tpu.memory_space<vmem>> -> memref<1x64xi32, #tpu.memory_space<vmem>>
    %dma_start3A_219 = tpu.memref_squeeze %dma_start3A_218 : memref<1x64xi32, #tpu.memory_space<vmem>> -> memref<64xi32, #tpu.memory_space<vmem>>
    %dma_start3A_220 = arith.constant 0 : i32
    %dma_start3A_221 = arith.constant 0 : i32
    %dma_start3A_222 = tpu.memref_slice %arg6[%dma_start3A_220, %dma_start3A_221] : memref<204800x128xf32, #tpu.memory_space<hbm>> -> memref<204800x128xf32, #tpu.memory_space<hbm>>
    tpu.enqueue_indirect_dma source(%arg11 : memref<64x128xf32, #tpu.memory_space<vmem>>) target(%dma_start3A_222 : memref<204800x128xf32, #tpu.memory_space<hbm>>) offsets(%dma_start3A_219 : memref<64xi32, #tpu.memory_space<vmem>>) semaphore(%arg27 : memref<!tpu.dma_semaphore, #tpu.memory_space<semaphore_mem>>)
    %dma_wait3A_223 = arith.constant 0 : i32
    %dma_wait3A_224 = arith.constant 0 : i32
    %dma_wait3A_225 = tpu.memref_slice %arg3[%dma_wait3A_223, %dma_wait3A_224] : memref<100000x128xf32, #tpu.memory_space<hbm>> -> memref<64x128xf32, #tpu.memory_space<hbm>>
    %dma_wait3A_226 = arith.constant 0 : i32
    %dma_wait3A_227 = arith.constant 0 : i32
    %dma_wait3A_228 = tpu.memref_slice %arg3[%dma_wait3A_226, %dma_wait3A_227] : memref<100000x128xf32, #tpu.memory_space<hbm>> -> memref<64x128xf32, #tpu.memory_space<hbm>>
    tpu.wait_dma2 semaphore(%arg20 : memref<!tpu.dma_semaphore, #tpu.memory_space<semaphore_mem>>) src(%dma_wait3A_228 : memref<64x128xf32, #tpu.memory_space<hbm>>) dst(%arg12 : memref<64x128xf32, #tpu.memory_space<vmem>>)
    %mul3A_229 = arith.constant 100 : i32
    %mul3A_230 = arith.muli %add3A, %mul3A_229 : i32
    %add3A_231 = arith.constant 98 : i32
    %add3A_232 = arith.addi %mul3A_230, %add3A_231 : i32
    %jit3A_233 = arith.constant 16 : i32
    %div3A_234 = arith.divsi %add3A_232, %jit3A_233 : i32
    %sign3A_235 = arith.constant 0 : i32
    %sign3A_236 = arith.cmpi sgt, %add3A_232, %sign3A_235 : i32
    %sign3A_237 = arith.extui %sign3A_236 : i1 to i32
    %sign3A_238 = arith.constant 0 : i32
    %sign3A_239 = arith.cmpi slt, %add3A_232, %sign3A_238 : i32
    %sign3A_240 = arith.extui %sign3A_239 : i1 to i32
    %sign3A_241 = arith.subi %sign3A_237, %sign3A_240 : i32
    %sign3A_242 = arith.constant 0 : i32
    %sign3A_243 = arith.cmpi sgt, %jit3A_233, %sign3A_242 : i32
    %sign3A_244 = arith.extui %sign3A_243 : i1 to i32
    %sign3A_245 = arith.constant 0 : i32
    %sign3A_246 = arith.cmpi slt, %jit3A_233, %sign3A_245 : i32
    %sign3A_247 = arith.extui %sign3A_246 : i1 to i32
    %sign3A_248 = arith.subi %sign3A_244, %sign3A_247 : i32
    %ne3A_249 = arith.cmpi ne, %sign3A_241, %sign3A_248 : i32
    %rem3A_250 = arith.remsi %add3A_232, %jit3A_233 : i32
    %ne3A_251 = arith.constant 0 : i32
    %ne3A_252 = arith.cmpi ne, %rem3A_250, %ne3A_251 : i32
    %and3A_253 = arith.andi %ne3A_249, %ne3A_252 : i1
    %sub3A_254 = arith.constant 1 : i32
    %sub3A_255 = arith.subi %div3A_234, %sub3A_254 : i32
    %select_n3A_256 = arith.select %and3A_253, %sub3A_255, %div3A_234 : i32
    %get3A_257 = arith.index_cast %select_n3A_256 : i32 to index
    %get3A_258 = arith.constant 0 : index
    %get3A_259 = tpu.vector_load %arg9[%get3A_257, %get3A_258] {strides = array<i32>} : memref<200x128xf32, #tpu.memory_space<vmem>>, vector<1x16xf32>,
    %get3A_260 = vector.shape_cast %get3A_259 : vector<1x16xf32> to vector<16xf32>
    %get3A_261 = arith.index_cast %select_n3A_256 : i32 to index
    %get3A_262 = arith.constant 16 : index
    %get3A_263 = tpu.vector_load %arg9[%get3A_261, %get3A_262] {strides = array<i32>} : memref<200x128xf32, #tpu.memory_space<vmem>>, vector<1x16xf32>,
    %get3A_264 = vector.shape_cast %get3A_263 : vector<1x16xf32> to vector<16xf32>
    %get3A_265 = arith.index_cast %select_n3A_256 : i32 to index
    %get3A_266 = arith.constant 32 : index
    %get3A_267 = tpu.vector_load %arg9[%get3A_265, %get3A_266] {strides = array<i32>} : memref<200x128xf32, #tpu.memory_space<vmem>>, vector<1x16xf32>,
    %get3A_268 = vector.shape_cast %get3A_267 : vector<1x16xf32> to vector<16xf32>
    %get3A_269 = arith.index_cast %select_n3A_256 : i32 to index
    %get3A_270 = arith.constant 48 : index
    %get3A_271 = tpu.vector_load %arg9[%get3A_269, %get3A_270] {strides = array<i32>} : memref<200x128xf32, #tpu.memory_space<vmem>>, vector<1x16xf32>,
    %get3A_272 = vector.shape_cast %get3A_271 : vector<1x16xf32> to vector<16xf32>
    %get3A_273 = arith.index_cast %select_n3A_256 : i32 to index
    %get3A_274 = arith.constant 64 : index
    %get3A_275 = tpu.vector_load %arg9[%get3A_273, %get3A_274] {strides = array<i32>} : memref<200x128xf32, #tpu.memory_space<vmem>>, vector<1x16xf32>,
    %get3A_276 = vector.shape_cast %get3A_275 : vector<1x16xf32> to vector<16xf32>
    %get3A_277 = arith.index_cast %select_n3A_256 : i32 to index
    %get3A_278 = arith.constant 80 : index
    %get3A_279 = tpu.vector_load %arg9[%get3A_277, %get3A_278] {strides = array<i32>} : memref<200x128xf32, #tpu.memory_space<vmem>>, vector<1x16xf32>,
    %get3A_280 = vector.shape_cast %get3A_279 : vector<1x16xf32> to vector<16xf32>
    %get3A_281 = arith.index_cast %select_n3A_256 : i32 to index
    %get3A_282 = arith.constant 96 : index
    %get3A_283 = tpu.vector_load %arg9[%get3A_281, %get3A_282] {strides = array<i32>} : memref<200x128xf32, #tpu.memory_space<vmem>>, vector<1x16xf32>,
    %get3A_284 = vector.shape_cast %get3A_283 : vector<1x16xf32> to vector<16xf32>
    %get3A_285 = arith.index_cast %select_n3A_256 : i32 to index
    %get3A_286 = arith.constant 112 : index
    %get3A_287 = tpu.vector_load %arg9[%get3A_285, %get3A_286] {strides = array<i32>} : memref<200x128xf32, #tpu.memory_space<vmem>>, vector<1x16xf32>,
    %get3A_288 = vector.shape_cast %get3A_287 : vector<1x16xf32> to vector<16xf32>
    %scan3A_289 = arith.constant 0 : i32
    %scan3A_290 = arith.constant 0 : i32
    %scan3A_291 = arith.constant 32 : i32
    %scan3A_292 = arith.addi %scan3A_290, %scan3A_291 : i32
    %scan3A_293 = arith.constant 1 : i32
    scf.for %scan3A_423 = %scan3A_290 to %scan3A_292 step %scan3A_293  : i32 {
      %mul3A_424 = arith.constant 2 : i32
      %mul3A_425 = arith.muli %scan3A_423, %mul3A_424 : i32
      %add3A_426 = arith.constant 0 : i32
      %add3A_427 = arith.addi %mul3A_425, %add3A_426 : i32
      %get3A_428 = arith.index_cast %add3A_427 : i32 to index
      %get3A_429 = arith.constant 0 : index
      %get3A_430 = tpu.vector_load %arg12[%get3A_428, %get3A_429] {strides = array<i32>} : memref<64x128xf32, #tpu.memory_space<vmem>>, vector<1x16xf32>,
      %get3A_431 = vector.shape_cast %get3A_430 : vector<1x16xf32> to vector<16xf32>
      %add3A_432 = arith.constant 0 : i32
      %add3A_433 = arith.addi %mul3A_425, %add3A_432 : i32
      %get3A_434 = arith.index_cast %add3A_433 : i32 to index
      %get3A_435 = arith.constant 16 : index
      %get3A_436 = tpu.vector_load %arg12[%get3A_434, %get3A_435] {strides = array<i32>} : memref<64x128xf32, #tpu.memory_space<vmem>>, vector<1x16xf32>,
      %get3A_437 = vector.shape_cast %get3A_436 : vector<1x16xf32> to vector<16xf32>
      %add3A_438 = arith.constant 0 : i32
      %add3A_439 = arith.addi %mul3A_425, %add3A_438 : i32
      %get3A_440 = arith.index_cast %add3A_439 : i32 to index
      %get3A_441 = arith.constant 32 : index
      %get3A_442 = tpu.vector_load %arg12[%get3A_440, %get3A_441] {strides = array<i32>} : memref<64x128xf32, #tpu.memory_space<vmem>>, vector<1x16xf32>,
      %get3A_443 = vector.shape_cast %get3A_442 : vector<1x16xf32> to vector<16xf32>
      %add3A_444 = arith.constant 0 : i32
      %add3A_445 = arith.addi %mul3A_425, %add3A_444 : i32
      %get3A_446 = arith.index_cast %add3A_445 : i32 to index
      %get3A_447 = arith.constant 48 : index
      %get3A_448 = tpu.vector_load %arg12[%get3A_446, %get3A_447] {strides = array<i32>} : memref<64x128xf32, #tpu.memory_space<vmem>>, vector<1x16xf32>,
      %get3A_449 = vector.shape_cast %get3A_448 : vector<1x16xf32> to vector<16xf32>
      %add3A_450 = arith.constant 0 : i32
      %add3A_451 = arith.addi %mul3A_425, %add3A_450 : i32
      %get3A_452 = arith.index_cast %add3A_451 : i32 to index
      %get3A_453 = arith.constant 64 : index
      %get3A_454 = tpu.vector_load %arg12[%get3A_452, %get3A_453] {strides = array<i32>} : memref<64x128xf32, #tpu.memory_space<vmem>>, vector<1x16xf32>,
      %get3A_455 = vector.shape_cast %get3A_454 : vector<1x16xf32> to vector<16xf32>
      %add3A_456 = arith.constant 0 : i32
      %add3A_457 = arith.addi %mul3A_425, %add3A_456 : i32
      %get3A_458 = arith.index_cast %add3A_457 : i32 to index
      %get3A_459 = arith.constant 80 : index
      %get3A_460 = tpu.vector_load %arg12[%get3A_458, %get3A_459] {strides = array<i32>} : memref<64x128xf32, #tpu.memory_space<vmem>>, vector<1x16xf32>,
      %get3A_461 = vector.shape_cast %get3A_460 : vector<1x16xf32> to vector<16xf32>
      %add3A_462 = arith.constant 0 : i32
      %add3A_463 = arith.addi %mul3A_425, %add3A_462 : i32
      %get3A_464 = arith.index_cast %add3A_463 : i32 to index
      %get3A_465 = arith.constant 96 : index
      %get3A_466 = tpu.vector_load %arg12[%get3A_464, %get3A_465] {strides = array<i32>} : memref<64x128xf32, #tpu.memory_space<vmem>>, vector<1x16xf32>,
      %get3A_467 = vector.shape_cast %get3A_466 : vector<1x16xf32> to vector<16xf32>
      %add3A_468 = arith.constant 0 : i32
      %add3A_469 = arith.addi %mul3A_425, %add3A_468 : i32
      %get3A_470 = arith.index_cast %add3A_469 : i32 to index
      %get3A_471 = arith.constant 112 : index
      %get3A_472 = tpu.vector_load %arg12[%get3A_470, %get3A_471] {strides = array<i32>} : memref<64x128xf32, #tpu.memory_space<vmem>>, vector<1x16xf32>,
      %get3A_473 = vector.shape_cast %get3A_472 : vector<1x16xf32> to vector<16xf32>
      %add3A_474 = arith.addf %get3A_431, %get3A_260 : vector<16xf32>
      %add3A_475 = arith.constant 0 : i32
      %add3A_476 = arith.addi %mul3A_425, %add3A_475 : i32
      %swap3A = arith.index_cast %add3A_476 : i32 to index
      %swap3A_477 = arith.constant 0 : index
      %swap3A_478 = tpu.vector_load %arg12[%swap3A, %swap3A_477] {strides = array<i32>} : memref<64x128xf32, #tpu.memory_space<vmem>>, vector<1x16xf32>,
      %swap3A_479 = vector.shape_cast %swap3A_478 : vector<1x16xf32> to vector<16xf32>
      %swap3A_480 = vector.shape_cast %add3A_474 : vector<16xf32> to vector<1x16xf32>
      tpu.vector_store %arg12[%swap3A, %swap3A_477], %swap3A_480 {strides = array<i32>} : memref<64x128xf32, #tpu.memory_space<vmem>>, vector<1x16xf32>,
      %add3A_481 = arith.addf %get3A_437, %get3A_264 : vector<16xf32>
      %add3A_482 = arith.constant 0 : i32
      %add3A_483 = arith.addi %mul3A_425, %add3A_482 : i32
      %swap3A_484 = arith.index_cast %add3A_483 : i32 to index
      %swap3A_485 = arith.constant 16 : index
      %swap3A_486 = tpu.vector_load %arg12[%swap3A_484, %swap3A_485] {strides = array<i32>} : memref<64x128xf32, #tpu.memory_space<vmem>>, vector<1x16xf32>,
      %swap3A_487 = vector.shape_cast %swap3A_486 : vector<1x16xf32> to vector<16xf32>
      %swap3A_488 = vector.shape_cast %add3A_481 : vector<16xf32> to vector<1x16xf32>
      tpu.vector_store %arg12[%swap3A_484, %swap3A_485], %swap3A_488 {strides = array<i32>} : memref<64x128xf32, #tpu.memory_space<vmem>>, vector<1x16xf32>,
      %add3A_489 = arith.addf %get3A_443, %get3A_268 : vector<16xf32>
      %add3A_490 = arith.constant 0 : i32
      %add3A_491 = arith.addi %mul3A_425, %add3A_490 : i32
      %swap3A_492 = arith.index_cast %add3A_491 : i32 to index
      %swap3A_493 = arith.constant 32 : index
      %swap3A_494 = tpu.vector_load %arg12[%swap3A_492, %swap3A_493] {strides = array<i32>} : memref<64x128xf32, #tpu.memory_space<vmem>>, vector<1x16xf32>,
      %swap3A_495 = vector.shape_cast %swap3A_494 : vector<1x16xf32> to vector<16xf32>
      %swap3A_496 = vector.shape_cast %add3A_489 : vector<16xf32> to vector<1x16xf32>
      tpu.vector_store %arg12[%swap3A_492, %swap3A_493], %swap3A_496 {strides = array<i32>} : memref<64x128xf32, #tpu.memory_space<vmem>>, vector<1x16xf32>,
      %add3A_497 = arith.addf %get3A_449, %get3A_272 : vector<16xf32>
      %add3A_498 = arith.constant 0 : i32
      %add3A_499 = arith.addi %mul3A_425, %add3A_498 : i32
      %swap3A_500 = arith.index_cast %add3A_499 : i32 to index
      %swap3A_501 = arith.constant 48 : index
      %swap3A_502 = tpu.vector_load %arg12[%swap3A_500, %swap3A_501] {strides = array<i32>} : memref<64x128xf32, #tpu.memory_space<vmem>>, vector<1x16xf32>,
      %swap3A_503 = vector.shape_cast %swap3A_502 : vector<1x16xf32> to vector<16xf32>
      %swap3A_504 = vector.shape_cast %add3A_497 : vector<16xf32> to vector<1x16xf32>
      tpu.vector_store %arg12[%swap3A_500, %swap3A_501], %swap3A_504 {strides = array<i32>} : memref<64x128xf32, #tpu.memory_space<vmem>>, vector<1x16xf32>,
      %add3A_505 = arith.addf %get3A_455, %get3A_276 : vector<16xf32>
      %add3A_506 = arith.constant 0 : i32
      %add3A_507 = arith.addi %mul3A_425, %add3A_506 : i32
      %swap3A_508 = arith.index_cast %add3A_507 : i32 to index
      %swap3A_509 = arith.constant 64 : index
      %swap3A_510 = tpu.vector_load %arg12[%swap3A_508, %swap3A_509] {strides = array<i32>} : memref<64x128xf32, #tpu.memory_space<vmem>>, vector<1x16xf32>,
      %swap3A_511 = vector.shape_cast %swap3A_510 : vector<1x16xf32> to vector<16xf32>
      %swap3A_512 = vector.shape_cast %add3A_505 : vector<16xf32> to vector<1x16xf32>
      tpu.vector_store %arg12[%swap3A_508, %swap3A_509], %swap3A_512 {strides = array<i32>} : memref<64x128xf32, #tpu.memory_space<vmem>>, vector<1x16xf32>,
      %add3A_513 = arith.addf %get3A_461, %get3A_280 : vector<16xf32>
      %add3A_514 = arith.constant 0 : i32
      %add3A_515 = arith.addi %mul3A_425, %add3A_514 : i32
      %swap3A_516 = arith.index_cast %add3A_515 : i32 to index
      %swap3A_517 = arith.constant 80 : index
      %swap3A_518 = tpu.vector_load %arg12[%swap3A_516, %swap3A_517] {strides = array<i32>} : memref<64x128xf32, #tpu.memory_space<vmem>>, vector<1x16xf32>,
      %swap3A_519 = vector.shape_cast %swap3A_518 : vector<1x16xf32> to vector<16xf32>
      %swap3A_520 = vector.shape_cast %add3A_513 : vector<16xf32> to vector<1x16xf32>
      tpu.vector_store %arg12[%swap3A_516, %swap3A_517], %swap3A_520 {strides = array<i32>} : memref<64x128xf32, #tpu.memory_space<vmem>>, vector<1x16xf32>,
      %add3A_521 = arith.addf %get3A_467, %get3A_284 : vector<16xf32>
      %add3A_522 = arith.constant 0 : i32
      %add3A_523 = arith.addi %mul3A_425, %add3A_522 : i32
      %swap3A_524 = arith.index_cast %add3A_523 : i32 to index
      %swap3A_525 = arith.constant 96 : index
      %swap3A_526 = tpu.vector_load %arg12[%swap3A_524, %swap3A_525] {strides = array<i32>} : memref<64x128xf32, #tpu.memory_space<vmem>>, vector<1x16xf32>,
      %swap3A_527 = vector.shape_cast %swap3A_526 : vector<1x16xf32> to vector<16xf32>
      %swap3A_528 = vector.shape_cast %add3A_521 : vector<16xf32> to vector<1x16xf32>
      tpu.vector_store %arg12[%swap3A_524, %swap3A_525], %swap3A_528 {strides = array<i32>} : memref<64x128xf32, #tpu.memory_space<vmem>>, vector<1x16xf32>,
      %add3A_529 = arith.addf %get3A_473, %get3A_288 : vector<16xf32>
      %add3A_530 = arith.constant 0 : i32
      %add3A_531 = arith.addi %mul3A_425, %add3A_530 : i32
      %swap3A_532 = arith.index_cast %add3A_531 : i32 to index
      %swap3A_533 = arith.constant 112 : index
      %swap3A_534 = tpu.vector_load %arg12[%swap3A_532, %swap3A_533] {strides = array<i32>} : memref<64x128xf32, #tpu.memory_space<vmem>>, vector<1x16xf32>,
      %swap3A_535 = vector.shape_cast %swap3A_534 : vector<1x16xf32> to vector<16xf32>
      %swap3A_536 = vector.shape_cast %add3A_529 : vector<16xf32> to vector<1x16xf32>
      tpu.vector_store %arg12[%swap3A_532, %swap3A_533], %swap3A_536 {strides = array<i32>} : memref<64x128xf32, #tpu.memory_space<vmem>>, vector<1x16xf32>,
      %add3A_537 = arith.constant 1 : i32
      %add3A_538 = arith.addi %mul3A_425, %add3A_537 : i32
      %get3A_539 = arith.index_cast %add3A_538 : i32 to index
      %get3A_540 = arith.constant 0 : index
      %get3A_541 = tpu.vector_load %arg12[%get3A_539, %get3A_540] {strides = array<i32>} : memref<64x128xf32, #tpu.memory_space<vmem>>, vector<1x16xf32>,
      %get3A_542 = vector.shape_cast %get3A_541 : vector<1x16xf32> to vector<16xf32>
      %add3A_543 = arith.constant 1 : i32
      %add3A_544 = arith.addi %mul3A_425, %add3A_543 : i32
      %get3A_545 = arith.index_cast %add3A_544 : i32 to index
      %get3A_546 = arith.constant 16 : index
      %get3A_547 = tpu.vector_load %arg12[%get3A_545, %get3A_546] {strides = array<i32>} : memref<64x128xf32, #tpu.memory_space<vmem>>, vector<1x16xf32>,
      %get3A_548 = vector.shape_cast %get3A_547 : vector<1x16xf32> to vector<16xf32>
      %add3A_549 = arith.constant 1 : i32
      %add3A_550 = arith.addi %mul3A_425, %add3A_549 : i32
      %get3A_551 = arith.index_cast %add3A_550 : i32 to index
      %get3A_552 = arith.constant 32 : index
      %get3A_553 = tpu.vector_load %arg12[%get3A_551, %get3A_552] {strides = array<i32>} : memref<64x128xf32, #tpu.memory_space<vmem>>, vector<1x16xf32>,
      %get3A_554 = vector.shape_cast %get3A_553 : vector<1x16xf32> to vector<16xf32>
      %add3A_555 = arith.constant 1 : i32
      %add3A_556 = arith.addi %mul3A_425, %add3A_555 : i32
      %get3A_557 = arith.index_cast %add3A_556 : i32 to index
      %get3A_558 = arith.constant 48 : index
      %get3A_559 = tpu.vector_load %arg12[%get3A_557, %get3A_558] {strides = array<i32>} : memref<64x128xf32, #tpu.memory_space<vmem>>, vector<1x16xf32>,
      %get3A_560 = vector.shape_cast %get3A_559 : vector<1x16xf32> to vector<16xf32>
      %add3A_561 = arith.constant 1 : i32
      %add3A_562 = arith.addi %mul3A_425, %add3A_561 : i32
      %get3A_563 = arith.index_cast %add3A_562 : i32 to index
      %get3A_564 = arith.constant 64 : index
      %get3A_565 = tpu.vector_load %arg12[%get3A_563, %get3A_564] {strides = array<i32>} : memref<64x128xf32, #tpu.memory_space<vmem>>, vector<1x16xf32>,
      %get3A_566 = vector.shape_cast %get3A_565 : vector<1x16xf32> to vector<16xf32>
      %add3A_567 = arith.constant 1 : i32
      %add3A_568 = arith.addi %mul3A_425, %add3A_567 : i32
      %get3A_569 = arith.index_cast %add3A_568 : i32 to index
      %get3A_570 = arith.constant 80 : index
      %get3A_571 = tpu.vector_load %arg12[%get3A_569, %get3A_570] {strides = array<i32>} : memref<64x128xf32, #tpu.memory_space<vmem>>, vector<1x16xf32>,
      %get3A_572 = vector.shape_cast %get3A_571 : vector<1x16xf32> to vector<16xf32>
      %add3A_573 = arith.constant 1 : i32
      %add3A_574 = arith.addi %mul3A_425, %add3A_573 : i32
      %get3A_575 = arith.index_cast %add3A_574 : i32 to index
      %get3A_576 = arith.constant 96 : index
      %get3A_577 = tpu.vector_load %arg12[%get3A_575, %get3A_576] {strides = array<i32>} : memref<64x128xf32, #tpu.memory_space<vmem>>, vector<1x16xf32>,
      %get3A_578 = vector.shape_cast %get3A_577 : vector<1x16xf32> to vector<16xf32>
      %add3A_579 = arith.constant 1 : i32
      %add3A_580 = arith.addi %mul3A_425, %add3A_579 : i32
      %get3A_581 = arith.index_cast %add3A_580 : i32 to index
      %get3A_582 = arith.constant 112 : index
      %get3A_583 = tpu.vector_load %arg12[%get3A_581, %get3A_582] {strides = array<i32>} : memref<64x128xf32, #tpu.memory_space<vmem>>, vector<1x16xf32>,
      %get3A_584 = vector.shape_cast %get3A_583 : vector<1x16xf32> to vector<16xf32>
      %add3A_585 = arith.addf %get3A_542, %get3A_260 : vector<16xf32>
      %add3A_586 = arith.constant 1 : i32
      %add3A_587 = arith.addi %mul3A_425, %add3A_586 : i32
      %swap3A_588 = arith.index_cast %add3A_587 : i32 to index
      %swap3A_589 = arith.constant 0 : index
      %swap3A_590 = tpu.vector_load %arg12[%swap3A_588, %swap3A_589] {strides = array<i32>} : memref<64x128xf32, #tpu.memory_space<vmem>>, vector<1x16xf32>,
      %swap3A_591 = vector.shape_cast %swap3A_590 : vector<1x16xf32> to vector<16xf32>
      %swap3A_592 = vector.shape_cast %add3A_585 : vector<16xf32> to vector<1x16xf32>
      tpu.vector_store %arg12[%swap3A_588, %swap3A_589], %swap3A_592 {strides = array<i32>} : memref<64x128xf32, #tpu.memory_space<vmem>>, vector<1x16xf32>,
      %add3A_593 = arith.addf %get3A_548, %get3A_264 : vector<16xf32>
      %add3A_594 = arith.constant 1 : i32
      %add3A_595 = arith.addi %mul3A_425, %add3A_594 : i32
      %swap3A_596 = arith.index_cast %add3A_595 : i32 to index
      %swap3A_597 = arith.constant 16 : index
      %swap3A_598 = tpu.vector_load %arg12[%swap3A_596, %swap3A_597] {strides = array<i32>} : memref<64x128xf32, #tpu.memory_space<vmem>>, vector<1x16xf32>,
      %swap3A_599 = vector.shape_cast %swap3A_598 : vector<1x16xf32> to vector<16xf32>
      %swap3A_600 = vector.shape_cast %add3A_593 : vector<16xf32> to vector<1x16xf32>
      tpu.vector_store %arg12[%swap3A_596, %swap3A_597], %swap3A_600 {strides = array<i32>} : memref<64x128xf32, #tpu.memory_space<vmem>>, vector<1x16xf32>,
      %add3A_601 = arith.addf %get3A_554, %get3A_268 : vector<16xf32>
      %add3A_602 = arith.constant 1 : i32
      %add3A_603 = arith.addi %mul3A_425, %add3A_602 : i32
      %swap3A_604 = arith.index_cast %add3A_603 : i32 to index
      %swap3A_605 = arith.constant 32 : index
      %swap3A_606 = tpu.vector_load %arg12[%swap3A_604, %swap3A_605] {strides = array<i32>} : memref<64x128xf32, #tpu.memory_space<vmem>>, vector<1x16xf32>,
      %swap3A_607 = vector.shape_cast %swap3A_606 : vector<1x16xf32> to vector<16xf32>
      %swap3A_608 = vector.shape_cast %add3A_601 : vector<16xf32> to vector<1x16xf32>
      tpu.vector_store %arg12[%swap3A_604, %swap3A_605], %swap3A_608 {strides = array<i32>} : memref<64x128xf32, #tpu.memory_space<vmem>>, vector<1x16xf32>,
      %add3A_609 = arith.addf %get3A_560, %get3A_272 : vector<16xf32>
      %add3A_610 = arith.constant 1 : i32
      %add3A_611 = arith.addi %mul3A_425, %add3A_610 : i32
      %swap3A_612 = arith.index_cast %add3A_611 : i32 to index
      %swap3A_613 = arith.constant 48 : index
      %swap3A_614 = tpu.vector_load %arg12[%swap3A_612, %swap3A_613] {strides = array<i32>} : memref<64x128xf32, #tpu.memory_space<vmem>>, vector<1x16xf32>,
      %swap3A_615 = vector.shape_cast %swap3A_614 : vector<1x16xf32> to vector<16xf32>
      %swap3A_616 = vector.shape_cast %add3A_609 : vector<16xf32> to vector<1x16xf32>
      tpu.vector_store %arg12[%swap3A_612, %swap3A_613], %swap3A_616 {strides = array<i32>} : memref<64x128xf32, #tpu.memory_space<vmem>>, vector<1x16xf32>,
      %add3A_617 = arith.addf %get3A_566, %get3A_276 : vector<16xf32>
      %add3A_618 = arith.constant 1 : i32
      %add3A_619 = arith.addi %mul3A_425, %add3A_618 : i32
      %swap3A_620 = arith.index_cast %add3A_619 : i32 to index
      %swap3A_621 = arith.constant 64 : index
      %swap3A_622 = tpu.vector_load %arg12[%swap3A_620, %swap3A_621] {strides = array<i32>} : memref<64x128xf32, #tpu.memory_space<vmem>>, vector<1x16xf32>,
      %swap3A_623 = vector.shape_cast %swap3A_622 : vector<1x16xf32> to vector<16xf32>
      %swap3A_624 = vector.shape_cast %add3A_617 : vector<16xf32> to vector<1x16xf32>
      tpu.vector_store %arg12[%swap3A_620, %swap3A_621], %swap3A_624 {strides = array<i32>} : memref<64x128xf32, #tpu.memory_space<vmem>>, vector<1x16xf32>,
      %add3A_625 = arith.addf %get3A_572, %get3A_280 : vector<16xf32>
      %add3A_626 = arith.constant 1 : i32
      %add3A_627 = arith.addi %mul3A_425, %add3A_626 : i32
      %swap3A_628 = arith.index_cast %add3A_627 : i32 to index
      %swap3A_629 = arith.constant 80 : index
      %swap3A_630 = tpu.vector_load %arg12[%swap3A_628, %swap3A_629] {strides = array<i32>} : memref<64x128xf32, #tpu.memory_space<vmem>>, vector<1x16xf32>,
      %swap3A_631 = vector.shape_cast %swap3A_630 : vector<1x16xf32> to vector<16xf32>
      %swap3A_632 = vector.shape_cast %add3A_625 : vector<16xf32> to vector<1x16xf32>
      tpu.vector_store %arg12[%swap3A_628, %swap3A_629], %swap3A_632 {strides = array<i32>} : memref<64x128xf32, #tpu.memory_space<vmem>>, vector<1x16xf32>,
      %add3A_633 = arith.addf %get3A_578, %get3A_284 : vector<16xf32>
      %add3A_634 = arith.constant 1 : i32
      %add3A_635 = arith.addi %mul3A_425, %add3A_634 : i32
      %swap3A_636 = arith.index_cast %add3A_635 : i32 to index
      %swap3A_637 = arith.constant 96 : index
      %swap3A_638 = tpu.vector_load %arg12[%swap3A_636, %swap3A_637] {strides = array<i32>} : memref<64x128xf32, #tpu.memory_space<vmem>>, vector<1x16xf32>,
      %swap3A_639 = vector.shape_cast %swap3A_638 : vector<1x16xf32> to vector<16xf32>
      %swap3A_640 = vector.shape_cast %add3A_633 : vector<16xf32> to vector<1x16xf32>
      tpu.vector_store %arg12[%swap3A_636, %swap3A_637], %swap3A_640 {strides = array<i32>} : memref<64x128xf32, #tpu.memory_space<vmem>>, vector<1x16xf32>,
      %add3A_641 = arith.addf %get3A_584, %get3A_288 : vector<16xf32>
      %add3A_642 = arith.constant 1 : i32
      %add3A_643 = arith.addi %mul3A_425, %add3A_642 : i32
      %swap3A_644 = arith.index_cast %add3A_643 : i32 to index
      %swap3A_645 = arith.constant 112 : index
      %swap3A_646 = tpu.vector_load %arg12[%swap3A_644, %swap3A_645] {strides = array<i32>} : memref<64x128xf32, #tpu.memory_space<vmem>>, vector<1x16xf32>,
      %swap3A_647 = vector.shape_cast %swap3A_646 : vector<1x16xf32> to vector<16xf32>
      %swap3A_648 = vector.shape_cast %add3A_641 : vector<16xf32> to vector<1x16xf32>
      tpu.vector_store %arg12[%swap3A_644, %swap3A_645], %swap3A_648 {strides = array<i32>} : memref<64x128xf32, #tpu.memory_space<vmem>>, vector<1x16xf32>,
    }
    %scan3A_294 = arith.constant 32 : i32
    %dma_wait3A_295 = arith.constant 94 : i32
    %dma_wait3A_296 = arith.constant 0 : i32
    %dma_wait3A_297 = tpu.memref_slice %arg8[%dma_wait3A_295, %dma_wait3A_296] : memref<100x64xi32, #tpu.memory_space<vmem>> -> memref<1x64xi32, #tpu.memory_space<vmem>>
    %dma_wait3A_298 = tpu.memref_squeeze %dma_wait3A_297 : memref<1x64xi32, #tpu.memory_space<vmem>> -> memref<64xi32, #tpu.memory_space<vmem>>
    %dma_wait3A_299 = arith.constant 0 : i32
    %dma_wait3A_300 = arith.constant 0 : i32
    %dma_wait3A_301 = tpu.memref_slice %arg6[%dma_wait3A_299, %dma_wait3A_300] : memref<204800x128xf32, #tpu.memory_space<hbm>> -> memref<204800x128xf32, #tpu.memory_space<hbm>>
    tpu.wait_indirect_dma semaphore(%arg32 : memref<!tpu.dma_semaphore, #tpu.memory_space<semaphore_mem>>) src(%arg16 : memref<64x128xf32, #tpu.memory_space<vmem>>) dst(%dma_wait3A_301 : memref<204800x128xf32, #tpu.memory_space<hbm>>)
    %dma_start3A_302 = arith.constant 98 : i32
    %dma_start3A_303 = arith.constant 0 : i32
    %dma_start3A_304 = tpu.memref_slice %arg8[%dma_start3A_302, %dma_start3A_303] : memref<100x64xi32, #tpu.memory_space<vmem>> -> memref<1x64xi32, #tpu.memory_space<vmem>>
    %dma_start3A_305 = tpu.memref_squeeze %dma_start3A_304 : memref<1x64xi32, #tpu.memory_space<vmem>> -> memref<64xi32, #tpu.memory_space<vmem>>
    %dma_start3A_306 = arith.constant 0 : i32
    %dma_start3A_307 = arith.constant 0 : i32
    %dma_start3A_308 = tpu.memref_slice %arg6[%dma_start3A_306, %dma_start3A_307] : memref<204800x128xf32, #tpu.memory_space<hbm>> -> memref<204800x128xf32, #tpu.memory_space<hbm>>
    tpu.enqueue_indirect_dma source(%arg12 : memref<64x128xf32, #tpu.memory_space<vmem>>) target(%dma_start3A_308 : memref<204800x128xf32, #tpu.memory_space<hbm>>) offsets(%dma_start3A_305 : memref<64xi32, #tpu.memory_space<vmem>>) semaphore(%arg28 : memref<!tpu.dma_semaphore, #tpu.memory_space<semaphore_mem>>)
    %dma_wait3A_309 = arith.constant 0 : i32
    %dma_wait3A_310 = arith.constant 0 : i32
    %dma_wait3A_311 = tpu.memref_slice %arg3[%dma_wait3A_309, %dma_wait3A_310] : memref<100000x128xf32, #tpu.memory_space<hbm>> -> memref<64x128xf32, #tpu.memory_space<hbm>>
    %dma_wait3A_312 = arith.constant 0 : i32
    %dma_wait3A_313 = arith.constant 0 : i32
    %dma_wait3A_314 = tpu.memref_slice %arg3[%dma_wait3A_312, %dma_wait3A_313] : memref<100000x128xf32, #tpu.memory_space<hbm>> -> memref<64x128xf32, #tpu.memory_space<hbm>>
    tpu.wait_dma2 semaphore(%arg21 : memref<!tpu.dma_semaphore, #tpu.memory_space<semaphore_mem>>) src(%dma_wait3A_314 : memref<64x128xf32, #tpu.memory_space<hbm>>) dst(%arg13 : memref<64x128xf32, #tpu.memory_space<vmem>>)
    %mul3A_315 = arith.constant 100 : i32
    %mul3A_316 = arith.muli %add3A, %mul3A_315 : i32
    %add3A_317 = arith.constant 99 : i32
    %add3A_318 = arith.addi %mul3A_316, %add3A_317 : i32
    %jit3A_319 = arith.constant 16 : i32
    %div3A_320 = arith.divsi %add3A_318, %jit3A_319 : i32
    %sign3A_321 = arith.constant 0 : i32
    %sign3A_322 = arith.cmpi sgt, %add3A_318, %sign3A_321 : i32
    %sign3A_323 = arith.extui %sign3A_322 : i1 to i32
    %sign3A_324 = arith.constant 0 : i32
    %sign3A_325 = arith.cmpi slt, %add3A_318, %sign3A_324 : i32
    %sign3A_326 = arith.extui %sign3A_325 : i1 to i32
    %sign3A_327 = arith.subi %sign3A_323, %sign3A_326 : i32
    %sign3A_328 = arith.constant 0 : i32
    %sign3A_329 = arith.cmpi sgt, %jit3A_319, %sign3A_328 : i32
    %sign3A_330 = arith.extui %sign3A_329 : i1 to i32
    %sign3A_331 = arith.constant 0 : i32
    %sign3A_332 = arith.cmpi slt, %jit3A_319, %sign3A_331 : i32
    %sign3A_333 = arith.extui %sign3A_332 : i1 to i32
    %sign3A_334 = arith.subi %sign3A_330, %sign3A_333 : i32
    %ne3A_335 = arith.cmpi ne, %sign3A_327, %sign3A_334 : i32
    %rem3A_336 = arith.remsi %add3A_318, %jit3A_319 : i32
    %ne3A_337 = arith.constant 0 : i32
    %ne3A_338 = arith.cmpi ne, %rem3A_336, %ne3A_337 : i32
    %and3A_339 = arith.andi %ne3A_335, %ne3A_338 : i1
    %sub3A_340 = arith.constant 1 : i32
    %sub3A_341 = arith.subi %div3A_320, %sub3A_340 : i32
    %select_n3A_342 = arith.select %and3A_339, %sub3A_341, %div3A_320 : i32
    %get3A_343 = arith.index_cast %select_n3A_342 : i32 to index
    %get3A_344 = arith.constant 0 : index
    %get3A_345 = tpu.vector_load %arg9[%get3A_343, %get3A_344] {strides = array<i32>} : memref<200x128xf32, #tpu.memory_space<vmem>>, vector<1x16xf32>,
    %get3A_346 = vector.shape_cast %get3A_345 : vector<1x16xf32> to vector<16xf32>
    %get3A_347 = arith.index_cast %select_n3A_342 : i32 to index
    %get3A_348 = arith.constant 16 : index
    %get3A_349 = tpu.vector_load %arg9[%get3A_347, %get3A_348] {strides = array<i32>} : memref<200x128xf32, #tpu.memory_space<vmem>>, vector<1x16xf32>,
    %get3A_350 = vector.shape_cast %get3A_349 : vector<1x16xf32> to vector<16xf32>
    %get3A_351 = arith.index_cast %select_n3A_342 : i32 to index
    %get3A_352 = arith.constant 32 : index
    %get3A_353 = tpu.vector_load %arg9[%get3A_351, %get3A_352] {strides = array<i32>} : memref<200x128xf32, #tpu.memory_space<vmem>>, vector<1x16xf32>,
    %get3A_354 = vector.shape_cast %get3A_353 : vector<1x16xf32> to vector<16xf32>
    %get3A_355 = arith.index_cast %select_n3A_342 : i32 to index
    %get3A_356 = arith.constant 48 : index
    %get3A_357 = tpu.vector_load %arg9[%get3A_355, %get3A_356] {strides = array<i32>} : memref<200x128xf32, #tpu.memory_space<vmem>>, vector<1x16xf32>,
    %get3A_358 = vector.shape_cast %get3A_357 : vector<1x16xf32> to vector<16xf32>
    %get3A_359 = arith.index_cast %select_n3A_342 : i32 to index
    %get3A_360 = arith.constant 64 : index
    %get3A_361 = tpu.vector_load %arg9[%get3A_359, %get3A_360] {strides = array<i32>} : memref<200x128xf32, #tpu.memory_space<vmem>>, vector<1x16xf32>,
    %get3A_362 = vector.shape_cast %get3A_361 : vector<1x16xf32> to vector<16xf32>
    %get3A_363 = arith.index_cast %select_n3A_342 : i32 to index
    %get3A_364 = arith.constant 80 : index
    %get3A_365 = tpu.vector_load %arg9[%get3A_363, %get3A_364] {strides = array<i32>} : memref<200x128xf32, #tpu.memory_space<vmem>>, vector<1x16xf32>,
    %get3A_366 = vector.shape_cast %get3A_365 : vector<1x16xf32> to vector<16xf32>
    %get3A_367 = arith.index_cast %select_n3A_342 : i32 to index
    %get3A_368 = arith.constant 96 : index
    %get3A_369 = tpu.vector_load %arg9[%get3A_367, %get3A_368] {strides = array<i32>} : memref<200x128xf32, #tpu.memory_space<vmem>>, vector<1x16xf32>,
    %get3A_370 = vector.shape_cast %get3A_369 : vector<1x16xf32> to vector<16xf32>
    %get3A_371 = arith.index_cast %select_n3A_342 : i32 to index
    %get3A_372 = arith.constant 112 : index
    %get3A_373 = tpu.vector_load %arg9[%get3A_371, %get3A_372] {strides = array<i32>} : memref<200x128xf32, #tpu.memory_space<vmem>>, vector<1x16xf32>,
    %get3A_374 = vector.shape_cast %get3A_373 : vector<1x16xf32> to vector<16xf32>
    %scan3A_375 = arith.constant 0 : i32
    %scan3A_376 = arith.constant 0 : i32
    %scan3A_377 = arith.constant 32 : i32
    %scan3A_378 = arith.addi %scan3A_376, %scan3A_377 : i32
    %scan3A_379 = arith.constant 1 : i32
    scf.for %scan3A_423 = %scan3A_376 to %scan3A_378 step %scan3A_379  : i32 {
      %mul3A_424 = arith.constant 2 : i32
      %mul3A_425 = arith.muli %scan3A_423, %mul3A_424 : i32
      %add3A_426 = arith.constant 0 : i32
      %add3A_427 = arith.addi %mul3A_425, %add3A_426 : i32
      %get3A_428 = arith.index_cast %add3A_427 : i32 to index
      %get3A_429 = arith.constant 0 : index
      %get3A_430 = tpu.vector_load %arg13[%get3A_428, %get3A_429] {strides = array<i32>} : memref<64x128xf32, #tpu.memory_space<vmem>>, vector<1x16xf32>,
      %get3A_431 = vector.shape_cast %get3A_430 : vector<1x16xf32> to vector<16xf32>
      %add3A_432 = arith.constant 0 : i32
      %add3A_433 = arith.addi %mul3A_425, %add3A_432 : i32
      %get3A_434 = arith.index_cast %add3A_433 : i32 to index
      %get3A_435 = arith.constant 16 : index
      %get3A_436 = tpu.vector_load %arg13[%get3A_434, %get3A_435] {strides = array<i32>} : memref<64x128xf32, #tpu.memory_space<vmem>>, vector<1x16xf32>,
      %get3A_437 = vector.shape_cast %get3A_436 : vector<1x16xf32> to vector<16xf32>
      %add3A_438 = arith.constant 0 : i32
      %add3A_439 = arith.addi %mul3A_425, %add3A_438 : i32
      %get3A_440 = arith.index_cast %add3A_439 : i32 to index
      %get3A_441 = arith.constant 32 : index
      %get3A_442 = tpu.vector_load %arg13[%get3A_440, %get3A_441] {strides = array<i32>} : memref<64x128xf32, #tpu.memory_space<vmem>>, vector<1x16xf32>,
      %get3A_443 = vector.shape_cast %get3A_442 : vector<1x16xf32> to vector<16xf32>
      %add3A_444 = arith.constant 0 : i32
      %add3A_445 = arith.addi %mul3A_425, %add3A_444 : i32
      %get3A_446 = arith.index_cast %add3A_445 : i32 to index
      %get3A_447 = arith.constant 48 : index
      %get3A_448 = tpu.vector_load %arg13[%get3A_446, %get3A_447] {strides = array<i32>} : memref<64x128xf32, #tpu.memory_space<vmem>>, vector<1x16xf32>,
      %get3A_449 = vector.shape_cast %get3A_448 : vector<1x16xf32> to vector<16xf32>
      %add3A_450 = arith.constant 0 : i32
      %add3A_451 = arith.addi %mul3A_425, %add3A_450 : i32
      %get3A_452 = arith.index_cast %add3A_451 : i32 to index
      %get3A_453 = arith.constant 64 : index
      %get3A_454 = tpu.vector_load %arg13[%get3A_452, %get3A_453] {strides = array<i32>} : memref<64x128xf32, #tpu.memory_space<vmem>>, vector<1x16xf32>,
      %get3A_455 = vector.shape_cast %get3A_454 : vector<1x16xf32> to vector<16xf32>
      %add3A_456 = arith.constant 0 : i32
      %add3A_457 = arith.addi %mul3A_425, %add3A_456 : i32
      %get3A_458 = arith.index_cast %add3A_457 : i32 to index
      %get3A_459 = arith.constant 80 : index
      %get3A_460 = tpu.vector_load %arg13[%get3A_458, %get3A_459] {strides = array<i32>} : memref<64x128xf32, #tpu.memory_space<vmem>>, vector<1x16xf32>,
      %get3A_461 = vector.shape_cast %get3A_460 : vector<1x16xf32> to vector<16xf32>
      %add3A_462 = arith.constant 0 : i32
      %add3A_463 = arith.addi %mul3A_425, %add3A_462 : i32
      %get3A_464 = arith.index_cast %add3A_463 : i32 to index
      %get3A_465 = arith.constant 96 : index
      %get3A_466 = tpu.vector_load %arg13[%get3A_464, %get3A_465] {strides = array<i32>} : memref<64x128xf32, #tpu.memory_space<vmem>>, vector<1x16xf32>,
      %get3A_467 = vector.shape_cast %get3A_466 : vector<1x16xf32> to vector<16xf32>
      %add3A_468 = arith.constant 0 : i32
      %add3A_469 = arith.addi %mul3A_425, %add3A_468 : i32
      %get3A_470 = arith.index_cast %add3A_469 : i32 to index
      %get3A_471 = arith.constant 112 : index
      %get3A_472 = tpu.vector_load %arg13[%get3A_470, %get3A_471] {strides = array<i32>} : memref<64x128xf32, #tpu.memory_space<vmem>>, vector<1x16xf32>,
      %get3A_473 = vector.shape_cast %get3A_472 : vector<1x16xf32> to vector<16xf32>
      %add3A_474 = arith.addf %get3A_431, %get3A_346 : vector<16xf32>
      %add3A_475 = arith.constant 0 : i32
      %add3A_476 = arith.addi %mul3A_425, %add3A_475 : i32
      %swap3A = arith.index_cast %add3A_476 : i32 to index
      %swap3A_477 = arith.constant 0 : index
      %swap3A_478 = tpu.vector_load %arg13[%swap3A, %swap3A_477] {strides = array<i32>} : memref<64x128xf32, #tpu.memory_space<vmem>>, vector<1x16xf32>,
      %swap3A_479 = vector.shape_cast %swap3A_478 : vector<1x16xf32> to vector<16xf32>
      %swap3A_480 = vector.shape_cast %add3A_474 : vector<16xf32> to vector<1x16xf32>
      tpu.vector_store %arg13[%swap3A, %swap3A_477], %swap3A_480 {strides = array<i32>} : memref<64x128xf32, #tpu.memory_space<vmem>>, vector<1x16xf32>,
      %add3A_481 = arith.addf %get3A_437, %get3A_350 : vector<16xf32>
      %add3A_482 = arith.constant 0 : i32
      %add3A_483 = arith.addi %mul3A_425, %add3A_482 : i32
      %swap3A_484 = arith.index_cast %add3A_483 : i32 to index
      %swap3A_485 = arith.constant 16 : index
      %swap3A_486 = tpu.vector_load %arg13[%swap3A_484, %swap3A_485] {strides = array<i32>} : memref<64x128xf32, #tpu.memory_space<vmem>>, vector<1x16xf32>,
      %swap3A_487 = vector.shape_cast %swap3A_486 : vector<1x16xf32> to vector<16xf32>
      %swap3A_488 = vector.shape_cast %add3A_481 : vector<16xf32> to vector<1x16xf32>
      tpu.vector_store %arg13[%swap3A_484, %swap3A_485], %swap3A_488 {strides = array<i32>} : memref<64x128xf32, #tpu.memory_space<vmem>>, vector<1x16xf32>,
      %add3A_489 = arith.addf %get3A_443, %get3A_354 : vector<16xf32>
      %add3A_490 = arith.constant 0 : i32
      %add3A_491 = arith.addi %mul3A_425, %add3A_490 : i32
      %swap3A_492 = arith.index_cast %add3A_491 : i32 to index
      %swap3A_493 = arith.constant 32 : index
      %swap3A_494 = tpu.vector_load %arg13[%swap3A_492, %swap3A_493] {strides = array<i32>} : memref<64x128xf32, #tpu.memory_space<vmem>>, vector<1x16xf32>,
      %swap3A_495 = vector.shape_cast %swap3A_494 : vector<1x16xf32> to vector<16xf32>
      %swap3A_496 = vector.shape_cast %add3A_489 : vector<16xf32> to vector<1x16xf32>
      tpu.vector_store %arg13[%swap3A_492, %swap3A_493], %swap3A_496 {strides = array<i32>} : memref<64x128xf32, #tpu.memory_space<vmem>>, vector<1x16xf32>,
      %add3A_497 = arith.addf %get3A_449, %get3A_358 : vector<16xf32>
      %add3A_498 = arith.constant 0 : i32
      %add3A_499 = arith.addi %mul3A_425, %add3A_498 : i32
      %swap3A_500 = arith.index_cast %add3A_499 : i32 to index
      %swap3A_501 = arith.constant 48 : index
      %swap3A_502 = tpu.vector_load %arg13[%swap3A_500, %swap3A_501] {strides = array<i32>} : memref<64x128xf32, #tpu.memory_space<vmem>>, vector<1x16xf32>,
      %swap3A_503 = vector.shape_cast %swap3A_502 : vector<1x16xf32> to vector<16xf32>
      %swap3A_504 = vector.shape_cast %add3A_497 : vector<16xf32> to vector<1x16xf32>
      tpu.vector_store %arg13[%swap3A_500, %swap3A_501], %swap3A_504 {strides = array<i32>} : memref<64x128xf32, #tpu.memory_space<vmem>>, vector<1x16xf32>,
      %add3A_505 = arith.addf %get3A_455, %get3A_362 : vector<16xf32>
      %add3A_506 = arith.constant 0 : i32
      %add3A_507 = arith.addi %mul3A_425, %add3A_506 : i32
      %swap3A_508 = arith.index_cast %add3A_507 : i32 to index
      %swap3A_509 = arith.constant 64 : index
      %swap3A_510 = tpu.vector_load %arg13[%swap3A_508, %swap3A_509] {strides = array<i32>} : memref<64x128xf32, #tpu.memory_space<vmem>>, vector<1x16xf32>,
      %swap3A_511 = vector.shape_cast %swap3A_510 : vector<1x16xf32> to vector<16xf32>
      %swap3A_512 = vector.shape_cast %add3A_505 : vector<16xf32> to vector<1x16xf32>
      tpu.vector_store %arg13[%swap3A_508, %swap3A_509], %swap3A_512 {strides = array<i32>} : memref<64x128xf32, #tpu.memory_space<vmem>>, vector<1x16xf32>,
      %add3A_513 = arith.addf %get3A_461, %get3A_366 : vector<16xf32>
      %add3A_514 = arith.constant 0 : i32
      %add3A_515 = arith.addi %mul3A_425, %add3A_514 : i32
      %swap3A_516 = arith.index_cast %add3A_515 : i32 to index
      %swap3A_517 = arith.constant 80 : index
      %swap3A_518 = tpu.vector_load %arg13[%swap3A_516, %swap3A_517] {strides = array<i32>} : memref<64x128xf32, #tpu.memory_space<vmem>>, vector<1x16xf32>,
      %swap3A_519 = vector.shape_cast %swap3A_518 : vector<1x16xf32> to vector<16xf32>
      %swap3A_520 = vector.shape_cast %add3A_513 : vector<16xf32> to vector<1x16xf32>
      tpu.vector_store %arg13[%swap3A_516, %swap3A_517], %swap3A_520 {strides = array<i32>} : memref<64x128xf32, #tpu.memory_space<vmem>>, vector<1x16xf32>,
      %add3A_521 = arith.addf %get3A_467, %get3A_370 : vector<16xf32>
      %add3A_522 = arith.constant 0 : i32
      %add3A_523 = arith.addi %mul3A_425, %add3A_522 : i32
      %swap3A_524 = arith.index_cast %add3A_523 : i32 to index
      %swap3A_525 = arith.constant 96 : index
      %swap3A_526 = tpu.vector_load %arg13[%swap3A_524, %swap3A_525] {strides = array<i32>} : memref<64x128xf32, #tpu.memory_space<vmem>>, vector<1x16xf32>,
      %swap3A_527 = vector.shape_cast %swap3A_526 : vector<1x16xf32> to vector<16xf32>
      %swap3A_528 = vector.shape_cast %add3A_521 : vector<16xf32> to vector<1x16xf32>
      tpu.vector_store %arg13[%swap3A_524, %swap3A_525], %swap3A_528 {strides = array<i32>} : memref<64x128xf32, #tpu.memory_space<vmem>>, vector<1x16xf32>,
      %add3A_529 = arith.addf %get3A_473, %get3A_374 : vector<16xf32>
      %add3A_530 = arith.constant 0 : i32
      %add3A_531 = arith.addi %mul3A_425, %add3A_530 : i32
      %swap3A_532 = arith.index_cast %add3A_531 : i32 to index
      %swap3A_533 = arith.constant 112 : index
      %swap3A_534 = tpu.vector_load %arg13[%swap3A_532, %swap3A_533] {strides = array<i32>} : memref<64x128xf32, #tpu.memory_space<vmem>>, vector<1x16xf32>,
      %swap3A_535 = vector.shape_cast %swap3A_534 : vector<1x16xf32> to vector<16xf32>
      %swap3A_536 = vector.shape_cast %add3A_529 : vector<16xf32> to vector<1x16xf32>
      tpu.vector_store %arg13[%swap3A_532, %swap3A_533], %swap3A_536 {strides = array<i32>} : memref<64x128xf32, #tpu.memory_space<vmem>>, vector<1x16xf32>,
      %add3A_537 = arith.constant 1 : i32
      %add3A_538 = arith.addi %mul3A_425, %add3A_537 : i32
      %get3A_539 = arith.index_cast %add3A_538 : i32 to index
      %get3A_540 = arith.constant 0 : index
      %get3A_541 = tpu.vector_load %arg13[%get3A_539, %get3A_540] {strides = array<i32>} : memref<64x128xf32, #tpu.memory_space<vmem>>, vector<1x16xf32>,
      %get3A_542 = vector.shape_cast %get3A_541 : vector<1x16xf32> to vector<16xf32>
      %add3A_543 = arith.constant 1 : i32
      %add3A_544 = arith.addi %mul3A_425, %add3A_543 : i32
      %get3A_545 = arith.index_cast %add3A_544 : i32 to index
      %get3A_546 = arith.constant 16 : index
      %get3A_547 = tpu.vector_load %arg13[%get3A_545, %get3A_546] {strides = array<i32>} : memref<64x128xf32, #tpu.memory_space<vmem>>, vector<1x16xf32>,
      %get3A_548 = vector.shape_cast %get3A_547 : vector<1x16xf32> to vector<16xf32>
      %add3A_549 = arith.constant 1 : i32
      %add3A_550 = arith.addi %mul3A_425, %add3A_549 : i32
      %get3A_551 = arith.index_cast %add3A_550 : i32 to index
      %get3A_552 = arith.constant 32 : index
      %get3A_553 = tpu.vector_load %arg13[%get3A_551, %get3A_552] {strides = array<i32>} : memref<64x128xf32, #tpu.memory_space<vmem>>, vector<1x16xf32>,
      %get3A_554 = vector.shape_cast %get3A_553 : vector<1x16xf32> to vector<16xf32>
      %add3A_555 = arith.constant 1 : i32
      %add3A_556 = arith.addi %mul3A_425, %add3A_555 : i32
      %get3A_557 = arith.index_cast %add3A_556 : i32 to index
      %get3A_558 = arith.constant 48 : index
      %get3A_559 = tpu.vector_load %arg13[%get3A_557, %get3A_558] {strides = array<i32>} : memref<64x128xf32, #tpu.memory_space<vmem>>, vector<1x16xf32>,
      %get3A_560 = vector.shape_cast %get3A_559 : vector<1x16xf32> to vector<16xf32>
      %add3A_561 = arith.constant 1 : i32
      %add3A_562 = arith.addi %mul3A_425, %add3A_561 : i32
      %get3A_563 = arith.index_cast %add3A_562 : i32 to index
      %get3A_564 = arith.constant 64 : index
      %get3A_565 = tpu.vector_load %arg13[%get3A_563, %get3A_564] {strides = array<i32>} : memref<64x128xf32, #tpu.memory_space<vmem>>, vector<1x16xf32>,
      %get3A_566 = vector.shape_cast %get3A_565 : vector<1x16xf32> to vector<16xf32>
      %add3A_567 = arith.constant 1 : i32
      %add3A_568 = arith.addi %mul3A_425, %add3A_567 : i32
      %get3A_569 = arith.index_cast %add3A_568 : i32 to index
      %get3A_570 = arith.constant 80 : index
      %get3A_571 = tpu.vector_load %arg13[%get3A_569, %get3A_570] {strides = array<i32>} : memref<64x128xf32, #tpu.memory_space<vmem>>, vector<1x16xf32>,
      %get3A_572 = vector.shape_cast %get3A_571 : vector<1x16xf32> to vector<16xf32>
      %add3A_573 = arith.constant 1 : i32
      %add3A_574 = arith.addi %mul3A_425, %add3A_573 : i32
      %get3A_575 = arith.index_cast %add3A_574 : i32 to index
      %get3A_576 = arith.constant 96 : index
      %get3A_577 = tpu.vector_load %arg13[%get3A_575, %get3A_576] {strides = array<i32>} : memref<64x128xf32, #tpu.memory_space<vmem>>, vector<1x16xf32>,
      %get3A_578 = vector.shape_cast %get3A_577 : vector<1x16xf32> to vector<16xf32>
      %add3A_579 = arith.constant 1 : i32
      %add3A_580 = arith.addi %mul3A_425, %add3A_579 : i32
      %get3A_581 = arith.index_cast %add3A_580 : i32 to index
      %get3A_582 = arith.constant 112 : index
      %get3A_583 = tpu.vector_load %arg13[%get3A_581, %get3A_582] {strides = array<i32>} : memref<64x128xf32, #tpu.memory_space<vmem>>, vector<1x16xf32>,
      %get3A_584 = vector.shape_cast %get3A_583 : vector<1x16xf32> to vector<16xf32>
      %add3A_585 = arith.addf %get3A_542, %get3A_346 : vector<16xf32>
      %add3A_586 = arith.constant 1 : i32
      %add3A_587 = arith.addi %mul3A_425, %add3A_586 : i32
      %swap3A_588 = arith.index_cast %add3A_587 : i32 to index
      %swap3A_589 = arith.constant 0 : index
      %swap3A_590 = tpu.vector_load %arg13[%swap3A_588, %swap3A_589] {strides = array<i32>} : memref<64x128xf32, #tpu.memory_space<vmem>>, vector<1x16xf32>,
      %swap3A_591 = vector.shape_cast %swap3A_590 : vector<1x16xf32> to vector<16xf32>
      %swap3A_592 = vector.shape_cast %add3A_585 : vector<16xf32> to vector<1x16xf32>
      tpu.vector_store %arg13[%swap3A_588, %swap3A_589], %swap3A_592 {strides = array<i32>} : memref<64x128xf32, #tpu.memory_space<vmem>>, vector<1x16xf32>,
      %add3A_593 = arith.addf %get3A_548, %get3A_350 : vector<16xf32>
      %add3A_594 = arith.constant 1 : i32
      %add3A_595 = arith.addi %mul3A_425, %add3A_594 : i32
      %swap3A_596 = arith.index_cast %add3A_595 : i32 to index
      %swap3A_597 = arith.constant 16 : index
      %swap3A_598 = tpu.vector_load %arg13[%swap3A_596, %swap3A_597] {strides = array<i32>} : memref<64x128xf32, #tpu.memory_space<vmem>>, vector<1x16xf32>,
      %swap3A_599 = vector.shape_cast %swap3A_598 : vector<1x16xf32> to vector<16xf32>
      %swap3A_600 = vector.shape_cast %add3A_593 : vector<16xf32> to vector<1x16xf32>
      tpu.vector_store %arg13[%swap3A_596, %swap3A_597], %swap3A_600 {strides = array<i32>} : memref<64x128xf32, #tpu.memory_space<vmem>>, vector<1x16xf32>,
      %add3A_601 = arith.addf %get3A_554, %get3A_354 : vector<16xf32>
      %add3A_602 = arith.constant 1 : i32
      %add3A_603 = arith.addi %mul3A_425, %add3A_602 : i32
      %swap3A_604 = arith.index_cast %add3A_603 : i32 to index
      %swap3A_605 = arith.constant 32 : index
      %swap3A_606 = tpu.vector_load %arg13[%swap3A_604, %swap3A_605] {strides = array<i32>} : memref<64x128xf32, #tpu.memory_space<vmem>>, vector<1x16xf32>,
      %swap3A_607 = vector.shape_cast %swap3A_606 : vector<1x16xf32> to vector<16xf32>
      %swap3A_608 = vector.shape_cast %add3A_601 : vector<16xf32> to vector<1x16xf32>
      tpu.vector_store %arg13[%swap3A_604, %swap3A_605], %swap3A_608 {strides = array<i32>} : memref<64x128xf32, #tpu.memory_space<vmem>>, vector<1x16xf32>,
      %add3A_609 = arith.addf %get3A_560, %get3A_358 : vector<16xf32>
      %add3A_610 = arith.constant 1 : i32
      %add3A_611 = arith.addi %mul3A_425, %add3A_610 : i32
      %swap3A_612 = arith.index_cast %add3A_611 : i32 to index
      %swap3A_613 = arith.constant 48 : index
      %swap3A_614 = tpu.vector_load %arg13[%swap3A_612, %swap3A_613] {strides = array<i32>} : memref<64x128xf32, #tpu.memory_space<vmem>>, vector<1x16xf32>,
      %swap3A_615 = vector.shape_cast %swap3A_614 : vector<1x16xf32> to vector<16xf32>
      %swap3A_616 = vector.shape_cast %add3A_609 : vector<16xf32> to vector<1x16xf32>
      tpu.vector_store %arg13[%swap3A_612, %swap3A_613], %swap3A_616 {strides = array<i32>} : memref<64x128xf32, #tpu.memory_space<vmem>>, vector<1x16xf32>,
      %add3A_617 = arith.addf %get3A_566, %get3A_362 : vector<16xf32>
      %add3A_618 = arith.constant 1 : i32
      %add3A_619 = arith.addi %mul3A_425, %add3A_618 : i32
      %swap3A_620 = arith.index_cast %add3A_619 : i32 to index
      %swap3A_621 = arith.constant 64 : index
      %swap3A_622 = tpu.vector_load %arg13[%swap3A_620, %swap3A_621] {strides = array<i32>} : memref<64x128xf32, #tpu.memory_space<vmem>>, vector<1x16xf32>,
      %swap3A_623 = vector.shape_cast %swap3A_622 : vector<1x16xf32> to vector<16xf32>
      %swap3A_624 = vector.shape_cast %add3A_617 : vector<16xf32> to vector<1x16xf32>
      tpu.vector_store %arg13[%swap3A_620, %swap3A_621], %swap3A_624 {strides = array<i32>} : memref<64x128xf32, #tpu.memory_space<vmem>>, vector<1x16xf32>,
      %add3A_625 = arith.addf %get3A_572, %get3A_366 : vector<16xf32>
      %add3A_626 = arith.constant 1 : i32
      %add3A_627 = arith.addi %mul3A_425, %add3A_626 : i32
      %swap3A_628 = arith.index_cast %add3A_627 : i32 to index
      %swap3A_629 = arith.constant 80 : index
      %swap3A_630 = tpu.vector_load %arg13[%swap3A_628, %swap3A_629] {strides = array<i32>} : memref<64x128xf32, #tpu.memory_space<vmem>>, vector<1x16xf32>,
      %swap3A_631 = vector.shape_cast %swap3A_630 : vector<1x16xf32> to vector<16xf32>
      %swap3A_632 = vector.shape_cast %add3A_625 : vector<16xf32> to vector<1x16xf32>
      tpu.vector_store %arg13[%swap3A_628, %swap3A_629], %swap3A_632 {strides = array<i32>} : memref<64x128xf32, #tpu.memory_space<vmem>>, vector<1x16xf32>,
      %add3A_633 = arith.addf %get3A_578, %get3A_370 : vector<16xf32>
      %add3A_634 = arith.constant 1 : i32
      %add3A_635 = arith.addi %mul3A_425, %add3A_634 : i32
      %swap3A_636 = arith.index_cast %add3A_635 : i32 to index
      %swap3A_637 = arith.constant 96 : index
      %swap3A_638 = tpu.vector_load %arg13[%swap3A_636, %swap3A_637] {strides = array<i32>} : memref<64x128xf32, #tpu.memory_space<vmem>>, vector<1x16xf32>,
      %swap3A_639 = vector.shape_cast %swap3A_638 : vector<1x16xf32> to vector<16xf32>
      %swap3A_640 = vector.shape_cast %add3A_633 : vector<16xf32> to vector<1x16xf32>
      tpu.vector_store %arg13[%swap3A_636, %swap3A_637], %swap3A_640 {strides = array<i32>} : memref<64x128xf32, #tpu.memory_space<vmem>>, vector<1x16xf32>,
      %add3A_641 = arith.addf %get3A_584, %get3A_374 : vector<16xf32>
      %add3A_642 = arith.constant 1 : i32
      %add3A_643 = arith.addi %mul3A_425, %add3A_642 : i32
      %swap3A_644 = arith.index_cast %add3A_643 : i32 to index
      %swap3A_645 = arith.constant 112 : index
      %swap3A_646 = tpu.vector_load %arg13[%swap3A_644, %swap3A_645] {strides = array<i32>} : memref<64x128xf32, #tpu.memory_space<vmem>>, vector<1x16xf32>,
      %swap3A_647 = vector.shape_cast %swap3A_646 : vector<1x16xf32> to vector<16xf32>
      %swap3A_648 = vector.shape_cast %add3A_641 : vector<16xf32> to vector<1x16xf32>
      tpu.vector_store %arg13[%swap3A_644, %swap3A_645], %swap3A_648 {strides = array<i32>} : memref<64x128xf32, #tpu.memory_space<vmem>>, vector<1x16xf32>,
    }
    %scan3A_380 = arith.constant 32 : i32
    %dma_wait3A_381 = arith.constant 95 : i32
    %dma_wait3A_382 = arith.constant 0 : i32
    %dma_wait3A_383 = tpu.memref_slice %arg8[%dma_wait3A_381, %dma_wait3A_382] : memref<100x64xi32, #tpu.memory_space<vmem>> -> memref<1x64xi32, #tpu.memory_space<vmem>>
    %dma_wait3A_384 = tpu.memref_squeeze %dma_wait3A_383 : memref<1x64xi32, #tpu.memory_space<vmem>> -> memref<64xi32, #tpu.memory_space<vmem>>
    %dma_wait3A_385 = arith.constant 0 : i32
    %dma_wait3A_386 = arith.constant 0 : i32
    %dma_wait3A_387 = tpu.memref_slice %arg6[%dma_wait3A_385, %dma_wait3A_386] : memref<204800x128xf32, #tpu.memory_space<hbm>> -> memref<204800x128xf32, #tpu.memory_space<hbm>>
    tpu.wait_indirect_dma semaphore(%arg33 : memref<!tpu.dma_semaphore, #tpu.memory_space<semaphore_mem>>) src(%arg17 : memref<64x128xf32, #tpu.memory_space<vmem>>) dst(%dma_wait3A_387 : memref<204800x128xf32, #tpu.memory_space<hbm>>)
    %dma_start3A_388 = arith.constant 99 : i32
    %dma_start3A_389 = arith.constant 0 : i32
    %dma_start3A_390 = tpu.memref_slice %arg8[%dma_start3A_388, %dma_start3A_389] : memref<100x64xi32, #tpu.memory_space<vmem>> -> memref<1x64xi32, #tpu.memory_space<vmem>>
    %dma_start3A_391 = tpu.memref_squeeze %dma_start3A_390 : memref<1x64xi32, #tpu.memory_space<vmem>> -> memref<64xi32, #tpu.memory_space<vmem>>
    %dma_start3A_392 = arith.constant 0 : i32
    %dma_start3A_393 = arith.constant 0 : i32
    %dma_start3A_394 = tpu.memref_slice %arg6[%dma_start3A_392, %dma_start3A_393] : memref<204800x128xf32, #tpu.memory_space<hbm>> -> memref<204800x128xf32, #tpu.memory_space<hbm>>
    tpu.enqueue_indirect_dma source(%arg13 : memref<64x128xf32, #tpu.memory_space<vmem>>) target(%dma_start3A_394 : memref<204800x128xf32, #tpu.memory_space<hbm>>) offsets(%dma_start3A_391 : memref<64xi32, #tpu.memory_space<vmem>>) semaphore(%arg29 : memref<!tpu.dma_semaphore, #tpu.memory_space<semaphore_mem>>)
    %dma_wait3A_395 = arith.constant 96 : i32
    %dma_wait3A_396 = arith.constant 0 : i32
    %dma_wait3A_397 = tpu.memref_slice %arg8[%dma_wait3A_395, %dma_wait3A_396] : memref<100x64xi32, #tpu.memory_space<vmem>> -> memref<1x64xi32, #tpu.memory_space<vmem>>
    %dma_wait3A_398 = tpu.memref_squeeze %dma_wait3A_397 : memref<1x64xi32, #tpu.memory_space<vmem>> -> memref<64xi32, #tpu.memory_space<vmem>>
    %dma_wait3A_399 = arith.constant 0 : i32
    %dma_wait3A_400 = arith.constant 0 : i32
    %dma_wait3A_401 = tpu.memref_slice %arg6[%dma_wait3A_399, %dma_wait3A_400] : memref<204800x128xf32, #tpu.memory_space<hbm>> -> memref<204800x128xf32, #tpu.memory_space<hbm>>
    tpu.wait_indirect_dma semaphore(%arg26 : memref<!tpu.dma_semaphore, #tpu.memory_space<semaphore_mem>>) src(%arg10 : memref<64x128xf32, #tpu.memory_space<vmem>>) dst(%dma_wait3A_401 : memref<204800x128xf32, #tpu.memory_space<hbm>>)
    %dma_wait3A_402 = arith.constant 97 : i32
    %dma_wait3A_403 = arith.constant 0 : i32
    %dma_wait3A_404 = tpu.memref_slice %arg8[%dma_wait3A_402, %dma_wait3A_403] : memref<100x64xi32, #tpu.memory_space<vmem>> -> memref<1x64xi32, #tpu.memory_space<vmem>>
    %dma_wait3A_405 = tpu.memref_squeeze %dma_wait3A_404 : memref<1x64xi32, #tpu.memory_space<vmem>> -> memref<64xi32, #tpu.memory_space<vmem>>
    %dma_wait3A_406 = arith.constant 0 : i32
    %dma_wait3A_407 = arith.constant 0 : i32
    %dma_wait3A_408 = tpu.memref_slice %arg6[%dma_wait3A_406, %dma_wait3A_407] : memref<204800x128xf32, #tpu.memory_space<hbm>> -> memref<204800x128xf32, #tpu.memory_space<hbm>>
    tpu.wait_indirect_dma semaphore(%arg27 : memref<!tpu.dma_semaphore, #tpu.memory_space<semaphore_mem>>) src(%arg11 : memref<64x128xf32, #tpu.memory_space<vmem>>) dst(%dma_wait3A_408 : memref<204800x128xf32, #tpu.memory_space<hbm>>)
    %dma_wait3A_409 = arith.constant 98 : i32
    %dma_wait3A_410 = arith.constant 0 : i32
    %dma_wait3A_411 = tpu.memref_slice %arg8[%dma_wait3A_409, %dma_wait3A_410] : memref<100x64xi32, #tpu.memory_space<vmem>> -> memref<1x64xi32, #tpu.memory_space<vmem>>
    %dma_wait3A_412 = tpu.memref_squeeze %dma_wait3A_411 : memref<1x64xi32, #tpu.memory_space<vmem>> -> memref<64xi32, #tpu.memory_space<vmem>>
    %dma_wait3A_413 = arith.constant 0 : i32
    %dma_wait3A_414 = arith.constant 0 : i32
    %dma_wait3A_415 = tpu.memref_slice %arg6[%dma_wait3A_413, %dma_wait3A_414] : memref<204800x128xf32, #tpu.memory_space<hbm>> -> memref<204800x128xf32, #tpu.memory_space<hbm>>
    tpu.wait_indirect_dma semaphore(%arg28 : memref<!tpu.dma_semaphore, #tpu.memory_space<semaphore_mem>>) src(%arg12 : memref<64x128xf32, #tpu.memory_space<vmem>>) dst(%dma_wait3A_415 : memref<204800x128xf32, #tpu.memory_space<hbm>>)
    %dma_wait3A_416 = arith.constant 99 : i32
    %dma_wait3A_417 = arith.constant 0 : i32
    %dma_wait3A_418 = tpu.memref_slice %arg8[%dma_wait3A_416, %dma_wait3A_417] : memref<100x64xi32, #tpu.memory_space<vmem>> -> memref<1x64xi32, #tpu.memory_space<vmem>>
    %dma_wait3A_419 = tpu.memref_squeeze %dma_wait3A_418 : memref<1x64xi32, #tpu.memory_space<vmem>> -> memref<64xi32, #tpu.memory_space<vmem>>
    %dma_wait3A_420 = arith.constant 0 : i32
    %dma_wait3A_421 = arith.constant 0 : i32
    %dma_wait3A_422 = tpu.memref_slice %arg6[%dma_wait3A_420, %dma_wait3A_421] : memref<204800x128xf32, #tpu.memory_space<hbm>> -> memref<204800x128xf32, #tpu.memory_space<hbm>>
    tpu.wait_indirect_dma semaphore(%arg29 : memref<!tpu.dma_semaphore, #tpu.memory_space<semaphore_mem>>) src(%arg13 : memref<64x128xf32, #tpu.memory_space<vmem>>) dst(%dma_wait3A_422 : memref<204800x128xf32, #tpu.memory_space<hbm>>)
    return
  }
}

</mosaic_0001>

<sc_bundles>
// kernel: kernel.3.cloned.1.call-start
scs
__scs_entry_jumppad:
0x0: {  	(pc) =	sbr.rel $0x88, $3  }
0x1: {  	(tag) =	ssettag $0x0;
	lr =	simm.s32 $0x1  }
0x2: {  	[smem:$0x3F9E] =	sst lr;
	_ =	strace $0xD0000000  }
0x3: {  	_ = 	snop  }
0x4: {  	_ = 	snop  }
0x5: {  	_ = 	snop  }
0x6: {  	_ = 	snop  }
0x7: {  	_ = 	snop  }
__scs_overlays_trampoline_lowered:
0x8: {  	[smem:$0x3FAD] =	sst s0  }
0x9: {  	[smem:$0x3FAE] =	sst s1  }
0xa: {  	[smem:$0x3FAF] =	sst s2  }
0xb: {  	[smem:$0x3FB0] =	sst s3  }
0xc: {  	[smem:$0x3FB1] =	sst s4  }
0xd: {  	[smem:$0x3FB2] =	sst s5  }
0xe: {  	[smem:$0x3FB3] =	sst s6  }
0xf: {  	[smem:$0x3FB4] =	sst s7  }
0x10: {  	[smem:$0x3FB5] =	sst s8  }
0x11: {  	[smem:$0x3FB6] =	sst s9;
	s0 =	simm.s32 @!p0 $0x0  }
0x12: {  	s1 =	sld [smem:$0x3F9C];
	s0 =	simm.s32 @p0 $0x1  }
0x13: {  	[smem:$0x3FB7] =	sst s0;
	s0 =	simm.s32 @!p1 $0x0  }
0x14: {  	s2 =	sld [smem:$0x3F9B];
	s0 =	simm.s32 @p1 $0x1  }
0x15: {  	[smem:$0x3FB8] =	sst s0;
	s0 =	simm.s32 @!p2 $0x0  }
0x16: {  	s3 =	sld [smem:$0x3FDB];
	s0 =	simm.s32 @p2 $0x1  }
0x17: {  	s4 =	simm.s32 $0x1BF5;
	[smem:$0x3FBA] =	sst s0  }
0x18: {  	s0 =	sld [smem:$0x3F9D];
	_ =	swait.ge [sflag:s4], $0x0  }
0x19: {  	s7 =	sld [smem:$0x3F9E]  }
0x1a: {  	s8 =	sadd.s32 $0xFFFFE003, lr  }
0x1b: {  	s9 =	sadd.s32 $0xFFFFFEF7, lr;
	s5 =	simm.s32 $0xFFFFFFFF;
	p2 =	slt.u32 s8, $0xFFFFF086  }
0x1c: {  	p1 =	slt.u32 s9, $0xF7A;
	s5 =	simm.s32 @!p2 $0x0  }
0x1d: {  	s5 =	simm.s32 @p1 $0x1;
	p0 =	seq.s32 s7, s2  }
0x1e: {  	s7 =	smul.u32 @!p0 $0xF7A, s2;
	p2 =	seq.s32 @!p0 s5, $0x0  }
0x1f: {  	s9 =	smul.u32 $0xF7A, s1;
	s8 =	simm.s32 @!p0 $0x1BF5;
	p2 =	por !p2, p0  }
0x20: {  	[sflag:s8] =	ssyncset.s32 @!p0 $0xFFFFF086;
	s6 =	sadd.s32 @!p0 s3, s7;
	s7 =	simm.s32 @!p0 $0x108  }
0x21: {  	s3 =	sadd.s32 s3, s9;
	s6 =	sadd.s32 @!p0 $0x88, s6;
	s7 =	simm.s32 @p2 $0x1082  }
0x22: {  	[simem:s7], [sflag:s8] =	dma.local @!p0 [hbm:s6], $0xF7A  }
0x23: {  	s9 =	sor.u32 $0xD0000000, s2;
	s6 =	simm.s32 $0x108;
	_ =	swait.ge @!p0 [sflag:s8], $0x0  }
0x24: {  	s3 =	sadd.s32 $0x88, s3;
	s6 =	simm.s32 @!p1 $0x1082;
	[sflag:s4] =	ssyncset.s32 $0xFFFFF086  }
0x25: {  	[simem:s6], [sflag:s4] =	dma.local [hbm:s3], $0xF7A  }
0x26: {  	[smem:$0x3F9E] =	sst s1;
	(tag) =	ssettag s2;
	_ =	strace s9  }
0x27: {  	s1 =	sld [smem:$0x3FAE]  }
0x28: {  	s2 =	sld [smem:$0x3FAF]  }
0x29: {  	s4 =	sld [smem:$0x3FB1]  }
0x2a: {  	p0 =	seq.s32 s5, $0x0;
	s5 =	sld [smem:$0x3FB2]  }
0x2b: {  	s6 =	sld [smem:$0x3FB3]  }
0x2c: {  	s7 =	sld [smem:$0x3FB4]  }
0x2d: {  	s3 =	simm.s32 $0x108;
	s8 =	sld [smem:$0x3FB5]  }
0x2e: {  	s3 =	simm.s32 @!p0 $0x1082;
	s9 =	sld [smem:$0x3FB6]  }
0x2f: {  	lr =	sadd.s32 s0, s3;
	s0 =	sld [smem:$0x3FAD]  }
0x30: {  	s3 =	sld [smem:$0x3FB0]  }
0x31: {  	[smem:$0x3FB9] =	sst s10  }
0x32: {  	s10 =	sld [smem:$0x3FB7];
	_ =	sdelay $0x3  }
0x33: {  	p0 =	seq.s32 s10, $0x1;
	s10 =	sld [smem:$0x3FB9];
	_ =	sdelay $0x3  }
0x34: {  	[smem:$0x3FB9] =	sst s10  }
0x35: {  	s10 =	sld [smem:$0x3FB8];
	_ =	sdelay $0x3  }
0x36: {  	p1 =	seq.s32 s10, $0x1;
	s10 =	sld [smem:$0x3FB9];
	_ =	sdelay $0x3  }
0x37: {  	[smem:$0x3FB9] =	sst s10  }
0x38: {  	s10 =	sld [smem:$0x3FBA]  }
0x39: {  	_ = 	snop;
	(pc) =	sbr.ind lr, $3  }
0x3a: {  	_ = 	snop  }
0x3b: {  	_ = 	snop  }
0x3c: {  	p2 =	seq.s32 s10, $0x1;
	s10 =	sld [smem:$0x3FB9]  }
0x3d: {  	_ =	shalt  }
0x3e: {  	_ =	shalt  }
0x3f: {  	_ =	shalt  }
0x40: {  	_ =	shalt  }
0x41: {  	_ =	shalt  }
0x42: {  	_ =	shalt  }
0x43: {  	_ =	shalt  }
0x44: {  	_ =	shalt  }
0x45: {  	_ =	shalt  }
0x46: {  	_ =	shalt  }
0x47: {  	_ =	shalt  }
0x48: {  	_ =	shalt  }
0x49: {  	_ =	shalt  }
0x4a: {  	_ =	shalt  }
0x4b: {  	_ =	shalt  }
0x4c: {  	_ =	shalt  }
0x4d: {  	_ =	shalt  }
0x4e: {  	_ =	shalt  }
0x4f: {  	_ =	shalt  }
0x50: {  	_ =	shalt  }
0x51: {  	_ =	shalt  }
0x52: {  	_ =	shalt  }
0x53: {  	_ =	shalt  }
0x54: {  	_ =	shalt  }
0x55: {  	_ =	shalt  }
0x56: {  	_ =	shalt  }
0x57: {  	_ =	shalt  }
0x58: {  	_ =	shalt  }
0x59: {  	_ =	shalt  }
0x5a: {  	_ =	shalt  }
0x5b: {  	_ =	shalt  }
0x5c: {  	_ =	shalt  }
0x5d: {  	_ =	shalt  }
0x5e: {  	_ =	shalt  }
0x5f: {  	_ =	shalt  }
0x60: {  	_ =	shalt  }
0x61: {  	_ =	shalt  }
0x62: {  	_ =	shalt  }
0x63: {  	_ =	shalt  }
0x64: {  	_ =	shalt  }
0x65: {  	_ =	shalt  }
0x66: {  	_ =	shalt  }
0x67: {  	_ =	shalt  }
0x68: {  	_ =	shalt  }
0x69: {  	_ =	shalt  }
0x6a: {  	_ =	shalt  }
0x6b: {  	_ =	shalt  }
0x6c: {  	_ =	shalt  }
0x6d: {  	_ =	shalt  }
0x6e: {  	_ =	shalt  }
0x6f: {  	_ =	shalt  }
0x70: {  	_ =	shalt  }
0x71: {  	_ =	shalt  }
0x72: {  	_ =	shalt  }
0x73: {  	_ =	shalt  }
0x74: {  	_ =	shalt  }
0x75: {  	_ =	shalt  }
0x76: {  	_ =	shalt  }
0x77: {  	_ =	shalt  }
0x78: {  	_ =	shalt  }
0x79: {  	_ =	shalt  }
0x7a: {  	_ =	shalt  }
0x7b: {  	_ =	shalt  }
0x7c: {  	_ =	shalt  }
0x7d: {  	_ =	shalt  }
0x7e: {  	_ =	shalt  }
0x7f: {  	_ =	shalt  }
0x80: {  	_ =	shalt  }
0x81: {  	_ =	shalt  }
0x82: {  	_ =	shalt  }
0x83: {  	_ =	shalt  }
0x84: {  	_ =	shalt  }
0x85: {  	_ =	shalt  }
0x86: {  	_ =	shalt  }
0x87: {  	_ =	shalt  }
.Lfunc_end0:
.L_simem_size_0:
called_computation_lowered:
.L_overlay_start_0:
0x88: {  	s2 =	sld [smem:$0x3FD9]  }
0x89: {  	s3 =	sld [smem:$0x3FFE];
	_ =	sdelay $0x1  }
0x8a: {  	s1 =	srdreg.scid  }
0x8b: {  	s0 =	sand.u32 $0x1, s1  }
0x8c: {  	s17 =	sshll.u32 s0, $0xA;
	s2 =	sadd.s32 s3, s2  }
0x8d: {  	s2 =	sadd.s32 s2, s17  }
0x8e: {  	[smem:$0x3FC5] =	sst s2  }
0x8f: {  	_ = 	snop  }
0x90: {  	s2 =	sld [smem:$0x3FC8]  }
0x91: {  	s18 =	sld [smem:$0x3FC7]  }
0x92: {  	s4 =	sld [smem:$0x3FD0];
	(tm) =	ssettm $0x1  }
0x93: {  	s5 =	sld [smem:$0x3FFB];
	_ =	sdelay $0x3  }
0x94: {  	_ =	strace s5  }
0x95: {  	s5 =	sld [smem:$0x3FFC];
	_ =	sdelay $0x3  }
0x96: {  	_ =	strace s5  }
0x97: {  	s5 =	sld [smem:$0x3FFD];
	_ =	sdelay $0x3  }
0x98: {  	_ =	strace s5  }
0x99: {  	_ =	strace $0x8FFFFFFF  }
0x9a: {  	s19 =	sld [smem:$0x3FDB];
	_ =	sdelay $0x1  }
0x9b: {  	s6 =	simm.s32 $_scs_section_size  }
0x9c: {  	s7 =	simm.s32 $_size__tile_overlayer_lowered;
	s8 =	simm.s32 $_tile_overlayer_lowered  }
0x9d: {  	s22 =	simm.s32 $0x1BFF;
	s21 =	sshll.u32 s8, $0x1;
	s5 =	sadd.s32 s6, s19  }
0x9e: {  	s9 =	simm.s32 $0x0;
	s20 =	sshll.u32 s7, $0x1;
	s7 =	sadd.s32 s21, s5  }
0x9f: {  	[timem:s9], [sflag:s22] =	dma.local [hbm:s7], s20  }
0xa0: {  	_ =	swait.ge [sflag:s22], s20  }
0xa1: {  	s6 =	ssub.s32 $0x0, s20;
	[sflag:s22] =	ssyncset.done $0x0  }
0xa2: {  	[sflag:s22] =	ssyncadd.s32 s6;
	_ =	sdelay $0x1  }
0xa3: {  	s23 =	simm.s32 $0x1B8B  }
0xa4: {  	_ =	swait.ge [sflag:s23], $0x1  }
0xa5: {  	[sflag:s23] =	ssyncset.done $0x0  }
0xa6: {  	s25 =	simm.s32 $0x1B8E;
	s24 =	sld [smem:$0x3FFE];
	[sflag:s23] =	ssyncadd.s32 $0xFFFFFFFF  }
0xa7: {  	s26 =	simm.s32 $execute0_lowered;
	[smem:$0x3FD2] =	sst s25  }
0xa8: {  	s7 =	sshll.u32 s26, $0x1;
	_ =	strace $0x80000046;
	[dreg:$0x1] =	wrdreg $0xFFFFFFFF  }
0xa9: {  	s28 =	simm.s32 $_size_execute0_lowered;
	s5 =	sadd.s32 s5, s7;
	[dreg:$0x0] =	wrdreg $0x0  }
0xaa: {  	s7 =	sshll.u32 s28, $0x1;
	[dreg:$0x2] =	wrdreg s5  }
0xab: {  	[dreg:$0x3] =	wrdreg s7  }
0xac: {  	[dreg:$0x4] =	wrdreg $0xC0  }
0xad: {  	_ =	task [dreg:s9], $0x5FFFF  }
0xae: {  	[dreg:$0x1] =	wrdreg $0xFFFFFFFF  }
0xaf: {  	[dreg:$0x0] =	wrdreg $0x60  }
0xb0: {  	[dreg:$0x2] =	wrdreg s24  }
0xb1: {  	[dreg:$0x3] =	wrdreg s2  }
0xb2: {  	[dreg:$0x4] =	wrdreg s18  }
0xb3: {  	[dreg:$0x5] =	wrdreg s4  }
0xb4: {  	[dreg:$0x6] =	wrdreg $0x9  }
0xb5: {  	_ =	task.clear_ibuf [dreg:s9], $0x7FFFF;
	_ =	strace $0x90000046  }
0xb6: {  	s29 =	simm.s32 $0x9;
	_ =	strace $0x80000048  }
0xb7: {  	_ =	swait.ge [sflag:s29], $0x1  }
0xb8: {  	[sflag:s29] =	ssyncadd.s32 $0xFFFFFFFF  }
0xb9: {  	_ =	strace $0x90000048  }
0xba: {  	_ =	sfence  }
0xbb: {  	s30 =	sld [smem:$0x0];
	_ =	sdelay $0x2  }
0xbc: {  	s31 =	sshll.u32 s1, $0xD;
	s1 =	sshrl.u32 s1, $0x2  }
0xbd: {  	s3 =	sand.u32 $0x4000, s31;
	s1 =	sadd.s32 s1, s30  }
0xbe: {  	s0 =	sor.u32 s3, s0;
	s1 =	sshll.u32 s1, $0x11  }
0xbf: {  	s0 =	sor.u32 s1, s0  }
0xc0: {  	s0 =	sadd.s32 $0x8F2B, s0  }
0xc1: {  	[sflag:s0] =	ssyncadd.remote.s32 $0x1  }
0xc2: {  	_ =	sfence.sel $0xFFFF  }
0xc3: {  	[dreg:$0x0] =	wrdreg $0xFFFFFFFF;
	(pc) =	sbr.abs _section_cstart, $3  }
0xc4: {  	[dreg:$0x1] =	wrdreg $0xFFFFFFFF  }
0xc5: {  	_ =	task.clear_ibuf [dreg:s9], $0x2FFFF;
	_ =	strace $0x9FFFFFFF  }
0xc6: {  	(tm) =	ssettm $0x7FFFFFFF  }
0xc7: {  	_ =	shalt  }
tec
execute0_lowered:
.L_overlay_start_1:
0x0: {  	(tag) =	ssettag $0x1  }
0x1: {  	s0 =	rddreg [dreg:$0x0]  }
0x2: {  	s1 =	rddreg [dreg:$0x1];
	s2 =	srdreg.scid  }
0x3: {  	s3 =	stileid.u32;
	s4 =	rddreg [dreg:$0x3]  }
0x4: {  	s5 =	simm.s32 $0x0;
	s12 =	simm.s32 $0x40;
	s31 =	simm.s32 $0xCC00  }
0x5: {  	s15 =	simm.s32 $0xEC00;
	s17 =	simm.s32 $0x10C00;
	s19 =	simm.s32 $0x12C00  }
0x6: {  	s23 =	simm.s32 $0x1;
	s28 =	simm.s32 $0x3;
	s30 =	simm.s32 $0x4  }
0x7: {  	s14 =	simm.s32 $0xA;
	s16 =	simm.s32 $0x7;
	s18 =	simm.s32 $0xB  }
0x8: {  	s20 =	simm.s32 $0x8;
	s2 =	sand.u32 $0x1, s2;
	s3 =	sshll.u32 s3, $0x1  }
0x9: {  	s21 =	simm.s32 $0xC;
	s3 =	sor.u32 s2, s3;
	s2 =	ssub.s32 $0x2, s2  }
0xa: {  	[smem:$0x7FF] =	sst s5;
	s24 =	smul.u32 $0x680, s3;
	s6 =	sshrl.u32 s2, $0x1  }
0xb: {  	_ =	strace $0x80000047;
	s25 =	smul.u32 $0x320, s3;
	s2 =	ssub.s32 s2, s6  }
0xc: {  	s8 =	smul.u32 $0x64, s3;
	s3 =	simm.s32 $0x6;
	s29 =	smax.u32 s2, $0x1  }
0xd: {  	s0 =	sadd.s32 s24, s0;
	s9 =	sand.u32 $0x7F80, s25;
	[dreg:$0x8] =	wrdreg s29  }
0xe: {  	s6 =	simm.s32 $0x0;
	s26 =	sadd.s32 $0x600, s0;
	[dreg:$0x7] =	wrdreg s9  }
0xf: {  	s25 =	simm.s32 $0x2;
	s0 =	sadd.s32 $0xD600, s0;
	[dreg:$0x5] =	wrdreg s26  }
0x10: {  	s2 =	simm.s32 $0x5;
	[dreg:$0x6] =	wrdreg s0;
	s0 =	simm.s32 $0x9  }
.LBB2_1:
0x11: {  	[dreg:$0x9] =	wrdreg s6  }
0x12: {  	s29 =	simm.s32 $0x0;
	s5 =	rddreg [dreg:$0x5];
	s9 =	simm.s32 $0x12  }
0x13: {  	[tilespmem:s29], [sflag:$0x12] =	stream.linear.gather [hbm4b:s5+s29], $0x3200, $0x38;
	[tilespmem:$0x1CC00] =	vst v63  }
0x14: {  	_ =	swait.ge [sflag:s9], $0x3200  }
0x15: {  	[sflag:s9] =	ssyncset.done $0x0  }
0x16: {  	[sflag:s9] =	ssyncadd.s32 $0xFFFFCE00  }
0x17: {  	[tilespmem:s31], [sflag:$0x1] =	stream.indirect.gather [hbm4b:s1+s12], $0x80, s29, s12, $0xb8;
	[tilespmem:$0x1CC00] =	vst v63  }
0x18: {  	s10 =	simm.s32 $0x80  }
0x19: {  	[tilespmem:s15], [sflag:$0x2] =	stream.indirect.gather [hbm4b:s1+s12], $0x80, s10, s12, $0xb8;
	[tilespmem:$0x1CC00] =	vst v63  }
0x1a: {  	s11 =	simm.s32 $0x100  }
0x1b: {  	[tilespmem:s17], [sflag:$0x3] =	stream.indirect.gather [hbm4b:s1+s12], $0x80, s11, s12, $0xb8;
	[tilespmem:$0x1CC00] =	vst v63  }
0x1c: {  	s13 =	simm.s32 $0x180  }
0x1d: {  	[tilespmem:s19], [sflag:$0x4] =	stream.indirect.gather [hbm4b:s1+s12], $0x80, s13, s12, $0xb8;
	[tilespmem:$0x1CC00] =	vst v63  }
0x1e: {  	s7 =	simm.s32 $0x3400;
	s22 =	rddreg [dreg:$0x6]  }
0x1f: {  	[tilespmem:s7], [sflag:$0x11] =	stream.linear.gather [hbm4b:s22+s29], $0x3200, $0x38;
	[tilespmem:$0x1CC00] =	vst v63  }
0x20: {  	s26 =	simm.s32 $0x6800;
	s24 =	rddreg [dreg:$0x2]  }
0x21: {  	[tilespmem:s26], [sflag:$0x11] =	stream.linear.gather [hbm4b:s24+s29], $0x6400, $0x38;
	[tilespmem:$0x1CC00] =	vst v63  }
0x22: {  	s29 =	simm.s32 $0x11  }
0x23: {  	_ =	swait.ge [sflag:s29], $0x3200  }
0x24: {  	[sflag:s29] =	ssyncset.done $0x0  }
0x25: {  	[sflag:s29] =	ssyncadd.s32 $0xFFFFCE00  }
0x26: {  	_ =	swait.ge [sflag:s29], $0x6400  }
0x27: {  	[sflag:s29] =	ssyncset.done $0x0  }
0x28: {  	s7 =	simm.s32 $0x0;
	[sflag:s29] =	ssyncadd.s32 $0xFFFF9C00  }
.LBB2_2:
0x29: {  	s11 =	sshll.u32 s7, $0x3  }
0x2a: {  	_ =	swait.ge [sflag:s23], $0x2000;
	s5 =	sadd.s32 s8, s11  }
0x2b: {  	[sflag:s23] =	ssyncset.done $0x0;
	s5 =	sshll.u32 s5, $0x3  }
0x2c: {  	[sflag:s23] =	ssyncadd.s32 $0xFFFFE000;
	s9 =	sand.u32 $0x7FFFFF80, s5  }
0x2d: {  	v6 =	vld [tilespmem:s9+$0x6800]  }
0x2e: {  	v7 =	vld [tilespmem:s9+$0x6810]  }
0x2f: {  	v5 =	vld [tilespmem:s9+$0x6820]  }
0x30: {  	v4 =	vld [tilespmem:s9+$0x6830]  }
0x31: {  	v3 =	vld [tilespmem:s9+$0x6840]  }
0x32: {  	v2 =	vld [tilespmem:s9+$0x6850]  }
0x33: {  	v1 =	vld [tilespmem:s9+$0x6860]  }
0x34: {  	s5 =	simm.s32 $0x0;
	v0 =	vld [tilespmem:s9+$0x6870]  }
0x35: {  	v8 =	vld [tilespmem:s5+$0xCC00]  }
0x36: {  	v9 =	vld [tilespmem:s5+$0xCC10]  }
0x37: {  	v10 =	vld [tilespmem:s5+$0xCC20]  }
0x38: {  	v11 =	vld [tilespmem:s5+$0xCC30]  }
0x39: {  	v12 =	vld [tilespmem:s5+$0xCC40]  }
0x3a: {  	v13 =	vld [tilespmem:s5+$0xCC50];
	v8 =	vadd.f32 v8, v6  }
0x3b: {  	v15 =	vld [tilespmem:s5+$0xCC70];
	v9 =	vadd.f32 v9, v7  }
0x3c: {  	v14 =	vld [tilespmem:s5+$0xCC60];
	[tilespmem:s5+$0xCC00] =	vst v8;
	v8 =	vadd.f32 v10, v5  }
0x3d: {  	v16 =	vld [tilespmem:s5+$0xCC80];
	[tilespmem:s5+$0xCC10] =	vst v9;
	v9 =	vadd.f32 v11, v4  }
0x3e: {  	v17 =	vld [tilespmem:s5+$0xCC90];
	v10 =	vadd.f32 v12, v3;
	[tilespmem:s5+$0xCC20] =	vst v8  }
0x3f: {  	v11 =	vadd.f32 v13, v2;
	[tilespmem:s5+$0xCC30] =	vst v9;
	v8 =	vld [tilespmem:s5+$0xCCA0]  }
0x40: {  	v13 =	vadd.f32 v15, v0;
	[tilespmem:s5+$0xCC40] =	vst v10;
	v9 =	vld [tilespmem:s5+$0xCCB0]  }
0x41: {  	v12 =	vadd.f32 v14, v1;
	[tilespmem:s5+$0xCC50] =	vst v11;
	v10 =	vld [tilespmem:s5+$0xCCC0]  }
0x42: {  	v11 =	vld [tilespmem:s5+$0xCCD0];
	[tilespmem:s5+$0xCC70] =	vst v13;
	v13 =	vadd.f32 v16, v6  }
0x43: {  	s6 =	simm.s32 $0x400;
	v14 =	vadd.f32 v17, v7;
	[tilespmem:s5+$0xCC60] =	vst v12;
	v12 =	vld [tilespmem:s5+$0xCCE0]  }
.LBB2_3:
0x44: {  	s10 =	sshra.s32 s6, $0x2;
	p0 =	sne.s32 s6, $0x7C00;
	v15 =	vld [tilespmem:s5+$0xCCF0];
	[tilespmem:s5+$0xCC80] =	vst v13;
	v8 =	vadd.f32 v8, v5  }
0x45: {  	v13 =	vld [tilespmem:s10+$0xCC00];
	[tilespmem:s5+$0xCC90] =	vst v14;
	v9 =	vadd.f32 v9, v4  }
0x46: {  	v14 =	vld [tilespmem:s10+$0xCC10];
	[tilespmem:s5+$0xCCA0] =	vst v8;
	v8 =	vadd.f32 v10, v3  }
0x47: {  	v10 =	vld [tilespmem:s10+$0xCC20];
	[tilespmem:s5+$0xCCB0] =	vst v9;
	v9 =	vadd.f32 v11, v2  }
0x48: {  	v11 =	vld [tilespmem:s10+$0xCC30];
	[tilespmem:s5+$0xCCC0] =	vst v8;
	v8 =	vadd.f32 v12, v1  }
0x49: {  	v12 =	vld [tilespmem:s10+$0xCC40];
	[tilespmem:s5+$0xCCD0] =	vst v9;
	v9 =	vadd.f32 v15, v0  }
0x4a: {  	v15 =	vld [tilespmem:s10+$0xCC50];
	v13 =	vadd.f32 v13, v6;
	[tilespmem:s5+$0xCCE0] =	vst v8  }
0x4b: {  	v16 =	vld [tilespmem:s10+$0xCC60];
	v8 =	vadd.f32 v14, v7;
	[tilespmem:s5+$0xCCF0] =	vst v9;
	s5 =	smov.u32 s10  }
0x4c: {  	v14 =	vld [tilespmem:s5+$0xCC70];
	[tilespmem:s5+$0xCC00] =	vst v13;
	v9 =	vadd.f32 v10, v5  }
0x4d: {  	[tilespmem:s5+$0xCC10] =	vst v8;
	v8 =	vadd.f32 v11, v4;
	v13 =	vld [tilespmem:s5+$0xCC80]  }
0x4e: {  	[tilespmem:s5+$0xCC20] =	vst v9;
	v9 =	vadd.f32 v12, v3;
	v17 =	vld [tilespmem:s5+$0xCC90]  }
.Ltmp0:
0x4f: {  	[tilespmem:s5+$0xCC30] =	vst v8;
	v10 =	vadd.f32 v15, v2;
	v8 =	vld [tilespmem:s5+$0xCCA0];
	(pc) =	sbr.rel @p0 .LBB2_3-.Ltmp0, $4  }
0x50: {  	[tilespmem:s5+$0xCC40] =	vst v9;
	v11 =	vadd.f32 v16, v1;
	v9 =	vld [tilespmem:s5+$0xCCB0]  }
0x51: {  	[tilespmem:s5+$0xCC50] =	vst v10;
	v12 =	vadd.f32 v14, v0;
	v10 =	vld [tilespmem:s5+$0xCCC0]  }
0x52: {  	[tilespmem:s5+$0xCC60] =	vst v11;
	v11 =	vld [tilespmem:s5+$0xCCD0];
	v13 =	vadd.f32 v13, v6  }
0x53: {  	s6 =	sadd.s32 $0x400, s6;
	[tilespmem:s5+$0xCC70] =	vst v12;
	v12 =	vld [tilespmem:s5+$0xCCE0];
	v14 =	vadd.f32 v17, v7  }
0x54: {  	v6 =	vld [tilespmem:s5+$0xCCF0];
	[tilespmem:s5+$0xCC80] =	vst v13;
	v5 =	vadd.f32 v8, v5  }
0x55: {  	[tilespmem:s5+$0xCC90] =	vst v14;
	v4 =	vadd.f32 v9, v4  }
0x56: {  	[tilespmem:s5+$0xCCA0] =	vst v5;
	v3 =	vadd.f32 v10, v3  }
0x57: {  	[tilespmem:s5+$0xCCB0] =	vst v4;
	v2 =	vadd.f32 v11, v2  }
0x58: {  	[tilespmem:s5+$0xCCC0] =	vst v3;
	v1 =	vadd.f32 v12, v1  }
0x59: {  	[tilespmem:s5+$0xCCD0] =	vst v2;
	v0 =	vadd.f32 v6, v0  }
0x5a: {  	p0 =	seq.s32 s7, $0x0;
	[tilespmem:s5+$0xCCE0] =	vst v1  }
0x5b: {  	[tilespmem:s5+$0xCCF0] =	vst v0;
	s5 =	simm.s32 @!p0 $0xD  }
0x5c: {  	s24 =	sor.u32 $0x4, s11;
	_ =	swait.ge @!p0 [sflag:s5], $0x2000  }
0x5d: {  	s6 =	simm.s32 $0x14C00;
	s29 =	sshll.u32 s7, $0xC;
	[sflag:s5] =	ssyncset.done @!p0 $0x0  }
0x5e: {  	s10 =	sshra.s32 s29, $0x2;
	[sflag:s5] =	ssyncadd.s32 @!p0 $0xFFFFE000;
	s5 =	sshll.u32 s24, $0x7  }
0x5f: {  	[tilespmem:s6], [sflag:$0x5] =	stream.indirect.gather [hbm4b:s1+s12], $0x80, s5, s12, $0xb8;
	[tilespmem:$0x1CC00] =	vst v63  }
0x60: {  	s6 =	sadd.s32 $0x3400, s10  }
0x61: {  	[hbm4b:s4+s12] =	stream.indirect.scatter [tilespmem:s31], [sflag:$0x9], $0x80, s6, s12, $0xb8;
	[tilespmem:$0x1CC00] =	vst v63  }
0x62: {  	_ =	swait.ge [sflag:s25], $0x2000  }
0x63: {  	[sflag:s25] =	ssyncset.done $0x0  }
0x64: {  	[sflag:s25] =	ssyncadd.s32 $0xFFFFE000  }
0x65: {  	v6 =	vld [tilespmem:s9+$0x6800]  }
0x66: {  	v7 =	vld [tilespmem:s9+$0x6810]  }
0x67: {  	v5 =	vld [tilespmem:s9+$0x6820]  }
0x68: {  	v4 =	vld [tilespmem:s9+$0x6830]  }
0x69: {  	v3 =	vld [tilespmem:s9+$0x6840]  }
0x6a: {  	v2 =	vld [tilespmem:s9+$0x6850]  }
0x6b: {  	v1 =	vld [tilespmem:s9+$0x6860]  }
0x6c: {  	s6 =	simm.s32 $0x0;
	v0 =	vld [tilespmem:s9+$0x6870]  }
0x6d: {  	v8 =	vld [tilespmem:s6+$0xEC00]  }
0x6e: {  	v9 =	vld [tilespmem:s6+$0xEC10]  }
0x6f: {  	v10 =	vld [tilespmem:s6+$0xEC20]  }
0x70: {  	v11 =	vld [tilespmem:s6+$0xEC30]  }
0x71: {  	v12 =	vld [tilespmem:s6+$0xEC40]  }
0x72: {  	v13 =	vld [tilespmem:s6+$0xEC50];
	v8 =	vadd.f32 v8, v6  }
0x73: {  	v15 =	vld [tilespmem:s6+$0xEC70];
	v9 =	vadd.f32 v9, v7  }
0x74: {  	v14 =	vld [tilespmem:s6+$0xEC60];
	[tilespmem:s6+$0xEC00] =	vst v8;
	v8 =	vadd.f32 v10, v5  }
0x75: {  	v16 =	vld [tilespmem:s6+$0xEC80];
	[tilespmem:s6+$0xEC10] =	vst v9;
	v9 =	vadd.f32 v11, v4  }
0x76: {  	v17 =	vld [tilespmem:s6+$0xEC90];
	v10 =	vadd.f32 v12, v3;
	[tilespmem:s6+$0xEC20] =	vst v8  }
0x77: {  	v11 =	vadd.f32 v13, v2;
	[tilespmem:s6+$0xEC30] =	vst v9;
	v8 =	vld [tilespmem:s6+$0xECA0]  }
0x78: {  	v13 =	vadd.f32 v15, v0;
	[tilespmem:s6+$0xEC40] =	vst v10;
	v9 =	vld [tilespmem:s6+$0xECB0]  }
0x79: {  	v12 =	vadd.f32 v14, v1;
	[tilespmem:s6+$0xEC50] =	vst v11;
	v10 =	vld [tilespmem:s6+$0xECC0]  }
0x7a: {  	v11 =	vld [tilespmem:s6+$0xECD0];
	[tilespmem:s6+$0xEC70] =	vst v13;
	v13 =	vadd.f32 v16, v6  }
0x7b: {  	s22 =	simm.s32 $0x400;
	v14 =	vadd.f32 v17, v7;
	[tilespmem:s6+$0xEC60] =	vst v12;
	v12 =	vld [tilespmem:s6+$0xECE0]  }
.LBB2_5:
0x7c: {  	s26 =	sshra.s32 s22, $0x2;
	p1 =	sne.s32 s22, $0x7C00;
	v15 =	vld [tilespmem:s6+$0xECF0];
	[tilespmem:s6+$0xEC80] =	vst v13;
	v8 =	vadd.f32 v8, v5  }
0x7d: {  	v13 =	vld [tilespmem:s26+$0xEC00];
	[tilespmem:s6+$0xEC90] =	vst v14;
	v9 =	vadd.f32 v9, v4  }
0x7e: {  	v14 =	vld [tilespmem:s26+$0xEC10];
	[tilespmem:s6+$0xECA0] =	vst v8;
	v8 =	vadd.f32 v10, v3  }
0x7f: {  	v10 =	vld [tilespmem:s26+$0xEC20];
	[tilespmem:s6+$0xECB0] =	vst v9;
	v9 =	vadd.f32 v11, v2  }
0x80: {  	v11 =	vld [tilespmem:s26+$0xEC30];
	[tilespmem:s6+$0xECC0] =	vst v8;
	v8 =	vadd.f32 v12, v1  }
0x81: {  	v12 =	vld [tilespmem:s26+$0xEC40];
	[tilespmem:s6+$0xECD0] =	vst v9;
	v9 =	vadd.f32 v15, v0  }
0x82: {  	v15 =	vld [tilespmem:s26+$0xEC50];
	v13 =	vadd.f32 v13, v6;
	[tilespmem:s6+$0xECE0] =	vst v8  }
0x83: {  	v16 =	vld [tilespmem:s26+$0xEC60];
	v8 =	vadd.f32 v14, v7;
	[tilespmem:s6+$0xECF0] =	vst v9;
	s6 =	smov.u32 s26  }
0x84: {  	v14 =	vld [tilespmem:s6+$0xEC70];
	[tilespmem:s6+$0xEC00] =	vst v13;
	v9 =	vadd.f32 v10, v5  }
0x85: {  	[tilespmem:s6+$0xEC10] =	vst v8;
	v8 =	vadd.f32 v11, v4;
	v13 =	vld [tilespmem:s6+$0xEC80]  }
0x86: {  	[tilespmem:s6+$0xEC20] =	vst v9;
	v9 =	vadd.f32 v12, v3;
	v17 =	vld [tilespmem:s6+$0xEC90]  }
.Ltmp1:
0x87: {  	[tilespmem:s6+$0xEC30] =	vst v8;
	v10 =	vadd.f32 v15, v2;
	v8 =	vld [tilespmem:s6+$0xECA0];
	(pc) =	sbr.rel @p1 .LBB2_5-.Ltmp1, $4  }
0x88: {  	[tilespmem:s6+$0xEC40] =	vst v9;
	v11 =	vadd.f32 v16, v1;
	v9 =	vld [tilespmem:s6+$0xECB0]  }
0x89: {  	[tilespmem:s6+$0xEC50] =	vst v10;
	v12 =	vadd.f32 v14, v0;
	v10 =	vld [tilespmem:s6+$0xECC0]  }
0x8a: {  	[tilespmem:s6+$0xEC60] =	vst v11;
	v11 =	vld [tilespmem:s6+$0xECD0];
	v13 =	vadd.f32 v13, v6  }
0x8b: {  	s22 =	sadd.s32 $0x400, s22;
	[tilespmem:s6+$0xEC70] =	vst v12;
	v12 =	vld [tilespmem:s6+$0xECE0];
	v14 =	vadd.f32 v17, v7  }
0x8c: {  	v6 =	vld [tilespmem:s6+$0xECF0];
	[tilespmem:s6+$0xEC80] =	vst v13;
	v5 =	vadd.f32 v8, v5  }
0x8d: {  	[tilespmem:s6+$0xEC90] =	vst v14;
	v4 =	vadd.f32 v9, v4  }
0x8e: {  	[tilespmem:s6+$0xECA0] =	vst v5;
	v3 =	vadd.f32 v10, v3  }
0x8f: {  	[tilespmem:s6+$0xECB0] =	vst v4;
	v2 =	vadd.f32 v11, v2  }
0x90: {  	[tilespmem:s6+$0xECC0] =	vst v3;
	v1 =	vadd.f32 v12, v1  }
0x91: {  	[tilespmem:s6+$0xECD0] =	vst v2;
	v0 =	vadd.f32 v6, v0  }
0x92: {  	[tilespmem:s6+$0xECE0] =	vst v1  }
0x93: {  	[tilespmem:s6+$0xECF0] =	vst v0;
	s6 =	simm.s32 @!p0 $0xE  }
0x94: {  	_ =	swait.ge @!p0 [sflag:s6], $0x2000  }
0x95: {  	s29 =	sor.u32 $0x5, s11;
	[sflag:s6] =	ssyncset.done @!p0 $0x0  }
0x96: {  	s13 =	simm.s32 $0x16C00;
	[sflag:s6] =	ssyncadd.s32 @!p0 $0xFFFFE000;
	s6 =	sshll.u32 s29, $0x7  }
0x97: {  	[tilespmem:s13], [sflag:$0x6] =	stream.indirect.gather [hbm4b:s1+s12], $0x80, s6, s12, $0xb8;
	[tilespmem:$0x1CC00] =	vst v63  }
0x98: {  	s22 =	sadd.s32 $0x3480, s10  }
0x99: {  	[hbm4b:s4+s12] =	stream.indirect.scatter [tilespmem:s15], [sflag:$0xA], $0x80, s22, s12, $0xb8;
	[tilespmem:$0x1CC00] =	vst v63  }
0x9a: {  	_ =	swait.ge [sflag:s28], $0x2000  }
0x9b: {  	[sflag:s28] =	ssyncset.done $0x0  }
0x9c: {  	[sflag:s28] =	ssyncadd.s32 $0xFFFFE000  }
0x9d: {  	v6 =	vld [tilespmem:s9+$0x6800]  }
0x9e: {  	v7 =	vld [tilespmem:s9+$0x6810]  }
0x9f: {  	v5 =	vld [tilespmem:s9+$0x6820]  }
0xa0: {  	v4 =	vld [tilespmem:s9+$0x6830]  }
0xa1: {  	v3 =	vld [tilespmem:s9+$0x6840]  }
0xa2: {  	v2 =	vld [tilespmem:s9+$0x6850]  }
0xa3: {  	v1 =	vld [tilespmem:s9+$0x6860]  }
0xa4: {  	s22 =	simm.s32 $0x0;
	v0 =	vld [tilespmem:s9+$0x6870]  }
0xa5: {  	v8 =	vld [tilespmem:s22+$0x10C00]  }
0xa6: {  	v9 =	vld [tilespmem:s22+$0x10C10]  }
0xa7: {  	v10 =	vld [tilespmem:s22+$0x10C20]  }
0xa8: {  	v11 =	vld [tilespmem:s22+$0x10C30]  }
0xa9: {  	v12 =	vld [tilespmem:s22+$0x10C40]  }
0xaa: {  	v13 =	vld [tilespmem:s22+$0x10C50];
	v8 =	vadd.f32 v8, v6  }
0xab: {  	v15 =	vld [tilespmem:s22+$0x10C70];
	v9 =	vadd.f32 v9, v7  }
0xac: {  	v14 =	vld [tilespmem:s22+$0x10C60];
	[tilespmem:s22+$0x10C00] =	vst v8;
	v8 =	vadd.f32 v10, v5  }
0xad: {  	v16 =	vld [tilespmem:s22+$0x10C80];
	[tilespmem:s22+$0x10C10] =	vst v9;
	v9 =	vadd.f32 v11, v4  }
0xae: {  	v17 =	vld [tilespmem:s22+$0x10C90];
	v10 =	vadd.f32 v12, v3;
	[tilespmem:s22+$0x10C20] =	vst v8  }
0xaf: {  	v11 =	vadd.f32 v13, v2;
	[tilespmem:s22+$0x10C30] =	vst v9;
	v8 =	vld [tilespmem:s22+$0x10CA0]  }
0xb0: {  	v13 =	vadd.f32 v15, v0;
	[tilespmem:s22+$0x10C40] =	vst v10;
	v9 =	vld [tilespmem:s22+$0x10CB0]  }
0xb1: {  	v12 =	vadd.f32 v14, v1;
	[tilespmem:s22+$0x10C50] =	vst v11;
	v10 =	vld [tilespmem:s22+$0x10CC0]  }
0xb2: {  	v11 =	vld [tilespmem:s22+$0x10CD0];
	[tilespmem:s22+$0x10C70] =	vst v13;
	v13 =	vadd.f32 v16, v6  }
0xb3: {  	s26 =	simm.s32 $0x400;
	v14 =	vadd.f32 v17, v7;
	[tilespmem:s22+$0x10C60] =	vst v12;
	v12 =	vld [tilespmem:s22+$0x10CE0]  }
.LBB2_7:
0xb4: {  	s31 =	sshra.s32 s26, $0x2;
	p1 =	sne.s32 s26, $0x7C00;
	v15 =	vld [tilespmem:s22+$0x10CF0];
	[tilespmem:s22+$0x10C80] =	vst v13;
	v8 =	vadd.f32 v8, v5  }
0xb5: {  	v13 =	vld [tilespmem:s31+$0x10C00];
	[tilespmem:s22+$0x10C90] =	vst v14;
	v9 =	vadd.f32 v9, v4  }
0xb6: {  	v14 =	vld [tilespmem:s31+$0x10C10];
	[tilespmem:s22+$0x10CA0] =	vst v8;
	v8 =	vadd.f32 v10, v3  }
0xb7: {  	v10 =	vld [tilespmem:s31+$0x10C20];
	[tilespmem:s22+$0x10CB0] =	vst v9;
	v9 =	vadd.f32 v11, v2  }
0xb8: {  	v11 =	vld [tilespmem:s31+$0x10C30];
	[tilespmem:s22+$0x10CC0] =	vst v8;
	v8 =	vadd.f32 v12, v1  }
0xb9: {  	v12 =	vld [tilespmem:s31+$0x10C40];
	[tilespmem:s22+$0x10CD0] =	vst v9;
	v9 =	vadd.f32 v15, v0  }
0xba: {  	v15 =	vld [tilespmem:s31+$0x10C50];
	v13 =	vadd.f32 v13, v6;
	[tilespmem:s22+$0x10CE0] =	vst v8  }
0xbb: {  	v16 =	vld [tilespmem:s31+$0x10C60];
	v8 =	vadd.f32 v14, v7;
	[tilespmem:s22+$0x10CF0] =	vst v9;
	s22 =	smov.u32 s31  }
0xbc: {  	v14 =	vld [tilespmem:s22+$0x10C70];
	[tilespmem:s22+$0x10C00] =	vst v13;
	v9 =	vadd.f32 v10, v5  }
0xbd: {  	[tilespmem:s22+$0x10C10] =	vst v8;
	v8 =	vadd.f32 v11, v4;
	v13 =	vld [tilespmem:s22+$0x10C80]  }
0xbe: {  	[tilespmem:s22+$0x10C20] =	vst v9;
	v9 =	vadd.f32 v12, v3;
	v17 =	vld [tilespmem:s22+$0x10C90]  }
.Ltmp2:
0xbf: {  	[tilespmem:s22+$0x10C30] =	vst v8;
	v10 =	vadd.f32 v15, v2;
	v8 =	vld [tilespmem:s22+$0x10CA0];
	(pc) =	sbr.rel @p1 .LBB2_7-.Ltmp2, $4  }
0xc0: {  	[tilespmem:s22+$0x10C40] =	vst v9;
	v11 =	vadd.f32 v16, v1;
	v9 =	vld [tilespmem:s22+$0x10CB0]  }
0xc1: {  	[tilespmem:s22+$0x10C50] =	vst v10;
	v12 =	vadd.f32 v14, v0;
	v10 =	vld [tilespmem:s22+$0x10CC0]  }
0xc2: {  	[tilespmem:s22+$0x10C60] =	vst v11;
	v11 =	vld [tilespmem:s22+$0x10CD0];
	v13 =	vadd.f32 v13, v6  }
0xc3: {  	s26 =	sadd.s32 $0x400, s26;
	[tilespmem:s22+$0x10C70] =	vst v12;
	v12 =	vld [tilespmem:s22+$0x10CE0];
	v14 =	vadd.f32 v17, v7  }
0xc4: {  	v6 =	vld [tilespmem:s22+$0x10CF0];
	[tilespmem:s22+$0x10C80] =	vst v13;
	v5 =	vadd.f32 v8, v5  }
0xc5: {  	[tilespmem:s22+$0x10C90] =	vst v14;
	v4 =	vadd.f32 v9, v4  }
0xc6: {  	[tilespmem:s22+$0x10CA0] =	vst v5;
	v3 =	vadd.f32 v10, v3  }
0xc7: {  	[tilespmem:s22+$0x10CB0] =	vst v4;
	v2 =	vadd.f32 v11, v2  }
0xc8: {  	[tilespmem:s22+$0x10CC0] =	vst v3;
	v1 =	vadd.f32 v12, v1  }
0xc9: {  	[tilespmem:s22+$0x10CD0] =	vst v2;
	v0 =	vadd.f32 v6, v0  }
0xca: {  	[tilespmem:s22+$0x10CE0] =	vst v1  }
0xcb: {  	[tilespmem:s22+$0x10CF0] =	vst v0;
	s22 =	simm.s32 @!p0 $0xF  }
0xcc: {  	_ =	swait.ge @!p0 [sflag:s22], $0x2000  }
0xcd: {  	s26 =	sor.u32 $0x6, s11;
	[sflag:s22] =	ssyncset.done @!p0 $0x0  }
0xce: {  	s13 =	simm.s32 $0x18C00;
	[sflag:s22] =	ssyncadd.s32 @!p0 $0xFFFFE000;
	s22 =	sshll.u32 s26, $0x7  }
0xcf: {  	[tilespmem:s13], [sflag:$0x7] =	stream.indirect.gather [hbm4b:s1+s12], $0x80, s22, s12, $0xb8;
	[tilespmem:$0x1CC00] =	vst v63  }
0xd0: {  	s31 =	sadd.s32 $0x3500, s10  }
0xd1: {  	[hbm4b:s4+s12] =	stream.indirect.scatter [tilespmem:s17], [sflag:$0xB], $0x80, s31, s12, $0xb8;
	[tilespmem:$0x1CC00] =	vst v63  }
0xd2: {  	_ =	swait.ge [sflag:s30], $0x2000  }
0xd3: {  	[sflag:s30] =	ssyncset.done $0x0  }
0xd4: {  	[sflag:s30] =	ssyncadd.s32 $0xFFFFE000  }
0xd5: {  	v6 =	vld [tilespmem:s9+$0x6800]  }
0xd6: {  	v7 =	vld [tilespmem:s9+$0x6810]  }
0xd7: {  	v5 =	vld [tilespmem:s9+$0x6820]  }
0xd8: {  	v4 =	vld [tilespmem:s9+$0x6830]  }
0xd9: {  	v3 =	vld [tilespmem:s9+$0x6840]  }
0xda: {  	v2 =	vld [tilespmem:s9+$0x6850]  }
0xdb: {  	v1 =	vld [tilespmem:s9+$0x6860]  }
0xdc: {  	v0 =	vld [tilespmem:s9+$0x6870];
	s9 =	simm.s32 $0x0  }
0xdd: {  	v8 =	vld [tilespmem:s9+$0x12C00]  }
0xde: {  	v9 =	vld [tilespmem:s9+$0x12C10]  }
0xdf: {  	v10 =	vld [tilespmem:s9+$0x12C20]  }
0xe0: {  	v11 =	vld [tilespmem:s9+$0x12C30]  }
0xe1: {  	v12 =	vld [tilespmem:s9+$0x12C40]  }
0xe2: {  	v13 =	vld [tilespmem:s9+$0x12C50];
	v8 =	vadd.f32 v8, v6  }
0xe3: {  	v15 =	vld [tilespmem:s9+$0x12C70];
	v9 =	vadd.f32 v9, v7  }
0xe4: {  	v14 =	vld [tilespmem:s9+$0x12C60];
	[tilespmem:s9+$0x12C00] =	vst v8;
	v8 =	vadd.f32 v10, v5  }
0xe5: {  	v16 =	vld [tilespmem:s9+$0x12C80];
	[tilespmem:s9+$0x12C10] =	vst v9;
	v9 =	vadd.f32 v11, v4  }
0xe6: {  	v17 =	vld [tilespmem:s9+$0x12C90];
	v10 =	vadd.f32 v12, v3;
	[tilespmem:s9+$0x12C20] =	vst v8  }
0xe7: {  	v11 =	vadd.f32 v13, v2;
	[tilespmem:s9+$0x12C30] =	vst v9;
	v8 =	vld [tilespmem:s9+$0x12CA0]  }
0xe8: {  	v13 =	vadd.f32 v15, v0;
	[tilespmem:s9+$0x12C40] =	vst v10;
	v9 =	vld [tilespmem:s9+$0x12CB0]  }
0xe9: {  	v12 =	vadd.f32 v14, v1;
	[tilespmem:s9+$0x12C50] =	vst v11;
	v10 =	vld [tilespmem:s9+$0x12CC0]  }
0xea: {  	v11 =	vld [tilespmem:s9+$0x12CD0];
	[tilespmem:s9+$0x12C70] =	vst v13;
	v13 =	vadd.f32 v16, v6  }
0xeb: {  	s31 =	simm.s32 $0x400;
	v14 =	vadd.f32 v17, v7;
	[tilespmem:s9+$0x12C60] =	vst v12;
	v12 =	vld [tilespmem:s9+$0x12CE0]  }
.LBB2_9:
0xec: {  	s13 =	sshra.s32 s31, $0x2;
	p1 =	sne.s32 s31, $0x7C00;
	v15 =	vld [tilespmem:s9+$0x12CF0];
	[tilespmem:s9+$0x12C80] =	vst v13;
	v8 =	vadd.f32 v8, v5  }
0xed: {  	v13 =	vld [tilespmem:s13+$0x12C00];
	[tilespmem:s9+$0x12C90] =	vst v14;
	v9 =	vadd.f32 v9, v4  }
0xee: {  	v14 =	vld [tilespmem:s13+$0x12C10];
	[tilespmem:s9+$0x12CA0] =	vst v8;
	v8 =	vadd.f32 v10, v3  }
0xef: {  	v10 =	vld [tilespmem:s13+$0x12C20];
	[tilespmem:s9+$0x12CB0] =	vst v9;
	v9 =	vadd.f32 v11, v2  }
0xf0: {  	v11 =	vld [tilespmem:s13+$0x12C30];
	[tilespmem:s9+$0x12CC0] =	vst v8;
	v8 =	vadd.f32 v12, v1  }
0xf1: {  	v12 =	vld [tilespmem:s13+$0x12C40];
	[tilespmem:s9+$0x12CD0] =	vst v9;
	v9 =	vadd.f32 v15, v0  }
0xf2: {  	v15 =	vld [tilespmem:s13+$0x12C50];
	v13 =	vadd.f32 v13, v6;
	[tilespmem:s9+$0x12CE0] =	vst v8  }
0xf3: {  	v16 =	vld [tilespmem:s13+$0x12C60];
	v8 =	vadd.f32 v14, v7;
	[tilespmem:s9+$0x12CF0] =	vst v9;
	s9 =	smov.u32 s13  }
0xf4: {  	v14 =	vld [tilespmem:s9+$0x12C70];
	[tilespmem:s9+$0x12C00] =	vst v13;
	v9 =	vadd.f32 v10, v5  }
0xf5: {  	[tilespmem:s9+$0x12C10] =	vst v8;
	v8 =	vadd.f32 v11, v4;
	v13 =	vld [tilespmem:s9+$0x12C80]  }
0xf6: {  	[tilespmem:s9+$0x12C20] =	vst v9;
	v9 =	vadd.f32 v12, v3;
	v17 =	vld [tilespmem:s9+$0x12C90]  }
.Ltmp3:
0xf7: {  	[tilespmem:s9+$0x12C30] =	vst v8;
	v10 =	vadd.f32 v15, v2;
	v8 =	vld [tilespmem:s9+$0x12CA0];
	(pc) =	sbr.rel @p1 .LBB2_9-.Ltmp3, $4  }
0xf8: {  	[tilespmem:s9+$0x12C40] =	vst v9;
	v11 =	vadd.f32 v16, v1;
	v9 =	vld [tilespmem:s9+$0x12CB0]  }
0xf9: {  	[tilespmem:s9+$0x12C50] =	vst v10;
	v12 =	vadd.f32 v14, v0;
	v10 =	vld [tilespmem:s9+$0x12CC0]  }
0xfa: {  	[tilespmem:s9+$0x12C60] =	vst v11;
	v11 =	vld [tilespmem:s9+$0x12CD0];
	v13 =	vadd.f32 v13, v6  }
0xfb: {  	s31 =	sadd.s32 $0x400, s31;
	[tilespmem:s9+$0x12C70] =	vst v12;
	v12 =	vld [tilespmem:s9+$0x12CE0];
	v14 =	vadd.f32 v17, v7  }
0xfc: {  	v6 =	vld [tilespmem:s9+$0x12CF0];
	[tilespmem:s9+$0x12C80] =	vst v13;
	v5 =	vadd.f32 v8, v5  }
0xfd: {  	[tilespmem:s9+$0x12C90] =	vst v14;
	v4 =	vadd.f32 v9, v4  }
0xfe: {  	[tilespmem:s9+$0x12CA0] =	vst v5;
	v3 =	vadd.f32 v10, v3  }
0xff: {  	[tilespmem:s9+$0x12CB0] =	vst v4;
	v2 =	vadd.f32 v11, v2  }
0x100: {  	[tilespmem:s9+$0x12CC0] =	vst v3;
	v1 =	vadd.f32 v12, v1  }
0x101: {  	[tilespmem:s9+$0x12CD0] =	vst v2;
	v0 =	vadd.f32 v6, v0  }
0x102: {  	[tilespmem:s9+$0x12CE0] =	vst v1  }
0x103: {  	s13 =	simm.s32 @!p0 $0x10;
	[tilespmem:s9+$0x12CF0] =	vst v0  }
0x104: {  	_ =	swait.ge @!p0 [sflag:s13], $0x2000  }
0x105: {  	s9 =	sor.u32 $0x7, s11;
	[sflag:s13] =	ssyncset.done @!p0 $0x0  }
0x106: {  	s11 =	sshll.u32 s9, $0x7;
	[sflag:s13] =	ssyncadd.s32 @!p0 $0xFFFFE000;
	s13 =	simm.s32 $0x1AC00  }
0x107: {  	[tilespmem:s13], [sflag:$0x8] =	stream.indirect.gather [hbm4b:s1+s12], $0x80, s11, s12, $0xb8;
	[tilespmem:$0x1CC00] =	vst v63  }
0x108: {  	s13 =	sadd.s32 $0x3580, s10  }
0x109: {  	[hbm4b:s4+s12] =	stream.indirect.scatter [tilespmem:s19], [sflag:$0xC], $0x80, s13, s12, $0xb8;
	[tilespmem:$0x1CC00] =	vst v63  }
0x10a: {  	s24 =	sadd.s32 s8, s24;
	_ =	swait.ge [sflag:s2], $0x2000  }
0x10b: {  	s13 =	sshll.u32 s24, $0x3;
	[sflag:s2] =	ssyncset.done $0x0  }
0x10c: {  	s13 =	sand.u32 $0x7FFFFF80, s13;
	[sflag:s2] =	ssyncadd.s32 $0xFFFFE000  }
0x10d: {  	v6 =	vld [tilespmem:s13+$0x6800]  }
0x10e: {  	v7 =	vld [tilespmem:s13+$0x6810]  }
0x10f: {  	v5 =	vld [tilespmem:s13+$0x6820]  }
0x110: {  	v4 =	vld [tilespmem:s13+$0x6830]  }
0x111: {  	v3 =	vld [tilespmem:s13+$0x6840]  }
0x112: {  	v2 =	vld [tilespmem:s13+$0x6850]  }
0x113: {  	v1 =	vld [tilespmem:s13+$0x6860]  }
0x114: {  	s24 =	simm.s32 $0x0;
	v0 =	vld [tilespmem:s13+$0x6870]  }
0x115: {  	v8 =	vld [tilespmem:s24+$0x14C00]  }
0x116: {  	v9 =	vld [tilespmem:s24+$0x14C10]  }
0x117: {  	v10 =	vld [tilespmem:s24+$0x14C20]  }
0x118: {  	v11 =	vld [tilespmem:s24+$0x14C30]  }
0x119: {  	v12 =	vld [tilespmem:s24+$0x14C40]  }
0x11a: {  	v13 =	vld [tilespmem:s24+$0x14C50];
	v8 =	vadd.f32 v8, v6  }
0x11b: {  	v15 =	vld [tilespmem:s24+$0x14C70];
	v9 =	vadd.f32 v9, v7  }
0x11c: {  	v14 =	vld [tilespmem:s24+$0x14C60];
	[tilespmem:s24+$0x14C00] =	vst v8;
	v8 =	vadd.f32 v10, v5  }
0x11d: {  	v16 =	vld [tilespmem:s24+$0x14C80];
	[tilespmem:s24+$0x14C10] =	vst v9;
	v9 =	vadd.f32 v11, v4  }
0x11e: {  	v17 =	vld [tilespmem:s24+$0x14C90];
	v10 =	vadd.f32 v12, v3;
	[tilespmem:s24+$0x14C20] =	vst v8  }
0x11f: {  	v11 =	vadd.f32 v13, v2;
	[tilespmem:s24+$0x14C30] =	vst v9;
	v8 =	vld [tilespmem:s24+$0x14CA0]  }
0x120: {  	v13 =	vadd.f32 v15, v0;
	[tilespmem:s24+$0x14C40] =	vst v10;
	v9 =	vld [tilespmem:s24+$0x14CB0]  }
0x121: {  	v12 =	vadd.f32 v14, v1;
	[tilespmem:s24+$0x14C50] =	vst v11;
	v10 =	vld [tilespmem:s24+$0x14CC0]  }
0x122: {  	v11 =	vld [tilespmem:s24+$0x14CD0];
	[tilespmem:s24+$0x14C70] =	vst v13;
	v13 =	vadd.f32 v16, v6  }
0x123: {  	s31 =	simm.s32 $0x400;
	v14 =	vadd.f32 v17, v7;
	[tilespmem:s24+$0x14C60] =	vst v12;
	v12 =	vld [tilespmem:s24+$0x14CE0]  }
.LBB2_11:
0x124: {  	s13 =	sshra.s32 s31, $0x2;
	p0 =	sne.s32 s31, $0x7C00;
	v15 =	vld [tilespmem:s24+$0x14CF0];
	[tilespmem:s24+$0x14C80] =	vst v13;
	v8 =	vadd.f32 v8, v5  }
0x125: {  	v13 =	vld [tilespmem:s13+$0x14C00];
	[tilespmem:s24+$0x14C90] =	vst v14;
	v9 =	vadd.f32 v9, v4  }
0x126: {  	v14 =	vld [tilespmem:s13+$0x14C10];
	[tilespmem:s24+$0x14CA0] =	vst v8;
	v8 =	vadd.f32 v10, v3  }
0x127: {  	v10 =	vld [tilespmem:s13+$0x14C20];
	[tilespmem:s24+$0x14CB0] =	vst v9;
	v9 =	vadd.f32 v11, v2  }
0x128: {  	v11 =	vld [tilespmem:s13+$0x14C30];
	[tilespmem:s24+$0x14CC0] =	vst v8;
	v8 =	vadd.f32 v12, v1  }
0x129: {  	v12 =	vld [tilespmem:s13+$0x14C40];
	[tilespmem:s24+$0x14CD0] =	vst v9;
	v9 =	vadd.f32 v15, v0  }
0x12a: {  	v15 =	vld [tilespmem:s13+$0x14C50];
	v13 =	vadd.f32 v13, v6;
	[tilespmem:s24+$0x14CE0] =	vst v8  }
0x12b: {  	v16 =	vld [tilespmem:s13+$0x14C60];
	v8 =	vadd.f32 v14, v7;
	[tilespmem:s24+$0x14CF0] =	vst v9;
	s24 =	smov.u32 s13  }
0x12c: {  	v14 =	vld [tilespmem:s24+$0x14C70];
	[tilespmem:s24+$0x14C00] =	vst v13;
	v9 =	vadd.f32 v10, v5  }
0x12d: {  	[tilespmem:s24+$0x14C10] =	vst v8;
	v8 =	vadd.f32 v11, v4;
	v13 =	vld [tilespmem:s24+$0x14C80]  }
0x12e: {  	[tilespmem:s24+$0x14C20] =	vst v9;
	v9 =	vadd.f32 v12, v3;
	v17 =	vld [tilespmem:s24+$0x14C90]  }
.Ltmp4:
0x12f: {  	[tilespmem:s24+$0x14C30] =	vst v8;
	v10 =	vadd.f32 v15, v2;
	v8 =	vld [tilespmem:s24+$0x14CA0];
	(pc) =	sbr.rel @p0 .LBB2_11-.Ltmp4, $4  }
0x130: {  	[tilespmem:s24+$0x14C40] =	vst v9;
	v11 =	vadd.f32 v16, v1;
	v9 =	vld [tilespmem:s24+$0x14CB0]  }
0x131: {  	[tilespmem:s24+$0x14C50] =	vst v10;
	v12 =	vadd.f32 v14, v0;
	v10 =	vld [tilespmem:s24+$0x14CC0]  }
0x132: {  	[tilespmem:s24+$0x14C60] =	vst v11;
	v11 =	vld [tilespmem:s24+$0x14CD0];
	v13 =	vadd.f32 v13, v6  }
0x133: {  	s31 =	sadd.s32 $0x400, s31;
	[tilespmem:s24+$0x14C70] =	vst v12;
	v12 =	vld [tilespmem:s24+$0x14CE0];
	v14 =	vadd.f32 v17, v7  }
0x134: {  	v6 =	vld [tilespmem:s24+$0x14CF0];
	[tilespmem:s24+$0x14C80] =	vst v13;
	v5 =	vadd.f32 v8, v5  }
0x135: {  	[tilespmem:s24+$0x14C90] =	vst v14;
	v4 =	vadd.f32 v9, v4  }
0x136: {  	[tilespmem:s24+$0x14CA0] =	vst v5;
	v3 =	vadd.f32 v10, v3  }
0x137: {  	[tilespmem:s24+$0x14CB0] =	vst v4;
	v2 =	vadd.f32 v11, v2  }
0x138: {  	[tilespmem:s24+$0x14CC0] =	vst v3;
	v1 =	vadd.f32 v12, v1  }
0x139: {  	[tilespmem:s24+$0x14CD0] =	vst v2;
	v0 =	vadd.f32 v6, v0  }
0x13a: {  	[tilespmem:s24+$0x14CE0] =	vst v1  }
0x13b: {  	[tilespmem:s24+$0x14CF0] =	vst v0  }
0x13c: {  	_ =	swait.ge [sflag:s0], $0x2000  }
0x13d: {  	[sflag:s0] =	ssyncset.done $0x0  }
0x13e: {  	s13 =	sadd.s32 $0x400, s10;
	s31 =	simm.s32 $0xCC00;
	[sflag:s0] =	ssyncadd.s32 $0xFFFFE000  }
0x13f: {  	[tilespmem:s31], [sflag:$0x1] =	stream.indirect.gather [hbm4b:s1+s12], $0x80, s13, s12, $0xb8;
	[tilespmem:$0x1CC00] =	vst v63  }
0x140: {  	s5 =	sadd.s32 $0x3400, s5;
	s24 =	simm.s32 $0x14C00  }
0x141: {  	[hbm4b:s4+s12] =	stream.indirect.scatter [tilespmem:s24], [sflag:$0xD], $0x80, s5, s12, $0xb8;
	[tilespmem:$0x1CC00] =	vst v63  }
0x142: {  	s29 =	sadd.s32 s8, s29;
	_ =	swait.ge [sflag:s3], $0x2000  }
0x143: {  	s5 =	sshll.u32 s29, $0x3;
	[sflag:s3] =	ssyncset.done $0x0  }
0x144: {  	s5 =	sand.u32 $0x7FFFFF80, s5;
	[sflag:s3] =	ssyncadd.s32 $0xFFFFE000  }
0x145: {  	v6 =	vld [tilespmem:s5+$0x6800]  }
0x146: {  	v7 =	vld [tilespmem:s5+$0x6810]  }
0x147: {  	v5 =	vld [tilespmem:s5+$0x6820]  }
0x148: {  	v4 =	vld [tilespmem:s5+$0x6830]  }
0x149: {  	v3 =	vld [tilespmem:s5+$0x6840]  }
0x14a: {  	v2 =	vld [tilespmem:s5+$0x6850]  }
0x14b: {  	v1 =	vld [tilespmem:s5+$0x6860]  }
0x14c: {  	v0 =	vld [tilespmem:s5+$0x6870];
	s5 =	simm.s32 $0x0  }
0x14d: {  	v8 =	vld [tilespmem:s5+$0x16C00]  }
0x14e: {  	v9 =	vld [tilespmem:s5+$0x16C10]  }
0x14f: {  	v10 =	vld [tilespmem:s5+$0x16C20]  }
0x150: {  	v11 =	vld [tilespmem:s5+$0x16C30]  }
0x151: {  	v12 =	vld [tilespmem:s5+$0x16C40]  }
0x152: {  	v13 =	vld [tilespmem:s5+$0x16C50];
	v8 =	vadd.f32 v8, v6  }
0x153: {  	v15 =	vld [tilespmem:s5+$0x16C70];
	v9 =	vadd.f32 v9, v7  }
0x154: {  	v14 =	vld [tilespmem:s5+$0x16C60];
	[tilespmem:s5+$0x16C00] =	vst v8;
	v8 =	vadd.f32 v10, v5  }
0x155: {  	v16 =	vld [tilespmem:s5+$0x16C80];
	[tilespmem:s5+$0x16C10] =	vst v9;
	v9 =	vadd.f32 v11, v4  }
0x156: {  	v17 =	vld [tilespmem:s5+$0x16C90];
	v10 =	vadd.f32 v12, v3;
	[tilespmem:s5+$0x16C20] =	vst v8  }
0x157: {  	v11 =	vadd.f32 v13, v2;
	[tilespmem:s5+$0x16C30] =	vst v9;
	v8 =	vld [tilespmem:s5+$0x16CA0]  }
0x158: {  	v13 =	vadd.f32 v15, v0;
	[tilespmem:s5+$0x16C40] =	vst v10;
	v9 =	vld [tilespmem:s5+$0x16CB0]  }
0x159: {  	v12 =	vadd.f32 v14, v1;
	[tilespmem:s5+$0x16C50] =	vst v11;
	v10 =	vld [tilespmem:s5+$0x16CC0]  }
0x15a: {  	v11 =	vld [tilespmem:s5+$0x16CD0];
	[tilespmem:s5+$0x16C70] =	vst v13;
	v13 =	vadd.f32 v16, v6  }
0x15b: {  	s24 =	simm.s32 $0x400;
	v14 =	vadd.f32 v17, v7;
	[tilespmem:s5+$0x16C60] =	vst v12;
	v12 =	vld [tilespmem:s5+$0x16CE0]  }
.LBB2_13:
0x15c: {  	s13 =	sshra.s32 s24, $0x2;
	p0 =	sne.s32 s24, $0x7C00;
	v15 =	vld [tilespmem:s5+$0x16CF0];
	[tilespmem:s5+$0x16C80] =	vst v13;
	v8 =	vadd.f32 v8, v5  }
0x15d: {  	v13 =	vld [tilespmem:s13+$0x16C00];
	[tilespmem:s5+$0x16C90] =	vst v14;
	v9 =	vadd.f32 v9, v4  }
0x15e: {  	v14 =	vld [tilespmem:s13+$0x16C10];
	[tilespmem:s5+$0x16CA0] =	vst v8;
	v8 =	vadd.f32 v10, v3  }
0x15f: {  	v10 =	vld [tilespmem:s13+$0x16C20];
	[tilespmem:s5+$0x16CB0] =	vst v9;
	v9 =	vadd.f32 v11, v2  }
0x160: {  	v11 =	vld [tilespmem:s13+$0x16C30];
	[tilespmem:s5+$0x16CC0] =	vst v8;
	v8 =	vadd.f32 v12, v1  }
0x161: {  	v12 =	vld [tilespmem:s13+$0x16C40];
	[tilespmem:s5+$0x16CD0] =	vst v9;
	v9 =	vadd.f32 v15, v0  }
0x162: {  	v15 =	vld [tilespmem:s13+$0x16C50];
	v13 =	vadd.f32 v13, v6;
	[tilespmem:s5+$0x16CE0] =	vst v8  }
0x163: {  	v16 =	vld [tilespmem:s13+$0x16C60];
	v8 =	vadd.f32 v14, v7;
	[tilespmem:s5+$0x16CF0] =	vst v9;
	s5 =	smov.u32 s13  }
0x164: {  	v14 =	vld [tilespmem:s5+$0x16C70];
	[tilespmem:s5+$0x16C00] =	vst v13;
	v9 =	vadd.f32 v10, v5  }
0x165: {  	[tilespmem:s5+$0x16C10] =	vst v8;
	v8 =	vadd.f32 v11, v4;
	v13 =	vld [tilespmem:s5+$0x16C80]  }
0x166: {  	[tilespmem:s5+$0x16C20] =	vst v9;
	v9 =	vadd.f32 v12, v3;
	v17 =	vld [tilespmem:s5+$0x16C90]  }
.Ltmp5:
0x167: {  	[tilespmem:s5+$0x16C30] =	vst v8;
	v10 =	vadd.f32 v15, v2;
	v8 =	vld [tilespmem:s5+$0x16CA0];
	(pc) =	sbr.rel @p0 .LBB2_13-.Ltmp5, $4  }
0x168: {  	[tilespmem:s5+$0x16C40] =	vst v9;
	v11 =	vadd.f32 v16, v1;
	v9 =	vld [tilespmem:s5+$0x16CB0]  }
0x169: {  	[tilespmem:s5+$0x16C50] =	vst v10;
	v12 =	vadd.f32 v14, v0;
	v10 =	vld [tilespmem:s5+$0x16CC0]  }
0x16a: {  	[tilespmem:s5+$0x16C60] =	vst v11;
	v11 =	vld [tilespmem:s5+$0x16CD0];
	v13 =	vadd.f32 v13, v6  }
0x16b: {  	s24 =	sadd.s32 $0x400, s24;
	[tilespmem:s5+$0x16C70] =	vst v12;
	v12 =	vld [tilespmem:s5+$0x16CE0];
	v14 =	vadd.f32 v17, v7  }
0x16c: {  	v6 =	vld [tilespmem:s5+$0x16CF0];
	[tilespmem:s5+$0x16C80] =	vst v13;
	v5 =	vadd.f32 v8, v5  }
0x16d: {  	[tilespmem:s5+$0x16C90] =	vst v14;
	v4 =	vadd.f32 v9, v4  }
0x16e: {  	[tilespmem:s5+$0x16CA0] =	vst v5;
	v3 =	vadd.f32 v10, v3  }
0x16f: {  	[tilespmem:s5+$0x16CB0] =	vst v4;
	v2 =	vadd.f32 v11, v2  }
0x170: {  	[tilespmem:s5+$0x16CC0] =	vst v3;
	v1 =	vadd.f32 v12, v1  }
0x171: {  	[tilespmem:s5+$0x16CD0] =	vst v2;
	v0 =	vadd.f32 v6, v0  }
0x172: {  	[tilespmem:s5+$0x16CE0] =	vst v1  }
0x173: {  	[tilespmem:s5+$0x16CF0] =	vst v0  }
0x174: {  	_ =	swait.ge [sflag:s14], $0x2000  }
0x175: {  	[sflag:s14] =	ssyncset.done $0x0  }
0x176: {  	s29 =	sadd.s32 $0x480, s10;
	[sflag:s14] =	ssyncadd.s32 $0xFFFFE000  }
0x177: {  	[tilespmem:s15], [sflag:$0x2] =	stream.indirect.gather [hbm4b:s1+s12], $0x80, s29, s12, $0xb8;
	[tilespmem:$0x1CC00] =	vst v63  }
0x178: {  	s13 =	sadd.s32 $0x3400, s6;
	s24 =	simm.s32 $0x16C00  }
0x179: {  	[hbm4b:s4+s12] =	stream.indirect.scatter [tilespmem:s24], [sflag:$0xE], $0x80, s13, s12, $0xb8;
	[tilespmem:$0x1CC00] =	vst v63  }
0x17a: {  	s29 =	sadd.s32 s8, s26;
	_ =	swait.ge [sflag:s16], $0x2000  }
0x17b: {  	s5 =	sshll.u32 s29, $0x3;
	[sflag:s16] =	ssyncset.done $0x0  }
0x17c: {  	s5 =	sand.u32 $0x7FFFFF80, s5;
	[sflag:s16] =	ssyncadd.s32 $0xFFFFE000  }
0x17d: {  	v6 =	vld [tilespmem:s5+$0x6800]  }
0x17e: {  	v7 =	vld [tilespmem:s5+$0x6810]  }
0x17f: {  	v5 =	vld [tilespmem:s5+$0x6820]  }
0x180: {  	v4 =	vld [tilespmem:s5+$0x6830]  }
0x181: {  	v3 =	vld [tilespmem:s5+$0x6840]  }
0x182: {  	v2 =	vld [tilespmem:s5+$0x6850]  }
0x183: {  	v1 =	vld [tilespmem:s5+$0x6860]  }
0x184: {  	v0 =	vld [tilespmem:s5+$0x6870];
	s5 =	simm.s32 $0x0  }
0x185: {  	v8 =	vld [tilespmem:s5+$0x18C00]  }
0x186: {  	v9 =	vld [tilespmem:s5+$0x18C10]  }
0x187: {  	v10 =	vld [tilespmem:s5+$0x18C20]  }
0x188: {  	v11 =	vld [tilespmem:s5+$0x18C30]  }
0x189: {  	v12 =	vld [tilespmem:s5+$0x18C40]  }
0x18a: {  	v13 =	vld [tilespmem:s5+$0x18C50];
	v8 =	vadd.f32 v8, v6  }
0x18b: {  	v15 =	vld [tilespmem:s5+$0x18C70];
	v9 =	vadd.f32 v9, v7  }
0x18c: {  	v14 =	vld [tilespmem:s5+$0x18C60];
	[tilespmem:s5+$0x18C00] =	vst v8;
	v8 =	vadd.f32 v10, v5  }
0x18d: {  	v16 =	vld [tilespmem:s5+$0x18C80];
	[tilespmem:s5+$0x18C10] =	vst v9;
	v9 =	vadd.f32 v11, v4  }
0x18e: {  	v17 =	vld [tilespmem:s5+$0x18C90];
	v10 =	vadd.f32 v12, v3;
	[tilespmem:s5+$0x18C20] =	vst v8  }
0x18f: {  	v11 =	vadd.f32 v13, v2;
	[tilespmem:s5+$0x18C30] =	vst v9;
	v8 =	vld [tilespmem:s5+$0x18CA0]  }
0x190: {  	v13 =	vadd.f32 v15, v0;
	[tilespmem:s5+$0x18C40] =	vst v10;
	v9 =	vld [tilespmem:s5+$0x18CB0]  }
0x191: {  	v12 =	vadd.f32 v14, v1;
	[tilespmem:s5+$0x18C50] =	vst v11;
	v10 =	vld [tilespmem:s5+$0x18CC0]  }
0x192: {  	v11 =	vld [tilespmem:s5+$0x18CD0];
	[tilespmem:s5+$0x18C70] =	vst v13;
	v13 =	vadd.f32 v16, v6  }
0x193: {  	s6 =	simm.s32 $0x400;
	v14 =	vadd.f32 v17, v7;
	[tilespmem:s5+$0x18C60] =	vst v12;
	v12 =	vld [tilespmem:s5+$0x18CE0]  }
.LBB2_15:
0x194: {  	s13 =	sshra.s32 s6, $0x2;
	p0 =	sne.s32 s6, $0x7C00;
	v15 =	vld [tilespmem:s5+$0x18CF0];
	[tilespmem:s5+$0x18C80] =	vst v13;
	v8 =	vadd.f32 v8, v5  }
0x195: {  	v13 =	vld [tilespmem:s13+$0x18C00];
	[tilespmem:s5+$0x18C90] =	vst v14;
	v9 =	vadd.f32 v9, v4  }
0x196: {  	v14 =	vld [tilespmem:s13+$0x18C10];
	[tilespmem:s5+$0x18CA0] =	vst v8;
	v8 =	vadd.f32 v10, v3  }
0x197: {  	v10 =	vld [tilespmem:s13+$0x18C20];
	[tilespmem:s5+$0x18CB0] =	vst v9;
	v9 =	vadd.f32 v11, v2  }
0x198: {  	v11 =	vld [tilespmem:s13+$0x18C30];
	[tilespmem:s5+$0x18CC0] =	vst v8;
	v8 =	vadd.f32 v12, v1  }
0x199: {  	v12 =	vld [tilespmem:s13+$0x18C40];
	[tilespmem:s5+$0x18CD0] =	vst v9;
	v9 =	vadd.f32 v15, v0  }
0x19a: {  	v15 =	vld [tilespmem:s13+$0x18C50];
	v13 =	vadd.f32 v13, v6;
	[tilespmem:s5+$0x18CE0] =	vst v8  }
0x19b: {  	v16 =	vld [tilespmem:s13+$0x18C60];
	v8 =	vadd.f32 v14, v7;
	[tilespmem:s5+$0x18CF0] =	vst v9;
	s5 =	smov.u32 s13  }
0x19c: {  	v14 =	vld [tilespmem:s5+$0x18C70];
	[tilespmem:s5+$0x18C00] =	vst v13;
	v9 =	vadd.f32 v10, v5  }
0x19d: {  	[tilespmem:s5+$0x18C10] =	vst v8;
	v8 =	vadd.f32 v11, v4;
	v13 =	vld [tilespmem:s5+$0x18C80]  }
0x19e: {  	[tilespmem:s5+$0x18C20] =	vst v9;
	v9 =	vadd.f32 v12, v3;
	v17 =	vld [tilespmem:s5+$0x18C90]  }
.Ltmp6:
0x19f: {  	[tilespmem:s5+$0x18C30] =	vst v8;
	v10 =	vadd.f32 v15, v2;
	v8 =	vld [tilespmem:s5+$0x18CA0];
	(pc) =	sbr.rel @p0 .LBB2_15-.Ltmp6, $4  }
0x1a0: {  	[tilespmem:s5+$0x18C40] =	vst v9;
	v11 =	vadd.f32 v16, v1;
	v9 =	vld [tilespmem:s5+$0x18CB0]  }
0x1a1: {  	[tilespmem:s5+$0x18C50] =	vst v10;
	v12 =	vadd.f32 v14, v0;
	v10 =	vld [tilespmem:s5+$0x18CC0]  }
0x1a2: {  	[tilespmem:s5+$0x18C60] =	vst v11;
	v11 =	vld [tilespmem:s5+$0x18CD0];
	v13 =	vadd.f32 v13, v6  }
0x1a3: {  	s6 =	sadd.s32 $0x400, s6;
	[tilespmem:s5+$0x18C70] =	vst v12;
	v12 =	vld [tilespmem:s5+$0x18CE0];
	v14 =	vadd.f32 v17, v7  }
0x1a4: {  	v6 =	vld [tilespmem:s5+$0x18CF0];
	[tilespmem:s5+$0x18C80] =	vst v13;
	v5 =	vadd.f32 v8, v5  }
0x1a5: {  	[tilespmem:s5+$0x18C90] =	vst v14;
	v4 =	vadd.f32 v9, v4  }
0x1a6: {  	[tilespmem:s5+$0x18CA0] =	vst v5;
	v3 =	vadd.f32 v10, v3  }
0x1a7: {  	[tilespmem:s5+$0x18CB0] =	vst v4;
	v2 =	vadd.f32 v11, v2  }
0x1a8: {  	[tilespmem:s5+$0x18CC0] =	vst v3;
	v1 =	vadd.f32 v12, v1  }
0x1a9: {  	[tilespmem:s5+$0x18CD0] =	vst v2;
	v0 =	vadd.f32 v6, v0  }
0x1aa: {  	[tilespmem:s5+$0x18CE0] =	vst v1  }
0x1ab: {  	[tilespmem:s5+$0x18CF0] =	vst v0  }
0x1ac: {  	_ =	swait.ge [sflag:s18], $0x2000  }
0x1ad: {  	[sflag:s18] =	ssyncset.done $0x0  }
0x1ae: {  	s24 =	sadd.s32 $0x500, s10;
	[sflag:s18] =	ssyncadd.s32 $0xFFFFE000  }
0x1af: {  	[tilespmem:s17], [sflag:$0x3] =	stream.indirect.gather [hbm4b:s1+s12], $0x80, s24, s12, $0xb8;
	[tilespmem:$0x1CC00] =	vst v63  }
0x1b0: {  	s26 =	sadd.s32 $0x3400, s22;
	s6 =	simm.s32 $0x18C00  }
0x1b1: {  	[hbm4b:s4+s12] =	stream.indirect.scatter [tilespmem:s6], [sflag:$0xF], $0x80, s26, s12, $0xb8;
	[tilespmem:$0x1CC00] =	vst v63  }
0x1b2: {  	s29 =	sadd.s32 s8, s9;
	_ =	swait.ge [sflag:s20], $0x2000  }
0x1b3: {  	s5 =	sshll.u32 s29, $0x3;
	[sflag:s20] =	ssyncset.done $0x0  }
0x1b4: {  	s5 =	sand.u32 $0x7FFFFF80, s5;
	[sflag:s20] =	ssyncadd.s32 $0xFFFFE000  }
0x1b5: {  	v6 =	vld [tilespmem:s5+$0x6800]  }
0x1b6: {  	v7 =	vld [tilespmem:s5+$0x6810]  }
0x1b7: {  	v5 =	vld [tilespmem:s5+$0x6820]  }
0x1b8: {  	v4 =	vld [tilespmem:s5+$0x6830]  }
0x1b9: {  	v3 =	vld [tilespmem:s5+$0x6840]  }
0x1ba: {  	v2 =	vld [tilespmem:s5+$0x6850]  }
0x1bb: {  	v1 =	vld [tilespmem:s5+$0x6860]  }
0x1bc: {  	v0 =	vld [tilespmem:s5+$0x6870];
	s5 =	simm.s32 $0x0  }
0x1bd: {  	v8 =	vld [tilespmem:s5+$0x1AC00]  }
0x1be: {  	v9 =	vld [tilespmem:s5+$0x1AC10]  }
0x1bf: {  	v10 =	vld [tilespmem:s5+$0x1AC20]  }
0x1c0: {  	v11 =	vld [tilespmem:s5+$0x1AC30]  }
0x1c1: {  	v12 =	vld [tilespmem:s5+$0x1AC40]  }
0x1c2: {  	v13 =	vld [tilespmem:s5+$0x1AC50];
	v8 =	vadd.f32 v8, v6  }
0x1c3: {  	v15 =	vld [tilespmem:s5+$0x1AC70];
	v9 =	vadd.f32 v9, v7  }
0x1c4: {  	v14 =	vld [tilespmem:s5+$0x1AC60];
	[tilespmem:s5+$0x1AC00] =	vst v8;
	v8 =	vadd.f32 v10, v5  }
0x1c5: {  	v16 =	vld [tilespmem:s5+$0x1AC80];
	[tilespmem:s5+$0x1AC10] =	vst v9;
	v9 =	vadd.f32 v11, v4  }
0x1c6: {  	v17 =	vld [tilespmem:s5+$0x1AC90];
	v10 =	vadd.f32 v12, v3;
	[tilespmem:s5+$0x1AC20] =	vst v8  }
0x1c7: {  	v11 =	vadd.f32 v13, v2;
	[tilespmem:s5+$0x1AC30] =	vst v9;
	v8 =	vld [tilespmem:s5+$0x1ACA0]  }
0x1c8: {  	v13 =	vadd.f32 v15, v0;
	[tilespmem:s5+$0x1AC40] =	vst v10;
	v9 =	vld [tilespmem:s5+$0x1ACB0]  }
0x1c9: {  	v12 =	vadd.f32 v14, v1;
	[tilespmem:s5+$0x1AC50] =	vst v11;
	v10 =	vld [tilespmem:s5+$0x1ACC0]  }
0x1ca: {  	v11 =	vld [tilespmem:s5+$0x1ACD0];
	[tilespmem:s5+$0x1AC70] =	vst v13;
	v13 =	vadd.f32 v16, v6  }
0x1cb: {  	s6 =	simm.s32 $0x400;
	v14 =	vadd.f32 v17, v7;
	[tilespmem:s5+$0x1AC60] =	vst v12;
	v12 =	vld [tilespmem:s5+$0x1ACE0]  }
.LBB2_17:
0x1cc: {  	s9 =	sshra.s32 s6, $0x2;
	p0 =	sne.s32 s6, $0x7C00;
	v15 =	vld [tilespmem:s5+$0x1ACF0];
	[tilespmem:s5+$0x1AC80] =	vst v13;
	v8 =	vadd.f32 v8, v5  }
0x1cd: {  	v13 =	vld [tilespmem:s9+$0x1AC00];
	[tilespmem:s5+$0x1AC90] =	vst v14;
	v9 =	vadd.f32 v9, v4  }
0x1ce: {  	v14 =	vld [tilespmem:s9+$0x1AC10];
	[tilespmem:s5+$0x1ACA0] =	vst v8;
	v8 =	vadd.f32 v10, v3  }
0x1cf: {  	v10 =	vld [tilespmem:s9+$0x1AC20];
	[tilespmem:s5+$0x1ACB0] =	vst v9;
	v9 =	vadd.f32 v11, v2  }
0x1d0: {  	v11 =	vld [tilespmem:s9+$0x1AC30];
	[tilespmem:s5+$0x1ACC0] =	vst v8;
	v8 =	vadd.f32 v12, v1  }
0x1d1: {  	v12 =	vld [tilespmem:s9+$0x1AC40];
	[tilespmem:s5+$0x1ACD0] =	vst v9;
	v9 =	vadd.f32 v15, v0  }
0x1d2: {  	v15 =	vld [tilespmem:s9+$0x1AC50];
	v13 =	vadd.f32 v13, v6;
	[tilespmem:s5+$0x1ACE0] =	vst v8  }
0x1d3: {  	v16 =	vld [tilespmem:s9+$0x1AC60];
	v8 =	vadd.f32 v14, v7;
	[tilespmem:s5+$0x1ACF0] =	vst v9;
	s5 =	smov.u32 s9  }
0x1d4: {  	v14 =	vld [tilespmem:s5+$0x1AC70];
	[tilespmem:s5+$0x1AC00] =	vst v13;
	v9 =	vadd.f32 v10, v5  }
0x1d5: {  	[tilespmem:s5+$0x1AC10] =	vst v8;
	v8 =	vadd.f32 v11, v4;
	v13 =	vld [tilespmem:s5+$0x1AC80]  }
0x1d6: {  	[tilespmem:s5+$0x1AC20] =	vst v9;
	v9 =	vadd.f32 v12, v3;
	v17 =	vld [tilespmem:s5+$0x1AC90]  }
.Ltmp7:
0x1d7: {  	[tilespmem:s5+$0x1AC30] =	vst v8;
	v10 =	vadd.f32 v15, v2;
	v8 =	vld [tilespmem:s5+$0x1ACA0];
	(pc) =	sbr.rel @p0 .LBB2_17-.Ltmp7, $4  }
0x1d8: {  	[tilespmem:s5+$0x1AC40] =	vst v9;
	v11 =	vadd.f32 v16, v1;
	v9 =	vld [tilespmem:s5+$0x1ACB0]  }
0x1d9: {  	[tilespmem:s5+$0x1AC50] =	vst v10;
	v12 =	vadd.f32 v14, v0;
	v10 =	vld [tilespmem:s5+$0x1ACC0]  }
0x1da: {  	[tilespmem:s5+$0x1AC60] =	vst v11;
	v11 =	vld [tilespmem:s5+$0x1ACD0];
	v13 =	vadd.f32 v13, v6  }
0x1db: {  	s6 =	sadd.s32 $0x400, s6;
	[tilespmem:s5+$0x1AC70] =	vst v12;
	v12 =	vld [tilespmem:s5+$0x1ACE0];
	v14 =	vadd.f32 v17, v7  }
0x1dc: {  	v6 =	vld [tilespmem:s5+$0x1ACF0];
	[tilespmem:s5+$0x1AC80] =	vst v13;
	v5 =	vadd.f32 v8, v5  }
0x1dd: {  	[tilespmem:s5+$0x1AC90] =	vst v14;
	v4 =	vadd.f32 v9, v4  }
0x1de: {  	[tilespmem:s5+$0x1ACA0] =	vst v5;
	v3 =	vadd.f32 v10, v3  }
0x1df: {  	[tilespmem:s5+$0x1ACB0] =	vst v4;
	v2 =	vadd.f32 v11, v2  }
0x1e0: {  	[tilespmem:s5+$0x1ACC0] =	vst v3;
	v1 =	vadd.f32 v12, v1  }
0x1e1: {  	[tilespmem:s5+$0x1ACD0] =	vst v2;
	v0 =	vadd.f32 v6, v0  }
0x1e2: {  	[tilespmem:s5+$0x1ACE0] =	vst v1  }
0x1e3: {  	s7 =	sadd.s32 $0x1, s7;
	[tilespmem:s5+$0x1ACF0] =	vst v0  }
0x1e4: {  	p0 =	sne.s32 s7, $0xC;
	_ =	swait.ge [sflag:s21], $0x2000  }
.Ltmp8:
0x1e5: {  	[sflag:s21] =	ssyncset.done $0x0;
	(pc) =	sbr.rel @p0 .LBB2_2-.Ltmp8, $4  }
0x1e6: {  	s26 =	sadd.s32 $0x580, s10;
	[sflag:s21] =	ssyncadd.s32 $0xFFFFE000  }
0x1e7: {  	[tilespmem:s19], [sflag:$0x4] =	stream.indirect.gather [hbm4b:s1+s12], $0x80, s26, s12, $0xb8;
	[tilespmem:$0x1CC00] =	vst v63  }
0x1e8: {  	s29 =	sadd.s32 $0x3400, s11;
	s6 =	simm.s32 $0x1AC00  }
0x1e9: {  	[hbm4b:s4+s12] =	stream.indirect.scatter [tilespmem:s6], [sflag:$0x10], $0x80, s29, s12, $0xb8;
	[tilespmem:$0x1CC00] =	vst v63  }
0x1ea: {  	_ =	swait.ge [sflag:s23], $0x2000  }
0x1eb: {  	[sflag:s23] =	ssyncset.done $0x0  }
0x1ec: {  	s9 =	rddreg [dreg:$0x7];
	[sflag:s23] =	ssyncadd.s32 $0xFFFFE000  }
0x1ed: {  	v6 =	vld [tilespmem:s9+$0x6B00]  }
0x1ee: {  	v7 =	vld [tilespmem:s9+$0x6B10]  }
0x1ef: {  	v5 =	vld [tilespmem:s9+$0x6B20]  }
0x1f0: {  	v4 =	vld [tilespmem:s9+$0x6B30]  }
0x1f1: {  	v3 =	vld [tilespmem:s9+$0x6B40]  }
0x1f2: {  	v2 =	vld [tilespmem:s9+$0x6B50]  }
0x1f3: {  	v1 =	vld [tilespmem:s9+$0x6B60]  }
0x1f4: {  	s5 =	simm.s32 $0x0;
	v0 =	vld [tilespmem:s9+$0x6B70]  }
0x1f5: {  	v8 =	vld [tilespmem:s5+$0xCC00]  }
0x1f6: {  	v9 =	vld [tilespmem:s5+$0xCC10]  }
0x1f7: {  	v10 =	vld [tilespmem:s5+$0xCC20]  }
0x1f8: {  	v11 =	vld [tilespmem:s5+$0xCC30]  }
0x1f9: {  	v12 =	vld [tilespmem:s5+$0xCC40]  }
0x1fa: {  	v13 =	vld [tilespmem:s5+$0xCC50];
	v8 =	vadd.f32 v8, v6  }
0x1fb: {  	v15 =	vld [tilespmem:s5+$0xCC70];
	v9 =	vadd.f32 v9, v7  }
0x1fc: {  	v14 =	vld [tilespmem:s5+$0xCC60];
	[tilespmem:s5+$0xCC00] =	vst v8;
	v8 =	vadd.f32 v10, v5  }
0x1fd: {  	v16 =	vld [tilespmem:s5+$0xCC80];
	[tilespmem:s5+$0xCC10] =	vst v9;
	v9 =	vadd.f32 v11, v4  }
0x1fe: {  	v17 =	vld [tilespmem:s5+$0xCC90];
	v10 =	vadd.f32 v12, v3;
	[tilespmem:s5+$0xCC20] =	vst v8  }
0x1ff: {  	v11 =	vadd.f32 v13, v2;
	[tilespmem:s5+$0xCC30] =	vst v9;
	v8 =	vld [tilespmem:s5+$0xCCA0]  }
0x200: {  	v13 =	vadd.f32 v15, v0;
	[tilespmem:s5+$0xCC40] =	vst v10;
	v9 =	vld [tilespmem:s5+$0xCCB0]  }
0x201: {  	v12 =	vadd.f32 v14, v1;
	[tilespmem:s5+$0xCC50] =	vst v11;
	v10 =	vld [tilespmem:s5+$0xCCC0]  }
0x202: {  	v11 =	vld [tilespmem:s5+$0xCCD0];
	[tilespmem:s5+$0xCC70] =	vst v13;
	v13 =	vadd.f32 v16, v6  }
0x203: {  	s6 =	simm.s32 $0x400;
	v14 =	vadd.f32 v17, v7;
	[tilespmem:s5+$0xCC60] =	vst v12;
	v12 =	vld [tilespmem:s5+$0xCCE0]  }
.LBB2_20:
0x204: {  	s7 =	sshra.s32 s6, $0x2;
	p0 =	sne.s32 s6, $0x7C00;
	v15 =	vld [tilespmem:s5+$0xCCF0];
	[tilespmem:s5+$0xCC80] =	vst v13;
	v8 =	vadd.f32 v8, v5  }
0x205: {  	v13 =	vld [tilespmem:s7+$0xCC00];
	[tilespmem:s5+$0xCC90] =	vst v14;
	v9 =	vadd.f32 v9, v4  }
0x206: {  	v14 =	vld [tilespmem:s7+$0xCC10];
	[tilespmem:s5+$0xCCA0] =	vst v8;
	v8 =	vadd.f32 v10, v3  }
0x207: {  	v10 =	vld [tilespmem:s7+$0xCC20];
	[tilespmem:s5+$0xCCB0] =	vst v9;
	v9 =	vadd.f32 v11, v2  }
0x208: {  	v11 =	vld [tilespmem:s7+$0xCC30];
	[tilespmem:s5+$0xCCC0] =	vst v8;
	v8 =	vadd.f32 v12, v1  }
0x209: {  	v12 =	vld [tilespmem:s7+$0xCC40];
	[tilespmem:s5+$0xCCD0] =	vst v9;
	v9 =	vadd.f32 v15, v0  }
0x20a: {  	v15 =	vld [tilespmem:s7+$0xCC50];
	v13 =	vadd.f32 v13, v6;
	[tilespmem:s5+$0xCCE0] =	vst v8  }
0x20b: {  	v16 =	vld [tilespmem:s7+$0xCC60];
	v8 =	vadd.f32 v14, v7;
	[tilespmem:s5+$0xCCF0] =	vst v9;
	s5 =	smov.u32 s7  }
0x20c: {  	v14 =	vld [tilespmem:s5+$0xCC70];
	[tilespmem:s5+$0xCC00] =	vst v13;
	v9 =	vadd.f32 v10, v5  }
0x20d: {  	[tilespmem:s5+$0xCC10] =	vst v8;
	v8 =	vadd.f32 v11, v4;
	v13 =	vld [tilespmem:s5+$0xCC80]  }
0x20e: {  	[tilespmem:s5+$0xCC20] =	vst v9;
	v9 =	vadd.f32 v12, v3;
	v17 =	vld [tilespmem:s5+$0xCC90]  }
.Ltmp9:
0x20f: {  	[tilespmem:s5+$0xCC30] =	vst v8;
	v10 =	vadd.f32 v15, v2;
	v8 =	vld [tilespmem:s5+$0xCCA0];
	(pc) =	sbr.rel @p0 .LBB2_20-.Ltmp9, $4  }
0x210: {  	[tilespmem:s5+$0xCC40] =	vst v9;
	v11 =	vadd.f32 v16, v1;
	v9 =	vld [tilespmem:s5+$0xCCB0]  }
0x211: {  	[tilespmem:s5+$0xCC50] =	vst v10;
	v12 =	vadd.f32 v14, v0;
	v10 =	vld [tilespmem:s5+$0xCCC0]  }
0x212: {  	[tilespmem:s5+$0xCC60] =	vst v11;
	v11 =	vld [tilespmem:s5+$0xCCD0];
	v13 =	vadd.f32 v13, v6  }
0x213: {  	s6 =	sadd.s32 $0x400, s6;
	[tilespmem:s5+$0xCC70] =	vst v12;
	v12 =	vld [tilespmem:s5+$0xCCE0];
	v14 =	vadd.f32 v17, v7  }
0x214: {  	v6 =	vld [tilespmem:s5+$0xCCF0];
	[tilespmem:s5+$0xCC80] =	vst v13;
	v5 =	vadd.f32 v8, v5  }
0x215: {  	[tilespmem:s5+$0xCC90] =	vst v14;
	v4 =	vadd.f32 v9, v4  }
0x216: {  	[tilespmem:s5+$0xCCA0] =	vst v5;
	v3 =	vadd.f32 v10, v3  }
0x217: {  	[tilespmem:s5+$0xCCB0] =	vst v4;
	v2 =	vadd.f32 v11, v2  }
0x218: {  	[tilespmem:s5+$0xCCC0] =	vst v3;
	v1 =	vadd.f32 v12, v1  }
0x219: {  	[tilespmem:s5+$0xCCD0] =	vst v2;
	v0 =	vadd.f32 v6, v0  }
0x21a: {  	[tilespmem:s5+$0xCCE0] =	vst v1  }
0x21b: {  	s26 =	simm.s32 $0xD;
	[tilespmem:s5+$0xCCF0] =	vst v0  }
0x21c: {  	_ =	swait.ge [sflag:s26], $0x2000  }
0x21d: {  	[sflag:s26] =	ssyncset.done $0x0  }
0x21e: {  	s29 =	simm.s32 $0x6400;
	[sflag:s26] =	ssyncadd.s32 $0xFFFFE000  }
0x21f: {  	[hbm4b:s4+s12] =	stream.indirect.scatter [tilespmem:s31], [sflag:$0x9], $0x80, s29, s12, $0xb8;
	[tilespmem:$0x1CC00] =	vst v63  }
0x220: {  	_ =	swait.ge [sflag:s25], $0x2000  }
0x221: {  	[sflag:s25] =	ssyncset.done $0x0  }
0x222: {  	[sflag:s25] =	ssyncadd.s32 $0xFFFFE000  }
0x223: {  	v6 =	vld [tilespmem:s9+$0x6B00]  }
0x224: {  	v7 =	vld [tilespmem:s9+$0x6B10]  }
0x225: {  	v5 =	vld [tilespmem:s9+$0x6B20]  }
0x226: {  	v4 =	vld [tilespmem:s9+$0x6B30]  }
0x227: {  	v3 =	vld [tilespmem:s9+$0x6B40]  }
0x228: {  	v2 =	vld [tilespmem:s9+$0x6B50]  }
0x229: {  	v1 =	vld [tilespmem:s9+$0x6B60]  }
0x22a: {  	s5 =	simm.s32 $0x0;
	v0 =	vld [tilespmem:s9+$0x6B70]  }
0x22b: {  	v8 =	vld [tilespmem:s5+$0xEC00]  }
0x22c: {  	v9 =	vld [tilespmem:s5+$0xEC10]  }
0x22d: {  	v10 =	vld [tilespmem:s5+$0xEC20]  }
0x22e: {  	v11 =	vld [tilespmem:s5+$0xEC30]  }
0x22f: {  	v12 =	vld [tilespmem:s5+$0xEC40]  }
0x230: {  	v13 =	vld [tilespmem:s5+$0xEC50];
	v8 =	vadd.f32 v8, v6  }
0x231: {  	v15 =	vld [tilespmem:s5+$0xEC70];
	v9 =	vadd.f32 v9, v7  }
0x232: {  	v14 =	vld [tilespmem:s5+$0xEC60];
	[tilespmem:s5+$0xEC00] =	vst v8;
	v8 =	vadd.f32 v10, v5  }
0x233: {  	v16 =	vld [tilespmem:s5+$0xEC80];
	[tilespmem:s5+$0xEC10] =	vst v9;
	v9 =	vadd.f32 v11, v4  }
0x234: {  	v17 =	vld [tilespmem:s5+$0xEC90];
	v10 =	vadd.f32 v12, v3;
	[tilespmem:s5+$0xEC20] =	vst v8  }
0x235: {  	v11 =	vadd.f32 v13, v2;
	[tilespmem:s5+$0xEC30] =	vst v9;
	v8 =	vld [tilespmem:s5+$0xECA0]  }
0x236: {  	v13 =	vadd.f32 v15, v0;
	[tilespmem:s5+$0xEC40] =	vst v10;
	v9 =	vld [tilespmem:s5+$0xECB0]  }
0x237: {  	v12 =	vadd.f32 v14, v1;
	[tilespmem:s5+$0xEC50] =	vst v11;
	v10 =	vld [tilespmem:s5+$0xECC0]  }
0x238: {  	v11 =	vld [tilespmem:s5+$0xECD0];
	[tilespmem:s5+$0xEC70] =	vst v13;
	v13 =	vadd.f32 v16, v6  }
0x239: {  	s6 =	simm.s32 $0x400;
	v14 =	vadd.f32 v17, v7;
	[tilespmem:s5+$0xEC60] =	vst v12;
	v12 =	vld [tilespmem:s5+$0xECE0]  }
.LBB2_22:
0x23a: {  	s7 =	sshra.s32 s6, $0x2;
	p0 =	sne.s32 s6, $0x7C00;
	v15 =	vld [tilespmem:s5+$0xECF0];
	[tilespmem:s5+$0xEC80] =	vst v13;
	v8 =	vadd.f32 v8, v5  }
0x23b: {  	v13 =	vld [tilespmem:s7+$0xEC00];
	[tilespmem:s5+$0xEC90] =	vst v14;
	v9 =	vadd.f32 v9, v4  }
0x23c: {  	v14 =	vld [tilespmem:s7+$0xEC10];
	[tilespmem:s5+$0xECA0] =	vst v8;
	v8 =	vadd.f32 v10, v3  }
0x23d: {  	v10 =	vld [tilespmem:s7+$0xEC20];
	[tilespmem:s5+$0xECB0] =	vst v9;
	v9 =	vadd.f32 v11, v2  }
0x23e: {  	v11 =	vld [tilespmem:s7+$0xEC30];
	[tilespmem:s5+$0xECC0] =	vst v8;
	v8 =	vadd.f32 v12, v1  }
0x23f: {  	v12 =	vld [tilespmem:s7+$0xEC40];
	[tilespmem:s5+$0xECD0] =	vst v9;
	v9 =	vadd.f32 v15, v0  }
0x240: {  	v15 =	vld [tilespmem:s7+$0xEC50];
	v13 =	vadd.f32 v13, v6;
	[tilespmem:s5+$0xECE0] =	vst v8  }
0x241: {  	v16 =	vld [tilespmem:s7+$0xEC60];
	v8 =	vadd.f32 v14, v7;
	[tilespmem:s5+$0xECF0] =	vst v9;
	s5 =	smov.u32 s7  }
0x242: {  	v14 =	vld [tilespmem:s5+$0xEC70];
	[tilespmem:s5+$0xEC00] =	vst v13;
	v9 =	vadd.f32 v10, v5  }
0x243: {  	[tilespmem:s5+$0xEC10] =	vst v8;
	v8 =	vadd.f32 v11, v4;
	v13 =	vld [tilespmem:s5+$0xEC80]  }
0x244: {  	[tilespmem:s5+$0xEC20] =	vst v9;
	v9 =	vadd.f32 v12, v3;
	v17 =	vld [tilespmem:s5+$0xEC90]  }
.Ltmp10:
0x245: {  	[tilespmem:s5+$0xEC30] =	vst v8;
	v10 =	vadd.f32 v15, v2;
	v8 =	vld [tilespmem:s5+$0xECA0];
	(pc) =	sbr.rel @p0 .LBB2_22-.Ltmp10, $4  }
0x246: {  	[tilespmem:s5+$0xEC40] =	vst v9;
	v11 =	vadd.f32 v16, v1;
	v9 =	vld [tilespmem:s5+$0xECB0]  }
0x247: {  	[tilespmem:s5+$0xEC50] =	vst v10;
	v12 =	vadd.f32 v14, v0;
	v10 =	vld [tilespmem:s5+$0xECC0]  }
0x248: {  	[tilespmem:s5+$0xEC60] =	vst v11;
	v11 =	vld [tilespmem:s5+$0xECD0];
	v13 =	vadd.f32 v13, v6  }
0x249: {  	s6 =	sadd.s32 $0x400, s6;
	[tilespmem:s5+$0xEC70] =	vst v12;
	v12 =	vld [tilespmem:s5+$0xECE0];
	v14 =	vadd.f32 v17, v7  }
0x24a: {  	v6 =	vld [tilespmem:s5+$0xECF0];
	[tilespmem:s5+$0xEC80] =	vst v13;
	v5 =	vadd.f32 v8, v5  }
0x24b: {  	[tilespmem:s5+$0xEC90] =	vst v14;
	v4 =	vadd.f32 v9, v4  }
0x24c: {  	[tilespmem:s5+$0xECA0] =	vst v5;
	v3 =	vadd.f32 v10, v3  }
0x24d: {  	[tilespmem:s5+$0xECB0] =	vst v4;
	v2 =	vadd.f32 v11, v2  }
0x24e: {  	[tilespmem:s5+$0xECC0] =	vst v3;
	v1 =	vadd.f32 v12, v1  }
0x24f: {  	[tilespmem:s5+$0xECD0] =	vst v2;
	v0 =	vadd.f32 v6, v0  }
0x250: {  	[tilespmem:s5+$0xECE0] =	vst v1  }
0x251: {  	s26 =	simm.s32 $0xE;
	[tilespmem:s5+$0xECF0] =	vst v0  }
0x252: {  	_ =	swait.ge [sflag:s26], $0x2000  }
0x253: {  	[sflag:s26] =	ssyncset.done $0x0  }
0x254: {  	s29 =	simm.s32 $0x6480;
	[sflag:s26] =	ssyncadd.s32 $0xFFFFE000  }
0x255: {  	[hbm4b:s4+s12] =	stream.indirect.scatter [tilespmem:s15], [sflag:$0xA], $0x80, s29, s12, $0xb8;
	[tilespmem:$0x1CC00] =	vst v63  }
0x256: {  	_ =	swait.ge [sflag:s28], $0x2000  }
0x257: {  	[sflag:s28] =	ssyncset.done $0x0  }
0x258: {  	[sflag:s28] =	ssyncadd.s32 $0xFFFFE000  }
0x259: {  	v6 =	vld [tilespmem:s9+$0x6B00]  }
0x25a: {  	v7 =	vld [tilespmem:s9+$0x6B10]  }
0x25b: {  	v5 =	vld [tilespmem:s9+$0x6B20]  }
0x25c: {  	v4 =	vld [tilespmem:s9+$0x6B30]  }
0x25d: {  	v3 =	vld [tilespmem:s9+$0x6B40]  }
0x25e: {  	v2 =	vld [tilespmem:s9+$0x6B50]  }
0x25f: {  	v1 =	vld [tilespmem:s9+$0x6B60]  }
0x260: {  	s5 =	simm.s32 $0x0;
	v0 =	vld [tilespmem:s9+$0x6B70]  }
0x261: {  	v8 =	vld [tilespmem:s5+$0x10C00]  }
0x262: {  	v9 =	vld [tilespmem:s5+$0x10C10]  }
0x263: {  	v10 =	vld [tilespmem:s5+$0x10C20]  }
0x264: {  	v11 =	vld [tilespmem:s5+$0x10C30]  }
0x265: {  	v12 =	vld [tilespmem:s5+$0x10C40]  }
0x266: {  	v13 =	vld [tilespmem:s5+$0x10C50];
	v8 =	vadd.f32 v8, v6  }
0x267: {  	v15 =	vld [tilespmem:s5+$0x10C70];
	v9 =	vadd.f32 v9, v7  }
0x268: {  	v14 =	vld [tilespmem:s5+$0x10C60];
	[tilespmem:s5+$0x10C00] =	vst v8;
	v8 =	vadd.f32 v10, v5  }
0x269: {  	v16 =	vld [tilespmem:s5+$0x10C80];
	[tilespmem:s5+$0x10C10] =	vst v9;
	v9 =	vadd.f32 v11, v4  }
0x26a: {  	v17 =	vld [tilespmem:s5+$0x10C90];
	v10 =	vadd.f32 v12, v3;
	[tilespmem:s5+$0x10C20] =	vst v8  }
0x26b: {  	v11 =	vadd.f32 v13, v2;
	[tilespmem:s5+$0x10C30] =	vst v9;
	v8 =	vld [tilespmem:s5+$0x10CA0]  }
0x26c: {  	v13 =	vadd.f32 v15, v0;
	[tilespmem:s5+$0x10C40] =	vst v10;
	v9 =	vld [tilespmem:s5+$0x10CB0]  }
0x26d: {  	v12 =	vadd.f32 v14, v1;
	[tilespmem:s5+$0x10C50] =	vst v11;
	v10 =	vld [tilespmem:s5+$0x10CC0]  }
0x26e: {  	v11 =	vld [tilespmem:s5+$0x10CD0];
	[tilespmem:s5+$0x10C70] =	vst v13;
	v13 =	vadd.f32 v16, v6  }
0x26f: {  	s6 =	simm.s32 $0x400;
	v14 =	vadd.f32 v17, v7;
	[tilespmem:s5+$0x10C60] =	vst v12;
	v12 =	vld [tilespmem:s5+$0x10CE0]  }
.LBB2_24:
0x270: {  	s7 =	sshra.s32 s6, $0x2;
	p0 =	sne.s32 s6, $0x7C00;
	v15 =	vld [tilespmem:s5+$0x10CF0];
	[tilespmem:s5+$0x10C80] =	vst v13;
	v8 =	vadd.f32 v8, v5  }
0x271: {  	v13 =	vld [tilespmem:s7+$0x10C00];
	[tilespmem:s5+$0x10C90] =	vst v14;
	v9 =	vadd.f32 v9, v4  }
0x272: {  	v14 =	vld [tilespmem:s7+$0x10C10];
	[tilespmem:s5+$0x10CA0] =	vst v8;
	v8 =	vadd.f32 v10, v3  }
0x273: {  	v10 =	vld [tilespmem:s7+$0x10C20];
	[tilespmem:s5+$0x10CB0] =	vst v9;
	v9 =	vadd.f32 v11, v2  }
0x274: {  	v11 =	vld [tilespmem:s7+$0x10C30];
	[tilespmem:s5+$0x10CC0] =	vst v8;
	v8 =	vadd.f32 v12, v1  }
0x275: {  	v12 =	vld [tilespmem:s7+$0x10C40];
	[tilespmem:s5+$0x10CD0] =	vst v9;
	v9 =	vadd.f32 v15, v0  }
0x276: {  	v15 =	vld [tilespmem:s7+$0x10C50];
	v13 =	vadd.f32 v13, v6;
	[tilespmem:s5+$0x10CE0] =	vst v8  }
0x277: {  	v16 =	vld [tilespmem:s7+$0x10C60];
	v8 =	vadd.f32 v14, v7;
	[tilespmem:s5+$0x10CF0] =	vst v9;
	s5 =	smov.u32 s7  }
0x278: {  	v14 =	vld [tilespmem:s5+$0x10C70];
	[tilespmem:s5+$0x10C00] =	vst v13;
	v9 =	vadd.f32 v10, v5  }
0x279: {  	[tilespmem:s5+$0x10C10] =	vst v8;
	v8 =	vadd.f32 v11, v4;
	v13 =	vld [tilespmem:s5+$0x10C80]  }
0x27a: {  	[tilespmem:s5+$0x10C20] =	vst v9;
	v9 =	vadd.f32 v12, v3;
	v17 =	vld [tilespmem:s5+$0x10C90]  }
.Ltmp11:
0x27b: {  	[tilespmem:s5+$0x10C30] =	vst v8;
	v10 =	vadd.f32 v15, v2;
	v8 =	vld [tilespmem:s5+$0x10CA0];
	(pc) =	sbr.rel @p0 .LBB2_24-.Ltmp11, $4  }
0x27c: {  	[tilespmem:s5+$0x10C40] =	vst v9;
	v11 =	vadd.f32 v16, v1;
	v9 =	vld [tilespmem:s5+$0x10CB0]  }
0x27d: {  	[tilespmem:s5+$0x10C50] =	vst v10;
	v12 =	vadd.f32 v14, v0;
	v10 =	vld [tilespmem:s5+$0x10CC0]  }
0x27e: {  	[tilespmem:s5+$0x10C60] =	vst v11;
	v11 =	vld [tilespmem:s5+$0x10CD0];
	v13 =	vadd.f32 v13, v6  }
0x27f: {  	s6 =	sadd.s32 $0x400, s6;
	[tilespmem:s5+$0x10C70] =	vst v12;
	v12 =	vld [tilespmem:s5+$0x10CE0];
	v14 =	vadd.f32 v17, v7  }
0x280: {  	v6 =	vld [tilespmem:s5+$0x10CF0];
	[tilespmem:s5+$0x10C80] =	vst v13;
	v5 =	vadd.f32 v8, v5  }
0x281: {  	[tilespmem:s5+$0x10C90] =	vst v14;
	v4 =	vadd.f32 v9, v4  }
0x282: {  	[tilespmem:s5+$0x10CA0] =	vst v5;
	v3 =	vadd.f32 v10, v3  }
0x283: {  	[tilespmem:s5+$0x10CB0] =	vst v4;
	v2 =	vadd.f32 v11, v2  }
0x284: {  	[tilespmem:s5+$0x10CC0] =	vst v3;
	v1 =	vadd.f32 v12, v1  }
0x285: {  	[tilespmem:s5+$0x10CD0] =	vst v2;
	v0 =	vadd.f32 v6, v0  }
0x286: {  	[tilespmem:s5+$0x10CE0] =	vst v1  }
0x287: {  	s26 =	simm.s32 $0xF;
	[tilespmem:s5+$0x10CF0] =	vst v0  }
0x288: {  	_ =	swait.ge [sflag:s26], $0x2000  }
0x289: {  	[sflag:s26] =	ssyncset.done $0x0  }
0x28a: {  	s29 =	simm.s32 $0x6500;
	[sflag:s26] =	ssyncadd.s32 $0xFFFFE000  }
0x28b: {  	[hbm4b:s4+s12] =	stream.indirect.scatter [tilespmem:s17], [sflag:$0xB], $0x80, s29, s12, $0xb8;
	[tilespmem:$0x1CC00] =	vst v63  }
0x28c: {  	_ =	swait.ge [sflag:s30], $0x2000  }
0x28d: {  	[sflag:s30] =	ssyncset.done $0x0  }
0x28e: {  	[sflag:s30] =	ssyncadd.s32 $0xFFFFE000  }
0x28f: {  	v6 =	vld [tilespmem:s9+$0x6B00]  }
0x290: {  	v7 =	vld [tilespmem:s9+$0x6B10]  }
0x291: {  	v5 =	vld [tilespmem:s9+$0x6B20]  }
0x292: {  	v4 =	vld [tilespmem:s9+$0x6B30]  }
0x293: {  	v3 =	vld [tilespmem:s9+$0x6B40]  }
0x294: {  	v2 =	vld [tilespmem:s9+$0x6B50]  }
0x295: {  	v1 =	vld [tilespmem:s9+$0x6B60]  }
0x296: {  	s5 =	simm.s32 $0x0;
	v0 =	vld [tilespmem:s9+$0x6B70]  }
0x297: {  	v8 =	vld [tilespmem:s5+$0x12C00]  }
0x298: {  	v9 =	vld [tilespmem:s5+$0x12C10]  }
0x299: {  	v10 =	vld [tilespmem:s5+$0x12C20]  }
0x29a: {  	v11 =	vld [tilespmem:s5+$0x12C30]  }
0x29b: {  	v12 =	vld [tilespmem:s5+$0x12C40]  }
0x29c: {  	v13 =	vld [tilespmem:s5+$0x12C50];
	v8 =	vadd.f32 v8, v6  }
0x29d: {  	v15 =	vld [tilespmem:s5+$0x12C70];
	v9 =	vadd.f32 v9, v7  }
0x29e: {  	v14 =	vld [tilespmem:s5+$0x12C60];
	[tilespmem:s5+$0x12C00] =	vst v8;
	v8 =	vadd.f32 v10, v5  }
0x29f: {  	v16 =	vld [tilespmem:s5+$0x12C80];
	[tilespmem:s5+$0x12C10] =	vst v9;
	v9 =	vadd.f32 v11, v4  }
0x2a0: {  	v17 =	vld [tilespmem:s5+$0x12C90];
	v10 =	vadd.f32 v12, v3;
	[tilespmem:s5+$0x12C20] =	vst v8  }
0x2a1: {  	v11 =	vadd.f32 v13, v2;
	[tilespmem:s5+$0x12C30] =	vst v9;
	v8 =	vld [tilespmem:s5+$0x12CA0]  }
0x2a2: {  	v13 =	vadd.f32 v15, v0;
	[tilespmem:s5+$0x12C40] =	vst v10;
	v9 =	vld [tilespmem:s5+$0x12CB0]  }
0x2a3: {  	v12 =	vadd.f32 v14, v1;
	[tilespmem:s5+$0x12C50] =	vst v11;
	v10 =	vld [tilespmem:s5+$0x12CC0]  }
0x2a4: {  	v11 =	vld [tilespmem:s5+$0x12CD0];
	[tilespmem:s5+$0x12C70] =	vst v13;
	v13 =	vadd.f32 v16, v6  }
0x2a5: {  	s6 =	simm.s32 $0x400;
	v14 =	vadd.f32 v17, v7;
	[tilespmem:s5+$0x12C60] =	vst v12;
	v12 =	vld [tilespmem:s5+$0x12CE0]  }
.LBB2_26:
0x2a6: {  	s7 =	sshra.s32 s6, $0x2;
	p0 =	sne.s32 s6, $0x7C00;
	v15 =	vld [tilespmem:s5+$0x12CF0];
	[tilespmem:s5+$0x12C80] =	vst v13;
	v8 =	vadd.f32 v8, v5  }
0x2a7: {  	v13 =	vld [tilespmem:s7+$0x12C00];
	[tilespmem:s5+$0x12C90] =	vst v14;
	v9 =	vadd.f32 v9, v4  }
0x2a8: {  	v14 =	vld [tilespmem:s7+$0x12C10];
	[tilespmem:s5+$0x12CA0] =	vst v8;
	v8 =	vadd.f32 v10, v3  }
0x2a9: {  	v10 =	vld [tilespmem:s7+$0x12C20];
	[tilespmem:s5+$0x12CB0] =	vst v9;
	v9 =	vadd.f32 v11, v2  }
0x2aa: {  	v11 =	vld [tilespmem:s7+$0x12C30];
	[tilespmem:s5+$0x12CC0] =	vst v8;
	v8 =	vadd.f32 v12, v1  }
0x2ab: {  	v12 =	vld [tilespmem:s7+$0x12C40];
	[tilespmem:s5+$0x12CD0] =	vst v9;
	v9 =	vadd.f32 v15, v0  }
0x2ac: {  	v15 =	vld [tilespmem:s7+$0x12C50];
	v13 =	vadd.f32 v13, v6;
	[tilespmem:s5+$0x12CE0] =	vst v8  }
0x2ad: {  	v16 =	vld [tilespmem:s7+$0x12C60];
	v8 =	vadd.f32 v14, v7;
	[tilespmem:s5+$0x12CF0] =	vst v9;
	s5 =	smov.u32 s7  }
0x2ae: {  	v14 =	vld [tilespmem:s5+$0x12C70];
	[tilespmem:s5+$0x12C00] =	vst v13;
	v9 =	vadd.f32 v10, v5  }
0x2af: {  	[tilespmem:s5+$0x12C10] =	vst v8;
	v8 =	vadd.f32 v11, v4;
	v13 =	vld [tilespmem:s5+$0x12C80]  }
0x2b0: {  	[tilespmem:s5+$0x12C20] =	vst v9;
	v9 =	vadd.f32 v12, v3;
	v17 =	vld [tilespmem:s5+$0x12C90]  }
.Ltmp12:
0x2b1: {  	[tilespmem:s5+$0x12C30] =	vst v8;
	v10 =	vadd.f32 v15, v2;
	v8 =	vld [tilespmem:s5+$0x12CA0];
	(pc) =	sbr.rel @p0 .LBB2_26-.Ltmp12, $4  }
0x2b2: {  	[tilespmem:s5+$0x12C40] =	vst v9;
	v11 =	vadd.f32 v16, v1;
	v9 =	vld [tilespmem:s5+$0x12CB0]  }
0x2b3: {  	[tilespmem:s5+$0x12C50] =	vst v10;
	v12 =	vadd.f32 v14, v0;
	v10 =	vld [tilespmem:s5+$0x12CC0]  }
0x2b4: {  	[tilespmem:s5+$0x12C60] =	vst v11;
	v11 =	vld [tilespmem:s5+$0x12CD0];
	v13 =	vadd.f32 v13, v6  }
0x2b5: {  	s6 =	sadd.s32 $0x400, s6;
	[tilespmem:s5+$0x12C70] =	vst v12;
	v12 =	vld [tilespmem:s5+$0x12CE0];
	v14 =	vadd.f32 v17, v7  }
0x2b6: {  	v6 =	vld [tilespmem:s5+$0x12CF0];
	[tilespmem:s5+$0x12C80] =	vst v13;
	v5 =	vadd.f32 v8, v5  }
0x2b7: {  	[tilespmem:s5+$0x12C90] =	vst v14;
	v4 =	vadd.f32 v9, v4  }
0x2b8: {  	[tilespmem:s5+$0x12CA0] =	vst v5;
	v3 =	vadd.f32 v10, v3  }
0x2b9: {  	[tilespmem:s5+$0x12CB0] =	vst v4;
	v2 =	vadd.f32 v11, v2  }
0x2ba: {  	[tilespmem:s5+$0x12CC0] =	vst v3;
	v1 =	vadd.f32 v12, v1  }
0x2bb: {  	[tilespmem:s5+$0x12CD0] =	vst v2;
	v0 =	vadd.f32 v6, v0  }
0x2bc: {  	[tilespmem:s5+$0x12CE0] =	vst v1  }
0x2bd: {  	s24 =	simm.s32 $0x10;
	[tilespmem:s5+$0x12CF0] =	vst v0  }
0x2be: {  	_ =	swait.ge [sflag:s24], $0x2000  }
0x2bf: {  	[sflag:s24] =	ssyncset.done $0x0  }
0x2c0: {  	s26 =	simm.s32 $0x6580;
	[sflag:s24] =	ssyncadd.s32 $0xFFFFE000  }
0x2c1: {  	[hbm4b:s4+s12] =	stream.indirect.scatter [tilespmem:s19], [sflag:$0xC], $0x80, s26, s12, $0xb8;
	[tilespmem:$0x1CC00] =	vst v63  }
0x2c2: {  	_ =	swait.ge [sflag:s0], $0x2000  }
0x2c3: {  	[sflag:s0] =	ssyncset.done $0x0  }
0x2c4: {  	[sflag:s0] =	ssyncadd.s32 $0xFFFFE000  }
0x2c5: {  	_ =	swait.ge [sflag:s14], $0x2000  }
0x2c6: {  	[sflag:s14] =	ssyncset.done $0x0  }
0x2c7: {  	[sflag:s14] =	ssyncadd.s32 $0xFFFFE000  }
0x2c8: {  	_ =	swait.ge [sflag:s18], $0x2000  }
0x2c9: {  	[sflag:s18] =	ssyncset.done $0x0  }
0x2ca: {  	[sflag:s18] =	ssyncadd.s32 $0xFFFFE000  }
0x2cb: {  	_ =	swait.ge [sflag:s21], $0x2000  }
0x2cc: {  	s6 =	rddreg [dreg:$0x9]  }
0x2cd: {  	s29 =	rddreg [dreg:$0x8];
	s6 =	sadd.s32 $0x1, s6  }
0x2ce: {  	p0 =	sne.s32 s6, s29  }
.Ltmp13:
0x2cf: {  	_ = 	snop;
	(pc) =	sbr.rel @p0 .LBB2_1-.Ltmp13, $3  }
0x2d0: {  	_ =	sdelay $0x1  }
0x2d1: {  	[sflag:s21] =	ssyncset.done $0x0  }
0x2d2: {  	[sflag:s21] =	ssyncadd.s32 $0xFFFFE000  }
0x2d3: {  	_ =	sfence.sel $0x180000  }
0x2d4: {  	[bflag:$0x0] =	sbarrier.arrive $0xFFFF  }
0x2d5: {  	_ =	strace $0x90000047  }
0x2d6: {  	s0 =	stileid.u32;
	[bflag:$0x2] =	sbarrier.arrive $0xFFFF  }
0x2d7: {  	p0 =	sne.s32 s0, $0x0;
	s0 =	rddreg [dreg:$0x4]  }
0x2d8: {  	s0 =	sadd.s32 @!p0 $0x100000, s0  }
0x2d9: {  	[sflag:s0] =	ssyncadd.tile.s32 @!p0 $0x1;
	_ =	shalt  }
.Lfunc_end2:
_tile_overlayer_lowered:
.L_overlay_start_2:
0x2da: {  	(tag) =	ssettag $0x2  }
0x2db: {  	s0 =	rddreg [dreg:$0x0];
	s2 =	stileid.u32  }
0x2dc: {  	s1 =	rddreg [dreg:$0x1];
	p0 =	sne.s32 s2, $0x0  }
0x2dd: {  	s3 =	rddreg [dreg:$0x2];
	[bflag:$0x3] =	sbarrier.arrive $0xFFFF;
	s2 =	simm.s32 @!p0 $0x1C12  }
0x2de: {  	[timem:s3], [sflag:s2] =	dma.local @!p0 [hbm:s0], s1  }
0x2df: {  	s0 =	simm.s32 @!p0 $0x12  }
0x2e0: {  	_ =	swait.ge @!p0 [sflag:s0], s1  }
0x2e1: {  	s1 =	ssub.s32 @!p0 $0x0, s1;
	[sflag:s0] =	ssyncset.done @!p0 $0x0  }
0x2e2: {  	[sflag:s0] =	ssyncadd.s32 @!p0 s1  }
0x2e3: {  	[bflag:$0x3] =	sbarrier.arrive $0xFFFF  }
0x2e4: {  	_ =	shalt  }

</sc_bundles>
